<compile_context>
chip_gen: v7x
topology: tpu7x:2x2x1
jax: 0.10.2.dev20260603
libtpu: 0.0.44.dev20260713+nightly
codegen_flags: <defaults>
</compile_context>

<pallas_src>
import functools

import jax
import jax.numpy as jnp
from jax import lax
from jax.experimental import pallas as pl
from jax.experimental.pallas import tpu as pltpu
from jax.experimental.pallas import tpu_sc as plsc

D = 128
SEQ = 200
VOCAB = 256
CH = 80
NBUF = 5
MAXP0 = max((CH * b) % SEQ for b in range(NBUF))
POS_ROWS = MAXP0 + CH
LANES = 16
PF = 3


def _embed_kernel(T, NC, NS):
    NW = NC * NS
    tok_w = T // NW
    nchunk = tok_w // CH
    ngroup = nchunk // NBUF
    mesh = plsc.VectorSubcoreMesh(core_axis_name="c", subcore_axis_name="s")

    @functools.partial(
        pl.kernel,
        mesh=mesh,
        out_type=jax.ShapeDtypeStruct((T, D), jnp.float32),
        scratch_types=[
            pltpu.VMEM((NBUF, CH), jnp.int32),
            pltpu.VMEM((POS_ROWS, D), jnp.float32),
            pltpu.VMEM((NBUF, CH, D), jnp.float32),
            pltpu.VMEM_SHARED((NS * VOCAB, D), jnp.float32),
        ] + [pltpu.SemaphoreType.DMA] * (3 * NBUF),
    )
    def k(idx_hbm, pos_hbm, table_hbm, out_hbm,
          idxb_v, pos_v, rows_v, tab_sh, *sems):
        gsem = sems[:NBUF]
        osem = sems[NBUF:2 * NBUF]
        isem = sems[2 * NBUF:]
        c = lax.axis_index("c")
        s = lax.axis_index("s")
        wid = s * NC + c
        base = wid * tok_w

        pltpu.sync_copy(pos_hbm, pos_v)
        pltpu.sync_copy(table_hbm, tab_sh.at[pl.ds(s * VOCAB, VOCAB)])
        woff = jnp.broadcast_to(s * VOCAB, (LANES,)).astype(jnp.int32)

        def idx_load(cx, slot):
            pltpu.async_copy(idx_hbm.at[pl.ds(base + cx * CH, CH)],
                             idxb_v.at[slot], isem[slot])

        def idx_wait_and_gather(slot):
            pltpu.make_async_copy(idx_hbm.at[pl.ds(0, CH)],
                                  idxb_v.at[slot], isem[slot]).wait()
            for j5 in range(CH // LANES):
                sl5 = pl.ds(j5 * LANES, LANES)
                idxb_v[slot, sl5] = idxb_v[slot, sl5] + woff
            pltpu.async_copy(tab_sh.at[idxb_v.at[slot]], rows_v.at[slot],
                             gsem[slot])

        for j in range(PF + 1):
            idx_load(j, j)
        for j in range(PF):
            idx_wait_and_gather(j)

        def group_body(g, carry):
            for b in range(NBUF):
                ci = g * NBUF + b
                pslot = (b + PF) % NBUF

                def wait_out():
                    pltpu.make_async_copy(
                        rows_v.at[pslot], out_hbm.at[pl.ds(0, CH)],
                        osem[pslot]).wait()
                if b >= NBUF - PF:
                    wait_out()
                else:
                    pl.when(g >= 1)(wait_out)

                pl.when(ci + PF < nchunk)(
                    functools.partial(idx_wait_and_gather, pslot))

                nslot = (pslot + 1) % NBUF
                pl.when(ci + PF + 1 < nchunk)(
                    functools.partial(idx_load, ci + PF + 1, nslot))

                pltpu.make_async_copy(
                    tab_sh.at[idxb_v.at[b]], rows_v.at[b], gsem[b]).wait()

                p0 = (CH * b) % SEQ

                def row_body(r, rc):
                    for u in range(4):
                        rr = r * 4 + u
                        for j in range(D // LANES):
                            sl = pl.ds(j * LANES, LANES)
                            plsc.addupdate(rows_v.at[b, rr, sl],
                                           pos_v[p0 + rr, sl])
                    return rc

                lax.fori_loop(0, CH // 4, row_body, 0)

                pltpu.async_copy(
                    rows_v.at[b], out_hbm.at[pl.ds(base + ci * CH, CH)],
                    osem[b])
            return carry

        lax.fori_loop(0, ngroup, group_body, 0)

        for ci in range(nchunk - (NBUF - PF), nchunk):
            pltpu.make_async_copy(
                rows_v.at[ci % NBUF], out_hbm.at[pl.ds(0, CH)],
                osem[ci % NBUF]).wait()

    return k


def kernel(code_bytes, embedding, positional):
    batch, seq = code_bytes.shape
    T = batch * seq
    idx_flat = code_bytes.reshape(-1).astype(jnp.int32)
    pos = positional[0, :seq, :]
    pos2 = jnp.concatenate([pos, pos[:POS_ROWS - seq]], axis=0)
    info = plsc.get_sparse_core_info()
    out_flat = _embed_kernel(T, info.num_cores, info.num_subcores)(
        idx_flat, pos2, embedding)
    return out_flat.reshape(batch, seq, D)

# --- scband reference (transcript-rebuilt; emitter-appended) ---
"""Pipeline reference for scband-code-embedder-89172110999919 (READ-ONLY COPY).

The authoritative reference and input builder live on the scoring server;
editing this copy changes nothing except your own understanding.
"""

import jax, jax.numpy as jnp
import numpy as np

VOCAB = 256
EMBED_DIM = 128
MAX_POS = 1000
BATCH = 4096
SEQ = 200

def setup_inputs(seed: int = 0) -> dict:
    key = jax.random.key(seed)
    k1, k2, k3 = jax.random.split(key, 3)
    code_bytes = jax.random.randint(k1, (BATCH, SEQ), 0, VOCAB, dtype=jnp.int64 if jax.config.read('jax_enable_x64') else jnp.int32)
    embedding = jax.random.normal(k2, (VOCAB, EMBED_DIM), dtype=jnp.float32)
    positional = jax.random.normal(k3, (1, MAX_POS, EMBED_DIM), dtype=jnp.float32) * 0.01
    return {"code_bytes": code_bytes, "embedding": embedding, "positional": positional}

def reference(code_bytes, embedding, positional):
    batch_size, seq_len = code_bytes.shape
    embedded = jnp.take(embedding, code_bytes, axis=0)
    pos_encoding = positional[:, :seq_len, :]
    return embedded + pos_encoding

if __name__ == "__main__":
    import jax
    _d = setup_inputs()
    print(jax.jit(kernel)(*tuple(_d.values())))

</pallas_src>

<mosaic_0001>
#map = affine_map<(d0, d1) -> (0)>
#map1 = affine_map<(d0, d1) -> (0, 0)>
module attributes {stable_mosaic.version = 14 : i64} {
  func.func @k(%arg0: i32, %arg1: i32, %arg2: memref<819200xi32, #tpu.memory_space<hbm>>, %arg3: memref<240x128xf32, #tpu.memory_space<hbm>>, %arg4: memref<256x128xf32, #tpu.memory_space<hbm>>, %arg5: memref<819200x128xf32, #tpu.memory_space<hbm>>, %arg6: memref<5x80xi32, #tpu.memory_space<vmem>>, %arg7: memref<240x128xf32, #tpu.memory_space<vmem>>, %arg8: memref<5x80x128xf32, #tpu.memory_space<vmem>>, %arg9: memref<4096x128xf32, #tpu.memory_space<vmem_shared>>, %arg10: memref<!tpu.dma_semaphore, #tpu.memory_space<semaphore_mem>>, %arg11: memref<!tpu.dma_semaphore, #tpu.memory_space<semaphore_mem>>, %arg12: memref<!tpu.dma_semaphore, #tpu.memory_space<semaphore_mem>>, %arg13: memref<!tpu.dma_semaphore, #tpu.memory_space<semaphore_mem>>, %arg14: memref<!tpu.dma_semaphore, #tpu.memory_space<semaphore_mem>>, %arg15: memref<!tpu.dma_semaphore, #tpu.memory_space<semaphore_mem>>, %arg16: memref<!tpu.dma_semaphore, #tpu.memory_space<semaphore_mem>>, %arg17: memref<!tpu.dma_semaphore, #tpu.memory_space<semaphore_mem>>, %arg18: memref<!tpu.dma_semaphore, #tpu.memory_space<semaphore_mem>>, %arg19: memref<!tpu.dma_semaphore, #tpu.memory_space<semaphore_mem>>, %arg20: memref<!tpu.dma_semaphore, #tpu.memory_space<semaphore_mem>>, %arg21: memref<!tpu.dma_semaphore, #tpu.memory_space<semaphore_mem>>, %arg22: memref<!tpu.dma_semaphore, #tpu.memory_space<semaphore_mem>>, %arg23: memref<!tpu.dma_semaphore, #tpu.memory_space<semaphore_mem>>, %arg24: memref<!tpu.dma_semaphore, #tpu.memory_space<semaphore_mem>>) attributes {dimension_semantics = [#tpu.dimension_semantics<core_parallel>, #tpu.dimension_semantics<subcore_parallel>], iteration_bounds = array<i64: 2, 16>, scalar_prefetch = 0 : i64, scratch_operands = 19 : i64, tpu.core_type = #tpu.core_type<sc_vector_subcore>, window_params = [{transform_indices = #map}, {transform_indices = #map1}, {transform_indices = #map1}, {transform_indices = #map1}]} {
    %mul3A = arith.constant 2 : i32
    %mul3A_0 = arith.muli %arg1, %mul3A : i32
    %add3A = arith.addi %mul3A_0, %arg0 : i32
    %mul3A_1 = arith.constant 25600 : i32
    %mul3A_2 = arith.muli %add3A, %mul3A_1 : i32
    "tpu.region"() ({
      %run_scoped3A = tpu.sem_alloc : memref<!tpu.dma_semaphore, #tpu.memory_space<semaphore_mem>>
      tpu.enqueue_dma source(%arg3 : memref<240x128xf32, #tpu.memory_space<hbm>>) target(%arg7 : memref<240x128xf32, #tpu.memory_space<vmem>>) target_semaphore(%run_scoped3A : memref<!tpu.dma_semaphore, #tpu.memory_space<semaphore_mem>>)
      tpu.wait_dma2 semaphore(%run_scoped3A : memref<!tpu.dma_semaphore, #tpu.memory_space<semaphore_mem>>) src(%arg3 : memref<240x128xf32, #tpu.memory_space<hbm>>) dst(%arg7 : memref<240x128xf32, #tpu.memory_space<vmem>>)
      tpu.yield
    }) : () -> ()
    %mul3A_3 = arith.constant 256 : i32
    %mul3A_4 = arith.muli %arg1, %mul3A_3 : i32
    "tpu.region"() ({
      %run_scoped3A = tpu.sem_alloc : memref<!tpu.dma_semaphore, #tpu.memory_space<semaphore_mem>>
      %dma_start3A_331 = arith.constant 0 : i32
      %dma_start3A_332 = tpu.memref_slice %arg9[%mul3A_4, %dma_start3A_331] : memref<4096x128xf32, #tpu.memory_space<vmem_shared>> -> memref<256x128xf32, #tpu.memory_space<vmem_shared>>
      tpu.enqueue_dma source(%arg4 : memref<256x128xf32, #tpu.memory_space<hbm>>) target(%dma_start3A_332 : memref<256x128xf32, #tpu.memory_space<vmem_shared>>) target_semaphore(%run_scoped3A : memref<!tpu.dma_semaphore, #tpu.memory_space<semaphore_mem>>)
      %dma_wait3A_333 = arith.constant 0 : i32
      %dma_wait3A_334 = tpu.memref_slice %arg9[%mul3A_4, %dma_wait3A_333] : memref<4096x128xf32, #tpu.memory_space<vmem_shared>> -> memref<256x128xf32, #tpu.memory_space<vmem_shared>>
      tpu.wait_dma2 semaphore(%run_scoped3A : memref<!tpu.dma_semaphore, #tpu.memory_space<semaphore_mem>>) src(%arg4 : memref<256x128xf32, #tpu.memory_space<hbm>>) dst(%dma_wait3A_334 : memref<256x128xf32, #tpu.memory_space<vmem_shared>>)
      tpu.yield
    }) : () -> ()
    %mul3A_5 = arith.constant 256 : i32
    %mul3A_6 = arith.muli %arg1, %mul3A_5 : i32
    %broadcast_in_dim3A = vector.broadcast %mul3A_6 : i32 to vector<16xi32>
    %add3A_7 = arith.constant 0 : i32
    %add3A_8 = arith.addi %mul3A_2, %add3A_7 : i32
    %dma_start3A = arith.constant 0 : i32
    %dma_start3A_9 = arith.constant 0 : i32
    %dma_start3A_10 = tpu.memref_slice %arg6[%dma_start3A, %dma_start3A_9] : memref<5x80xi32, #tpu.memory_space<vmem>> -> memref<1x80xi32, #tpu.memory_space<vmem>>
    %dma_start3A_11 = tpu.memref_squeeze %dma_start3A_10 : memref<1x80xi32, #tpu.memory_space<vmem>> -> memref<80xi32, #tpu.memory_space<vmem>>
    %dma_start3A_12 = tpu.memref_slice %arg2[%add3A_8] : memref<819200xi32, #tpu.memory_space<hbm>> -> memref<80xi32, #tpu.memory_space<hbm>>
    %dma_start3A_13 = arith.constant 0 : i32
    %dma_start3A_14 = tpu.memref_slice %arg6[%dma_start3A, %dma_start3A_13] : memref<5x80xi32, #tpu.memory_space<vmem>> -> memref<1x80xi32, #tpu.memory_space<vmem>>
    %dma_start3A_15 = tpu.memref_squeeze %dma_start3A_14 : memref<1x80xi32, #tpu.memory_space<vmem>> -> memref<80xi32, #tpu.memory_space<vmem>>
    %dma_start3A_16 = tpu.memref_slice %arg2[%add3A_8] : memref<819200xi32, #tpu.memory_space<hbm>> -> memref<80xi32, #tpu.memory_space<hbm>>
    tpu.enqueue_dma source(%dma_start3A_16 : memref<80xi32, #tpu.memory_space<hbm>>) target(%dma_start3A_15 : memref<80xi32, #tpu.memory_space<vmem>>) target_semaphore(%arg20 : memref<!tpu.dma_semaphore, #tpu.memory_space<semaphore_mem>>)
    %add3A_17 = arith.constant 80 : i32
    %add3A_18 = arith.addi %mul3A_2, %add3A_17 : i32
    %dma_start3A_19 = arith.constant 1 : i32
    %dma_start3A_20 = arith.constant 0 : i32
    %dma_start3A_21 = tpu.memref_slice %arg6[%dma_start3A_19, %dma_start3A_20] : memref<5x80xi32, #tpu.memory_space<vmem>> -> memref<1x80xi32, #tpu.memory_space<vmem>>
    %dma_start3A_22 = tpu.memref_squeeze %dma_start3A_21 : memref<1x80xi32, #tpu.memory_space<vmem>> -> memref<80xi32, #tpu.memory_space<vmem>>
    %dma_start3A_23 = tpu.memref_slice %arg2[%add3A_18] : memref<819200xi32, #tpu.memory_space<hbm>> -> memref<80xi32, #tpu.memory_space<hbm>>
    %dma_start3A_24 = arith.constant 0 : i32
    %dma_start3A_25 = tpu.memref_slice %arg6[%dma_start3A_19, %dma_start3A_24] : memref<5x80xi32, #tpu.memory_space<vmem>> -> memref<1x80xi32, #tpu.memory_space<vmem>>
    %dma_start3A_26 = tpu.memref_squeeze %dma_start3A_25 : memref<1x80xi32, #tpu.memory_space<vmem>> -> memref<80xi32, #tpu.memory_space<vmem>>
    %dma_start3A_27 = tpu.memref_slice %arg2[%add3A_18] : memref<819200xi32, #tpu.memory_space<hbm>> -> memref<80xi32, #tpu.memory_space<hbm>>
    tpu.enqueue_dma source(%dma_start3A_27 : memref<80xi32, #tpu.memory_space<hbm>>) target(%dma_start3A_26 : memref<80xi32, #tpu.memory_space<vmem>>) target_semaphore(%arg21 : memref<!tpu.dma_semaphore, #tpu.memory_space<semaphore_mem>>)
    %add3A_28 = arith.constant 160 : i32
    %add3A_29 = arith.addi %mul3A_2, %add3A_28 : i32
    %dma_start3A_30 = arith.constant 2 : i32
    %dma_start3A_31 = arith.constant 0 : i32
    %dma_start3A_32 = tpu.memref_slice %arg6[%dma_start3A_30, %dma_start3A_31] : memref<5x80xi32, #tpu.memory_space<vmem>> -> memref<1x80xi32, #tpu.memory_space<vmem>>
    %dma_start3A_33 = tpu.memref_squeeze %dma_start3A_32 : memref<1x80xi32, #tpu.memory_space<vmem>> -> memref<80xi32, #tpu.memory_space<vmem>>
    %dma_start3A_34 = tpu.memref_slice %arg2[%add3A_29] : memref<819200xi32, #tpu.memory_space<hbm>> -> memref<80xi32, #tpu.memory_space<hbm>>
    %dma_start3A_35 = arith.constant 0 : i32
    %dma_start3A_36 = tpu.memref_slice %arg6[%dma_start3A_30, %dma_start3A_35] : memref<5x80xi32, #tpu.memory_space<vmem>> -> memref<1x80xi32, #tpu.memory_space<vmem>>
    %dma_start3A_37 = tpu.memref_squeeze %dma_start3A_36 : memref<1x80xi32, #tpu.memory_space<vmem>> -> memref<80xi32, #tpu.memory_space<vmem>>
    %dma_start3A_38 = tpu.memref_slice %arg2[%add3A_29] : memref<819200xi32, #tpu.memory_space<hbm>> -> memref<80xi32, #tpu.memory_space<hbm>>
    tpu.enqueue_dma source(%dma_start3A_38 : memref<80xi32, #tpu.memory_space<hbm>>) target(%dma_start3A_37 : memref<80xi32, #tpu.memory_space<vmem>>) target_semaphore(%arg22 : memref<!tpu.dma_semaphore, #tpu.memory_space<semaphore_mem>>)
    %add3A_39 = arith.constant 240 : i32
    %add3A_40 = arith.addi %mul3A_2, %add3A_39 : i32
    %dma_start3A_41 = arith.constant 3 : i32
    %dma_start3A_42 = arith.constant 0 : i32
    %dma_start3A_43 = tpu.memref_slice %arg6[%dma_start3A_41, %dma_start3A_42] : memref<5x80xi32, #tpu.memory_space<vmem>> -> memref<1x80xi32, #tpu.memory_space<vmem>>
    %dma_start3A_44 = tpu.memref_squeeze %dma_start3A_43 : memref<1x80xi32, #tpu.memory_space<vmem>> -> memref<80xi32, #tpu.memory_space<vmem>>
    %dma_start3A_45 = tpu.memref_slice %arg2[%add3A_40] : memref<819200xi32, #tpu.memory_space<hbm>> -> memref<80xi32, #tpu.memory_space<hbm>>
    %dma_start3A_46 = arith.constant 0 : i32
    %dma_start3A_47 = tpu.memref_slice %arg6[%dma_start3A_41, %dma_start3A_46] : memref<5x80xi32, #tpu.memory_space<vmem>> -> memref<1x80xi32, #tpu.memory_space<vmem>>
    %dma_start3A_48 = tpu.memref_squeeze %dma_start3A_47 : memref<1x80xi32, #tpu.memory_space<vmem>> -> memref<80xi32, #tpu.memory_space<vmem>>
    %dma_start3A_49 = tpu.memref_slice %arg2[%add3A_40] : memref<819200xi32, #tpu.memory_space<hbm>> -> memref<80xi32, #tpu.memory_space<hbm>>
    tpu.enqueue_dma source(%dma_start3A_49 : memref<80xi32, #tpu.memory_space<hbm>>) target(%dma_start3A_48 : memref<80xi32, #tpu.memory_space<vmem>>) target_semaphore(%arg23 : memref<!tpu.dma_semaphore, #tpu.memory_space<semaphore_mem>>)
    %dma_wait3A = arith.constant 0 : i32
    %dma_wait3A_50 = arith.constant 0 : i32
    %dma_wait3A_51 = tpu.memref_slice %arg6[%dma_wait3A, %dma_wait3A_50] : memref<5x80xi32, #tpu.memory_space<vmem>> -> memref<1x80xi32, #tpu.memory_space<vmem>>
    %dma_wait3A_52 = tpu.memref_squeeze %dma_wait3A_51 : memref<1x80xi32, #tpu.memory_space<vmem>> -> memref<80xi32, #tpu.memory_space<vmem>>
    %dma_wait3A_53 = arith.constant 0 : i32
    %dma_wait3A_54 = tpu.memref_slice %arg2[%dma_wait3A_53] : memref<819200xi32, #tpu.memory_space<hbm>> -> memref<80xi32, #tpu.memory_space<hbm>>
    %dma_wait3A_55 = arith.constant 0 : i32
    %dma_wait3A_56 = tpu.memref_slice %arg6[%dma_wait3A, %dma_wait3A_55] : memref<5x80xi32, #tpu.memory_space<vmem>> -> memref<1x80xi32, #tpu.memory_space<vmem>>
    %dma_wait3A_57 = tpu.memref_squeeze %dma_wait3A_56 : memref<1x80xi32, #tpu.memory_space<vmem>> -> memref<80xi32, #tpu.memory_space<vmem>>
    %dma_wait3A_58 = arith.constant 0 : i32
    %dma_wait3A_59 = tpu.memref_slice %arg2[%dma_wait3A_58] : memref<819200xi32, #tpu.memory_space<hbm>> -> memref<80xi32, #tpu.memory_space<hbm>>
    tpu.wait_dma2 semaphore(%arg20 : memref<!tpu.dma_semaphore, #tpu.memory_space<semaphore_mem>>) src(%dma_wait3A_59 : memref<80xi32, #tpu.memory_space<hbm>>) dst(%dma_wait3A_57 : memref<80xi32, #tpu.memory_space<vmem>>)
    %get3A = arith.constant 0 : i32
    %get3A_60 = arith.index_cast %get3A : i32 to index
    %get3A_61 = arith.constant 0 : index
    %get3A_62 = tpu.vector_load %arg6[%get3A_60, %get3A_61] {strides = array<i32>} : memref<5x80xi32, #tpu.memory_space<vmem>>, vector<1x16xi32>,
    %get3A_63 = vector.shape_cast %get3A_62 : vector<1x16xi32> to vector<16xi32>
    %add3A_64 = arith.addi %get3A_63, %broadcast_in_dim3A : vector<16xi32>
    %swap3A = arith.constant 0 : i32
    %swap3A_65 = arith.index_cast %swap3A : i32 to index
    %swap3A_66 = arith.constant 0 : index
    %swap3A_67 = tpu.vector_load %arg6[%swap3A_65, %swap3A_66] {strides = array<i32>} : memref<5x80xi32, #tpu.memory_space<vmem>>, vector<1x16xi32>,
    %swap3A_68 = vector.shape_cast %swap3A_67 : vector<1x16xi32> to vector<16xi32>
    %swap3A_69 = vector.shape_cast %add3A_64 : vector<16xi32> to vector<1x16xi32>
    tpu.vector_store %arg6[%swap3A_65, %swap3A_66], %swap3A_69 {strides = array<i32>} : memref<5x80xi32, #tpu.memory_space<vmem>>, vector<1x16xi32>,
    %get3A_70 = arith.constant 0 : i32
    %get3A_71 = arith.index_cast %get3A_70 : i32 to index
    %get3A_72 = arith.constant 16 : index
    %get3A_73 = tpu.vector_load %arg6[%get3A_71, %get3A_72] {strides = array<i32>} : memref<5x80xi32, #tpu.memory_space<vmem>>, vector<1x16xi32>,
    %get3A_74 = vector.shape_cast %get3A_73 : vector<1x16xi32> to vector<16xi32>
    %add3A_75 = arith.addi %get3A_74, %broadcast_in_dim3A : vector<16xi32>
    %swap3A_76 = arith.constant 0 : i32
    %swap3A_77 = arith.index_cast %swap3A_76 : i32 to index
    %swap3A_78 = arith.constant 16 : index
    %swap3A_79 = tpu.vector_load %arg6[%swap3A_77, %swap3A_78] {strides = array<i32>} : memref<5x80xi32, #tpu.memory_space<vmem>>, vector<1x16xi32>,
    %swap3A_80 = vector.shape_cast %swap3A_79 : vector<1x16xi32> to vector<16xi32>
    %swap3A_81 = vector.shape_cast %add3A_75 : vector<16xi32> to vector<1x16xi32>
    tpu.vector_store %arg6[%swap3A_77, %swap3A_78], %swap3A_81 {strides = array<i32>} : memref<5x80xi32, #tpu.memory_space<vmem>>, vector<1x16xi32>,
    %get3A_82 = arith.constant 0 : i32
    %get3A_83 = arith.index_cast %get3A_82 : i32 to index
    %get3A_84 = arith.constant 32 : index
    %get3A_85 = tpu.vector_load %arg6[%get3A_83, %get3A_84] {strides = array<i32>} : memref<5x80xi32, #tpu.memory_space<vmem>>, vector<1x16xi32>,
    %get3A_86 = vector.shape_cast %get3A_85 : vector<1x16xi32> to vector<16xi32>
    %add3A_87 = arith.addi %get3A_86, %broadcast_in_dim3A : vector<16xi32>
    %swap3A_88 = arith.constant 0 : i32
    %swap3A_89 = arith.index_cast %swap3A_88 : i32 to index
    %swap3A_90 = arith.constant 32 : index
    %swap3A_91 = tpu.vector_load %arg6[%swap3A_89, %swap3A_90] {strides = array<i32>} : memref<5x80xi32, #tpu.memory_space<vmem>>, vector<1x16xi32>,
    %swap3A_92 = vector.shape_cast %swap3A_91 : vector<1x16xi32> to vector<16xi32>
    %swap3A_93 = vector.shape_cast %add3A_87 : vector<16xi32> to vector<1x16xi32>
    tpu.vector_store %arg6[%swap3A_89, %swap3A_90], %swap3A_93 {strides = array<i32>} : memref<5x80xi32, #tpu.memory_space<vmem>>, vector<1x16xi32>,
    %get3A_94 = arith.constant 0 : i32
    %get3A_95 = arith.index_cast %get3A_94 : i32 to index
    %get3A_96 = arith.constant 48 : index
    %get3A_97 = tpu.vector_load %arg6[%get3A_95, %get3A_96] {strides = array<i32>} : memref<5x80xi32, #tpu.memory_space<vmem>>, vector<1x16xi32>,
    %get3A_98 = vector.shape_cast %get3A_97 : vector<1x16xi32> to vector<16xi32>
    %add3A_99 = arith.addi %get3A_98, %broadcast_in_dim3A : vector<16xi32>
    %swap3A_100 = arith.constant 0 : i32
    %swap3A_101 = arith.index_cast %swap3A_100 : i32 to index
    %swap3A_102 = arith.constant 48 : index
    %swap3A_103 = tpu.vector_load %arg6[%swap3A_101, %swap3A_102] {strides = array<i32>} : memref<5x80xi32, #tpu.memory_space<vmem>>, vector<1x16xi32>,
    %swap3A_104 = vector.shape_cast %swap3A_103 : vector<1x16xi32> to vector<16xi32>
    %swap3A_105 = vector.shape_cast %add3A_99 : vector<16xi32> to vector<1x16xi32>
    tpu.vector_store %arg6[%swap3A_101, %swap3A_102], %swap3A_105 {strides = array<i32>} : memref<5x80xi32, #tpu.memory_space<vmem>>, vector<1x16xi32>,
    %get3A_106 = arith.constant 0 : i32
    %get3A_107 = arith.index_cast %get3A_106 : i32 to index
    %get3A_108 = arith.constant 64 : index
    %get3A_109 = tpu.vector_load %arg6[%get3A_107, %get3A_108] {strides = array<i32>} : memref<5x80xi32, #tpu.memory_space<vmem>>, vector<1x16xi32>,
    %get3A_110 = vector.shape_cast %get3A_109 : vector<1x16xi32> to vector<16xi32>
    %add3A_111 = arith.addi %get3A_110, %broadcast_in_dim3A : vector<16xi32>
    %swap3A_112 = arith.constant 0 : i32
    %swap3A_113 = arith.index_cast %swap3A_112 : i32 to index
    %swap3A_114 = arith.constant 64 : index
    %swap3A_115 = tpu.vector_load %arg6[%swap3A_113, %swap3A_114] {strides = array<i32>} : memref<5x80xi32, #tpu.memory_space<vmem>>, vector<1x16xi32>,
    %swap3A_116 = vector.shape_cast %swap3A_115 : vector<1x16xi32> to vector<16xi32>
    %swap3A_117 = vector.shape_cast %add3A_111 : vector<16xi32> to vector<1x16xi32>
    tpu.vector_store %arg6[%swap3A_113, %swap3A_114], %swap3A_117 {strides = array<i32>} : memref<5x80xi32, #tpu.memory_space<vmem>>, vector<1x16xi32>,
    %dma_start3A_118 = arith.constant 0 : i32
    %dma_start3A_119 = arith.constant 0 : i32
    %dma_start3A_120 = arith.constant 0 : i32
    %dma_start3A_121 = arith.constant 0 : i32
    %dma_start3A_122 = tpu.memref_slice %arg8[%dma_start3A_119, %dma_start3A_120, %dma_start3A_121] : memref<5x80x128xf32, #tpu.memory_space<vmem>> -> memref<1x80x128xf32, #tpu.memory_space<vmem>>
    %dma_start3A_123 = tpu.memref_squeeze %dma_start3A_122 : memref<1x80x128xf32, #tpu.memory_space<vmem>> -> memref<80x128xf32, #tpu.memory_space<vmem>>
    %dma_start3A_124 = arith.constant 0 : i32
    %dma_start3A_125 = tpu.memref_slice %arg6[%dma_start3A_118, %dma_start3A_124] : memref<5x80xi32, #tpu.memory_space<vmem>> -> memref<1x80xi32, #tpu.memory_space<vmem>>
    %dma_start3A_126 = tpu.memref_squeeze %dma_start3A_125 : memref<1x80xi32, #tpu.memory_space<vmem>> -> memref<80xi32, #tpu.memory_space<vmem>>
    %dma_start3A_127 = arith.constant 0 : i32
    %dma_start3A_128 = arith.constant 0 : i32
    %dma_start3A_129 = tpu.memref_slice %arg9[%dma_start3A_127, %dma_start3A_128] : memref<4096x128xf32, #tpu.memory_space<vmem_shared>> -> memref<4096x128xf32, #tpu.memory_space<vmem_shared>>
    tpu.enqueue_indirect_dma source(%dma_start3A_129 : memref<4096x128xf32, #tpu.memory_space<vmem_shared>>) target(%dma_start3A_123 : memref<80x128xf32, #tpu.memory_space<vmem>>) offsets(%dma_start3A_126 : memref<80xi32, #tpu.memory_space<vmem>>) semaphore(%arg10 : memref<!tpu.dma_semaphore, #tpu.memory_space<semaphore_mem>>)
    %dma_wait3A_130 = arith.constant 1 : i32
    %dma_wait3A_131 = arith.constant 0 : i32
    %dma_wait3A_132 = tpu.memref_slice %arg6[%dma_wait3A_130, %dma_wait3A_131] : memref<5x80xi32, #tpu.memory_space<vmem>> -> memref<1x80xi32, #tpu.memory_space<vmem>>
    %dma_wait3A_133 = tpu.memref_squeeze %dma_wait3A_132 : memref<1x80xi32, #tpu.memory_space<vmem>> -> memref<80xi32, #tpu.memory_space<vmem>>
    %dma_wait3A_134 = arith.constant 0 : i32
    %dma_wait3A_135 = tpu.memref_slice %arg2[%dma_wait3A_134] : memref<819200xi32, #tpu.memory_space<hbm>> -> memref<80xi32, #tpu.memory_space<hbm>>
    %dma_wait3A_136 = arith.constant 0 : i32
    %dma_wait3A_137 = tpu.memref_slice %arg6[%dma_wait3A_130, %dma_wait3A_136] : memref<5x80xi32, #tpu.memory_space<vmem>> -> memref<1x80xi32, #tpu.memory_space<vmem>>
    %dma_wait3A_138 = tpu.memref_squeeze %dma_wait3A_137 : memref<1x80xi32, #tpu.memory_space<vmem>> -> memref<80xi32, #tpu.memory_space<vmem>>
    %dma_wait3A_139 = arith.constant 0 : i32
    %dma_wait3A_140 = tpu.memref_slice %arg2[%dma_wait3A_139] : memref<819200xi32, #tpu.memory_space<hbm>> -> memref<80xi32, #tpu.memory_space<hbm>>
    tpu.wait_dma2 semaphore(%arg21 : memref<!tpu.dma_semaphore, #tpu.memory_space<semaphore_mem>>) src(%dma_wait3A_140 : memref<80xi32, #tpu.memory_space<hbm>>) dst(%dma_wait3A_138 : memref<80xi32, #tpu.memory_space<vmem>>)
    %get3A_141 = arith.constant 1 : i32
    %get3A_142 = arith.index_cast %get3A_141 : i32 to index
    %get3A_143 = arith.constant 0 : index
    %get3A_144 = tpu.vector_load %arg6[%get3A_142, %get3A_143] {strides = array<i32>} : memref<5x80xi32, #tpu.memory_space<vmem>>, vector<1x16xi32>,
    %get3A_145 = vector.shape_cast %get3A_144 : vector<1x16xi32> to vector<16xi32>
    %add3A_146 = arith.addi %get3A_145, %broadcast_in_dim3A : vector<16xi32>
    %swap3A_147 = arith.constant 1 : i32
    %swap3A_148 = arith.index_cast %swap3A_147 : i32 to index
    %swap3A_149 = arith.constant 0 : index
    %swap3A_150 = tpu.vector_load %arg6[%swap3A_148, %swap3A_149] {strides = array<i32>} : memref<5x80xi32, #tpu.memory_space<vmem>>, vector<1x16xi32>,
    %swap3A_151 = vector.shape_cast %swap3A_150 : vector<1x16xi32> to vector<16xi32>
    %swap3A_152 = vector.shape_cast %add3A_146 : vector<16xi32> to vector<1x16xi32>
    tpu.vector_store %arg6[%swap3A_148, %swap3A_149], %swap3A_152 {strides = array<i32>} : memref<5x80xi32, #tpu.memory_space<vmem>>, vector<1x16xi32>,
    %get3A_153 = arith.constant 1 : i32
    %get3A_154 = arith.index_cast %get3A_153 : i32 to index
    %get3A_155 = arith.constant 16 : index
    %get3A_156 = tpu.vector_load %arg6[%get3A_154, %get3A_155] {strides = array<i32>} : memref<5x80xi32, #tpu.memory_space<vmem>>, vector<1x16xi32>,
    %get3A_157 = vector.shape_cast %get3A_156 : vector<1x16xi32> to vector<16xi32>
    %add3A_158 = arith.addi %get3A_157, %broadcast_in_dim3A : vector<16xi32>
    %swap3A_159 = arith.constant 1 : i32
    %swap3A_160 = arith.index_cast %swap3A_159 : i32 to index
    %swap3A_161 = arith.constant 16 : index
    %swap3A_162 = tpu.vector_load %arg6[%swap3A_160, %swap3A_161] {strides = array<i32>} : memref<5x80xi32, #tpu.memory_space<vmem>>, vector<1x16xi32>,
    %swap3A_163 = vector.shape_cast %swap3A_162 : vector<1x16xi32> to vector<16xi32>
    %swap3A_164 = vector.shape_cast %add3A_158 : vector<16xi32> to vector<1x16xi32>
    tpu.vector_store %arg6[%swap3A_160, %swap3A_161], %swap3A_164 {strides = array<i32>} : memref<5x80xi32, #tpu.memory_space<vmem>>, vector<1x16xi32>,
    %get3A_165 = arith.constant 1 : i32
    %get3A_166 = arith.index_cast %get3A_165 : i32 to index
    %get3A_167 = arith.constant 32 : index
    %get3A_168 = tpu.vector_load %arg6[%get3A_166, %get3A_167] {strides = array<i32>} : memref<5x80xi32, #tpu.memory_space<vmem>>, vector<1x16xi32>,
    %get3A_169 = vector.shape_cast %get3A_168 : vector<1x16xi32> to vector<16xi32>
    %add3A_170 = arith.addi %get3A_169, %broadcast_in_dim3A : vector<16xi32>
    %swap3A_171 = arith.constant 1 : i32
    %swap3A_172 = arith.index_cast %swap3A_171 : i32 to index
    %swap3A_173 = arith.constant 32 : index
    %swap3A_174 = tpu.vector_load %arg6[%swap3A_172, %swap3A_173] {strides = array<i32>} : memref<5x80xi32, #tpu.memory_space<vmem>>, vector<1x16xi32>,
    %swap3A_175 = vector.shape_cast %swap3A_174 : vector<1x16xi32> to vector<16xi32>
    %swap3A_176 = vector.shape_cast %add3A_170 : vector<16xi32> to vector<1x16xi32>
    tpu.vector_store %arg6[%swap3A_172, %swap3A_173], %swap3A_176 {strides = array<i32>} : memref<5x80xi32, #tpu.memory_space<vmem>>, vector<1x16xi32>,
    %get3A_177 = arith.constant 1 : i32
    %get3A_178 = arith.index_cast %get3A_177 : i32 to index
    %get3A_179 = arith.constant 48 : index
    %get3A_180 = tpu.vector_load %arg6[%get3A_178, %get3A_179] {strides = array<i32>} : memref<5x80xi32, #tpu.memory_space<vmem>>, vector<1x16xi32>,
    %get3A_181 = vector.shape_cast %get3A_180 : vector<1x16xi32> to vector<16xi32>
    %add3A_182 = arith.addi %get3A_181, %broadcast_in_dim3A : vector<16xi32>
    %swap3A_183 = arith.constant 1 : i32
    %swap3A_184 = arith.index_cast %swap3A_183 : i32 to index
    %swap3A_185 = arith.constant 48 : index
    %swap3A_186 = tpu.vector_load %arg6[%swap3A_184, %swap3A_185] {strides = array<i32>} : memref<5x80xi32, #tpu.memory_space<vmem>>, vector<1x16xi32>,
    %swap3A_187 = vector.shape_cast %swap3A_186 : vector<1x16xi32> to vector<16xi32>
    %swap3A_188 = vector.shape_cast %add3A_182 : vector<16xi32> to vector<1x16xi32>
    tpu.vector_store %arg6[%swap3A_184, %swap3A_185], %swap3A_188 {strides = array<i32>} : memref<5x80xi32, #tpu.memory_space<vmem>>, vector<1x16xi32>,
    %get3A_189 = arith.constant 1 : i32
    %get3A_190 = arith.index_cast %get3A_189 : i32 to index
    %get3A_191 = arith.constant 64 : index
    %get3A_192 = tpu.vector_load %arg6[%get3A_190, %get3A_191] {strides = array<i32>} : memref<5x80xi32, #tpu.memory_space<vmem>>, vector<1x16xi32>,
    %get3A_193 = vector.shape_cast %get3A_192 : vector<1x16xi32> to vector<16xi32>
    %add3A_194 = arith.addi %get3A_193, %broadcast_in_dim3A : vector<16xi32>
    %swap3A_195 = arith.constant 1 : i32
    %swap3A_196 = arith.index_cast %swap3A_195 : i32 to index
    %swap3A_197 = arith.constant 64 : index
    %swap3A_198 = tpu.vector_load %arg6[%swap3A_196, %swap3A_197] {strides = array<i32>} : memref<5x80xi32, #tpu.memory_space<vmem>>, vector<1x16xi32>,
    %swap3A_199 = vector.shape_cast %swap3A_198 : vector<1x16xi32> to vector<16xi32>
    %swap3A_200 = vector.shape_cast %add3A_194 : vector<16xi32> to vector<1x16xi32>
    tpu.vector_store %arg6[%swap3A_196, %swap3A_197], %swap3A_200 {strides = array<i32>} : memref<5x80xi32, #tpu.memory_space<vmem>>, vector<1x16xi32>,
    %dma_start3A_201 = arith.constant 1 : i32
    %dma_start3A_202 = arith.constant 1 : i32
    %dma_start3A_203 = arith.constant 0 : i32
    %dma_start3A_204 = arith.constant 0 : i32
    %dma_start3A_205 = tpu.memref_slice %arg8[%dma_start3A_202, %dma_start3A_203, %dma_start3A_204] : memref<5x80x128xf32, #tpu.memory_space<vmem>> -> memref<1x80x128xf32, #tpu.memory_space<vmem>>
    %dma_start3A_206 = tpu.memref_squeeze %dma_start3A_205 : memref<1x80x128xf32, #tpu.memory_space<vmem>> -> memref<80x128xf32, #tpu.memory_space<vmem>>
    %dma_start3A_207 = arith.constant 0 : i32
    %dma_start3A_208 = tpu.memref_slice %arg6[%dma_start3A_201, %dma_start3A_207] : memref<5x80xi32, #tpu.memory_space<vmem>> -> memref<1x80xi32, #tpu.memory_space<vmem>>
    %dma_start3A_209 = tpu.memref_squeeze %dma_start3A_208 : memref<1x80xi32, #tpu.memory_space<vmem>> -> memref<80xi32, #tpu.memory_space<vmem>>
    %dma_start3A_210 = arith.constant 0 : i32
    %dma_start3A_211 = arith.constant 0 : i32
    %dma_start3A_212 = tpu.memref_slice %arg9[%dma_start3A_210, %dma_start3A_211] : memref<4096x128xf32, #tpu.memory_space<vmem_shared>> -> memref<4096x128xf32, #tpu.memory_space<vmem_shared>>
    tpu.enqueue_indirect_dma source(%dma_start3A_212 : memref<4096x128xf32, #tpu.memory_space<vmem_shared>>) target(%dma_start3A_206 : memref<80x128xf32, #tpu.memory_space<vmem>>) offsets(%dma_start3A_209 : memref<80xi32, #tpu.memory_space<vmem>>) semaphore(%arg11 : memref<!tpu.dma_semaphore, #tpu.memory_space<semaphore_mem>>)
    %dma_wait3A_213 = arith.constant 2 : i32
    %dma_wait3A_214 = arith.constant 0 : i32
    %dma_wait3A_215 = tpu.memref_slice %arg6[%dma_wait3A_213, %dma_wait3A_214] : memref<5x80xi32, #tpu.memory_space<vmem>> -> memref<1x80xi32, #tpu.memory_space<vmem>>
    %dma_wait3A_216 = tpu.memref_squeeze %dma_wait3A_215 : memref<1x80xi32, #tpu.memory_space<vmem>> -> memref<80xi32, #tpu.memory_space<vmem>>
    %dma_wait3A_217 = arith.constant 0 : i32
    %dma_wait3A_218 = tpu.memref_slice %arg2[%dma_wait3A_217] : memref<819200xi32, #tpu.memory_space<hbm>> -> memref<80xi32, #tpu.memory_space<hbm>>
    %dma_wait3A_219 = arith.constant 0 : i32
    %dma_wait3A_220 = tpu.memref_slice %arg6[%dma_wait3A_213, %dma_wait3A_219] : memref<5x80xi32, #tpu.memory_space<vmem>> -> memref<1x80xi32, #tpu.memory_space<vmem>>
    %dma_wait3A_221 = tpu.memref_squeeze %dma_wait3A_220 : memref<1x80xi32, #tpu.memory_space<vmem>> -> memref<80xi32, #tpu.memory_space<vmem>>
    %dma_wait3A_222 = arith.constant 0 : i32
    %dma_wait3A_223 = tpu.memref_slice %arg2[%dma_wait3A_222] : memref<819200xi32, #tpu.memory_space<hbm>> -> memref<80xi32, #tpu.memory_space<hbm>>
    tpu.wait_dma2 semaphore(%arg22 : memref<!tpu.dma_semaphore, #tpu.memory_space<semaphore_mem>>) src(%dma_wait3A_223 : memref<80xi32, #tpu.memory_space<hbm>>) dst(%dma_wait3A_221 : memref<80xi32, #tpu.memory_space<vmem>>)
    %get3A_224 = arith.constant 2 : i32
    %get3A_225 = arith.index_cast %get3A_224 : i32 to index
    %get3A_226 = arith.constant 0 : index
    %get3A_227 = tpu.vector_load %arg6[%get3A_225, %get3A_226] {strides = array<i32>} : memref<5x80xi32, #tpu.memory_space<vmem>>, vector<1x16xi32>,
    %get3A_228 = vector.shape_cast %get3A_227 : vector<1x16xi32> to vector<16xi32>
    %add3A_229 = arith.addi %get3A_228, %broadcast_in_dim3A : vector<16xi32>
    %swap3A_230 = arith.constant 2 : i32
    %swap3A_231 = arith.index_cast %swap3A_230 : i32 to index
    %swap3A_232 = arith.constant 0 : index
    %swap3A_233 = tpu.vector_load %arg6[%swap3A_231, %swap3A_232] {strides = array<i32>} : memref<5x80xi32, #tpu.memory_space<vmem>>, vector<1x16xi32>,
    %swap3A_234 = vector.shape_cast %swap3A_233 : vector<1x16xi32> to vector<16xi32>
    %swap3A_235 = vector.shape_cast %add3A_229 : vector<16xi32> to vector<1x16xi32>
    tpu.vector_store %arg6[%swap3A_231, %swap3A_232], %swap3A_235 {strides = array<i32>} : memref<5x80xi32, #tpu.memory_space<vmem>>, vector<1x16xi32>,
    %get3A_236 = arith.constant 2 : i32
    %get3A_237 = arith.index_cast %get3A_236 : i32 to index
    %get3A_238 = arith.constant 16 : index
    %get3A_239 = tpu.vector_load %arg6[%get3A_237, %get3A_238] {strides = array<i32>} : memref<5x80xi32, #tpu.memory_space<vmem>>, vector<1x16xi32>,
    %get3A_240 = vector.shape_cast %get3A_239 : vector<1x16xi32> to vector<16xi32>
    %add3A_241 = arith.addi %get3A_240, %broadcast_in_dim3A : vector<16xi32>
    %swap3A_242 = arith.constant 2 : i32
    %swap3A_243 = arith.index_cast %swap3A_242 : i32 to index
    %swap3A_244 = arith.constant 16 : index
    %swap3A_245 = tpu.vector_load %arg6[%swap3A_243, %swap3A_244] {strides = array<i32>} : memref<5x80xi32, #tpu.memory_space<vmem>>, vector<1x16xi32>,
    %swap3A_246 = vector.shape_cast %swap3A_245 : vector<1x16xi32> to vector<16xi32>
    %swap3A_247 = vector.shape_cast %add3A_241 : vector<16xi32> to vector<1x16xi32>
    tpu.vector_store %arg6[%swap3A_243, %swap3A_244], %swap3A_247 {strides = array<i32>} : memref<5x80xi32, #tpu.memory_space<vmem>>, vector<1x16xi32>,
    %get3A_248 = arith.constant 2 : i32
    %get3A_249 = arith.index_cast %get3A_248 : i32 to index
    %get3A_250 = arith.constant 32 : index
    %get3A_251 = tpu.vector_load %arg6[%get3A_249, %get3A_250] {strides = array<i32>} : memref<5x80xi32, #tpu.memory_space<vmem>>, vector<1x16xi32>,
    %get3A_252 = vector.shape_cast %get3A_251 : vector<1x16xi32> to vector<16xi32>
    %add3A_253 = arith.addi %get3A_252, %broadcast_in_dim3A : vector<16xi32>
    %swap3A_254 = arith.constant 2 : i32
    %swap3A_255 = arith.index_cast %swap3A_254 : i32 to index
    %swap3A_256 = arith.constant 32 : index
    %swap3A_257 = tpu.vector_load %arg6[%swap3A_255, %swap3A_256] {strides = array<i32>} : memref<5x80xi32, #tpu.memory_space<vmem>>, vector<1x16xi32>,
    %swap3A_258 = vector.shape_cast %swap3A_257 : vector<1x16xi32> to vector<16xi32>
    %swap3A_259 = vector.shape_cast %add3A_253 : vector<16xi32> to vector<1x16xi32>
    tpu.vector_store %arg6[%swap3A_255, %swap3A_256], %swap3A_259 {strides = array<i32>} : memref<5x80xi32, #tpu.memory_space<vmem>>, vector<1x16xi32>,
    %get3A_260 = arith.constant 2 : i32
    %get3A_261 = arith.index_cast %get3A_260 : i32 to index
    %get3A_262 = arith.constant 48 : index
    %get3A_263 = tpu.vector_load %arg6[%get3A_261, %get3A_262] {strides = array<i32>} : memref<5x80xi32, #tpu.memory_space<vmem>>, vector<1x16xi32>,
    %get3A_264 = vector.shape_cast %get3A_263 : vector<1x16xi32> to vector<16xi32>
    %add3A_265 = arith.addi %get3A_264, %broadcast_in_dim3A : vector<16xi32>
    %swap3A_266 = arith.constant 2 : i32
    %swap3A_267 = arith.index_cast %swap3A_266 : i32 to index
    %swap3A_268 = arith.constant 48 : index
    %swap3A_269 = tpu.vector_load %arg6[%swap3A_267, %swap3A_268] {strides = array<i32>} : memref<5x80xi32, #tpu.memory_space<vmem>>, vector<1x16xi32>,
    %swap3A_270 = vector.shape_cast %swap3A_269 : vector<1x16xi32> to vector<16xi32>
    %swap3A_271 = vector.shape_cast %add3A_265 : vector<16xi32> to vector<1x16xi32>
    tpu.vector_store %arg6[%swap3A_267, %swap3A_268], %swap3A_271 {strides = array<i32>} : memref<5x80xi32, #tpu.memory_space<vmem>>, vector<1x16xi32>,
    %get3A_272 = arith.constant 2 : i32
    %get3A_273 = arith.index_cast %get3A_272 : i32 to index
    %get3A_274 = arith.constant 64 : index
    %get3A_275 = tpu.vector_load %arg6[%get3A_273, %get3A_274] {strides = array<i32>} : memref<5x80xi32, #tpu.memory_space<vmem>>, vector<1x16xi32>,
    %get3A_276 = vector.shape_cast %get3A_275 : vector<1x16xi32> to vector<16xi32>
    %add3A_277 = arith.addi %get3A_276, %broadcast_in_dim3A : vector<16xi32>
    %swap3A_278 = arith.constant 2 : i32
    %swap3A_279 = arith.index_cast %swap3A_278 : i32 to index
    %swap3A_280 = arith.constant 64 : index
    %swap3A_281 = tpu.vector_load %arg6[%swap3A_279, %swap3A_280] {strides = array<i32>} : memref<5x80xi32, #tpu.memory_space<vmem>>, vector<1x16xi32>,
    %swap3A_282 = vector.shape_cast %swap3A_281 : vector<1x16xi32> to vector<16xi32>
    %swap3A_283 = vector.shape_cast %add3A_277 : vector<16xi32> to vector<1x16xi32>
    tpu.vector_store %arg6[%swap3A_279, %swap3A_280], %swap3A_283 {strides = array<i32>} : memref<5x80xi32, #tpu.memory_space<vmem>>, vector<1x16xi32>,
    %dma_start3A_284 = arith.constant 2 : i32
    %dma_start3A_285 = arith.constant 2 : i32
    %dma_start3A_286 = arith.constant 0 : i32
    %dma_start3A_287 = arith.constant 0 : i32
    %dma_start3A_288 = tpu.memref_slice %arg8[%dma_start3A_285, %dma_start3A_286, %dma_start3A_287] : memref<5x80x128xf32, #tpu.memory_space<vmem>> -> memref<1x80x128xf32, #tpu.memory_space<vmem>>
    %dma_start3A_289 = tpu.memref_squeeze %dma_start3A_288 : memref<1x80x128xf32, #tpu.memory_space<vmem>> -> memref<80x128xf32, #tpu.memory_space<vmem>>
    %dma_start3A_290 = arith.constant 0 : i32
    %dma_start3A_291 = tpu.memref_slice %arg6[%dma_start3A_284, %dma_start3A_290] : memref<5x80xi32, #tpu.memory_space<vmem>> -> memref<1x80xi32, #tpu.memory_space<vmem>>
    %dma_start3A_292 = tpu.memref_squeeze %dma_start3A_291 : memref<1x80xi32, #tpu.memory_space<vmem>> -> memref<80xi32, #tpu.memory_space<vmem>>
    %dma_start3A_293 = arith.constant 0 : i32
    %dma_start3A_294 = arith.constant 0 : i32
    %dma_start3A_295 = tpu.memref_slice %arg9[%dma_start3A_293, %dma_start3A_294] : memref<4096x128xf32, #tpu.memory_space<vmem_shared>> -> memref<4096x128xf32, #tpu.memory_space<vmem_shared>>
    tpu.enqueue_indirect_dma source(%dma_start3A_295 : memref<4096x128xf32, #tpu.memory_space<vmem_shared>>) target(%dma_start3A_289 : memref<80x128xf32, #tpu.memory_space<vmem>>) offsets(%dma_start3A_292 : memref<80xi32, #tpu.memory_space<vmem>>) semaphore(%arg12 : memref<!tpu.dma_semaphore, #tpu.memory_space<semaphore_mem>>)
    %scan3A = arith.constant 0 : i32
    %scan3A_296 = arith.constant 0 : i32
    %scan3A_297 = arith.constant 64 : i32
    %scan3A_298 = arith.addi %scan3A_296, %scan3A_297 : i32
    %scan3A_299 = arith.constant 1 : i32
    scf.for %scan3A_331 = %scan3A_296 to %scan3A_298 step %scan3A_299  : i32 {
      %mul3A_332 = arith.constant 5 : i32
      %mul3A_333 = arith.muli %scan3A_331, %mul3A_332 : i32
      %add3A_334 = arith.constant 0 : i32
      %add3A_335 = arith.addi %mul3A_333, %add3A_334 : i32
      %ge3A = arith.constant 1 : i32
      %ge3A_336 = arith.cmpi sge, %scan3A_331, %ge3A : i32
      %convert_element_type3A = arith.extui %ge3A_336 : i1 to i32
      %cond3A = arith.constant 0 : i32
      %cond3A_337 = arith.cmpi ne, %convert_element_type3A, %cond3A : i32
      scf.if %cond3A_337 {
        %dma_wait3A_673 = arith.constant 3 : i32
        %dma_wait3A_674 = arith.constant 0 : i32
        %dma_wait3A_675 = arith.constant 0 : i32
        %dma_wait3A_676 = tpu.memref_slice %arg8[%dma_wait3A_673, %dma_wait3A_674, %dma_wait3A_675] : memref<5x80x128xf32, #tpu.memory_space<vmem>> -> memref<1x80x128xf32, #tpu.memory_space<vmem>>
        %dma_wait3A_677 = tpu.memref_squeeze %dma_wait3A_676 : memref<1x80x128xf32, #tpu.memory_space<vmem>> -> memref<80x128xf32, #tpu.memory_space<vmem>>
        %dma_wait3A_678 = arith.constant 0 : i32
        %dma_wait3A_679 = arith.constant 0 : i32
        %dma_wait3A_680 = tpu.memref_slice %arg5[%dma_wait3A_678, %dma_wait3A_679] : memref<819200x128xf32, #tpu.memory_space<hbm>> -> memref<80x128xf32, #tpu.memory_space<hbm>>
        %dma_wait3A_681 = arith.constant 0 : i32
        %dma_wait3A_682 = arith.constant 0 : i32
        %dma_wait3A_683 = tpu.memref_slice %arg5[%dma_wait3A_681, %dma_wait3A_682] : memref<819200x128xf32, #tpu.memory_space<hbm>> -> memref<80x128xf32, #tpu.memory_space<hbm>>
        %dma_wait3A_684 = arith.constant 0 : i32
        %dma_wait3A_685 = arith.constant 0 : i32
        %dma_wait3A_686 = tpu.memref_slice %arg8[%dma_wait3A_673, %dma_wait3A_684, %dma_wait3A_685] : memref<5x80x128xf32, #tpu.memory_space<vmem>> -> memref<1x80x128xf32, #tpu.memory_space<vmem>>
        %dma_wait3A_687 = tpu.memref_squeeze %dma_wait3A_686 : memref<1x80x128xf32, #tpu.memory_space<vmem>> -> memref<80x128xf32, #tpu.memory_space<vmem>>
        tpu.wait_dma2 semaphore(%arg18 : memref<!tpu.dma_semaphore, #tpu.memory_space<semaphore_mem>>) src(%dma_wait3A_687 : memref<80x128xf32, #tpu.memory_space<vmem>>) dst(%dma_wait3A_683 : memref<80x128xf32, #tpu.memory_space<hbm>>)
      } else {
      }
      %add3A_338 = arith.constant 3 : i32
      %add3A_339 = arith.addi %add3A_335, %add3A_338 : i32
      %lt3A = arith.constant 320 : i32
      %lt3A_340 = arith.cmpi slt, %add3A_339, %lt3A : i32
      %convert_element_type3A_341 = arith.extui %lt3A_340 : i1 to i32
      %cond3A_342 = arith.constant 0 : i32
      %cond3A_343 = arith.cmpi ne, %convert_element_type3A_341, %cond3A_342 : i32
      scf.if %cond3A_343 {
        %dma_wait3A_673 = arith.constant 3 : i32
        %dma_wait3A_674 = arith.constant 0 : i32
        %dma_wait3A_675 = tpu.memref_slice %arg6[%dma_wait3A_673, %dma_wait3A_674] : memref<5x80xi32, #tpu.memory_space<vmem>> -> memref<1x80xi32, #tpu.memory_space<vmem>>
        %dma_wait3A_676 = tpu.memref_squeeze %dma_wait3A_675 : memref<1x80xi32, #tpu.memory_space<vmem>> -> memref<80xi32, #tpu.memory_space<vmem>>
        %dma_wait3A_677 = arith.constant 0 : i32
        %dma_wait3A_678 = tpu.memref_slice %arg2[%dma_wait3A_677] : memref<819200xi32, #tpu.memory_space<hbm>> -> memref<80xi32, #tpu.memory_space<hbm>>
        %dma_wait3A_679 = arith.constant 0 : i32
        %dma_wait3A_680 = tpu.memref_slice %arg6[%dma_wait3A_673, %dma_wait3A_679] : memref<5x80xi32, #tpu.memory_space<vmem>> -> memref<1x80xi32, #tpu.memory_space<vmem>>
        %dma_wait3A_681 = tpu.memref_squeeze %dma_wait3A_680 : memref<1x80xi32, #tpu.memory_space<vmem>> -> memref<80xi32, #tpu.memory_space<vmem>>
        %dma_wait3A_682 = arith.constant 0 : i32
        %dma_wait3A_683 = tpu.memref_slice %arg2[%dma_wait3A_682] : memref<819200xi32, #tpu.memory_space<hbm>> -> memref<80xi32, #tpu.memory_space<hbm>>
        tpu.wait_dma2 semaphore(%arg23 : memref<!tpu.dma_semaphore, #tpu.memory_space<semaphore_mem>>) src(%dma_wait3A_683 : memref<80xi32, #tpu.memory_space<hbm>>) dst(%dma_wait3A_681 : memref<80xi32, #tpu.memory_space<vmem>>)
        %get3A_684 = arith.constant 3 : i32
        %get3A_685 = arith.index_cast %get3A_684 : i32 to index
        %get3A_686 = arith.constant 0 : index
        %get3A_687 = tpu.vector_load %arg6[%get3A_685, %get3A_686] {strides = array<i32>} : memref<5x80xi32, #tpu.memory_space<vmem>>, vector<1x16xi32>,
        %get3A_688 = vector.shape_cast %get3A_687 : vector<1x16xi32> to vector<16xi32>
        %add3A_689 = arith.addi %get3A_688, %broadcast_in_dim3A : vector<16xi32>
        %swap3A_690 = arith.constant 3 : i32
        %swap3A_691 = arith.index_cast %swap3A_690 : i32 to index
        %swap3A_692 = arith.constant 0 : index
        %swap3A_693 = tpu.vector_load %arg6[%swap3A_691, %swap3A_692] {strides = array<i32>} : memref<5x80xi32, #tpu.memory_space<vmem>>, vector<1x16xi32>,
        %swap3A_694 = vector.shape_cast %swap3A_693 : vector<1x16xi32> to vector<16xi32>
        %swap3A_695 = vector.shape_cast %add3A_689 : vector<16xi32> to vector<1x16xi32>
        tpu.vector_store %arg6[%swap3A_691, %swap3A_692], %swap3A_695 {strides = array<i32>} : memref<5x80xi32, #tpu.memory_space<vmem>>, vector<1x16xi32>,
        %get3A_696 = arith.constant 3 : i32
        %get3A_697 = arith.index_cast %get3A_696 : i32 to index
        %get3A_698 = arith.constant 16 : index
        %get3A_699 = tpu.vector_load %arg6[%get3A_697, %get3A_698] {strides = array<i32>} : memref<5x80xi32, #tpu.memory_space<vmem>>, vector<1x16xi32>,
        %get3A_700 = vector.shape_cast %get3A_699 : vector<1x16xi32> to vector<16xi32>
        %add3A_701 = arith.addi %get3A_700, %broadcast_in_dim3A : vector<16xi32>
        %swap3A_702 = arith.constant 3 : i32
        %swap3A_703 = arith.index_cast %swap3A_702 : i32 to index
        %swap3A_704 = arith.constant 16 : index
        %swap3A_705 = tpu.vector_load %arg6[%swap3A_703, %swap3A_704] {strides = array<i32>} : memref<5x80xi32, #tpu.memory_space<vmem>>, vector<1x16xi32>,
        %swap3A_706 = vector.shape_cast %swap3A_705 : vector<1x16xi32> to vector<16xi32>
        %swap3A_707 = vector.shape_cast %add3A_701 : vector<16xi32> to vector<1x16xi32>
        tpu.vector_store %arg6[%swap3A_703, %swap3A_704], %swap3A_707 {strides = array<i32>} : memref<5x80xi32, #tpu.memory_space<vmem>>, vector<1x16xi32>,
        %get3A_708 = arith.constant 3 : i32
        %get3A_709 = arith.index_cast %get3A_708 : i32 to index
        %get3A_710 = arith.constant 32 : index
        %get3A_711 = tpu.vector_load %arg6[%get3A_709, %get3A_710] {strides = array<i32>} : memref<5x80xi32, #tpu.memory_space<vmem>>, vector<1x16xi32>,
        %get3A_712 = vector.shape_cast %get3A_711 : vector<1x16xi32> to vector<16xi32>
        %add3A_713 = arith.addi %get3A_712, %broadcast_in_dim3A : vector<16xi32>
        %swap3A_714 = arith.constant 3 : i32
        %swap3A_715 = arith.index_cast %swap3A_714 : i32 to index
        %swap3A_716 = arith.constant 32 : index
        %swap3A_717 = tpu.vector_load %arg6[%swap3A_715, %swap3A_716] {strides = array<i32>} : memref<5x80xi32, #tpu.memory_space<vmem>>, vector<1x16xi32>,
        %swap3A_718 = vector.shape_cast %swap3A_717 : vector<1x16xi32> to vector<16xi32>
        %swap3A_719 = vector.shape_cast %add3A_713 : vector<16xi32> to vector<1x16xi32>
        tpu.vector_store %arg6[%swap3A_715, %swap3A_716], %swap3A_719 {strides = array<i32>} : memref<5x80xi32, #tpu.memory_space<vmem>>, vector<1x16xi32>,
        %get3A_720 = arith.constant 3 : i32
        %get3A_721 = arith.index_cast %get3A_720 : i32 to index
        %get3A_722 = arith.constant 48 : index
        %get3A_723 = tpu.vector_load %arg6[%get3A_721, %get3A_722] {strides = array<i32>} : memref<5x80xi32, #tpu.memory_space<vmem>>, vector<1x16xi32>,
        %get3A_724 = vector.shape_cast %get3A_723 : vector<1x16xi32> to vector<16xi32>
        %add3A_725 = arith.addi %get3A_724, %broadcast_in_dim3A : vector<16xi32>
        %swap3A_726 = arith.constant 3 : i32
        %swap3A_727 = arith.index_cast %swap3A_726 : i32 to index
        %swap3A_728 = arith.constant 48 : index
        %swap3A_729 = tpu.vector_load %arg6[%swap3A_727, %swap3A_728] {strides = array<i32>} : memref<5x80xi32, #tpu.memory_space<vmem>>, vector<1x16xi32>,
        %swap3A_730 = vector.shape_cast %swap3A_729 : vector<1x16xi32> to vector<16xi32>
        %swap3A_731 = vector.shape_cast %add3A_725 : vector<16xi32> to vector<1x16xi32>
        tpu.vector_store %arg6[%swap3A_727, %swap3A_728], %swap3A_731 {strides = array<i32>} : memref<5x80xi32, #tpu.memory_space<vmem>>, vector<1x16xi32>,
        %get3A_732 = arith.constant 3 : i32
        %get3A_733 = arith.index_cast %get3A_732 : i32 to index
        %get3A_734 = arith.constant 64 : index
        %get3A_735 = tpu.vector_load %arg6[%get3A_733, %get3A_734] {strides = array<i32>} : memref<5x80xi32, #tpu.memory_space<vmem>>, vector<1x16xi32>,
        %get3A_736 = vector.shape_cast %get3A_735 : vector<1x16xi32> to vector<16xi32>
        %add3A_737 = arith.addi %get3A_736, %broadcast_in_dim3A : vector<16xi32>
        %swap3A_738 = arith.constant 3 : i32
        %swap3A_739 = arith.index_cast %swap3A_738 : i32 to index
        %swap3A_740 = arith.constant 64 : index
        %swap3A_741 = tpu.vector_load %arg6[%swap3A_739, %swap3A_740] {strides = array<i32>} : memref<5x80xi32, #tpu.memory_space<vmem>>, vector<1x16xi32>,
        %swap3A_742 = vector.shape_cast %swap3A_741 : vector<1x16xi32> to vector<16xi32>
        %swap3A_743 = vector.shape_cast %add3A_737 : vector<16xi32> to vector<1x16xi32>
        tpu.vector_store %arg6[%swap3A_739, %swap3A_740], %swap3A_743 {strides = array<i32>} : memref<5x80xi32, #tpu.memory_space<vmem>>, vector<1x16xi32>,
        %dma_start3A_744 = arith.constant 3 : i32
        %dma_start3A_745 = arith.constant 3 : i32
        %dma_start3A_746 = arith.constant 0 : i32
        %dma_start3A_747 = arith.constant 0 : i32
        %dma_start3A_748 = tpu.memref_slice %arg8[%dma_start3A_745, %dma_start3A_746, %dma_start3A_747] : memref<5x80x128xf32, #tpu.memory_space<vmem>> -> memref<1x80x128xf32, #tpu.memory_space<vmem>>
        %dma_start3A_749 = tpu.memref_squeeze %dma_start3A_748 : memref<1x80x128xf32, #tpu.memory_space<vmem>> -> memref<80x128xf32, #tpu.memory_space<vmem>>
        %dma_start3A_750 = arith.constant 0 : i32
        %dma_start3A_751 = tpu.memref_slice %arg6[%dma_start3A_744, %dma_start3A_750] : memref<5x80xi32, #tpu.memory_space<vmem>> -> memref<1x80xi32, #tpu.memory_space<vmem>>
        %dma_start3A_752 = tpu.memref_squeeze %dma_start3A_751 : memref<1x80xi32, #tpu.memory_space<vmem>> -> memref<80xi32, #tpu.memory_space<vmem>>
        %dma_start3A_753 = arith.constant 0 : i32
        %dma_start3A_754 = arith.constant 0 : i32
        %dma_start3A_755 = tpu.memref_slice %arg9[%dma_start3A_753, %dma_start3A_754] : memref<4096x128xf32, #tpu.memory_space<vmem_shared>> -> memref<4096x128xf32, #tpu.memory_space<vmem_shared>>
        tpu.enqueue_indirect_dma source(%dma_start3A_755 : memref<4096x128xf32, #tpu.memory_space<vmem_shared>>) target(%dma_start3A_749 : memref<80x128xf32, #tpu.memory_space<vmem>>) offsets(%dma_start3A_752 : memref<80xi32, #tpu.memory_space<vmem>>) semaphore(%arg13 : memref<!tpu.dma_semaphore, #tpu.memory_space<semaphore_mem>>)
      } else {
      }
      %add3A_344 = arith.constant 3 : i32
      %add3A_345 = arith.addi %add3A_335, %add3A_344 : i32
      %add3A_346 = arith.constant 1 : i32
      %add3A_347 = arith.addi %add3A_345, %add3A_346 : i32
      %lt3A_348 = arith.constant 320 : i32
      %lt3A_349 = arith.cmpi slt, %add3A_347, %lt3A_348 : i32
      %add3A_350 = arith.constant 3 : i32
      %add3A_351 = arith.addi %add3A_335, %add3A_350 : i32
      %add3A_352 = arith.constant 1 : i32
      %add3A_353 = arith.addi %add3A_351, %add3A_352 : i32
      %convert_element_type3A_354 = arith.extui %lt3A_349 : i1 to i32
      %cond3A_355 = arith.constant 0 : i32
      %cond3A_356 = arith.cmpi ne, %convert_element_type3A_354, %cond3A_355 : i32
      scf.if %cond3A_356 {
        %mul3A_673 = arith.constant 80 : i32
        %mul3A_674 = arith.muli %add3A_353, %mul3A_673 : i32
        %add3A_675 = arith.addi %mul3A_2, %mul3A_674 : i32
        %dma_start3A_676 = arith.constant 4 : i32
        %dma_start3A_677 = arith.constant 0 : i32
        %dma_start3A_678 = tpu.memref_slice %arg6[%dma_start3A_676, %dma_start3A_677] : memref<5x80xi32, #tpu.memory_space<vmem>> -> memref<1x80xi32, #tpu.memory_space<vmem>>
        %dma_start3A_679 = tpu.memref_squeeze %dma_start3A_678 : memref<1x80xi32, #tpu.memory_space<vmem>> -> memref<80xi32, #tpu.memory_space<vmem>>
        %dma_start3A_680 = tpu.memref_slice %arg2[%add3A_675] : memref<819200xi32, #tpu.memory_space<hbm>> -> memref<80xi32, #tpu.memory_space<hbm>>
        %dma_start3A_681 = arith.constant 0 : i32
        %dma_start3A_682 = tpu.memref_slice %arg6[%dma_start3A_676, %dma_start3A_681] : memref<5x80xi32, #tpu.memory_space<vmem>> -> memref<1x80xi32, #tpu.memory_space<vmem>>
        %dma_start3A_683 = tpu.memref_squeeze %dma_start3A_682 : memref<1x80xi32, #tpu.memory_space<vmem>> -> memref<80xi32, #tpu.memory_space<vmem>>
        %dma_start3A_684 = tpu.memref_slice %arg2[%add3A_675] : memref<819200xi32, #tpu.memory_space<hbm>> -> memref<80xi32, #tpu.memory_space<hbm>>
        tpu.enqueue_dma source(%dma_start3A_684 : memref<80xi32, #tpu.memory_space<hbm>>) target(%dma_start3A_683 : memref<80xi32, #tpu.memory_space<vmem>>) target_semaphore(%arg24 : memref<!tpu.dma_semaphore, #tpu.memory_space<semaphore_mem>>)
      } else {
      }
      %dma_wait3A_357 = arith.constant 0 : i32
      %dma_wait3A_358 = arith.constant 0 : i32
      %dma_wait3A_359 = arith.constant 0 : i32
      %dma_wait3A_360 = arith.constant 0 : i32
      %dma_wait3A_361 = tpu.memref_slice %arg8[%dma_wait3A_358, %dma_wait3A_359, %dma_wait3A_360] : memref<5x80x128xf32, #tpu.memory_space<vmem>> -> memref<1x80x128xf32, #tpu.memory_space<vmem>>
      %dma_wait3A_362 = tpu.memref_squeeze %dma_wait3A_361 : memref<1x80x128xf32, #tpu.memory_space<vmem>> -> memref<80x128xf32, #tpu.memory_space<vmem>>
      %dma_wait3A_363 = arith.constant 0 : i32
      %dma_wait3A_364 = tpu.memref_slice %arg6[%dma_wait3A_357, %dma_wait3A_363] : memref<5x80xi32, #tpu.memory_space<vmem>> -> memref<1x80xi32, #tpu.memory_space<vmem>>
      %dma_wait3A_365 = tpu.memref_squeeze %dma_wait3A_364 : memref<1x80xi32, #tpu.memory_space<vmem>> -> memref<80xi32, #tpu.memory_space<vmem>>
      %dma_wait3A_366 = arith.constant 0 : i32
      %dma_wait3A_367 = arith.constant 0 : i32
      %dma_wait3A_368 = tpu.memref_slice %arg9[%dma_wait3A_366, %dma_wait3A_367] : memref<4096x128xf32, #tpu.memory_space<vmem_shared>> -> memref<4096x128xf32, #tpu.memory_space<vmem_shared>>
      tpu.wait_indirect_dma semaphore(%arg10 : memref<!tpu.dma_semaphore, #tpu.memory_space<semaphore_mem>>) src(%dma_wait3A_368 : memref<4096x128xf32, #tpu.memory_space<vmem_shared>>) dst(%dma_wait3A_362 : memref<80x128xf32, #tpu.memory_space<vmem>>)
      %scan3A_369 = arith.constant 0 : i32
      %scan3A_370 = arith.constant 0 : i32
      %scan3A_371 = arith.constant 20 : i32
      %scan3A_372 = arith.addi %scan3A_370, %scan3A_371 : i32
      %scan3A_373 = arith.constant 1 : i32
      scf.for %scan3A_673 = %scan3A_370 to %scan3A_372 step %scan3A_373  : i32 {
        %mul3A_674 = arith.constant 4 : i32
        %mul3A_675 = arith.muli %scan3A_673, %mul3A_674 : i32
        %add3A_676 = arith.constant 0 : i32
        %add3A_677 = arith.addi %mul3A_675, %add3A_676 : i32
        %add3A_678 = arith.constant 0 : i32
        %add3A_679 = arith.addi %add3A_678, %add3A_677 : i32
        %get3A_680 = arith.index_cast %add3A_679 : i32 to index
        %get3A_681 = arith.constant 0 : index
        %get3A_682 = tpu.vector_load %arg7[%get3A_680, %get3A_681] {strides = array<i32>} : memref<240x128xf32, #tpu.memory_space<vmem>>, vector<1x16xf32>,
        %get3A_683 = vector.shape_cast %get3A_682 : vector<1x16xf32> to vector<16xf32>
        %swap3A_684 = arith.constant 0 : i32
        %swap3A_685 = arith.index_cast %swap3A_684 : i32 to index
        %swap3A_686 = arith.index_cast %add3A_677 : i32 to index
        %swap3A_687 = arith.constant 0 : index
        %swap3A_688 = tpu.vector_load %arg8[%swap3A_685, %swap3A_686, %swap3A_687] {strides = array<i32>} : memref<5x80x128xf32, #tpu.memory_space<vmem>>, vector<1x1x16xf32>,
        %swap3A_689 = vector.shape_cast %swap3A_688 : vector<1x1x16xf32> to vector<16xf32>
        %swap3A_690 = vector.shape_cast %get3A_683 : vector<16xf32> to vector<1x1x16xf32>
        tpu.vector_store %arg8[%swap3A_685, %swap3A_686, %swap3A_687], %swap3A_690 {add = true, strides = array<i32>} : memref<5x80x128xf32, #tpu.memory_space<vmem>>, vector<1x1x16xf32>,
        %add3A_691 = arith.constant 0 : i32
        %add3A_692 = arith.addi %add3A_691, %add3A_677 : i32
        %get3A_693 = arith.index_cast %add3A_692 : i32 to index
        %get3A_694 = arith.constant 16 : index
        %get3A_695 = tpu.vector_load %arg7[%get3A_693, %get3A_694] {strides = array<i32>} : memref<240x128xf32, #tpu.memory_space<vmem>>, vector<1x16xf32>,
        %get3A_696 = vector.shape_cast %get3A_695 : vector<1x16xf32> to vector<16xf32>
        %swap3A_697 = arith.constant 0 : i32
        %swap3A_698 = arith.index_cast %swap3A_697 : i32 to index
        %swap3A_699 = arith.index_cast %add3A_677 : i32 to index
        %swap3A_700 = arith.constant 16 : index
        %swap3A_701 = tpu.vector_load %arg8[%swap3A_698, %swap3A_699, %swap3A_700] {strides = array<i32>} : memref<5x80x128xf32, #tpu.memory_space<vmem>>, vector<1x1x16xf32>,
        %swap3A_702 = vector.shape_cast %swap3A_701 : vector<1x1x16xf32> to vector<16xf32>
        %swap3A_703 = vector.shape_cast %get3A_696 : vector<16xf32> to vector<1x1x16xf32>
        tpu.vector_store %arg8[%swap3A_698, %swap3A_699, %swap3A_700], %swap3A_703 {add = true, strides = array<i32>} : memref<5x80x128xf32, #tpu.memory_space<vmem>>, vector<1x1x16xf32>,
        %add3A_704 = arith.constant 0 : i32
        %add3A_705 = arith.addi %add3A_704, %add3A_677 : i32
        %get3A_706 = arith.index_cast %add3A_705 : i32 to index
        %get3A_707 = arith.constant 32 : index
        %get3A_708 = tpu.vector_load %arg7[%get3A_706, %get3A_707] {strides = array<i32>} : memref<240x128xf32, #tpu.memory_space<vmem>>, vector<1x16xf32>,
        %get3A_709 = vector.shape_cast %get3A_708 : vector<1x16xf32> to vector<16xf32>
        %swap3A_710 = arith.constant 0 : i32
        %swap3A_711 = arith.index_cast %swap3A_710 : i32 to index
        %swap3A_712 = arith.index_cast %add3A_677 : i32 to index
        %swap3A_713 = arith.constant 32 : index
        %swap3A_714 = tpu.vector_load %arg8[%swap3A_711, %swap3A_712, %swap3A_713] {strides = array<i32>} : memref<5x80x128xf32, #tpu.memory_space<vmem>>, vector<1x1x16xf32>,
        %swap3A_715 = vector.shape_cast %swap3A_714 : vector<1x1x16xf32> to vector<16xf32>
        %swap3A_716 = vector.shape_cast %get3A_709 : vector<16xf32> to vector<1x1x16xf32>
        tpu.vector_store %arg8[%swap3A_711, %swap3A_712, %swap3A_713], %swap3A_716 {add = true, strides = array<i32>} : memref<5x80x128xf32, #tpu.memory_space<vmem>>, vector<1x1x16xf32>,
        %add3A_717 = arith.constant 0 : i32
        %add3A_718 = arith.addi %add3A_717, %add3A_677 : i32
        %get3A_719 = arith.index_cast %add3A_718 : i32 to index
        %get3A_720 = arith.constant 48 : index
        %get3A_721 = tpu.vector_load %arg7[%get3A_719, %get3A_720] {strides = array<i32>} : memref<240x128xf32, #tpu.memory_space<vmem>>, vector<1x16xf32>,
        %get3A_722 = vector.shape_cast %get3A_721 : vector<1x16xf32> to vector<16xf32>
        %swap3A_723 = arith.constant 0 : i32
        %swap3A_724 = arith.index_cast %swap3A_723 : i32 to index
        %swap3A_725 = arith.index_cast %add3A_677 : i32 to index
        %swap3A_726 = arith.constant 48 : index
        %swap3A_727 = tpu.vector_load %arg8[%swap3A_724, %swap3A_725, %swap3A_726] {strides = array<i32>} : memref<5x80x128xf32, #tpu.memory_space<vmem>>, vector<1x1x16xf32>,
        %swap3A_728 = vector.shape_cast %swap3A_727 : vector<1x1x16xf32> to vector<16xf32>
        %swap3A_729 = vector.shape_cast %get3A_722 : vector<16xf32> to vector<1x1x16xf32>
        tpu.vector_store %arg8[%swap3A_724, %swap3A_725, %swap3A_726], %swap3A_729 {add = true, strides = array<i32>} : memref<5x80x128xf32, #tpu.memory_space<vmem>>, vector<1x1x16xf32>,
        %add3A_730 = arith.constant 0 : i32
        %add3A_731 = arith.addi %add3A_730, %add3A_677 : i32
        %get3A_732 = arith.index_cast %add3A_731 : i32 to index
        %get3A_733 = arith.constant 64 : index
        %get3A_734 = tpu.vector_load %arg7[%get3A_732, %get3A_733] {strides = array<i32>} : memref<240x128xf32, #tpu.memory_space<vmem>>, vector<1x16xf32>,
        %get3A_735 = vector.shape_cast %get3A_734 : vector<1x16xf32> to vector<16xf32>
        %swap3A_736 = arith.constant 0 : i32
        %swap3A_737 = arith.index_cast %swap3A_736 : i32 to index
        %swap3A_738 = arith.index_cast %add3A_677 : i32 to index
        %swap3A_739 = arith.constant 64 : index
        %swap3A_740 = tpu.vector_load %arg8[%swap3A_737, %swap3A_738, %swap3A_739] {strides = array<i32>} : memref<5x80x128xf32, #tpu.memory_space<vmem>>, vector<1x1x16xf32>,
        %swap3A_741 = vector.shape_cast %swap3A_740 : vector<1x1x16xf32> to vector<16xf32>
        %swap3A_742 = vector.shape_cast %get3A_735 : vector<16xf32> to vector<1x1x16xf32>
        tpu.vector_store %arg8[%swap3A_737, %swap3A_738, %swap3A_739], %swap3A_742 {add = true, strides = array<i32>} : memref<5x80x128xf32, #tpu.memory_space<vmem>>, vector<1x1x16xf32>,
        %add3A_743 = arith.constant 0 : i32
        %add3A_744 = arith.addi %add3A_743, %add3A_677 : i32
        %get3A_745 = arith.index_cast %add3A_744 : i32 to index
        %get3A_746 = arith.constant 80 : index
        %get3A_747 = tpu.vector_load %arg7[%get3A_745, %get3A_746] {strides = array<i32>} : memref<240x128xf32, #tpu.memory_space<vmem>>, vector<1x16xf32>,
        %get3A_748 = vector.shape_cast %get3A_747 : vector<1x16xf32> to vector<16xf32>
        %swap3A_749 = arith.constant 0 : i32
        %swap3A_750 = arith.index_cast %swap3A_749 : i32 to index
        %swap3A_751 = arith.index_cast %add3A_677 : i32 to index
        %swap3A_752 = arith.constant 80 : index
        %swap3A_753 = tpu.vector_load %arg8[%swap3A_750, %swap3A_751, %swap3A_752] {strides = array<i32>} : memref<5x80x128xf32, #tpu.memory_space<vmem>>, vector<1x1x16xf32>,
        %swap3A_754 = vector.shape_cast %swap3A_753 : vector<1x1x16xf32> to vector<16xf32>
        %swap3A_755 = vector.shape_cast %get3A_748 : vector<16xf32> to vector<1x1x16xf32>
        tpu.vector_store %arg8[%swap3A_750, %swap3A_751, %swap3A_752], %swap3A_755 {add = true, strides = array<i32>} : memref<5x80x128xf32, #tpu.memory_space<vmem>>, vector<1x1x16xf32>,
        %add3A_756 = arith.constant 0 : i32
        %add3A_757 = arith.addi %add3A_756, %add3A_677 : i32
        %get3A_758 = arith.index_cast %add3A_757 : i32 to index
        %get3A_759 = arith.constant 96 : index
        %get3A_760 = tpu.vector_load %arg7[%get3A_758, %get3A_759] {strides = array<i32>} : memref<240x128xf32, #tpu.memory_space<vmem>>, vector<1x16xf32>,
        %get3A_761 = vector.shape_cast %get3A_760 : vector<1x16xf32> to vector<16xf32>
        %swap3A_762 = arith.constant 0 : i32
        %swap3A_763 = arith.index_cast %swap3A_762 : i32 to index
        %swap3A_764 = arith.index_cast %add3A_677 : i32 to index
        %swap3A_765 = arith.constant 96 : index
        %swap3A_766 = tpu.vector_load %arg8[%swap3A_763, %swap3A_764, %swap3A_765] {strides = array<i32>} : memref<5x80x128xf32, #tpu.memory_space<vmem>>, vector<1x1x16xf32>,
        %swap3A_767 = vector.shape_cast %swap3A_766 : vector<1x1x16xf32> to vector<16xf32>
        %swap3A_768 = vector.shape_cast %get3A_761 : vector<16xf32> to vector<1x1x16xf32>
        tpu.vector_store %arg8[%swap3A_763, %swap3A_764, %swap3A_765], %swap3A_768 {add = true, strides = array<i32>} : memref<5x80x128xf32, #tpu.memory_space<vmem>>, vector<1x1x16xf32>,
        %add3A_769 = arith.constant 0 : i32
        %add3A_770 = arith.addi %add3A_769, %add3A_677 : i32
        %get3A_771 = arith.index_cast %add3A_770 : i32 to index
        %get3A_772 = arith.constant 112 : index
        %get3A_773 = tpu.vector_load %arg7[%get3A_771, %get3A_772] {strides = array<i32>} : memref<240x128xf32, #tpu.memory_space<vmem>>, vector<1x16xf32>,
        %get3A_774 = vector.shape_cast %get3A_773 : vector<1x16xf32> to vector<16xf32>
        %swap3A_775 = arith.constant 0 : i32
        %swap3A_776 = arith.index_cast %swap3A_775 : i32 to index
        %swap3A_777 = arith.index_cast %add3A_677 : i32 to index
        %swap3A_778 = arith.constant 112 : index
        %swap3A_779 = tpu.vector_load %arg8[%swap3A_776, %swap3A_777, %swap3A_778] {strides = array<i32>} : memref<5x80x128xf32, #tpu.memory_space<vmem>>, vector<1x1x16xf32>,
        %swap3A_780 = vector.shape_cast %swap3A_779 : vector<1x1x16xf32> to vector<16xf32>
        %swap3A_781 = vector.shape_cast %get3A_774 : vector<16xf32> to vector<1x1x16xf32>
        tpu.vector_store %arg8[%swap3A_776, %swap3A_777, %swap3A_778], %swap3A_781 {add = true, strides = array<i32>} : memref<5x80x128xf32, #tpu.memory_space<vmem>>, vector<1x1x16xf32>,
        %mul3A_782 = arith.constant 4 : i32
        %mul3A_783 = arith.muli %scan3A_673, %mul3A_782 : i32
        %add3A_784 = arith.constant 1 : i32
        %add3A_785 = arith.addi %mul3A_783, %add3A_784 : i32
        %add3A_786 = arith.constant 0 : i32
        %add3A_787 = arith.addi %add3A_786, %add3A_785 : i32
        %get3A_788 = arith.index_cast %add3A_787 : i32 to index
        %get3A_789 = arith.constant 0 : index
        %get3A_790 = tpu.vector_load %arg7[%get3A_788, %get3A_789] {strides = array<i32>} : memref<240x128xf32, #tpu.memory_space<vmem>>, vector<1x16xf32>,
        %get3A_791 = vector.shape_cast %get3A_790 : vector<1x16xf32> to vector<16xf32>
        %swap3A_792 = arith.constant 0 : i32
        %swap3A_793 = arith.index_cast %swap3A_792 : i32 to index
        %swap3A_794 = arith.index_cast %add3A_785 : i32 to index
        %swap3A_795 = arith.constant 0 : index
        %swap3A_796 = tpu.vector_load %arg8[%swap3A_793, %swap3A_794, %swap3A_795] {strides = array<i32>} : memref<5x80x128xf32, #tpu.memory_space<vmem>>, vector<1x1x16xf32>,
        %swap3A_797 = vector.shape_cast %swap3A_796 : vector<1x1x16xf32> to vector<16xf32>
        %swap3A_798 = vector.shape_cast %get3A_791 : vector<16xf32> to vector<1x1x16xf32>
        tpu.vector_store %arg8[%swap3A_793, %swap3A_794, %swap3A_795], %swap3A_798 {add = true, strides = array<i32>} : memref<5x80x128xf32, #tpu.memory_space<vmem>>, vector<1x1x16xf32>,
        %add3A_799 = arith.constant 0 : i32
        %add3A_800 = arith.addi %add3A_799, %add3A_785 : i32
        %get3A_801 = arith.index_cast %add3A_800 : i32 to index
        %get3A_802 = arith.constant 16 : index
        %get3A_803 = tpu.vector_load %arg7[%get3A_801, %get3A_802] {strides = array<i32>} : memref<240x128xf32, #tpu.memory_space<vmem>>, vector<1x16xf32>,
        %get3A_804 = vector.shape_cast %get3A_803 : vector<1x16xf32> to vector<16xf32>
        %swap3A_805 = arith.constant 0 : i32
        %swap3A_806 = arith.index_cast %swap3A_805 : i32 to index
        %swap3A_807 = arith.index_cast %add3A_785 : i32 to index
        %swap3A_808 = arith.constant 16 : index
        %swap3A_809 = tpu.vector_load %arg8[%swap3A_806, %swap3A_807, %swap3A_808] {strides = array<i32>} : memref<5x80x128xf32, #tpu.memory_space<vmem>>, vector<1x1x16xf32>,
        %swap3A_810 = vector.shape_cast %swap3A_809 : vector<1x1x16xf32> to vector<16xf32>
        %swap3A_811 = vector.shape_cast %get3A_804 : vector<16xf32> to vector<1x1x16xf32>
        tpu.vector_store %arg8[%swap3A_806, %swap3A_807, %swap3A_808], %swap3A_811 {add = true, strides = array<i32>} : memref<5x80x128xf32, #tpu.memory_space<vmem>>, vector<1x1x16xf32>,
        %add3A_812 = arith.constant 0 : i32
        %add3A_813 = arith.addi %add3A_812, %add3A_785 : i32
        %get3A_814 = arith.index_cast %add3A_813 : i32 to index
        %get3A_815 = arith.constant 32 : index
        %get3A_816 = tpu.vector_load %arg7[%get3A_814, %get3A_815] {strides = array<i32>} : memref<240x128xf32, #tpu.memory_space<vmem>>, vector<1x16xf32>,
        %get3A_817 = vector.shape_cast %get3A_816 : vector<1x16xf32> to vector<16xf32>
        %swap3A_818 = arith.constant 0 : i32
        %swap3A_819 = arith.index_cast %swap3A_818 : i32 to index
        %swap3A_820 = arith.index_cast %add3A_785 : i32 to index
        %swap3A_821 = arith.constant 32 : index
        %swap3A_822 = tpu.vector_load %arg8[%swap3A_819, %swap3A_820, %swap3A_821] {strides = array<i32>} : memref<5x80x128xf32, #tpu.memory_space<vmem>>, vector<1x1x16xf32>,
        %swap3A_823 = vector.shape_cast %swap3A_822 : vector<1x1x16xf32> to vector<16xf32>
        %swap3A_824 = vector.shape_cast %get3A_817 : vector<16xf32> to vector<1x1x16xf32>
        tpu.vector_store %arg8[%swap3A_819, %swap3A_820, %swap3A_821], %swap3A_824 {add = true, strides = array<i32>} : memref<5x80x128xf32, #tpu.memory_space<vmem>>, vector<1x1x16xf32>,
        %add3A_825 = arith.constant 0 : i32
        %add3A_826 = arith.addi %add3A_825, %add3A_785 : i32
        %get3A_827 = arith.index_cast %add3A_826 : i32 to index
        %get3A_828 = arith.constant 48 : index
        %get3A_829 = tpu.vector_load %arg7[%get3A_827, %get3A_828] {strides = array<i32>} : memref<240x128xf32, #tpu.memory_space<vmem>>, vector<1x16xf32>,
        %get3A_830 = vector.shape_cast %get3A_829 : vector<1x16xf32> to vector<16xf32>
        %swap3A_831 = arith.constant 0 : i32
        %swap3A_832 = arith.index_cast %swap3A_831 : i32 to index
        %swap3A_833 = arith.index_cast %add3A_785 : i32 to index
        %swap3A_834 = arith.constant 48 : index
        %swap3A_835 = tpu.vector_load %arg8[%swap3A_832, %swap3A_833, %swap3A_834] {strides = array<i32>} : memref<5x80x128xf32, #tpu.memory_space<vmem>>, vector<1x1x16xf32>,
        %swap3A_836 = vector.shape_cast %swap3A_835 : vector<1x1x16xf32> to vector<16xf32>
        %swap3A_837 = vector.shape_cast %get3A_830 : vector<16xf32> to vector<1x1x16xf32>
        tpu.vector_store %arg8[%swap3A_832, %swap3A_833, %swap3A_834], %swap3A_837 {add = true, strides = array<i32>} : memref<5x80x128xf32, #tpu.memory_space<vmem>>, vector<1x1x16xf32>,
        %add3A_838 = arith.constant 0 : i32
        %add3A_839 = arith.addi %add3A_838, %add3A_785 : i32
        %get3A_840 = arith.index_cast %add3A_839 : i32 to index
        %get3A_841 = arith.constant 64 : index
        %get3A_842 = tpu.vector_load %arg7[%get3A_840, %get3A_841] {strides = array<i32>} : memref<240x128xf32, #tpu.memory_space<vmem>>, vector<1x16xf32>,
        %get3A_843 = vector.shape_cast %get3A_842 : vector<1x16xf32> to vector<16xf32>
        %swap3A_844 = arith.constant 0 : i32
        %swap3A_845 = arith.index_cast %swap3A_844 : i32 to index
        %swap3A_846 = arith.index_cast %add3A_785 : i32 to index
        %swap3A_847 = arith.constant 64 : index
        %swap3A_848 = tpu.vector_load %arg8[%swap3A_845, %swap3A_846, %swap3A_847] {strides = array<i32>} : memref<5x80x128xf32, #tpu.memory_space<vmem>>, vector<1x1x16xf32>,
        %swap3A_849 = vector.shape_cast %swap3A_848 : vector<1x1x16xf32> to vector<16xf32>
        %swap3A_850 = vector.shape_cast %get3A_843 : vector<16xf32> to vector<1x1x16xf32>
        tpu.vector_store %arg8[%swap3A_845, %swap3A_846, %swap3A_847], %swap3A_850 {add = true, strides = array<i32>} : memref<5x80x128xf32, #tpu.memory_space<vmem>>, vector<1x1x16xf32>,
        %add3A_851 = arith.constant 0 : i32
        %add3A_852 = arith.addi %add3A_851, %add3A_785 : i32
        %get3A_853 = arith.index_cast %add3A_852 : i32 to index
        %get3A_854 = arith.constant 80 : index
        %get3A_855 = tpu.vector_load %arg7[%get3A_853, %get3A_854] {strides = array<i32>} : memref<240x128xf32, #tpu.memory_space<vmem>>, vector<1x16xf32>,
        %get3A_856 = vector.shape_cast %get3A_855 : vector<1x16xf32> to vector<16xf32>
        %swap3A_857 = arith.constant 0 : i32
        %swap3A_858 = arith.index_cast %swap3A_857 : i32 to index
        %swap3A_859 = arith.index_cast %add3A_785 : i32 to index
        %swap3A_860 = arith.constant 80 : index
        %swap3A_861 = tpu.vector_load %arg8[%swap3A_858, %swap3A_859, %swap3A_860] {strides = array<i32>} : memref<5x80x128xf32, #tpu.memory_space<vmem>>, vector<1x1x16xf32>,
        %swap3A_862 = vector.shape_cast %swap3A_861 : vector<1x1x16xf32> to vector<16xf32>
        %swap3A_863 = vector.shape_cast %get3A_856 : vector<16xf32> to vector<1x1x16xf32>
        tpu.vector_store %arg8[%swap3A_858, %swap3A_859, %swap3A_860], %swap3A_863 {add = true, strides = array<i32>} : memref<5x80x128xf32, #tpu.memory_space<vmem>>, vector<1x1x16xf32>,
        %add3A_864 = arith.constant 0 : i32
        %add3A_865 = arith.addi %add3A_864, %add3A_785 : i32
        %get3A_866 = arith.index_cast %add3A_865 : i32 to index
        %get3A_867 = arith.constant 96 : index
        %get3A_868 = tpu.vector_load %arg7[%get3A_866, %get3A_867] {strides = array<i32>} : memref<240x128xf32, #tpu.memory_space<vmem>>, vector<1x16xf32>,
        %get3A_869 = vector.shape_cast %get3A_868 : vector<1x16xf32> to vector<16xf32>
        %swap3A_870 = arith.constant 0 : i32
        %swap3A_871 = arith.index_cast %swap3A_870 : i32 to index
        %swap3A_872 = arith.index_cast %add3A_785 : i32 to index
        %swap3A_873 = arith.constant 96 : index
        %swap3A_874 = tpu.vector_load %arg8[%swap3A_871, %swap3A_872, %swap3A_873] {strides = array<i32>} : memref<5x80x128xf32, #tpu.memory_space<vmem>>, vector<1x1x16xf32>,
        %swap3A_875 = vector.shape_cast %swap3A_874 : vector<1x1x16xf32> to vector<16xf32>
        %swap3A_876 = vector.shape_cast %get3A_869 : vector<16xf32> to vector<1x1x16xf32>
        tpu.vector_store %arg8[%swap3A_871, %swap3A_872, %swap3A_873], %swap3A_876 {add = true, strides = array<i32>} : memref<5x80x128xf32, #tpu.memory_space<vmem>>, vector<1x1x16xf32>,
        %add3A_877 = arith.constant 0 : i32
        %add3A_878 = arith.addi %add3A_877, %add3A_785 : i32
        %get3A_879 = arith.index_cast %add3A_878 : i32 to index
        %get3A_880 = arith.constant 112 : index
        %get3A_881 = tpu.vector_load %arg7[%get3A_879, %get3A_880] {strides = array<i32>} : memref<240x128xf32, #tpu.memory_space<vmem>>, vector<1x16xf32>,
        %get3A_882 = vector.shape_cast %get3A_881 : vector<1x16xf32> to vector<16xf32>
        %swap3A_883 = arith.constant 0 : i32
        %swap3A_884 = arith.index_cast %swap3A_883 : i32 to index
        %swap3A_885 = arith.index_cast %add3A_785 : i32 to index
        %swap3A_886 = arith.constant 112 : index
        %swap3A_887 = tpu.vector_load %arg8[%swap3A_884, %swap3A_885, %swap3A_886] {strides = array<i32>} : memref<5x80x128xf32, #tpu.memory_space<vmem>>, vector<1x1x16xf32>,
        %swap3A_888 = vector.shape_cast %swap3A_887 : vector<1x1x16xf32> to vector<16xf32>
        %swap3A_889 = vector.shape_cast %get3A_882 : vector<16xf32> to vector<1x1x16xf32>
        tpu.vector_store %arg8[%swap3A_884, %swap3A_885, %swap3A_886], %swap3A_889 {add = true, strides = array<i32>} : memref<5x80x128xf32, #tpu.memory_space<vmem>>, vector<1x1x16xf32>,
        %mul3A_890 = arith.constant 4 : i32
        %mul3A_891 = arith.muli %scan3A_673, %mul3A_890 : i32
        %add3A_892 = arith.constant 2 : i32
        %add3A_893 = arith.addi %mul3A_891, %add3A_892 : i32
        %add3A_894 = arith.constant 0 : i32
        %add3A_895 = arith.addi %add3A_894, %add3A_893 : i32
        %get3A_896 = arith.index_cast %add3A_895 : i32 to index
        %get3A_897 = arith.constant 0 : index
        %get3A_898 = tpu.vector_load %arg7[%get3A_896, %get3A_897] {strides = array<i32>} : memref<240x128xf32, #tpu.memory_space<vmem>>, vector<1x16xf32>,
        %get3A_899 = vector.shape_cast %get3A_898 : vector<1x16xf32> to vector<16xf32>
        %swap3A_900 = arith.constant 0 : i32
        %swap3A_901 = arith.index_cast %swap3A_900 : i32 to index
        %swap3A_902 = arith.index_cast %add3A_893 : i32 to index
        %swap3A_903 = arith.constant 0 : index
        %swap3A_904 = tpu.vector_load %arg8[%swap3A_901, %swap3A_902, %swap3A_903] {strides = array<i32>} : memref<5x80x128xf32, #tpu.memory_space<vmem>>, vector<1x1x16xf32>,
        %swap3A_905 = vector.shape_cast %swap3A_904 : vector<1x1x16xf32> to vector<16xf32>
        %swap3A_906 = vector.shape_cast %get3A_899 : vector<16xf32> to vector<1x1x16xf32>
        tpu.vector_store %arg8[%swap3A_901, %swap3A_902, %swap3A_903], %swap3A_906 {add = true, strides = array<i32>} : memref<5x80x128xf32, #tpu.memory_space<vmem>>, vector<1x1x16xf32>,
        %add3A_907 = arith.constant 0 : i32
        %add3A_908 = arith.addi %add3A_907, %add3A_893 : i32
        %get3A_909 = arith.index_cast %add3A_908 : i32 to index
        %get3A_910 = arith.constant 16 : index
        %get3A_911 = tpu.vector_load %arg7[%get3A_909, %get3A_910] {strides = array<i32>} : memref<240x128xf32, #tpu.memory_space<vmem>>, vector<1x16xf32>,
        %get3A_912 = vector.shape_cast %get3A_911 : vector<1x16xf32> to vector<16xf32>
        %swap3A_913 = arith.constant 0 : i32
        %swap3A_914 = arith.index_cast %swap3A_913 : i32 to index
        %swap3A_915 = arith.index_cast %add3A_893 : i32 to index
        %swap3A_916 = arith.constant 16 : index
        %swap3A_917 = tpu.vector_load %arg8[%swap3A_914, %swap3A_915, %swap3A_916] {strides = array<i32>} : memref<5x80x128xf32, #tpu.memory_space<vmem>>, vector<1x1x16xf32>,
        %swap3A_918 = vector.shape_cast %swap3A_917 : vector<1x1x16xf32> to vector<16xf32>
        %swap3A_919 = vector.shape_cast %get3A_912 : vector<16xf32> to vector<1x1x16xf32>
        tpu.vector_store %arg8[%swap3A_914, %swap3A_915, %swap3A_916], %swap3A_919 {add = true, strides = array<i32>} : memref<5x80x128xf32, #tpu.memory_space<vmem>>, vector<1x1x16xf32>,
        %add3A_920 = arith.constant 0 : i32
        %add3A_921 = arith.addi %add3A_920, %add3A_893 : i32
        %get3A_922 = arith.index_cast %add3A_921 : i32 to index
        %get3A_923 = arith.constant 32 : index
        %get3A_924 = tpu.vector_load %arg7[%get3A_922, %get3A_923] {strides = array<i32>} : memref<240x128xf32, #tpu.memory_space<vmem>>, vector<1x16xf32>,
        %get3A_925 = vector.shape_cast %get3A_924 : vector<1x16xf32> to vector<16xf32>
        %swap3A_926 = arith.constant 0 : i32
        %swap3A_927 = arith.index_cast %swap3A_926 : i32 to index
        %swap3A_928 = arith.index_cast %add3A_893 : i32 to index
        %swap3A_929 = arith.constant 32 : index
        %swap3A_930 = tpu.vector_load %arg8[%swap3A_927, %swap3A_928, %swap3A_929] {strides = array<i32>} : memref<5x80x128xf32, #tpu.memory_space<vmem>>, vector<1x1x16xf32>,
        %swap3A_931 = vector.shape_cast %swap3A_930 : vector<1x1x16xf32> to vector<16xf32>
        %swap3A_932 = vector.shape_cast %get3A_925 : vector<16xf32> to vector<1x1x16xf32>
        tpu.vector_store %arg8[%swap3A_927, %swap3A_928, %swap3A_929], %swap3A_932 {add = true, strides = array<i32>} : memref<5x80x128xf32, #tpu.memory_space<vmem>>, vector<1x1x16xf32>,
        %add3A_933 = arith.constant 0 : i32
        %add3A_934 = arith.addi %add3A_933, %add3A_893 : i32
        %get3A_935 = arith.index_cast %add3A_934 : i32 to index
        %get3A_936 = arith.constant 48 : index
        %get3A_937 = tpu.vector_load %arg7[%get3A_935, %get3A_936] {strides = array<i32>} : memref<240x128xf32, #tpu.memory_space<vmem>>, vector<1x16xf32>,
        %get3A_938 = vector.shape_cast %get3A_937 : vector<1x16xf32> to vector<16xf32>
        %swap3A_939 = arith.constant 0 : i32
        %swap3A_940 = arith.index_cast %swap3A_939 : i32 to index
        %swap3A_941 = arith.index_cast %add3A_893 : i32 to index
        %swap3A_942 = arith.constant 48 : index
        %swap3A_943 = tpu.vector_load %arg8[%swap3A_940, %swap3A_941, %swap3A_942] {strides = array<i32>} : memref<5x80x128xf32, #tpu.memory_space<vmem>>, vector<1x1x16xf32>,
        %swap3A_944 = vector.shape_cast %swap3A_943 : vector<1x1x16xf32> to vector<16xf32>
        %swap3A_945 = vector.shape_cast %get3A_938 : vector<16xf32> to vector<1x1x16xf32>
        tpu.vector_store %arg8[%swap3A_940, %swap3A_941, %swap3A_942], %swap3A_945 {add = true, strides = array<i32>} : memref<5x80x128xf32, #tpu.memory_space<vmem>>, vector<1x1x16xf32>,
        %add3A_946 = arith.constant 0 : i32
        %add3A_947 = arith.addi %add3A_946, %add3A_893 : i32
        %get3A_948 = arith.index_cast %add3A_947 : i32 to index
        %get3A_949 = arith.constant 64 : index
        %get3A_950 = tpu.vector_load %arg7[%get3A_948, %get3A_949] {strides = array<i32>} : memref<240x128xf32, #tpu.memory_space<vmem>>, vector<1x16xf32>,
        %get3A_951 = vector.shape_cast %get3A_950 : vector<1x16xf32> to vector<16xf32>
        %swap3A_952 = arith.constant 0 : i32
        %swap3A_953 = arith.index_cast %swap3A_952 : i32 to index
        %swap3A_954 = arith.index_cast %add3A_893 : i32 to index
        %swap3A_955 = arith.constant 64 : index
        %swap3A_956 = tpu.vector_load %arg8[%swap3A_953, %swap3A_954, %swap3A_955] {strides = array<i32>} : memref<5x80x128xf32, #tpu.memory_space<vmem>>, vector<1x1x16xf32>,
        %swap3A_957 = vector.shape_cast %swap3A_956 : vector<1x1x16xf32> to vector<16xf32>
        %swap3A_958 = vector.shape_cast %get3A_951 : vector<16xf32> to vector<1x1x16xf32>
        tpu.vector_store %arg8[%swap3A_953, %swap3A_954, %swap3A_955], %swap3A_958 {add = true, strides = array<i32>} : memref<5x80x128xf32, #tpu.memory_space<vmem>>, vector<1x1x16xf32>,
        %add3A_959 = arith.constant 0 : i32
        %add3A_960 = arith.addi %add3A_959, %add3A_893 : i32
        %get3A_961 = arith.index_cast %add3A_960 : i32 to index
        %get3A_962 = arith.constant 80 : index
        %get3A_963 = tpu.vector_load %arg7[%get3A_961, %get3A_962] {strides = array<i32>} : memref<240x128xf32, #tpu.memory_space<vmem>>, vector<1x16xf32>,
        %get3A_964 = vector.shape_cast %get3A_963 : vector<1x16xf32> to vector<16xf32>
        %swap3A_965 = arith.constant 0 : i32
        %swap3A_966 = arith.index_cast %swap3A_965 : i32 to index
        %swap3A_967 = arith.index_cast %add3A_893 : i32 to index
        %swap3A_968 = arith.constant 80 : index
        %swap3A_969 = tpu.vector_load %arg8[%swap3A_966, %swap3A_967, %swap3A_968] {strides = array<i32>} : memref<5x80x128xf32, #tpu.memory_space<vmem>>, vector<1x1x16xf32>,
        %swap3A_970 = vector.shape_cast %swap3A_969 : vector<1x1x16xf32> to vector<16xf32>
        %swap3A_971 = vector.shape_cast %get3A_964 : vector<16xf32> to vector<1x1x16xf32>
        tpu.vector_store %arg8[%swap3A_966, %swap3A_967, %swap3A_968], %swap3A_971 {add = true, strides = array<i32>} : memref<5x80x128xf32, #tpu.memory_space<vmem>>, vector<1x1x16xf32>,
        %add3A_972 = arith.constant 0 : i32
        %add3A_973 = arith.addi %add3A_972, %add3A_893 : i32
        %get3A_974 = arith.index_cast %add3A_973 : i32 to index
        %get3A_975 = arith.constant 96 : index
        %get3A_976 = tpu.vector_load %arg7[%get3A_974, %get3A_975] {strides = array<i32>} : memref<240x128xf32, #tpu.memory_space<vmem>>, vector<1x16xf32>,
        %get3A_977 = vector.shape_cast %get3A_976 : vector<1x16xf32> to vector<16xf32>
        %swap3A_978 = arith.constant 0 : i32
        %swap3A_979 = arith.index_cast %swap3A_978 : i32 to index
        %swap3A_980 = arith.index_cast %add3A_893 : i32 to index
        %swap3A_981 = arith.constant 96 : index
        %swap3A_982 = tpu.vector_load %arg8[%swap3A_979, %swap3A_980, %swap3A_981] {strides = array<i32>} : memref<5x80x128xf32, #tpu.memory_space<vmem>>, vector<1x1x16xf32>,
        %swap3A_983 = vector.shape_cast %swap3A_982 : vector<1x1x16xf32> to vector<16xf32>
        %swap3A_984 = vector.shape_cast %get3A_977 : vector<16xf32> to vector<1x1x16xf32>
        tpu.vector_store %arg8[%swap3A_979, %swap3A_980, %swap3A_981], %swap3A_984 {add = true, strides = array<i32>} : memref<5x80x128xf32, #tpu.memory_space<vmem>>, vector<1x1x16xf32>,
        %add3A_985 = arith.constant 0 : i32
        %add3A_986 = arith.addi %add3A_985, %add3A_893 : i32
        %get3A_987 = arith.index_cast %add3A_986 : i32 to index
        %get3A_988 = arith.constant 112 : index
        %get3A_989 = tpu.vector_load %arg7[%get3A_987, %get3A_988] {strides = array<i32>} : memref<240x128xf32, #tpu.memory_space<vmem>>, vector<1x16xf32>,
        %get3A_990 = vector.shape_cast %get3A_989 : vector<1x16xf32> to vector<16xf32>
        %swap3A_991 = arith.constant 0 : i32
        %swap3A_992 = arith.index_cast %swap3A_991 : i32 to index
        %swap3A_993 = arith.index_cast %add3A_893 : i32 to index
        %swap3A_994 = arith.constant 112 : index
        %swap3A_995 = tpu.vector_load %arg8[%swap3A_992, %swap3A_993, %swap3A_994] {strides = array<i32>} : memref<5x80x128xf32, #tpu.memory_space<vmem>>, vector<1x1x16xf32>,
        %swap3A_996 = vector.shape_cast %swap3A_995 : vector<1x1x16xf32> to vector<16xf32>
        %swap3A_997 = vector.shape_cast %get3A_990 : vector<16xf32> to vector<1x1x16xf32>
        tpu.vector_store %arg8[%swap3A_992, %swap3A_993, %swap3A_994], %swap3A_997 {add = true, strides = array<i32>} : memref<5x80x128xf32, #tpu.memory_space<vmem>>, vector<1x1x16xf32>,
        %mul3A_998 = arith.constant 4 : i32
        %mul3A_999 = arith.muli %scan3A_673, %mul3A_998 : i32
        %add3A_1000 = arith.constant 3 : i32
        %add3A_1001 = arith.addi %mul3A_999, %add3A_1000 : i32
        %add3A_1002 = arith.constant 0 : i32
        %add3A_1003 = arith.addi %add3A_1002, %add3A_1001 : i32
        %get3A_1004 = arith.index_cast %add3A_1003 : i32 to index
        %get3A_1005 = arith.constant 0 : index
        %get3A_1006 = tpu.vector_load %arg7[%get3A_1004, %get3A_1005] {strides = array<i32>} : memref<240x128xf32, #tpu.memory_space<vmem>>, vector<1x16xf32>,
        %get3A_1007 = vector.shape_cast %get3A_1006 : vector<1x16xf32> to vector<16xf32>
        %swap3A_1008 = arith.constant 0 : i32
        %swap3A_1009 = arith.index_cast %swap3A_1008 : i32 to index
        %swap3A_1010 = arith.index_cast %add3A_1001 : i32 to index
        %swap3A_1011 = arith.constant 0 : index
        %swap3A_1012 = tpu.vector_load %arg8[%swap3A_1009, %swap3A_1010, %swap3A_1011] {strides = array<i32>} : memref<5x80x128xf32, #tpu.memory_space<vmem>>, vector<1x1x16xf32>,
        %swap3A_1013 = vector.shape_cast %swap3A_1012 : vector<1x1x16xf32> to vector<16xf32>
        %swap3A_1014 = vector.shape_cast %get3A_1007 : vector<16xf32> to vector<1x1x16xf32>
        tpu.vector_store %arg8[%swap3A_1009, %swap3A_1010, %swap3A_1011], %swap3A_1014 {add = true, strides = array<i32>} : memref<5x80x128xf32, #tpu.memory_space<vmem>>, vector<1x1x16xf32>,
        %add3A_1015 = arith.constant 0 : i32
        %add3A_1016 = arith.addi %add3A_1015, %add3A_1001 : i32
        %get3A_1017 = arith.index_cast %add3A_1016 : i32 to index
        %get3A_1018 = arith.constant 16 : index
        %get3A_1019 = tpu.vector_load %arg7[%get3A_1017, %get3A_1018] {strides = array<i32>} : memref<240x128xf32, #tpu.memory_space<vmem>>, vector<1x16xf32>,
        %get3A_1020 = vector.shape_cast %get3A_1019 : vector<1x16xf32> to vector<16xf32>
        %swap3A_1021 = arith.constant 0 : i32
        %swap3A_1022 = arith.index_cast %swap3A_1021 : i32 to index
        %swap3A_1023 = arith.index_cast %add3A_1001 : i32 to index
        %swap3A_1024 = arith.constant 16 : index
        %swap3A_1025 = tpu.vector_load %arg8[%swap3A_1022, %swap3A_1023, %swap3A_1024] {strides = array<i32>} : memref<5x80x128xf32, #tpu.memory_space<vmem>>, vector<1x1x16xf32>,
        %swap3A_1026 = vector.shape_cast %swap3A_1025 : vector<1x1x16xf32> to vector<16xf32>
        %swap3A_1027 = vector.shape_cast %get3A_1020 : vector<16xf32> to vector<1x1x16xf32>
        tpu.vector_store %arg8[%swap3A_1022, %swap3A_1023, %swap3A_1024], %swap3A_1027 {add = true, strides = array<i32>} : memref<5x80x128xf32, #tpu.memory_space<vmem>>, vector<1x1x16xf32>,
        %add3A_1028 = arith.constant 0 : i32
        %add3A_1029 = arith.addi %add3A_1028, %add3A_1001 : i32
        %get3A_1030 = arith.index_cast %add3A_1029 : i32 to index
        %get3A_1031 = arith.constant 32 : index
        %get3A_1032 = tpu.vector_load %arg7[%get3A_1030, %get3A_1031] {strides = array<i32>} : memref<240x128xf32, #tpu.memory_space<vmem>>, vector<1x16xf32>,
        %get3A_1033 = vector.shape_cast %get3A_1032 : vector<1x16xf32> to vector<16xf32>
        %swap3A_1034 = arith.constant 0 : i32
        %swap3A_1035 = arith.index_cast %swap3A_1034 : i32 to index
        %swap3A_1036 = arith.index_cast %add3A_1001 : i32 to index
        %swap3A_1037 = arith.constant 32 : index
        %swap3A_1038 = tpu.vector_load %arg8[%swap3A_1035, %swap3A_1036, %swap3A_1037] {strides = array<i32>} : memref<5x80x128xf32, #tpu.memory_space<vmem>>, vector<1x1x16xf32>,
        %swap3A_1039 = vector.shape_cast %swap3A_1038 : vector<1x1x16xf32> to vector<16xf32>
        %swap3A_1040 = vector.shape_cast %get3A_1033 : vector<16xf32> to vector<1x1x16xf32>
        tpu.vector_store %arg8[%swap3A_1035, %swap3A_1036, %swap3A_1037], %swap3A_1040 {add = true, strides = array<i32>} : memref<5x80x128xf32, #tpu.memory_space<vmem>>, vector<1x1x16xf32>,
        %add3A_1041 = arith.constant 0 : i32
        %add3A_1042 = arith.addi %add3A_1041, %add3A_1001 : i32
        %get3A_1043 = arith.index_cast %add3A_1042 : i32 to index
        %get3A_1044 = arith.constant 48 : index
        %get3A_1045 = tpu.vector_load %arg7[%get3A_1043, %get3A_1044] {strides = array<i32>} : memref<240x128xf32, #tpu.memory_space<vmem>>, vector<1x16xf32>,
        %get3A_1046 = vector.shape_cast %get3A_1045 : vector<1x16xf32> to vector<16xf32>
        %swap3A_1047 = arith.constant 0 : i32
        %swap3A_1048 = arith.index_cast %swap3A_1047 : i32 to index
        %swap3A_1049 = arith.index_cast %add3A_1001 : i32 to index
        %swap3A_1050 = arith.constant 48 : index
        %swap3A_1051 = tpu.vector_load %arg8[%swap3A_1048, %swap3A_1049, %swap3A_1050] {strides = array<i32>} : memref<5x80x128xf32, #tpu.memory_space<vmem>>, vector<1x1x16xf32>,
        %swap3A_1052 = vector.shape_cast %swap3A_1051 : vector<1x1x16xf32> to vector<16xf32>
        %swap3A_1053 = vector.shape_cast %get3A_1046 : vector<16xf32> to vector<1x1x16xf32>
        tpu.vector_store %arg8[%swap3A_1048, %swap3A_1049, %swap3A_1050], %swap3A_1053 {add = true, strides = array<i32>} : memref<5x80x128xf32, #tpu.memory_space<vmem>>, vector<1x1x16xf32>,
        %add3A_1054 = arith.constant 0 : i32
        %add3A_1055 = arith.addi %add3A_1054, %add3A_1001 : i32
        %get3A_1056 = arith.index_cast %add3A_1055 : i32 to index
        %get3A_1057 = arith.constant 64 : index
        %get3A_1058 = tpu.vector_load %arg7[%get3A_1056, %get3A_1057] {strides = array<i32>} : memref<240x128xf32, #tpu.memory_space<vmem>>, vector<1x16xf32>,
        %get3A_1059 = vector.shape_cast %get3A_1058 : vector<1x16xf32> to vector<16xf32>
        %swap3A_1060 = arith.constant 0 : i32
        %swap3A_1061 = arith.index_cast %swap3A_1060 : i32 to index
        %swap3A_1062 = arith.index_cast %add3A_1001 : i32 to index
        %swap3A_1063 = arith.constant 64 : index
        %swap3A_1064 = tpu.vector_load %arg8[%swap3A_1061, %swap3A_1062, %swap3A_1063] {strides = array<i32>} : memref<5x80x128xf32, #tpu.memory_space<vmem>>, vector<1x1x16xf32>,
        %swap3A_1065 = vector.shape_cast %swap3A_1064 : vector<1x1x16xf32> to vector<16xf32>
        %swap3A_1066 = vector.shape_cast %get3A_1059 : vector<16xf32> to vector<1x1x16xf32>
        tpu.vector_store %arg8[%swap3A_1061, %swap3A_1062, %swap3A_1063], %swap3A_1066 {add = true, strides = array<i32>} : memref<5x80x128xf32, #tpu.memory_space<vmem>>, vector<1x1x16xf32>,
        %add3A_1067 = arith.constant 0 : i32
        %add3A_1068 = arith.addi %add3A_1067, %add3A_1001 : i32
        %get3A_1069 = arith.index_cast %add3A_1068 : i32 to index
        %get3A_1070 = arith.constant 80 : index
        %get3A_1071 = tpu.vector_load %arg7[%get3A_1069, %get3A_1070] {strides = array<i32>} : memref<240x128xf32, #tpu.memory_space<vmem>>, vector<1x16xf32>,
        %get3A_1072 = vector.shape_cast %get3A_1071 : vector<1x16xf32> to vector<16xf32>
        %swap3A_1073 = arith.constant 0 : i32
        %swap3A_1074 = arith.index_cast %swap3A_1073 : i32 to index
        %swap3A_1075 = arith.index_cast %add3A_1001 : i32 to index
        %swap3A_1076 = arith.constant 80 : index
        %swap3A_1077 = tpu.vector_load %arg8[%swap3A_1074, %swap3A_1075, %swap3A_1076] {strides = array<i32>} : memref<5x80x128xf32, #tpu.memory_space<vmem>>, vector<1x1x16xf32>,
        %swap3A_1078 = vector.shape_cast %swap3A_1077 : vector<1x1x16xf32> to vector<16xf32>
        %swap3A_1079 = vector.shape_cast %get3A_1072 : vector<16xf32> to vector<1x1x16xf32>
        tpu.vector_store %arg8[%swap3A_1074, %swap3A_1075, %swap3A_1076], %swap3A_1079 {add = true, strides = array<i32>} : memref<5x80x128xf32, #tpu.memory_space<vmem>>, vector<1x1x16xf32>,
        %add3A_1080 = arith.constant 0 : i32
        %add3A_1081 = arith.addi %add3A_1080, %add3A_1001 : i32
        %get3A_1082 = arith.index_cast %add3A_1081 : i32 to index
        %get3A_1083 = arith.constant 96 : index
        %get3A_1084 = tpu.vector_load %arg7[%get3A_1082, %get3A_1083] {strides = array<i32>} : memref<240x128xf32, #tpu.memory_space<vmem>>, vector<1x16xf32>,
        %get3A_1085 = vector.shape_cast %get3A_1084 : vector<1x16xf32> to vector<16xf32>
        %swap3A_1086 = arith.constant 0 : i32
        %swap3A_1087 = arith.index_cast %swap3A_1086 : i32 to index
        %swap3A_1088 = arith.index_cast %add3A_1001 : i32 to index
        %swap3A_1089 = arith.constant 96 : index
        %swap3A_1090 = tpu.vector_load %arg8[%swap3A_1087, %swap3A_1088, %swap3A_1089] {strides = array<i32>} : memref<5x80x128xf32, #tpu.memory_space<vmem>>, vector<1x1x16xf32>,
        %swap3A_1091 = vector.shape_cast %swap3A_1090 : vector<1x1x16xf32> to vector<16xf32>
        %swap3A_1092 = vector.shape_cast %get3A_1085 : vector<16xf32> to vector<1x1x16xf32>
        tpu.vector_store %arg8[%swap3A_1087, %swap3A_1088, %swap3A_1089], %swap3A_1092 {add = true, strides = array<i32>} : memref<5x80x128xf32, #tpu.memory_space<vmem>>, vector<1x1x16xf32>,
        %add3A_1093 = arith.constant 0 : i32
        %add3A_1094 = arith.addi %add3A_1093, %add3A_1001 : i32
        %get3A_1095 = arith.index_cast %add3A_1094 : i32 to index
        %get3A_1096 = arith.constant 112 : index
        %get3A_1097 = tpu.vector_load %arg7[%get3A_1095, %get3A_1096] {strides = array<i32>} : memref<240x128xf32, #tpu.memory_space<vmem>>, vector<1x16xf32>,
        %get3A_1098 = vector.shape_cast %get3A_1097 : vector<1x16xf32> to vector<16xf32>
        %swap3A_1099 = arith.constant 0 : i32
        %swap3A_1100 = arith.index_cast %swap3A_1099 : i32 to index
        %swap3A_1101 = arith.index_cast %add3A_1001 : i32 to index
        %swap3A_1102 = arith.constant 112 : index
        %swap3A_1103 = tpu.vector_load %arg8[%swap3A_1100, %swap3A_1101, %swap3A_1102] {strides = array<i32>} : memref<5x80x128xf32, #tpu.memory_space<vmem>>, vector<1x1x16xf32>,
        %swap3A_1104 = vector.shape_cast %swap3A_1103 : vector<1x1x16xf32> to vector<16xf32>
        %swap3A_1105 = vector.shape_cast %get3A_1098 : vector<16xf32> to vector<1x1x16xf32>
        tpu.vector_store %arg8[%swap3A_1100, %swap3A_1101, %swap3A_1102], %swap3A_1105 {add = true, strides = array<i32>} : memref<5x80x128xf32, #tpu.memory_space<vmem>>, vector<1x1x16xf32>,
      }
      %scan3A_374 = arith.constant 20 : i32
      %mul3A_375 = arith.constant 80 : i32
      %mul3A_376 = arith.muli %add3A_335, %mul3A_375 : i32
      %add3A_377 = arith.addi %mul3A_2, %mul3A_376 : i32
      %dma_start3A_378 = arith.constant 0 : i32
      %dma_start3A_379 = arith.constant 0 : i32
      %dma_start3A_380 = arith.constant 0 : i32
      %dma_start3A_381 = tpu.memref_slice %arg8[%dma_start3A_378, %dma_start3A_379, %dma_start3A_380] : memref<5x80x128xf32, #tpu.memory_space<vmem>> -> memref<1x80x128xf32, #tpu.memory_space<vmem>>
      %dma_start3A_382 = tpu.memref_squeeze %dma_start3A_381 : memref<1x80x128xf32, #tpu.memory_space<vmem>> -> memref<80x128xf32, #tpu.memory_space<vmem>>
      %dma_start3A_383 = arith.constant 0 : i32
      %dma_start3A_384 = tpu.memref_slice %arg5[%add3A_377, %dma_start3A_383] : memref<819200x128xf32, #tpu.memory_space<hbm>> -> memref<80x128xf32, #tpu.memory_space<hbm>>
      %dma_start3A_385 = arith.constant 0 : i32
      %dma_start3A_386 = tpu.memref_slice %arg5[%add3A_377, %dma_start3A_385] : memref<819200x128xf32, #tpu.memory_space<hbm>> -> memref<80x128xf32, #tpu.memory_space<hbm>>
      %dma_start3A_387 = arith.constant 0 : i32
      %dma_start3A_388 = arith.constant 0 : i32
      %dma_start3A_389 = tpu.memref_slice %arg8[%dma_start3A_378, %dma_start3A_387, %dma_start3A_388] : memref<5x80x128xf32, #tpu.memory_space<vmem>> -> memref<1x80x128xf32, #tpu.memory_space<vmem>>
      %dma_start3A_390 = tpu.memref_squeeze %dma_start3A_389 : memref<1x80x128xf32, #tpu.memory_space<vmem>> -> memref<80x128xf32, #tpu.memory_space<vmem>>
      tpu.enqueue_dma source(%dma_start3A_390 : memref<80x128xf32, #tpu.memory_space<vmem>>) target(%dma_start3A_386 : memref<80x128xf32, #tpu.memory_space<hbm>>) target_semaphore(%arg15 : memref<!tpu.dma_semaphore, #tpu.memory_space<semaphore_mem>>)
      %mul3A_391 = arith.constant 5 : i32
      %mul3A_392 = arith.muli %scan3A_331, %mul3A_391 : i32
      %add3A_393 = arith.constant 1 : i32
      %add3A_394 = arith.addi %mul3A_392, %add3A_393 : i32
      %ge3A_395 = arith.constant 1 : i32
      %ge3A_396 = arith.cmpi sge, %scan3A_331, %ge3A_395 : i32
      %convert_element_type3A_397 = arith.extui %ge3A_396 : i1 to i32
      %cond3A_398 = arith.constant 0 : i32
      %cond3A_399 = arith.cmpi ne, %convert_element_type3A_397, %cond3A_398 : i32
      scf.if %cond3A_399 {
        %dma_wait3A_673 = arith.constant 4 : i32
        %dma_wait3A_674 = arith.constant 0 : i32
        %dma_wait3A_675 = arith.constant 0 : i32
        %dma_wait3A_676 = tpu.memref_slice %arg8[%dma_wait3A_673, %dma_wait3A_674, %dma_wait3A_675] : memref<5x80x128xf32, #tpu.memory_space<vmem>> -> memref<1x80x128xf32, #tpu.memory_space<vmem>>
        %dma_wait3A_677 = tpu.memref_squeeze %dma_wait3A_676 : memref<1x80x128xf32, #tpu.memory_space<vmem>> -> memref<80x128xf32, #tpu.memory_space<vmem>>
        %dma_wait3A_678 = arith.constant 0 : i32
        %dma_wait3A_679 = arith.constant 0 : i32
        %dma_wait3A_680 = tpu.memref_slice %arg5[%dma_wait3A_678, %dma_wait3A_679] : memref<819200x128xf32, #tpu.memory_space<hbm>> -> memref<80x128xf32, #tpu.memory_space<hbm>>
        %dma_wait3A_681 = arith.constant 0 : i32
        %dma_wait3A_682 = arith.constant 0 : i32
        %dma_wait3A_683 = tpu.memref_slice %arg5[%dma_wait3A_681, %dma_wait3A_682] : memref<819200x128xf32, #tpu.memory_space<hbm>> -> memref<80x128xf32, #tpu.memory_space<hbm>>
        %dma_wait3A_684 = arith.constant 0 : i32
        %dma_wait3A_685 = arith.constant 0 : i32
        %dma_wait3A_686 = tpu.memref_slice %arg8[%dma_wait3A_673, %dma_wait3A_684, %dma_wait3A_685] : memref<5x80x128xf32, #tpu.memory_space<vmem>> -> memref<1x80x128xf32, #tpu.memory_space<vmem>>
        %dma_wait3A_687 = tpu.memref_squeeze %dma_wait3A_686 : memref<1x80x128xf32, #tpu.memory_space<vmem>> -> memref<80x128xf32, #tpu.memory_space<vmem>>
        tpu.wait_dma2 semaphore(%arg19 : memref<!tpu.dma_semaphore, #tpu.memory_space<semaphore_mem>>) src(%dma_wait3A_687 : memref<80x128xf32, #tpu.memory_space<vmem>>) dst(%dma_wait3A_683 : memref<80x128xf32, #tpu.memory_space<hbm>>)
      } else {
      }
      %add3A_400 = arith.constant 3 : i32
      %add3A_401 = arith.addi %add3A_394, %add3A_400 : i32
      %lt3A_402 = arith.constant 320 : i32
      %lt3A_403 = arith.cmpi slt, %add3A_401, %lt3A_402 : i32
      %convert_element_type3A_404 = arith.extui %lt3A_403 : i1 to i32
      %cond3A_405 = arith.constant 0 : i32
      %cond3A_406 = arith.cmpi ne, %convert_element_type3A_404, %cond3A_405 : i32
      scf.if %cond3A_406 {
        %dma_wait3A_673 = arith.constant 4 : i32
        %dma_wait3A_674 = arith.constant 0 : i32
        %dma_wait3A_675 = tpu.memref_slice %arg6[%dma_wait3A_673, %dma_wait3A_674] : memref<5x80xi32, #tpu.memory_space<vmem>> -> memref<1x80xi32, #tpu.memory_space<vmem>>
        %dma_wait3A_676 = tpu.memref_squeeze %dma_wait3A_675 : memref<1x80xi32, #tpu.memory_space<vmem>> -> memref<80xi32, #tpu.memory_space<vmem>>
        %dma_wait3A_677 = arith.constant 0 : i32
        %dma_wait3A_678 = tpu.memref_slice %arg2[%dma_wait3A_677] : memref<819200xi32, #tpu.memory_space<hbm>> -> memref<80xi32, #tpu.memory_space<hbm>>
        %dma_wait3A_679 = arith.constant 0 : i32
        %dma_wait3A_680 = tpu.memref_slice %arg6[%dma_wait3A_673, %dma_wait3A_679] : memref<5x80xi32, #tpu.memory_space<vmem>> -> memref<1x80xi32, #tpu.memory_space<vmem>>
        %dma_wait3A_681 = tpu.memref_squeeze %dma_wait3A_680 : memref<1x80xi32, #tpu.memory_space<vmem>> -> memref<80xi32, #tpu.memory_space<vmem>>
        %dma_wait3A_682 = arith.constant 0 : i32
        %dma_wait3A_683 = tpu.memref_slice %arg2[%dma_wait3A_682] : memref<819200xi32, #tpu.memory_space<hbm>> -> memref<80xi32, #tpu.memory_space<hbm>>
        tpu.wait_dma2 semaphore(%arg24 : memref<!tpu.dma_semaphore, #tpu.memory_space<semaphore_mem>>) src(%dma_wait3A_683 : memref<80xi32, #tpu.memory_space<hbm>>) dst(%dma_wait3A_681 : memref<80xi32, #tpu.memory_space<vmem>>)
        %get3A_684 = arith.constant 4 : i32
        %get3A_685 = arith.index_cast %get3A_684 : i32 to index
        %get3A_686 = arith.constant 0 : index
        %get3A_687 = tpu.vector_load %arg6[%get3A_685, %get3A_686] {strides = array<i32>} : memref<5x80xi32, #tpu.memory_space<vmem>>, vector<1x16xi32>,
        %get3A_688 = vector.shape_cast %get3A_687 : vector<1x16xi32> to vector<16xi32>
        %add3A_689 = arith.addi %get3A_688, %broadcast_in_dim3A : vector<16xi32>
        %swap3A_690 = arith.constant 4 : i32
        %swap3A_691 = arith.index_cast %swap3A_690 : i32 to index
        %swap3A_692 = arith.constant 0 : index
        %swap3A_693 = tpu.vector_load %arg6[%swap3A_691, %swap3A_692] {strides = array<i32>} : memref<5x80xi32, #tpu.memory_space<vmem>>, vector<1x16xi32>,
        %swap3A_694 = vector.shape_cast %swap3A_693 : vector<1x16xi32> to vector<16xi32>
        %swap3A_695 = vector.shape_cast %add3A_689 : vector<16xi32> to vector<1x16xi32>
        tpu.vector_store %arg6[%swap3A_691, %swap3A_692], %swap3A_695 {strides = array<i32>} : memref<5x80xi32, #tpu.memory_space<vmem>>, vector<1x16xi32>,
        %get3A_696 = arith.constant 4 : i32
        %get3A_697 = arith.index_cast %get3A_696 : i32 to index
        %get3A_698 = arith.constant 16 : index
        %get3A_699 = tpu.vector_load %arg6[%get3A_697, %get3A_698] {strides = array<i32>} : memref<5x80xi32, #tpu.memory_space<vmem>>, vector<1x16xi32>,
        %get3A_700 = vector.shape_cast %get3A_699 : vector<1x16xi32> to vector<16xi32>
        %add3A_701 = arith.addi %get3A_700, %broadcast_in_dim3A : vector<16xi32>
        %swap3A_702 = arith.constant 4 : i32
        %swap3A_703 = arith.index_cast %swap3A_702 : i32 to index
        %swap3A_704 = arith.constant 16 : index
        %swap3A_705 = tpu.vector_load %arg6[%swap3A_703, %swap3A_704] {strides = array<i32>} : memref<5x80xi32, #tpu.memory_space<vmem>>, vector<1x16xi32>,
        %swap3A_706 = vector.shape_cast %swap3A_705 : vector<1x16xi32> to vector<16xi32>
        %swap3A_707 = vector.shape_cast %add3A_701 : vector<16xi32> to vector<1x16xi32>
        tpu.vector_store %arg6[%swap3A_703, %swap3A_704], %swap3A_707 {strides = array<i32>} : memref<5x80xi32, #tpu.memory_space<vmem>>, vector<1x16xi32>,
        %get3A_708 = arith.constant 4 : i32
        %get3A_709 = arith.index_cast %get3A_708 : i32 to index
        %get3A_710 = arith.constant 32 : index
        %get3A_711 = tpu.vector_load %arg6[%get3A_709, %get3A_710] {strides = array<i32>} : memref<5x80xi32, #tpu.memory_space<vmem>>, vector<1x16xi32>,
        %get3A_712 = vector.shape_cast %get3A_711 : vector<1x16xi32> to vector<16xi32>
        %add3A_713 = arith.addi %get3A_712, %broadcast_in_dim3A : vector<16xi32>
        %swap3A_714 = arith.constant 4 : i32
        %swap3A_715 = arith.index_cast %swap3A_714 : i32 to index
        %swap3A_716 = arith.constant 32 : index
        %swap3A_717 = tpu.vector_load %arg6[%swap3A_715, %swap3A_716] {strides = array<i32>} : memref<5x80xi32, #tpu.memory_space<vmem>>, vector<1x16xi32>,
        %swap3A_718 = vector.shape_cast %swap3A_717 : vector<1x16xi32> to vector<16xi32>
        %swap3A_719 = vector.shape_cast %add3A_713 : vector<16xi32> to vector<1x16xi32>
        tpu.vector_store %arg6[%swap3A_715, %swap3A_716], %swap3A_719 {strides = array<i32>} : memref<5x80xi32, #tpu.memory_space<vmem>>, vector<1x16xi32>,
        %get3A_720 = arith.constant 4 : i32
        %get3A_721 = arith.index_cast %get3A_720 : i32 to index
        %get3A_722 = arith.constant 48 : index
        %get3A_723 = tpu.vector_load %arg6[%get3A_721, %get3A_722] {strides = array<i32>} : memref<5x80xi32, #tpu.memory_space<vmem>>, vector<1x16xi32>,
        %get3A_724 = vector.shape_cast %get3A_723 : vector<1x16xi32> to vector<16xi32>
        %add3A_725 = arith.addi %get3A_724, %broadcast_in_dim3A : vector<16xi32>
        %swap3A_726 = arith.constant 4 : i32
        %swap3A_727 = arith.index_cast %swap3A_726 : i32 to index
        %swap3A_728 = arith.constant 48 : index
        %swap3A_729 = tpu.vector_load %arg6[%swap3A_727, %swap3A_728] {strides = array<i32>} : memref<5x80xi32, #tpu.memory_space<vmem>>, vector<1x16xi32>,
        %swap3A_730 = vector.shape_cast %swap3A_729 : vector<1x16xi32> to vector<16xi32>
        %swap3A_731 = vector.shape_cast %add3A_725 : vector<16xi32> to vector<1x16xi32>
        tpu.vector_store %arg6[%swap3A_727, %swap3A_728], %swap3A_731 {strides = array<i32>} : memref<5x80xi32, #tpu.memory_space<vmem>>, vector<1x16xi32>,
        %get3A_732 = arith.constant 4 : i32
        %get3A_733 = arith.index_cast %get3A_732 : i32 to index
        %get3A_734 = arith.constant 64 : index
        %get3A_735 = tpu.vector_load %arg6[%get3A_733, %get3A_734] {strides = array<i32>} : memref<5x80xi32, #tpu.memory_space<vmem>>, vector<1x16xi32>,
        %get3A_736 = vector.shape_cast %get3A_735 : vector<1x16xi32> to vector<16xi32>
        %add3A_737 = arith.addi %get3A_736, %broadcast_in_dim3A : vector<16xi32>
        %swap3A_738 = arith.constant 4 : i32
        %swap3A_739 = arith.index_cast %swap3A_738 : i32 to index
        %swap3A_740 = arith.constant 64 : index
        %swap3A_741 = tpu.vector_load %arg6[%swap3A_739, %swap3A_740] {strides = array<i32>} : memref<5x80xi32, #tpu.memory_space<vmem>>, vector<1x16xi32>,
        %swap3A_742 = vector.shape_cast %swap3A_741 : vector<1x16xi32> to vector<16xi32>
        %swap3A_743 = vector.shape_cast %add3A_737 : vector<16xi32> to vector<1x16xi32>
        tpu.vector_store %arg6[%swap3A_739, %swap3A_740], %swap3A_743 {strides = array<i32>} : memref<5x80xi32, #tpu.memory_space<vmem>>, vector<1x16xi32>,
        %dma_start3A_744 = arith.constant 4 : i32
        %dma_start3A_745 = arith.constant 4 : i32
        %dma_start3A_746 = arith.constant 0 : i32
        %dma_start3A_747 = arith.constant 0 : i32
        %dma_start3A_748 = tpu.memref_slice %arg8[%dma_start3A_745, %dma_start3A_746, %dma_start3A_747] : memref<5x80x128xf32, #tpu.memory_space<vmem>> -> memref<1x80x128xf32, #tpu.memory_space<vmem>>
        %dma_start3A_749 = tpu.memref_squeeze %dma_start3A_748 : memref<1x80x128xf32, #tpu.memory_space<vmem>> -> memref<80x128xf32, #tpu.memory_space<vmem>>
        %dma_start3A_750 = arith.constant 0 : i32
        %dma_start3A_751 = tpu.memref_slice %arg6[%dma_start3A_744, %dma_start3A_750] : memref<5x80xi32, #tpu.memory_space<vmem>> -> memref<1x80xi32, #tpu.memory_space<vmem>>
        %dma_start3A_752 = tpu.memref_squeeze %dma_start3A_751 : memref<1x80xi32, #tpu.memory_space<vmem>> -> memref<80xi32, #tpu.memory_space<vmem>>
        %dma_start3A_753 = arith.constant 0 : i32
        %dma_start3A_754 = arith.constant 0 : i32
        %dma_start3A_755 = tpu.memref_slice %arg9[%dma_start3A_753, %dma_start3A_754] : memref<4096x128xf32, #tpu.memory_space<vmem_shared>> -> memref<4096x128xf32, #tpu.memory_space<vmem_shared>>
        tpu.enqueue_indirect_dma source(%dma_start3A_755 : memref<4096x128xf32, #tpu.memory_space<vmem_shared>>) target(%dma_start3A_749 : memref<80x128xf32, #tpu.memory_space<vmem>>) offsets(%dma_start3A_752 : memref<80xi32, #tpu.memory_space<vmem>>) semaphore(%arg14 : memref<!tpu.dma_semaphore, #tpu.memory_space<semaphore_mem>>)
      } else {
      }
      %add3A_407 = arith.constant 3 : i32
      %add3A_408 = arith.addi %add3A_394, %add3A_407 : i32
      %add3A_409 = arith.constant 1 : i32
      %add3A_410 = arith.addi %add3A_408, %add3A_409 : i32
      %lt3A_411 = arith.constant 320 : i32
      %lt3A_412 = arith.cmpi slt, %add3A_410, %lt3A_411 : i32
      %add3A_413 = arith.constant 3 : i32
      %add3A_414 = arith.addi %add3A_394, %add3A_413 : i32
      %add3A_415 = arith.constant 1 : i32
      %add3A_416 = arith.addi %add3A_414, %add3A_415 : i32
      %convert_element_type3A_417 = arith.extui %lt3A_412 : i1 to i32
      %cond3A_418 = arith.constant 0 : i32
      %cond3A_419 = arith.cmpi ne, %convert_element_type3A_417, %cond3A_418 : i32
      scf.if %cond3A_419 {
        %mul3A_673 = arith.constant 80 : i32
        %mul3A_674 = arith.muli %add3A_416, %mul3A_673 : i32
        %add3A_675 = arith.addi %mul3A_2, %mul3A_674 : i32
        %dma_start3A_676 = arith.constant 0 : i32
        %dma_start3A_677 = arith.constant 0 : i32
        %dma_start3A_678 = tpu.memref_slice %arg6[%dma_start3A_676, %dma_start3A_677] : memref<5x80xi32, #tpu.memory_space<vmem>> -> memref<1x80xi32, #tpu.memory_space<vmem>>
        %dma_start3A_679 = tpu.memref_squeeze %dma_start3A_678 : memref<1x80xi32, #tpu.memory_space<vmem>> -> memref<80xi32, #tpu.memory_space<vmem>>
        %dma_start3A_680 = tpu.memref_slice %arg2[%add3A_675] : memref<819200xi32, #tpu.memory_space<hbm>> -> memref<80xi32, #tpu.memory_space<hbm>>
        %dma_start3A_681 = arith.constant 0 : i32
        %dma_start3A_682 = tpu.memref_slice %arg6[%dma_start3A_676, %dma_start3A_681] : memref<5x80xi32, #tpu.memory_space<vmem>> -> memref<1x80xi32, #tpu.memory_space<vmem>>
        %dma_start3A_683 = tpu.memref_squeeze %dma_start3A_682 : memref<1x80xi32, #tpu.memory_space<vmem>> -> memref<80xi32, #tpu.memory_space<vmem>>
        %dma_start3A_684 = tpu.memref_slice %arg2[%add3A_675] : memref<819200xi32, #tpu.memory_space<hbm>> -> memref<80xi32, #tpu.memory_space<hbm>>
        tpu.enqueue_dma source(%dma_start3A_684 : memref<80xi32, #tpu.memory_space<hbm>>) target(%dma_start3A_683 : memref<80xi32, #tpu.memory_space<vmem>>) target_semaphore(%arg20 : memref<!tpu.dma_semaphore, #tpu.memory_space<semaphore_mem>>)
      } else {
      }
      %dma_wait3A_420 = arith.constant 1 : i32
      %dma_wait3A_421 = arith.constant 1 : i32
      %dma_wait3A_422 = arith.constant 0 : i32
      %dma_wait3A_423 = arith.constant 0 : i32
      %dma_wait3A_424 = tpu.memref_slice %arg8[%dma_wait3A_421, %dma_wait3A_422, %dma_wait3A_423] : memref<5x80x128xf32, #tpu.memory_space<vmem>> -> memref<1x80x128xf32, #tpu.memory_space<vmem>>
      %dma_wait3A_425 = tpu.memref_squeeze %dma_wait3A_424 : memref<1x80x128xf32, #tpu.memory_space<vmem>> -> memref<80x128xf32, #tpu.memory_space<vmem>>
      %dma_wait3A_426 = arith.constant 0 : i32
      %dma_wait3A_427 = tpu.memref_slice %arg6[%dma_wait3A_420, %dma_wait3A_426] : memref<5x80xi32, #tpu.memory_space<vmem>> -> memref<1x80xi32, #tpu.memory_space<vmem>>
      %dma_wait3A_428 = tpu.memref_squeeze %dma_wait3A_427 : memref<1x80xi32, #tpu.memory_space<vmem>> -> memref<80xi32, #tpu.memory_space<vmem>>
      %dma_wait3A_429 = arith.constant 0 : i32
      %dma_wait3A_430 = arith.constant 0 : i32
      %dma_wait3A_431 = tpu.memref_slice %arg9[%dma_wait3A_429, %dma_wait3A_430] : memref<4096x128xf32, #tpu.memory_space<vmem_shared>> -> memref<4096x128xf32, #tpu.memory_space<vmem_shared>>
      tpu.wait_indirect_dma semaphore(%arg11 : memref<!tpu.dma_semaphore, #tpu.memory_space<semaphore_mem>>) src(%dma_wait3A_431 : memref<4096x128xf32, #tpu.memory_space<vmem_shared>>) dst(%dma_wait3A_425 : memref<80x128xf32, #tpu.memory_space<vmem>>)
      %scan3A_432 = arith.constant 0 : i32
      %scan3A_433 = arith.constant 0 : i32
      %scan3A_434 = arith.constant 20 : i32
      %scan3A_435 = arith.addi %scan3A_433, %scan3A_434 : i32
      %scan3A_436 = arith.constant 1 : i32
      scf.for %scan3A_673 = %scan3A_433 to %scan3A_435 step %scan3A_436  : i32 {
        %mul3A_674 = arith.constant 4 : i32
        %mul3A_675 = arith.muli %scan3A_673, %mul3A_674 : i32
        %add3A_676 = arith.constant 0 : i32
        %add3A_677 = arith.addi %mul3A_675, %add3A_676 : i32
        %add3A_678 = arith.constant 80 : i32
        %add3A_679 = arith.addi %add3A_678, %add3A_677 : i32
        %get3A_680 = arith.index_cast %add3A_679 : i32 to index
        %get3A_681 = arith.constant 0 : index
        %get3A_682 = tpu.vector_load %arg7[%get3A_680, %get3A_681] {strides = array<i32>} : memref<240x128xf32, #tpu.memory_space<vmem>>, vector<1x16xf32>,
        %get3A_683 = vector.shape_cast %get3A_682 : vector<1x16xf32> to vector<16xf32>
        %swap3A_684 = arith.constant 1 : i32
        %swap3A_685 = arith.index_cast %swap3A_684 : i32 to index
        %swap3A_686 = arith.index_cast %add3A_677 : i32 to index
        %swap3A_687 = arith.constant 0 : index
        %swap3A_688 = tpu.vector_load %arg8[%swap3A_685, %swap3A_686, %swap3A_687] {strides = array<i32>} : memref<5x80x128xf32, #tpu.memory_space<vmem>>, vector<1x1x16xf32>,
        %swap3A_689 = vector.shape_cast %swap3A_688 : vector<1x1x16xf32> to vector<16xf32>
        %swap3A_690 = vector.shape_cast %get3A_683 : vector<16xf32> to vector<1x1x16xf32>
        tpu.vector_store %arg8[%swap3A_685, %swap3A_686, %swap3A_687], %swap3A_690 {add = true, strides = array<i32>} : memref<5x80x128xf32, #tpu.memory_space<vmem>>, vector<1x1x16xf32>,
        %add3A_691 = arith.constant 80 : i32
        %add3A_692 = arith.addi %add3A_691, %add3A_677 : i32
        %get3A_693 = arith.index_cast %add3A_692 : i32 to index
        %get3A_694 = arith.constant 16 : index
        %get3A_695 = tpu.vector_load %arg7[%get3A_693, %get3A_694] {strides = array<i32>} : memref<240x128xf32, #tpu.memory_space<vmem>>, vector<1x16xf32>,
        %get3A_696 = vector.shape_cast %get3A_695 : vector<1x16xf32> to vector<16xf32>
        %swap3A_697 = arith.constant 1 : i32
        %swap3A_698 = arith.index_cast %swap3A_697 : i32 to index
        %swap3A_699 = arith.index_cast %add3A_677 : i32 to index
        %swap3A_700 = arith.constant 16 : index
        %swap3A_701 = tpu.vector_load %arg8[%swap3A_698, %swap3A_699, %swap3A_700] {strides = array<i32>} : memref<5x80x128xf32, #tpu.memory_space<vmem>>, vector<1x1x16xf32>,
        %swap3A_702 = vector.shape_cast %swap3A_701 : vector<1x1x16xf32> to vector<16xf32>
        %swap3A_703 = vector.shape_cast %get3A_696 : vector<16xf32> to vector<1x1x16xf32>
        tpu.vector_store %arg8[%swap3A_698, %swap3A_699, %swap3A_700], %swap3A_703 {add = true, strides = array<i32>} : memref<5x80x128xf32, #tpu.memory_space<vmem>>, vector<1x1x16xf32>,
        %add3A_704 = arith.constant 80 : i32
        %add3A_705 = arith.addi %add3A_704, %add3A_677 : i32
        %get3A_706 = arith.index_cast %add3A_705 : i32 to index
        %get3A_707 = arith.constant 32 : index
        %get3A_708 = tpu.vector_load %arg7[%get3A_706, %get3A_707] {strides = array<i32>} : memref<240x128xf32, #tpu.memory_space<vmem>>, vector<1x16xf32>,
        %get3A_709 = vector.shape_cast %get3A_708 : vector<1x16xf32> to vector<16xf32>
        %swap3A_710 = arith.constant 1 : i32
        %swap3A_711 = arith.index_cast %swap3A_710 : i32 to index
        %swap3A_712 = arith.index_cast %add3A_677 : i32 to index
        %swap3A_713 = arith.constant 32 : index
        %swap3A_714 = tpu.vector_load %arg8[%swap3A_711, %swap3A_712, %swap3A_713] {strides = array<i32>} : memref<5x80x128xf32, #tpu.memory_space<vmem>>, vector<1x1x16xf32>,
        %swap3A_715 = vector.shape_cast %swap3A_714 : vector<1x1x16xf32> to vector<16xf32>
        %swap3A_716 = vector.shape_cast %get3A_709 : vector<16xf32> to vector<1x1x16xf32>
        tpu.vector_store %arg8[%swap3A_711, %swap3A_712, %swap3A_713], %swap3A_716 {add = true, strides = array<i32>} : memref<5x80x128xf32, #tpu.memory_space<vmem>>, vector<1x1x16xf32>,
        %add3A_717 = arith.constant 80 : i32
        %add3A_718 = arith.addi %add3A_717, %add3A_677 : i32
        %get3A_719 = arith.index_cast %add3A_718 : i32 to index
        %get3A_720 = arith.constant 48 : index
        %get3A_721 = tpu.vector_load %arg7[%get3A_719, %get3A_720] {strides = array<i32>} : memref<240x128xf32, #tpu.memory_space<vmem>>, vector<1x16xf32>,
        %get3A_722 = vector.shape_cast %get3A_721 : vector<1x16xf32> to vector<16xf32>
        %swap3A_723 = arith.constant 1 : i32
        %swap3A_724 = arith.index_cast %swap3A_723 : i32 to index
        %swap3A_725 = arith.index_cast %add3A_677 : i32 to index
        %swap3A_726 = arith.constant 48 : index
        %swap3A_727 = tpu.vector_load %arg8[%swap3A_724, %swap3A_725, %swap3A_726] {strides = array<i32>} : memref<5x80x128xf32, #tpu.memory_space<vmem>>, vector<1x1x16xf32>,
        %swap3A_728 = vector.shape_cast %swap3A_727 : vector<1x1x16xf32> to vector<16xf32>
        %swap3A_729 = vector.shape_cast %get3A_722 : vector<16xf32> to vector<1x1x16xf32>
        tpu.vector_store %arg8[%swap3A_724, %swap3A_725, %swap3A_726], %swap3A_729 {add = true, strides = array<i32>} : memref<5x80x128xf32, #tpu.memory_space<vmem>>, vector<1x1x16xf32>,
        %add3A_730 = arith.constant 80 : i32
        %add3A_731 = arith.addi %add3A_730, %add3A_677 : i32
        %get3A_732 = arith.index_cast %add3A_731 : i32 to index
        %get3A_733 = arith.constant 64 : index
        %get3A_734 = tpu.vector_load %arg7[%get3A_732, %get3A_733] {strides = array<i32>} : memref<240x128xf32, #tpu.memory_space<vmem>>, vector<1x16xf32>,
        %get3A_735 = vector.shape_cast %get3A_734 : vector<1x16xf32> to vector<16xf32>
        %swap3A_736 = arith.constant 1 : i32
        %swap3A_737 = arith.index_cast %swap3A_736 : i32 to index
        %swap3A_738 = arith.index_cast %add3A_677 : i32 to index
        %swap3A_739 = arith.constant 64 : index
        %swap3A_740 = tpu.vector_load %arg8[%swap3A_737, %swap3A_738, %swap3A_739] {strides = array<i32>} : memref<5x80x128xf32, #tpu.memory_space<vmem>>, vector<1x1x16xf32>,
        %swap3A_741 = vector.shape_cast %swap3A_740 : vector<1x1x16xf32> to vector<16xf32>
        %swap3A_742 = vector.shape_cast %get3A_735 : vector<16xf32> to vector<1x1x16xf32>
        tpu.vector_store %arg8[%swap3A_737, %swap3A_738, %swap3A_739], %swap3A_742 {add = true, strides = array<i32>} : memref<5x80x128xf32, #tpu.memory_space<vmem>>, vector<1x1x16xf32>,
        %add3A_743 = arith.constant 80 : i32
        %add3A_744 = arith.addi %add3A_743, %add3A_677 : i32
        %get3A_745 = arith.index_cast %add3A_744 : i32 to index
        %get3A_746 = arith.constant 80 : index
        %get3A_747 = tpu.vector_load %arg7[%get3A_745, %get3A_746] {strides = array<i32>} : memref<240x128xf32, #tpu.memory_space<vmem>>, vector<1x16xf32>,
        %get3A_748 = vector.shape_cast %get3A_747 : vector<1x16xf32> to vector<16xf32>
        %swap3A_749 = arith.constant 1 : i32
        %swap3A_750 = arith.index_cast %swap3A_749 : i32 to index
        %swap3A_751 = arith.index_cast %add3A_677 : i32 to index
        %swap3A_752 = arith.constant 80 : index
        %swap3A_753 = tpu.vector_load %arg8[%swap3A_750, %swap3A_751, %swap3A_752] {strides = array<i32>} : memref<5x80x128xf32, #tpu.memory_space<vmem>>, vector<1x1x16xf32>,
        %swap3A_754 = vector.shape_cast %swap3A_753 : vector<1x1x16xf32> to vector<16xf32>
        %swap3A_755 = vector.shape_cast %get3A_748 : vector<16xf32> to vector<1x1x16xf32>
        tpu.vector_store %arg8[%swap3A_750, %swap3A_751, %swap3A_752], %swap3A_755 {add = true, strides = array<i32>} : memref<5x80x128xf32, #tpu.memory_space<vmem>>, vector<1x1x16xf32>,
        %add3A_756 = arith.constant 80 : i32
        %add3A_757 = arith.addi %add3A_756, %add3A_677 : i32
        %get3A_758 = arith.index_cast %add3A_757 : i32 to index
        %get3A_759 = arith.constant 96 : index
        %get3A_760 = tpu.vector_load %arg7[%get3A_758, %get3A_759] {strides = array<i32>} : memref<240x128xf32, #tpu.memory_space<vmem>>, vector<1x16xf32>,
        %get3A_761 = vector.shape_cast %get3A_760 : vector<1x16xf32> to vector<16xf32>
        %swap3A_762 = arith.constant 1 : i32
        %swap3A_763 = arith.index_cast %swap3A_762 : i32 to index
        %swap3A_764 = arith.index_cast %add3A_677 : i32 to index
        %swap3A_765 = arith.constant 96 : index
        %swap3A_766 = tpu.vector_load %arg8[%swap3A_763, %swap3A_764, %swap3A_765] {strides = array<i32>} : memref<5x80x128xf32, #tpu.memory_space<vmem>>, vector<1x1x16xf32>,
        %swap3A_767 = vector.shape_cast %swap3A_766 : vector<1x1x16xf32> to vector<16xf32>
        %swap3A_768 = vector.shape_cast %get3A_761 : vector<16xf32> to vector<1x1x16xf32>
        tpu.vector_store %arg8[%swap3A_763, %swap3A_764, %swap3A_765], %swap3A_768 {add = true, strides = array<i32>} : memref<5x80x128xf32, #tpu.memory_space<vmem>>, vector<1x1x16xf32>,
        %add3A_769 = arith.constant 80 : i32
        %add3A_770 = arith.addi %add3A_769, %add3A_677 : i32
        %get3A_771 = arith.index_cast %add3A_770 : i32 to index
        %get3A_772 = arith.constant 112 : index
        %get3A_773 = tpu.vector_load %arg7[%get3A_771, %get3A_772] {strides = array<i32>} : memref<240x128xf32, #tpu.memory_space<vmem>>, vector<1x16xf32>,
        %get3A_774 = vector.shape_cast %get3A_773 : vector<1x16xf32> to vector<16xf32>
        %swap3A_775 = arith.constant 1 : i32
        %swap3A_776 = arith.index_cast %swap3A_775 : i32 to index
        %swap3A_777 = arith.index_cast %add3A_677 : i32 to index
        %swap3A_778 = arith.constant 112 : index
        %swap3A_779 = tpu.vector_load %arg8[%swap3A_776, %swap3A_777, %swap3A_778] {strides = array<i32>} : memref<5x80x128xf32, #tpu.memory_space<vmem>>, vector<1x1x16xf32>,
        %swap3A_780 = vector.shape_cast %swap3A_779 : vector<1x1x16xf32> to vector<16xf32>
        %swap3A_781 = vector.shape_cast %get3A_774 : vector<16xf32> to vector<1x1x16xf32>
        tpu.vector_store %arg8[%swap3A_776, %swap3A_777, %swap3A_778], %swap3A_781 {add = true, strides = array<i32>} : memref<5x80x128xf32, #tpu.memory_space<vmem>>, vector<1x1x16xf32>,
        %mul3A_782 = arith.constant 4 : i32
        %mul3A_783 = arith.muli %scan3A_673, %mul3A_782 : i32
        %add3A_784 = arith.constant 1 : i32
        %add3A_785 = arith.addi %mul3A_783, %add3A_784 : i32
        %add3A_786 = arith.constant 80 : i32
        %add3A_787 = arith.addi %add3A_786, %add3A_785 : i32
        %get3A_788 = arith.index_cast %add3A_787 : i32 to index
        %get3A_789 = arith.constant 0 : index
        %get3A_790 = tpu.vector_load %arg7[%get3A_788, %get3A_789] {strides = array<i32>} : memref<240x128xf32, #tpu.memory_space<vmem>>, vector<1x16xf32>,
        %get3A_791 = vector.shape_cast %get3A_790 : vector<1x16xf32> to vector<16xf32>
        %swap3A_792 = arith.constant 1 : i32
        %swap3A_793 = arith.index_cast %swap3A_792 : i32 to index
        %swap3A_794 = arith.index_cast %add3A_785 : i32 to index
        %swap3A_795 = arith.constant 0 : index
        %swap3A_796 = tpu.vector_load %arg8[%swap3A_793, %swap3A_794, %swap3A_795] {strides = array<i32>} : memref<5x80x128xf32, #tpu.memory_space<vmem>>, vector<1x1x16xf32>,
        %swap3A_797 = vector.shape_cast %swap3A_796 : vector<1x1x16xf32> to vector<16xf32>
        %swap3A_798 = vector.shape_cast %get3A_791 : vector<16xf32> to vector<1x1x16xf32>
        tpu.vector_store %arg8[%swap3A_793, %swap3A_794, %swap3A_795], %swap3A_798 {add = true, strides = array<i32>} : memref<5x80x128xf32, #tpu.memory_space<vmem>>, vector<1x1x16xf32>,
        %add3A_799 = arith.constant 80 : i32
        %add3A_800 = arith.addi %add3A_799, %add3A_785 : i32
        %get3A_801 = arith.index_cast %add3A_800 : i32 to index
        %get3A_802 = arith.constant 16 : index
        %get3A_803 = tpu.vector_load %arg7[%get3A_801, %get3A_802] {strides = array<i32>} : memref<240x128xf32, #tpu.memory_space<vmem>>, vector<1x16xf32>,
        %get3A_804 = vector.shape_cast %get3A_803 : vector<1x16xf32> to vector<16xf32>
        %swap3A_805 = arith.constant 1 : i32
        %swap3A_806 = arith.index_cast %swap3A_805 : i32 to index
        %swap3A_807 = arith.index_cast %add3A_785 : i32 to index
        %swap3A_808 = arith.constant 16 : index
        %swap3A_809 = tpu.vector_load %arg8[%swap3A_806, %swap3A_807, %swap3A_808] {strides = array<i32>} : memref<5x80x128xf32, #tpu.memory_space<vmem>>, vector<1x1x16xf32>,
        %swap3A_810 = vector.shape_cast %swap3A_809 : vector<1x1x16xf32> to vector<16xf32>
        %swap3A_811 = vector.shape_cast %get3A_804 : vector<16xf32> to vector<1x1x16xf32>
        tpu.vector_store %arg8[%swap3A_806, %swap3A_807, %swap3A_808], %swap3A_811 {add = true, strides = array<i32>} : memref<5x80x128xf32, #tpu.memory_space<vmem>>, vector<1x1x16xf32>,
        %add3A_812 = arith.constant 80 : i32
        %add3A_813 = arith.addi %add3A_812, %add3A_785 : i32
        %get3A_814 = arith.index_cast %add3A_813 : i32 to index
        %get3A_815 = arith.constant 32 : index
        %get3A_816 = tpu.vector_load %arg7[%get3A_814, %get3A_815] {strides = array<i32>} : memref<240x128xf32, #tpu.memory_space<vmem>>, vector<1x16xf32>,
        %get3A_817 = vector.shape_cast %get3A_816 : vector<1x16xf32> to vector<16xf32>
        %swap3A_818 = arith.constant 1 : i32
        %swap3A_819 = arith.index_cast %swap3A_818 : i32 to index
        %swap3A_820 = arith.index_cast %add3A_785 : i32 to index
        %swap3A_821 = arith.constant 32 : index
        %swap3A_822 = tpu.vector_load %arg8[%swap3A_819, %swap3A_820, %swap3A_821] {strides = array<i32>} : memref<5x80x128xf32, #tpu.memory_space<vmem>>, vector<1x1x16xf32>,
        %swap3A_823 = vector.shape_cast %swap3A_822 : vector<1x1x16xf32> to vector<16xf32>
        %swap3A_824 = vector.shape_cast %get3A_817 : vector<16xf32> to vector<1x1x16xf32>
        tpu.vector_store %arg8[%swap3A_819, %swap3A_820, %swap3A_821], %swap3A_824 {add = true, strides = array<i32>} : memref<5x80x128xf32, #tpu.memory_space<vmem>>, vector<1x1x16xf32>,
        %add3A_825 = arith.constant 80 : i32
        %add3A_826 = arith.addi %add3A_825, %add3A_785 : i32
        %get3A_827 = arith.index_cast %add3A_826 : i32 to index
        %get3A_828 = arith.constant 48 : index
        %get3A_829 = tpu.vector_load %arg7[%get3A_827, %get3A_828] {strides = array<i32>} : memref<240x128xf32, #tpu.memory_space<vmem>>, vector<1x16xf32>,
        %get3A_830 = vector.shape_cast %get3A_829 : vector<1x16xf32> to vector<16xf32>
        %swap3A_831 = arith.constant 1 : i32
        %swap3A_832 = arith.index_cast %swap3A_831 : i32 to index
        %swap3A_833 = arith.index_cast %add3A_785 : i32 to index
        %swap3A_834 = arith.constant 48 : index
        %swap3A_835 = tpu.vector_load %arg8[%swap3A_832, %swap3A_833, %swap3A_834] {strides = array<i32>} : memref<5x80x128xf32, #tpu.memory_space<vmem>>, vector<1x1x16xf32>,
        %swap3A_836 = vector.shape_cast %swap3A_835 : vector<1x1x16xf32> to vector<16xf32>
        %swap3A_837 = vector.shape_cast %get3A_830 : vector<16xf32> to vector<1x1x16xf32>
        tpu.vector_store %arg8[%swap3A_832, %swap3A_833, %swap3A_834], %swap3A_837 {add = true, strides = array<i32>} : memref<5x80x128xf32, #tpu.memory_space<vmem>>, vector<1x1x16xf32>,
        %add3A_838 = arith.constant 80 : i32
        %add3A_839 = arith.addi %add3A_838, %add3A_785 : i32
        %get3A_840 = arith.index_cast %add3A_839 : i32 to index
        %get3A_841 = arith.constant 64 : index
        %get3A_842 = tpu.vector_load %arg7[%get3A_840, %get3A_841] {strides = array<i32>} : memref<240x128xf32, #tpu.memory_space<vmem>>, vector<1x16xf32>,
        %get3A_843 = vector.shape_cast %get3A_842 : vector<1x16xf32> to vector<16xf32>
        %swap3A_844 = arith.constant 1 : i32
        %swap3A_845 = arith.index_cast %swap3A_844 : i32 to index
        %swap3A_846 = arith.index_cast %add3A_785 : i32 to index
        %swap3A_847 = arith.constant 64 : index
        %swap3A_848 = tpu.vector_load %arg8[%swap3A_845, %swap3A_846, %swap3A_847] {strides = array<i32>} : memref<5x80x128xf32, #tpu.memory_space<vmem>>, vector<1x1x16xf32>,
        %swap3A_849 = vector.shape_cast %swap3A_848 : vector<1x1x16xf32> to vector<16xf32>
        %swap3A_850 = vector.shape_cast %get3A_843 : vector<16xf32> to vector<1x1x16xf32>
        tpu.vector_store %arg8[%swap3A_845, %swap3A_846, %swap3A_847], %swap3A_850 {add = true, strides = array<i32>} : memref<5x80x128xf32, #tpu.memory_space<vmem>>, vector<1x1x16xf32>,
        %add3A_851 = arith.constant 80 : i32
        %add3A_852 = arith.addi %add3A_851, %add3A_785 : i32
        %get3A_853 = arith.index_cast %add3A_852 : i32 to index
        %get3A_854 = arith.constant 80 : index
        %get3A_855 = tpu.vector_load %arg7[%get3A_853, %get3A_854] {strides = array<i32>} : memref<240x128xf32, #tpu.memory_space<vmem>>, vector<1x16xf32>,
        %get3A_856 = vector.shape_cast %get3A_855 : vector<1x16xf32> to vector<16xf32>
        %swap3A_857 = arith.constant 1 : i32
        %swap3A_858 = arith.index_cast %swap3A_857 : i32 to index
        %swap3A_859 = arith.index_cast %add3A_785 : i32 to index
        %swap3A_860 = arith.constant 80 : index
        %swap3A_861 = tpu.vector_load %arg8[%swap3A_858, %swap3A_859, %swap3A_860] {strides = array<i32>} : memref<5x80x128xf32, #tpu.memory_space<vmem>>, vector<1x1x16xf32>,
        %swap3A_862 = vector.shape_cast %swap3A_861 : vector<1x1x16xf32> to vector<16xf32>
        %swap3A_863 = vector.shape_cast %get3A_856 : vector<16xf32> to vector<1x1x16xf32>
        tpu.vector_store %arg8[%swap3A_858, %swap3A_859, %swap3A_860], %swap3A_863 {add = true, strides = array<i32>} : memref<5x80x128xf32, #tpu.memory_space<vmem>>, vector<1x1x16xf32>,
        %add3A_864 = arith.constant 80 : i32
        %add3A_865 = arith.addi %add3A_864, %add3A_785 : i32
        %get3A_866 = arith.index_cast %add3A_865 : i32 to index
        %get3A_867 = arith.constant 96 : index
        %get3A_868 = tpu.vector_load %arg7[%get3A_866, %get3A_867] {strides = array<i32>} : memref<240x128xf32, #tpu.memory_space<vmem>>, vector<1x16xf32>,
        %get3A_869 = vector.shape_cast %get3A_868 : vector<1x16xf32> to vector<16xf32>
        %swap3A_870 = arith.constant 1 : i32
        %swap3A_871 = arith.index_cast %swap3A_870 : i32 to index
        %swap3A_872 = arith.index_cast %add3A_785 : i32 to index
        %swap3A_873 = arith.constant 96 : index
        %swap3A_874 = tpu.vector_load %arg8[%swap3A_871, %swap3A_872, %swap3A_873] {strides = array<i32>} : memref<5x80x128xf32, #tpu.memory_space<vmem>>, vector<1x1x16xf32>,
        %swap3A_875 = vector.shape_cast %swap3A_874 : vector<1x1x16xf32> to vector<16xf32>
        %swap3A_876 = vector.shape_cast %get3A_869 : vector<16xf32> to vector<1x1x16xf32>
        tpu.vector_store %arg8[%swap3A_871, %swap3A_872, %swap3A_873], %swap3A_876 {add = true, strides = array<i32>} : memref<5x80x128xf32, #tpu.memory_space<vmem>>, vector<1x1x16xf32>,
        %add3A_877 = arith.constant 80 : i32
        %add3A_878 = arith.addi %add3A_877, %add3A_785 : i32
        %get3A_879 = arith.index_cast %add3A_878 : i32 to index
        %get3A_880 = arith.constant 112 : index
        %get3A_881 = tpu.vector_load %arg7[%get3A_879, %get3A_880] {strides = array<i32>} : memref<240x128xf32, #tpu.memory_space<vmem>>, vector<1x16xf32>,
        %get3A_882 = vector.shape_cast %get3A_881 : vector<1x16xf32> to vector<16xf32>
        %swap3A_883 = arith.constant 1 : i32
        %swap3A_884 = arith.index_cast %swap3A_883 : i32 to index
        %swap3A_885 = arith.index_cast %add3A_785 : i32 to index
        %swap3A_886 = arith.constant 112 : index
        %swap3A_887 = tpu.vector_load %arg8[%swap3A_884, %swap3A_885, %swap3A_886] {strides = array<i32>} : memref<5x80x128xf32, #tpu.memory_space<vmem>>, vector<1x1x16xf32>,
        %swap3A_888 = vector.shape_cast %swap3A_887 : vector<1x1x16xf32> to vector<16xf32>
        %swap3A_889 = vector.shape_cast %get3A_882 : vector<16xf32> to vector<1x1x16xf32>
        tpu.vector_store %arg8[%swap3A_884, %swap3A_885, %swap3A_886], %swap3A_889 {add = true, strides = array<i32>} : memref<5x80x128xf32, #tpu.memory_space<vmem>>, vector<1x1x16xf32>,
        %mul3A_890 = arith.constant 4 : i32
        %mul3A_891 = arith.muli %scan3A_673, %mul3A_890 : i32
        %add3A_892 = arith.constant 2 : i32
        %add3A_893 = arith.addi %mul3A_891, %add3A_892 : i32
        %add3A_894 = arith.constant 80 : i32
        %add3A_895 = arith.addi %add3A_894, %add3A_893 : i32
        %get3A_896 = arith.index_cast %add3A_895 : i32 to index
        %get3A_897 = arith.constant 0 : index
        %get3A_898 = tpu.vector_load %arg7[%get3A_896, %get3A_897] {strides = array<i32>} : memref<240x128xf32, #tpu.memory_space<vmem>>, vector<1x16xf32>,
        %get3A_899 = vector.shape_cast %get3A_898 : vector<1x16xf32> to vector<16xf32>
        %swap3A_900 = arith.constant 1 : i32
        %swap3A_901 = arith.index_cast %swap3A_900 : i32 to index
        %swap3A_902 = arith.index_cast %add3A_893 : i32 to index
        %swap3A_903 = arith.constant 0 : index
        %swap3A_904 = tpu.vector_load %arg8[%swap3A_901, %swap3A_902, %swap3A_903] {strides = array<i32>} : memref<5x80x128xf32, #tpu.memory_space<vmem>>, vector<1x1x16xf32>,
        %swap3A_905 = vector.shape_cast %swap3A_904 : vector<1x1x16xf32> to vector<16xf32>
        %swap3A_906 = vector.shape_cast %get3A_899 : vector<16xf32> to vector<1x1x16xf32>
        tpu.vector_store %arg8[%swap3A_901, %swap3A_902, %swap3A_903], %swap3A_906 {add = true, strides = array<i32>} : memref<5x80x128xf32, #tpu.memory_space<vmem>>, vector<1x1x16xf32>,
        %add3A_907 = arith.constant 80 : i32
        %add3A_908 = arith.addi %add3A_907, %add3A_893 : i32
        %get3A_909 = arith.index_cast %add3A_908 : i32 to index
        %get3A_910 = arith.constant 16 : index
        %get3A_911 = tpu.vector_load %arg7[%get3A_909, %get3A_910] {strides = array<i32>} : memref<240x128xf32, #tpu.memory_space<vmem>>, vector<1x16xf32>,
        %get3A_912 = vector.shape_cast %get3A_911 : vector<1x16xf32> to vector<16xf32>
        %swap3A_913 = arith.constant 1 : i32
        %swap3A_914 = arith.index_cast %swap3A_913 : i32 to index
        %swap3A_915 = arith.index_cast %add3A_893 : i32 to index
        %swap3A_916 = arith.constant 16 : index
        %swap3A_917 = tpu.vector_load %arg8[%swap3A_914, %swap3A_915, %swap3A_916] {strides = array<i32>} : memref<5x80x128xf32, #tpu.memory_space<vmem>>, vector<1x1x16xf32>,
        %swap3A_918 = vector.shape_cast %swap3A_917 : vector<1x1x16xf32> to vector<16xf32>
        %swap3A_919 = vector.shape_cast %get3A_912 : vector<16xf32> to vector<1x1x16xf32>
        tpu.vector_store %arg8[%swap3A_914, %swap3A_915, %swap3A_916], %swap3A_919 {add = true, strides = array<i32>} : memref<5x80x128xf32, #tpu.memory_space<vmem>>, vector<1x1x16xf32>,
        %add3A_920 = arith.constant 80 : i32
        %add3A_921 = arith.addi %add3A_920, %add3A_893 : i32
        %get3A_922 = arith.index_cast %add3A_921 : i32 to index
        %get3A_923 = arith.constant 32 : index
        %get3A_924 = tpu.vector_load %arg7[%get3A_922, %get3A_923] {strides = array<i32>} : memref<240x128xf32, #tpu.memory_space<vmem>>, vector<1x16xf32>,
        %get3A_925 = vector.shape_cast %get3A_924 : vector<1x16xf32> to vector<16xf32>
        %swap3A_926 = arith.constant 1 : i32
        %swap3A_927 = arith.index_cast %swap3A_926 : i32 to index
        %swap3A_928 = arith.index_cast %add3A_893 : i32 to index
        %swap3A_929 = arith.constant 32 : index
        %swap3A_930 = tpu.vector_load %arg8[%swap3A_927, %swap3A_928, %swap3A_929] {strides = array<i32>} : memref<5x80x128xf32, #tpu.memory_space<vmem>>, vector<1x1x16xf32>,
        %swap3A_931 = vector.shape_cast %swap3A_930 : vector<1x1x16xf32> to vector<16xf32>
        %swap3A_932 = vector.shape_cast %get3A_925 : vector<16xf32> to vector<1x1x16xf32>
        tpu.vector_store %arg8[%swap3A_927, %swap3A_928, %swap3A_929], %swap3A_932 {add = true, strides = array<i32>} : memref<5x80x128xf32, #tpu.memory_space<vmem>>, vector<1x1x16xf32>,
        %add3A_933 = arith.constant 80 : i32
        %add3A_934 = arith.addi %add3A_933, %add3A_893 : i32
        %get3A_935 = arith.index_cast %add3A_934 : i32 to index
        %get3A_936 = arith.constant 48 : index
        %get3A_937 = tpu.vector_load %arg7[%get3A_935, %get3A_936] {strides = array<i32>} : memref<240x128xf32, #tpu.memory_space<vmem>>, vector<1x16xf32>,
        %get3A_938 = vector.shape_cast %get3A_937 : vector<1x16xf32> to vector<16xf32>
        %swap3A_939 = arith.constant 1 : i32
        %swap3A_940 = arith.index_cast %swap3A_939 : i32 to index
        %swap3A_941 = arith.index_cast %add3A_893 : i32 to index
        %swap3A_942 = arith.constant 48 : index
        %swap3A_943 = tpu.vector_load %arg8[%swap3A_940, %swap3A_941, %swap3A_942] {strides = array<i32>} : memref<5x80x128xf32, #tpu.memory_space<vmem>>, vector<1x1x16xf32>,
        %swap3A_944 = vector.shape_cast %swap3A_943 : vector<1x1x16xf32> to vector<16xf32>
        %swap3A_945 = vector.shape_cast %get3A_938 : vector<16xf32> to vector<1x1x16xf32>
        tpu.vector_store %arg8[%swap3A_940, %swap3A_941, %swap3A_942], %swap3A_945 {add = true, strides = array<i32>} : memref<5x80x128xf32, #tpu.memory_space<vmem>>, vector<1x1x16xf32>,
        %add3A_946 = arith.constant 80 : i32
        %add3A_947 = arith.addi %add3A_946, %add3A_893 : i32
        %get3A_948 = arith.index_cast %add3A_947 : i32 to index
        %get3A_949 = arith.constant 64 : index
        %get3A_950 = tpu.vector_load %arg7[%get3A_948, %get3A_949] {strides = array<i32>} : memref<240x128xf32, #tpu.memory_space<vmem>>, vector<1x16xf32>,
        %get3A_951 = vector.shape_cast %get3A_950 : vector<1x16xf32> to vector<16xf32>
        %swap3A_952 = arith.constant 1 : i32
        %swap3A_953 = arith.index_cast %swap3A_952 : i32 to index
        %swap3A_954 = arith.index_cast %add3A_893 : i32 to index
        %swap3A_955 = arith.constant 64 : index
        %swap3A_956 = tpu.vector_load %arg8[%swap3A_953, %swap3A_954, %swap3A_955] {strides = array<i32>} : memref<5x80x128xf32, #tpu.memory_space<vmem>>, vector<1x1x16xf32>,
        %swap3A_957 = vector.shape_cast %swap3A_956 : vector<1x1x16xf32> to vector<16xf32>
        %swap3A_958 = vector.shape_cast %get3A_951 : vector<16xf32> to vector<1x1x16xf32>
        tpu.vector_store %arg8[%swap3A_953, %swap3A_954, %swap3A_955], %swap3A_958 {add = true, strides = array<i32>} : memref<5x80x128xf32, #tpu.memory_space<vmem>>, vector<1x1x16xf32>,
        %add3A_959 = arith.constant 80 : i32
        %add3A_960 = arith.addi %add3A_959, %add3A_893 : i32
        %get3A_961 = arith.index_cast %add3A_960 : i32 to index
        %get3A_962 = arith.constant 80 : index
        %get3A_963 = tpu.vector_load %arg7[%get3A_961, %get3A_962] {strides = array<i32>} : memref<240x128xf32, #tpu.memory_space<vmem>>, vector<1x16xf32>,
        %get3A_964 = vector.shape_cast %get3A_963 : vector<1x16xf32> to vector<16xf32>
        %swap3A_965 = arith.constant 1 : i32
        %swap3A_966 = arith.index_cast %swap3A_965 : i32 to index
        %swap3A_967 = arith.index_cast %add3A_893 : i32 to index
        %swap3A_968 = arith.constant 80 : index
        %swap3A_969 = tpu.vector_load %arg8[%swap3A_966, %swap3A_967, %swap3A_968] {strides = array<i32>} : memref<5x80x128xf32, #tpu.memory_space<vmem>>, vector<1x1x16xf32>,
        %swap3A_970 = vector.shape_cast %swap3A_969 : vector<1x1x16xf32> to vector<16xf32>
        %swap3A_971 = vector.shape_cast %get3A_964 : vector<16xf32> to vector<1x1x16xf32>
        tpu.vector_store %arg8[%swap3A_966, %swap3A_967, %swap3A_968], %swap3A_971 {add = true, strides = array<i32>} : memref<5x80x128xf32, #tpu.memory_space<vmem>>, vector<1x1x16xf32>,
        %add3A_972 = arith.constant 80 : i32
        %add3A_973 = arith.addi %add3A_972, %add3A_893 : i32
        %get3A_974 = arith.index_cast %add3A_973 : i32 to index
        %get3A_975 = arith.constant 96 : index
        %get3A_976 = tpu.vector_load %arg7[%get3A_974, %get3A_975] {strides = array<i32>} : memref<240x128xf32, #tpu.memory_space<vmem>>, vector<1x16xf32>,
        %get3A_977 = vector.shape_cast %get3A_976 : vector<1x16xf32> to vector<16xf32>
        %swap3A_978 = arith.constant 1 : i32
        %swap3A_979 = arith.index_cast %swap3A_978 : i32 to index
        %swap3A_980 = arith.index_cast %add3A_893 : i32 to index
        %swap3A_981 = arith.constant 96 : index
        %swap3A_982 = tpu.vector_load %arg8[%swap3A_979, %swap3A_980, %swap3A_981] {strides = array<i32>} : memref<5x80x128xf32, #tpu.memory_space<vmem>>, vector<1x1x16xf32>,
        %swap3A_983 = vector.shape_cast %swap3A_982 : vector<1x1x16xf32> to vector<16xf32>
        %swap3A_984 = vector.shape_cast %get3A_977 : vector<16xf32> to vector<1x1x16xf32>
        tpu.vector_store %arg8[%swap3A_979, %swap3A_980, %swap3A_981], %swap3A_984 {add = true, strides = array<i32>} : memref<5x80x128xf32, #tpu.memory_space<vmem>>, vector<1x1x16xf32>,
        %add3A_985 = arith.constant 80 : i32
        %add3A_986 = arith.addi %add3A_985, %add3A_893 : i32
        %get3A_987 = arith.index_cast %add3A_986 : i32 to index
        %get3A_988 = arith.constant 112 : index
        %get3A_989 = tpu.vector_load %arg7[%get3A_987, %get3A_988] {strides = array<i32>} : memref<240x128xf32, #tpu.memory_space<vmem>>, vector<1x16xf32>,
        %get3A_990 = vector.shape_cast %get3A_989 : vector<1x16xf32> to vector<16xf32>
        %swap3A_991 = arith.constant 1 : i32
        %swap3A_992 = arith.index_cast %swap3A_991 : i32 to index
        %swap3A_993 = arith.index_cast %add3A_893 : i32 to index
        %swap3A_994 = arith.constant 112 : index
        %swap3A_995 = tpu.vector_load %arg8[%swap3A_992, %swap3A_993, %swap3A_994] {strides = array<i32>} : memref<5x80x128xf32, #tpu.memory_space<vmem>>, vector<1x1x16xf32>,
        %swap3A_996 = vector.shape_cast %swap3A_995 : vector<1x1x16xf32> to vector<16xf32>
        %swap3A_997 = vector.shape_cast %get3A_990 : vector<16xf32> to vector<1x1x16xf32>
        tpu.vector_store %arg8[%swap3A_992, %swap3A_993, %swap3A_994], %swap3A_997 {add = true, strides = array<i32>} : memref<5x80x128xf32, #tpu.memory_space<vmem>>, vector<1x1x16xf32>,
        %mul3A_998 = arith.constant 4 : i32
        %mul3A_999 = arith.muli %scan3A_673, %mul3A_998 : i32
        %add3A_1000 = arith.constant 3 : i32
        %add3A_1001 = arith.addi %mul3A_999, %add3A_1000 : i32
        %add3A_1002 = arith.constant 80 : i32
        %add3A_1003 = arith.addi %add3A_1002, %add3A_1001 : i32
        %get3A_1004 = arith.index_cast %add3A_1003 : i32 to index
        %get3A_1005 = arith.constant 0 : index
        %get3A_1006 = tpu.vector_load %arg7[%get3A_1004, %get3A_1005] {strides = array<i32>} : memref<240x128xf32, #tpu.memory_space<vmem>>, vector<1x16xf32>,
        %get3A_1007 = vector.shape_cast %get3A_1006 : vector<1x16xf32> to vector<16xf32>
        %swap3A_1008 = arith.constant 1 : i32
        %swap3A_1009 = arith.index_cast %swap3A_1008 : i32 to index
        %swap3A_1010 = arith.index_cast %add3A_1001 : i32 to index
        %swap3A_1011 = arith.constant 0 : index
        %swap3A_1012 = tpu.vector_load %arg8[%swap3A_1009, %swap3A_1010, %swap3A_1011] {strides = array<i32>} : memref<5x80x128xf32, #tpu.memory_space<vmem>>, vector<1x1x16xf32>,
        %swap3A_1013 = vector.shape_cast %swap3A_1012 : vector<1x1x16xf32> to vector<16xf32>
        %swap3A_1014 = vector.shape_cast %get3A_1007 : vector<16xf32> to vector<1x1x16xf32>
        tpu.vector_store %arg8[%swap3A_1009, %swap3A_1010, %swap3A_1011], %swap3A_1014 {add = true, strides = array<i32>} : memref<5x80x128xf32, #tpu.memory_space<vmem>>, vector<1x1x16xf32>,
        %add3A_1015 = arith.constant 80 : i32
        %add3A_1016 = arith.addi %add3A_1015, %add3A_1001 : i32
        %get3A_1017 = arith.index_cast %add3A_1016 : i32 to index
        %get3A_1018 = arith.constant 16 : index
        %get3A_1019 = tpu.vector_load %arg7[%get3A_1017, %get3A_1018] {strides = array<i32>} : memref<240x128xf32, #tpu.memory_space<vmem>>, vector<1x16xf32>,
        %get3A_1020 = vector.shape_cast %get3A_1019 : vector<1x16xf32> to vector<16xf32>
        %swap3A_1021 = arith.constant 1 : i32
        %swap3A_1022 = arith.index_cast %swap3A_1021 : i32 to index
        %swap3A_1023 = arith.index_cast %add3A_1001 : i32 to index
        %swap3A_1024 = arith.constant 16 : index
        %swap3A_1025 = tpu.vector_load %arg8[%swap3A_1022, %swap3A_1023, %swap3A_1024] {strides = array<i32>} : memref<5x80x128xf32, #tpu.memory_space<vmem>>, vector<1x1x16xf32>,
        %swap3A_1026 = vector.shape_cast %swap3A_1025 : vector<1x1x16xf32> to vector<16xf32>
        %swap3A_1027 = vector.shape_cast %get3A_1020 : vector<16xf32> to vector<1x1x16xf32>
        tpu.vector_store %arg8[%swap3A_1022, %swap3A_1023, %swap3A_1024], %swap3A_1027 {add = true, strides = array<i32>} : memref<5x80x128xf32, #tpu.memory_space<vmem>>, vector<1x1x16xf32>,
        %add3A_1028 = arith.constant 80 : i32
        %add3A_1029 = arith.addi %add3A_1028, %add3A_1001 : i32
        %get3A_1030 = arith.index_cast %add3A_1029 : i32 to index
        %get3A_1031 = arith.constant 32 : index
        %get3A_1032 = tpu.vector_load %arg7[%get3A_1030, %get3A_1031] {strides = array<i32>} : memref<240x128xf32, #tpu.memory_space<vmem>>, vector<1x16xf32>,
        %get3A_1033 = vector.shape_cast %get3A_1032 : vector<1x16xf32> to vector<16xf32>
        %swap3A_1034 = arith.constant 1 : i32
        %swap3A_1035 = arith.index_cast %swap3A_1034 : i32 to index
        %swap3A_1036 = arith.index_cast %add3A_1001 : i32 to index
        %swap3A_1037 = arith.constant 32 : index
        %swap3A_1038 = tpu.vector_load %arg8[%swap3A_1035, %swap3A_1036, %swap3A_1037] {strides = array<i32>} : memref<5x80x128xf32, #tpu.memory_space<vmem>>, vector<1x1x16xf32>,
        %swap3A_1039 = vector.shape_cast %swap3A_1038 : vector<1x1x16xf32> to vector<16xf32>
        %swap3A_1040 = vector.shape_cast %get3A_1033 : vector<16xf32> to vector<1x1x16xf32>
        tpu.vector_store %arg8[%swap3A_1035, %swap3A_1036, %swap3A_1037], %swap3A_1040 {add = true, strides = array<i32>} : memref<5x80x128xf32, #tpu.memory_space<vmem>>, vector<1x1x16xf32>,
        %add3A_1041 = arith.constant 80 : i32
        %add3A_1042 = arith.addi %add3A_1041, %add3A_1001 : i32
        %get3A_1043 = arith.index_cast %add3A_1042 : i32 to index
        %get3A_1044 = arith.constant 48 : index
        %get3A_1045 = tpu.vector_load %arg7[%get3A_1043, %get3A_1044] {strides = array<i32>} : memref<240x128xf32, #tpu.memory_space<vmem>>, vector<1x16xf32>,
        %get3A_1046 = vector.shape_cast %get3A_1045 : vector<1x16xf32> to vector<16xf32>
        %swap3A_1047 = arith.constant 1 : i32
        %swap3A_1048 = arith.index_cast %swap3A_1047 : i32 to index
        %swap3A_1049 = arith.index_cast %add3A_1001 : i32 to index
        %swap3A_1050 = arith.constant 48 : index
        %swap3A_1051 = tpu.vector_load %arg8[%swap3A_1048, %swap3A_1049, %swap3A_1050] {strides = array<i32>} : memref<5x80x128xf32, #tpu.memory_space<vmem>>, vector<1x1x16xf32>,
        %swap3A_1052 = vector.shape_cast %swap3A_1051 : vector<1x1x16xf32> to vector<16xf32>
        %swap3A_1053 = vector.shape_cast %get3A_1046 : vector<16xf32> to vector<1x1x16xf32>
        tpu.vector_store %arg8[%swap3A_1048, %swap3A_1049, %swap3A_1050], %swap3A_1053 {add = true, strides = array<i32>} : memref<5x80x128xf32, #tpu.memory_space<vmem>>, vector<1x1x16xf32>,
        %add3A_1054 = arith.constant 80 : i32
        %add3A_1055 = arith.addi %add3A_1054, %add3A_1001 : i32
        %get3A_1056 = arith.index_cast %add3A_1055 : i32 to index
        %get3A_1057 = arith.constant 64 : index
        %get3A_1058 = tpu.vector_load %arg7[%get3A_1056, %get3A_1057] {strides = array<i32>} : memref<240x128xf32, #tpu.memory_space<vmem>>, vector<1x16xf32>,
        %get3A_1059 = vector.shape_cast %get3A_1058 : vector<1x16xf32> to vector<16xf32>
        %swap3A_1060 = arith.constant 1 : i32
        %swap3A_1061 = arith.index_cast %swap3A_1060 : i32 to index
        %swap3A_1062 = arith.index_cast %add3A_1001 : i32 to index
        %swap3A_1063 = arith.constant 64 : index
        %swap3A_1064 = tpu.vector_load %arg8[%swap3A_1061, %swap3A_1062, %swap3A_1063] {strides = array<i32>} : memref<5x80x128xf32, #tpu.memory_space<vmem>>, vector<1x1x16xf32>,
        %swap3A_1065 = vector.shape_cast %swap3A_1064 : vector<1x1x16xf32> to vector<16xf32>
        %swap3A_1066 = vector.shape_cast %get3A_1059 : vector<16xf32> to vector<1x1x16xf32>
        tpu.vector_store %arg8[%swap3A_1061, %swap3A_1062, %swap3A_1063], %swap3A_1066 {add = true, strides = array<i32>} : memref<5x80x128xf32, #tpu.memory_space<vmem>>, vector<1x1x16xf32>,
        %add3A_1067 = arith.constant 80 : i32
        %add3A_1068 = arith.addi %add3A_1067, %add3A_1001 : i32
        %get3A_1069 = arith.index_cast %add3A_1068 : i32 to index
        %get3A_1070 = arith.constant 80 : index
        %get3A_1071 = tpu.vector_load %arg7[%get3A_1069, %get3A_1070] {strides = array<i32>} : memref<240x128xf32, #tpu.memory_space<vmem>>, vector<1x16xf32>,
        %get3A_1072 = vector.shape_cast %get3A_1071 : vector<1x16xf32> to vector<16xf32>
        %swap3A_1073 = arith.constant 1 : i32
        %swap3A_1074 = arith.index_cast %swap3A_1073 : i32 to index
        %swap3A_1075 = arith.index_cast %add3A_1001 : i32 to index
        %swap3A_1076 = arith.constant 80 : index
        %swap3A_1077 = tpu.vector_load %arg8[%swap3A_1074, %swap3A_1075, %swap3A_1076] {strides = array<i32>} : memref<5x80x128xf32, #tpu.memory_space<vmem>>, vector<1x1x16xf32>,
        %swap3A_1078 = vector.shape_cast %swap3A_1077 : vector<1x1x16xf32> to vector<16xf32>
        %swap3A_1079 = vector.shape_cast %get3A_1072 : vector<16xf32> to vector<1x1x16xf32>
        tpu.vector_store %arg8[%swap3A_1074, %swap3A_1075, %swap3A_1076], %swap3A_1079 {add = true, strides = array<i32>} : memref<5x80x128xf32, #tpu.memory_space<vmem>>, vector<1x1x16xf32>,
        %add3A_1080 = arith.constant 80 : i32
        %add3A_1081 = arith.addi %add3A_1080, %add3A_1001 : i32
        %get3A_1082 = arith.index_cast %add3A_1081 : i32 to index
        %get3A_1083 = arith.constant 96 : index
        %get3A_1084 = tpu.vector_load %arg7[%get3A_1082, %get3A_1083] {strides = array<i32>} : memref<240x128xf32, #tpu.memory_space<vmem>>, vector<1x16xf32>,
        %get3A_1085 = vector.shape_cast %get3A_1084 : vector<1x16xf32> to vector<16xf32>
        %swap3A_1086 = arith.constant 1 : i32
        %swap3A_1087 = arith.index_cast %swap3A_1086 : i32 to index
        %swap3A_1088 = arith.index_cast %add3A_1001 : i32 to index
        %swap3A_1089 = arith.constant 96 : index
        %swap3A_1090 = tpu.vector_load %arg8[%swap3A_1087, %swap3A_1088, %swap3A_1089] {strides = array<i32>} : memref<5x80x128xf32, #tpu.memory_space<vmem>>, vector<1x1x16xf32>,
        %swap3A_1091 = vector.shape_cast %swap3A_1090 : vector<1x1x16xf32> to vector<16xf32>
        %swap3A_1092 = vector.shape_cast %get3A_1085 : vector<16xf32> to vector<1x1x16xf32>
        tpu.vector_store %arg8[%swap3A_1087, %swap3A_1088, %swap3A_1089], %swap3A_1092 {add = true, strides = array<i32>} : memref<5x80x128xf32, #tpu.memory_space<vmem>>, vector<1x1x16xf32>,
        %add3A_1093 = arith.constant 80 : i32
        %add3A_1094 = arith.addi %add3A_1093, %add3A_1001 : i32
        %get3A_1095 = arith.index_cast %add3A_1094 : i32 to index
        %get3A_1096 = arith.constant 112 : index
        %get3A_1097 = tpu.vector_load %arg7[%get3A_1095, %get3A_1096] {strides = array<i32>} : memref<240x128xf32, #tpu.memory_space<vmem>>, vector<1x16xf32>,
        %get3A_1098 = vector.shape_cast %get3A_1097 : vector<1x16xf32> to vector<16xf32>
        %swap3A_1099 = arith.constant 1 : i32
        %swap3A_1100 = arith.index_cast %swap3A_1099 : i32 to index
        %swap3A_1101 = arith.index_cast %add3A_1001 : i32 to index
        %swap3A_1102 = arith.constant 112 : index
        %swap3A_1103 = tpu.vector_load %arg8[%swap3A_1100, %swap3A_1101, %swap3A_1102] {strides = array<i32>} : memref<5x80x128xf32, #tpu.memory_space<vmem>>, vector<1x1x16xf32>,
        %swap3A_1104 = vector.shape_cast %swap3A_1103 : vector<1x1x16xf32> to vector<16xf32>
        %swap3A_1105 = vector.shape_cast %get3A_1098 : vector<16xf32> to vector<1x1x16xf32>
        tpu.vector_store %arg8[%swap3A_1100, %swap3A_1101, %swap3A_1102], %swap3A_1105 {add = true, strides = array<i32>} : memref<5x80x128xf32, #tpu.memory_space<vmem>>, vector<1x1x16xf32>,
      }
      %scan3A_437 = arith.constant 20 : i32
      %mul3A_438 = arith.constant 80 : i32
      %mul3A_439 = arith.muli %add3A_394, %mul3A_438 : i32
      %add3A_440 = arith.addi %mul3A_2, %mul3A_439 : i32
      %dma_start3A_441 = arith.constant 1 : i32
      %dma_start3A_442 = arith.constant 0 : i32
      %dma_start3A_443 = arith.constant 0 : i32
      %dma_start3A_444 = tpu.memref_slice %arg8[%dma_start3A_441, %dma_start3A_442, %dma_start3A_443] : memref<5x80x128xf32, #tpu.memory_space<vmem>> -> memref<1x80x128xf32, #tpu.memory_space<vmem>>
      %dma_start3A_445 = tpu.memref_squeeze %dma_start3A_444 : memref<1x80x128xf32, #tpu.memory_space<vmem>> -> memref<80x128xf32, #tpu.memory_space<vmem>>
      %dma_start3A_446 = arith.constant 0 : i32
      %dma_start3A_447 = tpu.memref_slice %arg5[%add3A_440, %dma_start3A_446] : memref<819200x128xf32, #tpu.memory_space<hbm>> -> memref<80x128xf32, #tpu.memory_space<hbm>>
      %dma_start3A_448 = arith.constant 0 : i32
      %dma_start3A_449 = tpu.memref_slice %arg5[%add3A_440, %dma_start3A_448] : memref<819200x128xf32, #tpu.memory_space<hbm>> -> memref<80x128xf32, #tpu.memory_space<hbm>>
      %dma_start3A_450 = arith.constant 0 : i32
      %dma_start3A_451 = arith.constant 0 : i32
      %dma_start3A_452 = tpu.memref_slice %arg8[%dma_start3A_441, %dma_start3A_450, %dma_start3A_451] : memref<5x80x128xf32, #tpu.memory_space<vmem>> -> memref<1x80x128xf32, #tpu.memory_space<vmem>>
      %dma_start3A_453 = tpu.memref_squeeze %dma_start3A_452 : memref<1x80x128xf32, #tpu.memory_space<vmem>> -> memref<80x128xf32, #tpu.memory_space<vmem>>
      tpu.enqueue_dma source(%dma_start3A_453 : memref<80x128xf32, #tpu.memory_space<vmem>>) target(%dma_start3A_449 : memref<80x128xf32, #tpu.memory_space<hbm>>) target_semaphore(%arg16 : memref<!tpu.dma_semaphore, #tpu.memory_space<semaphore_mem>>)
      %mul3A_454 = arith.constant 5 : i32
      %mul3A_455 = arith.muli %scan3A_331, %mul3A_454 : i32
      %add3A_456 = arith.constant 2 : i32
      %add3A_457 = arith.addi %mul3A_455, %add3A_456 : i32
      %dma_wait3A_458 = arith.constant 0 : i32
      %dma_wait3A_459 = arith.constant 0 : i32
      %dma_wait3A_460 = arith.constant 0 : i32
      %dma_wait3A_461 = tpu.memref_slice %arg8[%dma_wait3A_458, %dma_wait3A_459, %dma_wait3A_460] : memref<5x80x128xf32, #tpu.memory_space<vmem>> -> memref<1x80x128xf32, #tpu.memory_space<vmem>>
      %dma_wait3A_462 = tpu.memref_squeeze %dma_wait3A_461 : memref<1x80x128xf32, #tpu.memory_space<vmem>> -> memref<80x128xf32, #tpu.memory_space<vmem>>
      %dma_wait3A_463 = arith.constant 0 : i32
      %dma_wait3A_464 = arith.constant 0 : i32
      %dma_wait3A_465 = tpu.memref_slice %arg5[%dma_wait3A_463, %dma_wait3A_464] : memref<819200x128xf32, #tpu.memory_space<hbm>> -> memref<80x128xf32, #tpu.memory_space<hbm>>
      %dma_wait3A_466 = arith.constant 0 : i32
      %dma_wait3A_467 = arith.constant 0 : i32
      %dma_wait3A_468 = tpu.memref_slice %arg5[%dma_wait3A_466, %dma_wait3A_467] : memref<819200x128xf32, #tpu.memory_space<hbm>> -> memref<80x128xf32, #tpu.memory_space<hbm>>
      %dma_wait3A_469 = arith.constant 0 : i32
      %dma_wait3A_470 = arith.constant 0 : i32
      %dma_wait3A_471 = tpu.memref_slice %arg8[%dma_wait3A_458, %dma_wait3A_469, %dma_wait3A_470] : memref<5x80x128xf32, #tpu.memory_space<vmem>> -> memref<1x80x128xf32, #tpu.memory_space<vmem>>
      %dma_wait3A_472 = tpu.memref_squeeze %dma_wait3A_471 : memref<1x80x128xf32, #tpu.memory_space<vmem>> -> memref<80x128xf32, #tpu.memory_space<vmem>>
      tpu.wait_dma2 semaphore(%arg15 : memref<!tpu.dma_semaphore, #tpu.memory_space<semaphore_mem>>) src(%dma_wait3A_472 : memref<80x128xf32, #tpu.memory_space<vmem>>) dst(%dma_wait3A_468 : memref<80x128xf32, #tpu.memory_space<hbm>>)
      %add3A_473 = arith.constant 3 : i32
      %add3A_474 = arith.addi %add3A_457, %add3A_473 : i32
      %lt3A_475 = arith.constant 320 : i32
      %lt3A_476 = arith.cmpi slt, %add3A_474, %lt3A_475 : i32
      %convert_element_type3A_477 = arith.extui %lt3A_476 : i1 to i32
      %cond3A_478 = arith.constant 0 : i32
      %cond3A_479 = arith.cmpi ne, %convert_element_type3A_477, %cond3A_478 : i32
      scf.if %cond3A_479 {
        %dma_wait3A_673 = arith.constant 0 : i32
        %dma_wait3A_674 = arith.constant 0 : i32
        %dma_wait3A_675 = tpu.memref_slice %arg6[%dma_wait3A_673, %dma_wait3A_674] : memref<5x80xi32, #tpu.memory_space<vmem>> -> memref<1x80xi32, #tpu.memory_space<vmem>>
        %dma_wait3A_676 = tpu.memref_squeeze %dma_wait3A_675 : memref<1x80xi32, #tpu.memory_space<vmem>> -> memref<80xi32, #tpu.memory_space<vmem>>
        %dma_wait3A_677 = arith.constant 0 : i32
        %dma_wait3A_678 = tpu.memref_slice %arg2[%dma_wait3A_677] : memref<819200xi32, #tpu.memory_space<hbm>> -> memref<80xi32, #tpu.memory_space<hbm>>
        %dma_wait3A_679 = arith.constant 0 : i32
        %dma_wait3A_680 = tpu.memref_slice %arg6[%dma_wait3A_673, %dma_wait3A_679] : memref<5x80xi32, #tpu.memory_space<vmem>> -> memref<1x80xi32, #tpu.memory_space<vmem>>
        %dma_wait3A_681 = tpu.memref_squeeze %dma_wait3A_680 : memref<1x80xi32, #tpu.memory_space<vmem>> -> memref<80xi32, #tpu.memory_space<vmem>>
        %dma_wait3A_682 = arith.constant 0 : i32
        %dma_wait3A_683 = tpu.memref_slice %arg2[%dma_wait3A_682] : memref<819200xi32, #tpu.memory_space<hbm>> -> memref<80xi32, #tpu.memory_space<hbm>>
        tpu.wait_dma2 semaphore(%arg20 : memref<!tpu.dma_semaphore, #tpu.memory_space<semaphore_mem>>) src(%dma_wait3A_683 : memref<80xi32, #tpu.memory_space<hbm>>) dst(%dma_wait3A_681 : memref<80xi32, #tpu.memory_space<vmem>>)
        %get3A_684 = arith.constant 0 : i32
        %get3A_685 = arith.index_cast %get3A_684 : i32 to index
        %get3A_686 = arith.constant 0 : index
        %get3A_687 = tpu.vector_load %arg6[%get3A_685, %get3A_686] {strides = array<i32>} : memref<5x80xi32, #tpu.memory_space<vmem>>, vector<1x16xi32>,
        %get3A_688 = vector.shape_cast %get3A_687 : vector<1x16xi32> to vector<16xi32>
        %add3A_689 = arith.addi %get3A_688, %broadcast_in_dim3A : vector<16xi32>
        %swap3A_690 = arith.constant 0 : i32
        %swap3A_691 = arith.index_cast %swap3A_690 : i32 to index
        %swap3A_692 = arith.constant 0 : index
        %swap3A_693 = tpu.vector_load %arg6[%swap3A_691, %swap3A_692] {strides = array<i32>} : memref<5x80xi32, #tpu.memory_space<vmem>>, vector<1x16xi32>,
        %swap3A_694 = vector.shape_cast %swap3A_693 : vector<1x16xi32> to vector<16xi32>
        %swap3A_695 = vector.shape_cast %add3A_689 : vector<16xi32> to vector<1x16xi32>
        tpu.vector_store %arg6[%swap3A_691, %swap3A_692], %swap3A_695 {strides = array<i32>} : memref<5x80xi32, #tpu.memory_space<vmem>>, vector<1x16xi32>,
        %get3A_696 = arith.constant 0 : i32
        %get3A_697 = arith.index_cast %get3A_696 : i32 to index
        %get3A_698 = arith.constant 16 : index
        %get3A_699 = tpu.vector_load %arg6[%get3A_697, %get3A_698] {strides = array<i32>} : memref<5x80xi32, #tpu.memory_space<vmem>>, vector<1x16xi32>,
        %get3A_700 = vector.shape_cast %get3A_699 : vector<1x16xi32> to vector<16xi32>
        %add3A_701 = arith.addi %get3A_700, %broadcast_in_dim3A : vector<16xi32>
        %swap3A_702 = arith.constant 0 : i32
        %swap3A_703 = arith.index_cast %swap3A_702 : i32 to index
        %swap3A_704 = arith.constant 16 : index
        %swap3A_705 = tpu.vector_load %arg6[%swap3A_703, %swap3A_704] {strides = array<i32>} : memref<5x80xi32, #tpu.memory_space<vmem>>, vector<1x16xi32>,
        %swap3A_706 = vector.shape_cast %swap3A_705 : vector<1x16xi32> to vector<16xi32>
        %swap3A_707 = vector.shape_cast %add3A_701 : vector<16xi32> to vector<1x16xi32>
        tpu.vector_store %arg6[%swap3A_703, %swap3A_704], %swap3A_707 {strides = array<i32>} : memref<5x80xi32, #tpu.memory_space<vmem>>, vector<1x16xi32>,
        %get3A_708 = arith.constant 0 : i32
        %get3A_709 = arith.index_cast %get3A_708 : i32 to index
        %get3A_710 = arith.constant 32 : index
        %get3A_711 = tpu.vector_load %arg6[%get3A_709, %get3A_710] {strides = array<i32>} : memref<5x80xi32, #tpu.memory_space<vmem>>, vector<1x16xi32>,
        %get3A_712 = vector.shape_cast %get3A_711 : vector<1x16xi32> to vector<16xi32>
        %add3A_713 = arith.addi %get3A_712, %broadcast_in_dim3A : vector<16xi32>
        %swap3A_714 = arith.constant 0 : i32
        %swap3A_715 = arith.index_cast %swap3A_714 : i32 to index
        %swap3A_716 = arith.constant 32 : index
        %swap3A_717 = tpu.vector_load %arg6[%swap3A_715, %swap3A_716] {strides = array<i32>} : memref<5x80xi32, #tpu.memory_space<vmem>>, vector<1x16xi32>,
        %swap3A_718 = vector.shape_cast %swap3A_717 : vector<1x16xi32> to vector<16xi32>
        %swap3A_719 = vector.shape_cast %add3A_713 : vector<16xi32> to vector<1x16xi32>
        tpu.vector_store %arg6[%swap3A_715, %swap3A_716], %swap3A_719 {strides = array<i32>} : memref<5x80xi32, #tpu.memory_space<vmem>>, vector<1x16xi32>,
        %get3A_720 = arith.constant 0 : i32
        %get3A_721 = arith.index_cast %get3A_720 : i32 to index
        %get3A_722 = arith.constant 48 : index
        %get3A_723 = tpu.vector_load %arg6[%get3A_721, %get3A_722] {strides = array<i32>} : memref<5x80xi32, #tpu.memory_space<vmem>>, vector<1x16xi32>,
        %get3A_724 = vector.shape_cast %get3A_723 : vector<1x16xi32> to vector<16xi32>
        %add3A_725 = arith.addi %get3A_724, %broadcast_in_dim3A : vector<16xi32>
        %swap3A_726 = arith.constant 0 : i32
        %swap3A_727 = arith.index_cast %swap3A_726 : i32 to index
        %swap3A_728 = arith.constant 48 : index
        %swap3A_729 = tpu.vector_load %arg6[%swap3A_727, %swap3A_728] {strides = array<i32>} : memref<5x80xi32, #tpu.memory_space<vmem>>, vector<1x16xi32>,
        %swap3A_730 = vector.shape_cast %swap3A_729 : vector<1x16xi32> to vector<16xi32>
        %swap3A_731 = vector.shape_cast %add3A_725 : vector<16xi32> to vector<1x16xi32>
        tpu.vector_store %arg6[%swap3A_727, %swap3A_728], %swap3A_731 {strides = array<i32>} : memref<5x80xi32, #tpu.memory_space<vmem>>, vector<1x16xi32>,
        %get3A_732 = arith.constant 0 : i32
        %get3A_733 = arith.index_cast %get3A_732 : i32 to index
        %get3A_734 = arith.constant 64 : index
        %get3A_735 = tpu.vector_load %arg6[%get3A_733, %get3A_734] {strides = array<i32>} : memref<5x80xi32, #tpu.memory_space<vmem>>, vector<1x16xi32>,
        %get3A_736 = vector.shape_cast %get3A_735 : vector<1x16xi32> to vector<16xi32>
        %add3A_737 = arith.addi %get3A_736, %broadcast_in_dim3A : vector<16xi32>
        %swap3A_738 = arith.constant 0 : i32
        %swap3A_739 = arith.index_cast %swap3A_738 : i32 to index
        %swap3A_740 = arith.constant 64 : index
        %swap3A_741 = tpu.vector_load %arg6[%swap3A_739, %swap3A_740] {strides = array<i32>} : memref<5x80xi32, #tpu.memory_space<vmem>>, vector<1x16xi32>,
        %swap3A_742 = vector.shape_cast %swap3A_741 : vector<1x16xi32> to vector<16xi32>
        %swap3A_743 = vector.shape_cast %add3A_737 : vector<16xi32> to vector<1x16xi32>
        tpu.vector_store %arg6[%swap3A_739, %swap3A_740], %swap3A_743 {strides = array<i32>} : memref<5x80xi32, #tpu.memory_space<vmem>>, vector<1x16xi32>,
        %dma_start3A_744 = arith.constant 0 : i32
        %dma_start3A_745 = arith.constant 0 : i32
        %dma_start3A_746 = arith.constant 0 : i32
        %dma_start3A_747 = arith.constant 0 : i32
        %dma_start3A_748 = tpu.memref_slice %arg8[%dma_start3A_745, %dma_start3A_746, %dma_start3A_747] : memref<5x80x128xf32, #tpu.memory_space<vmem>> -> memref<1x80x128xf32, #tpu.memory_space<vmem>>
        %dma_start3A_749 = tpu.memref_squeeze %dma_start3A_748 : memref<1x80x128xf32, #tpu.memory_space<vmem>> -> memref<80x128xf32, #tpu.memory_space<vmem>>
        %dma_start3A_750 = arith.constant 0 : i32
        %dma_start3A_751 = tpu.memref_slice %arg6[%dma_start3A_744, %dma_start3A_750] : memref<5x80xi32, #tpu.memory_space<vmem>> -> memref<1x80xi32, #tpu.memory_space<vmem>>
        %dma_start3A_752 = tpu.memref_squeeze %dma_start3A_751 : memref<1x80xi32, #tpu.memory_space<vmem>> -> memref<80xi32, #tpu.memory_space<vmem>>
        %dma_start3A_753 = arith.constant 0 : i32
        %dma_start3A_754 = arith.constant 0 : i32
        %dma_start3A_755 = tpu.memref_slice %arg9[%dma_start3A_753, %dma_start3A_754] : memref<4096x128xf32, #tpu.memory_space<vmem_shared>> -> memref<4096x128xf32, #tpu.memory_space<vmem_shared>>
        tpu.enqueue_indirect_dma source(%dma_start3A_755 : memref<4096x128xf32, #tpu.memory_space<vmem_shared>>) target(%dma_start3A_749 : memref<80x128xf32, #tpu.memory_space<vmem>>) offsets(%dma_start3A_752 : memref<80xi32, #tpu.memory_space<vmem>>) semaphore(%arg10 : memref<!tpu.dma_semaphore, #tpu.memory_space<semaphore_mem>>)
      } else {
      }
      %add3A_480 = arith.constant 3 : i32
      %add3A_481 = arith.addi %add3A_457, %add3A_480 : i32
      %add3A_482 = arith.constant 1 : i32
      %add3A_483 = arith.addi %add3A_481, %add3A_482 : i32
      %lt3A_484 = arith.constant 320 : i32
      %lt3A_485 = arith.cmpi slt, %add3A_483, %lt3A_484 : i32
      %add3A_486 = arith.constant 3 : i32
      %add3A_487 = arith.addi %add3A_457, %add3A_486 : i32
      %add3A_488 = arith.constant 1 : i32
      %add3A_489 = arith.addi %add3A_487, %add3A_488 : i32
      %convert_element_type3A_490 = arith.extui %lt3A_485 : i1 to i32
      %cond3A_491 = arith.constant 0 : i32
      %cond3A_492 = arith.cmpi ne, %convert_element_type3A_490, %cond3A_491 : i32
      scf.if %cond3A_492 {
        %mul3A_673 = arith.constant 80 : i32
        %mul3A_674 = arith.muli %add3A_489, %mul3A_673 : i32
        %add3A_675 = arith.addi %mul3A_2, %mul3A_674 : i32
        %dma_start3A_676 = arith.constant 1 : i32
        %dma_start3A_677 = arith.constant 0 : i32
        %dma_start3A_678 = tpu.memref_slice %arg6[%dma_start3A_676, %dma_start3A_677] : memref<5x80xi32, #tpu.memory_space<vmem>> -> memref<1x80xi32, #tpu.memory_space<vmem>>
        %dma_start3A_679 = tpu.memref_squeeze %dma_start3A_678 : memref<1x80xi32, #tpu.memory_space<vmem>> -> memref<80xi32, #tpu.memory_space<vmem>>
        %dma_start3A_680 = tpu.memref_slice %arg2[%add3A_675] : memref<819200xi32, #tpu.memory_space<hbm>> -> memref<80xi32, #tpu.memory_space<hbm>>
        %dma_start3A_681 = arith.constant 0 : i32
        %dma_start3A_682 = tpu.memref_slice %arg6[%dma_start3A_676, %dma_start3A_681] : memref<5x80xi32, #tpu.memory_space<vmem>> -> memref<1x80xi32, #tpu.memory_space<vmem>>
        %dma_start3A_683 = tpu.memref_squeeze %dma_start3A_682 : memref<1x80xi32, #tpu.memory_space<vmem>> -> memref<80xi32, #tpu.memory_space<vmem>>
        %dma_start3A_684 = tpu.memref_slice %arg2[%add3A_675] : memref<819200xi32, #tpu.memory_space<hbm>> -> memref<80xi32, #tpu.memory_space<hbm>>
        tpu.enqueue_dma source(%dma_start3A_684 : memref<80xi32, #tpu.memory_space<hbm>>) target(%dma_start3A_683 : memref<80xi32, #tpu.memory_space<vmem>>) target_semaphore(%arg21 : memref<!tpu.dma_semaphore, #tpu.memory_space<semaphore_mem>>)
      } else {
      }
      %dma_wait3A_493 = arith.constant 2 : i32
      %dma_wait3A_494 = arith.constant 2 : i32
      %dma_wait3A_495 = arith.constant 0 : i32
      %dma_wait3A_496 = arith.constant 0 : i32
      %dma_wait3A_497 = tpu.memref_slice %arg8[%dma_wait3A_494, %dma_wait3A_495, %dma_wait3A_496] : memref<5x80x128xf32, #tpu.memory_space<vmem>> -> memref<1x80x128xf32, #tpu.memory_space<vmem>>
      %dma_wait3A_498 = tpu.memref_squeeze %dma_wait3A_497 : memref<1x80x128xf32, #tpu.memory_space<vmem>> -> memref<80x128xf32, #tpu.memory_space<vmem>>
      %dma_wait3A_499 = arith.constant 0 : i32
      %dma_wait3A_500 = tpu.memref_slice %arg6[%dma_wait3A_493, %dma_wait3A_499] : memref<5x80xi32, #tpu.memory_space<vmem>> -> memref<1x80xi32, #tpu.memory_space<vmem>>
      %dma_wait3A_501 = tpu.memref_squeeze %dma_wait3A_500 : memref<1x80xi32, #tpu.memory_space<vmem>> -> memref<80xi32, #tpu.memory_space<vmem>>
      %dma_wait3A_502 = arith.constant 0 : i32
      %dma_wait3A_503 = arith.constant 0 : i32
      %dma_wait3A_504 = tpu.memref_slice %arg9[%dma_wait3A_502, %dma_wait3A_503] : memref<4096x128xf32, #tpu.memory_space<vmem_shared>> -> memref<4096x128xf32, #tpu.memory_space<vmem_shared>>
      tpu.wait_indirect_dma semaphore(%arg12 : memref<!tpu.dma_semaphore, #tpu.memory_space<semaphore_mem>>) src(%dma_wait3A_504 : memref<4096x128xf32, #tpu.memory_space<vmem_shared>>) dst(%dma_wait3A_498 : memref<80x128xf32, #tpu.memory_space<vmem>>)
      %scan3A_505 = arith.constant 0 : i32
      %scan3A_506 = arith.constant 0 : i32
      %scan3A_507 = arith.constant 20 : i32
      %scan3A_508 = arith.addi %scan3A_506, %scan3A_507 : i32
      %scan3A_509 = arith.constant 1 : i32
      scf.for %scan3A_673 = %scan3A_506 to %scan3A_508 step %scan3A_509  : i32 {
        %mul3A_674 = arith.constant 4 : i32
        %mul3A_675 = arith.muli %scan3A_673, %mul3A_674 : i32
        %add3A_676 = arith.constant 0 : i32
        %add3A_677 = arith.addi %mul3A_675, %add3A_676 : i32
        %add3A_678 = arith.constant 160 : i32
        %add3A_679 = arith.addi %add3A_678, %add3A_677 : i32
        %get3A_680 = arith.index_cast %add3A_679 : i32 to index
        %get3A_681 = arith.constant 0 : index
        %get3A_682 = tpu.vector_load %arg7[%get3A_680, %get3A_681] {strides = array<i32>} : memref<240x128xf32, #tpu.memory_space<vmem>>, vector<1x16xf32>,
        %get3A_683 = vector.shape_cast %get3A_682 : vector<1x16xf32> to vector<16xf32>
        %swap3A_684 = arith.constant 2 : i32
        %swap3A_685 = arith.index_cast %swap3A_684 : i32 to index
        %swap3A_686 = arith.index_cast %add3A_677 : i32 to index
        %swap3A_687 = arith.constant 0 : index
        %swap3A_688 = tpu.vector_load %arg8[%swap3A_685, %swap3A_686, %swap3A_687] {strides = array<i32>} : memref<5x80x128xf32, #tpu.memory_space<vmem>>, vector<1x1x16xf32>,
        %swap3A_689 = vector.shape_cast %swap3A_688 : vector<1x1x16xf32> to vector<16xf32>
        %swap3A_690 = vector.shape_cast %get3A_683 : vector<16xf32> to vector<1x1x16xf32>
        tpu.vector_store %arg8[%swap3A_685, %swap3A_686, %swap3A_687], %swap3A_690 {add = true, strides = array<i32>} : memref<5x80x128xf32, #tpu.memory_space<vmem>>, vector<1x1x16xf32>,
        %add3A_691 = arith.constant 160 : i32
        %add3A_692 = arith.addi %add3A_691, %add3A_677 : i32
        %get3A_693 = arith.index_cast %add3A_692 : i32 to index
        %get3A_694 = arith.constant 16 : index
        %get3A_695 = tpu.vector_load %arg7[%get3A_693, %get3A_694] {strides = array<i32>} : memref<240x128xf32, #tpu.memory_space<vmem>>, vector<1x16xf32>,
        %get3A_696 = vector.shape_cast %get3A_695 : vector<1x16xf32> to vector<16xf32>
        %swap3A_697 = arith.constant 2 : i32
        %swap3A_698 = arith.index_cast %swap3A_697 : i32 to index
        %swap3A_699 = arith.index_cast %add3A_677 : i32 to index
        %swap3A_700 = arith.constant 16 : index
        %swap3A_701 = tpu.vector_load %arg8[%swap3A_698, %swap3A_699, %swap3A_700] {strides = array<i32>} : memref<5x80x128xf32, #tpu.memory_space<vmem>>, vector<1x1x16xf32>,
        %swap3A_702 = vector.shape_cast %swap3A_701 : vector<1x1x16xf32> to vector<16xf32>
        %swap3A_703 = vector.shape_cast %get3A_696 : vector<16xf32> to vector<1x1x16xf32>
        tpu.vector_store %arg8[%swap3A_698, %swap3A_699, %swap3A_700], %swap3A_703 {add = true, strides = array<i32>} : memref<5x80x128xf32, #tpu.memory_space<vmem>>, vector<1x1x16xf32>,
        %add3A_704 = arith.constant 160 : i32
        %add3A_705 = arith.addi %add3A_704, %add3A_677 : i32
        %get3A_706 = arith.index_cast %add3A_705 : i32 to index
        %get3A_707 = arith.constant 32 : index
        %get3A_708 = tpu.vector_load %arg7[%get3A_706, %get3A_707] {strides = array<i32>} : memref<240x128xf32, #tpu.memory_space<vmem>>, vector<1x16xf32>,
        %get3A_709 = vector.shape_cast %get3A_708 : vector<1x16xf32> to vector<16xf32>
        %swap3A_710 = arith.constant 2 : i32
        %swap3A_711 = arith.index_cast %swap3A_710 : i32 to index
        %swap3A_712 = arith.index_cast %add3A_677 : i32 to index
        %swap3A_713 = arith.constant 32 : index
        %swap3A_714 = tpu.vector_load %arg8[%swap3A_711, %swap3A_712, %swap3A_713] {strides = array<i32>} : memref<5x80x128xf32, #tpu.memory_space<vmem>>, vector<1x1x16xf32>,
        %swap3A_715 = vector.shape_cast %swap3A_714 : vector<1x1x16xf32> to vector<16xf32>
        %swap3A_716 = vector.shape_cast %get3A_709 : vector<16xf32> to vector<1x1x16xf32>
        tpu.vector_store %arg8[%swap3A_711, %swap3A_712, %swap3A_713], %swap3A_716 {add = true, strides = array<i32>} : memref<5x80x128xf32, #tpu.memory_space<vmem>>, vector<1x1x16xf32>,
        %add3A_717 = arith.constant 160 : i32
        %add3A_718 = arith.addi %add3A_717, %add3A_677 : i32
        %get3A_719 = arith.index_cast %add3A_718 : i32 to index
        %get3A_720 = arith.constant 48 : index
        %get3A_721 = tpu.vector_load %arg7[%get3A_719, %get3A_720] {strides = array<i32>} : memref<240x128xf32, #tpu.memory_space<vmem>>, vector<1x16xf32>,
        %get3A_722 = vector.shape_cast %get3A_721 : vector<1x16xf32> to vector<16xf32>
        %swap3A_723 = arith.constant 2 : i32
        %swap3A_724 = arith.index_cast %swap3A_723 : i32 to index
        %swap3A_725 = arith.index_cast %add3A_677 : i32 to index
        %swap3A_726 = arith.constant 48 : index
        %swap3A_727 = tpu.vector_load %arg8[%swap3A_724, %swap3A_725, %swap3A_726] {strides = array<i32>} : memref<5x80x128xf32, #tpu.memory_space<vmem>>, vector<1x1x16xf32>,
        %swap3A_728 = vector.shape_cast %swap3A_727 : vector<1x1x16xf32> to vector<16xf32>
        %swap3A_729 = vector.shape_cast %get3A_722 : vector<16xf32> to vector<1x1x16xf32>
        tpu.vector_store %arg8[%swap3A_724, %swap3A_725, %swap3A_726], %swap3A_729 {add = true, strides = array<i32>} : memref<5x80x128xf32, #tpu.memory_space<vmem>>, vector<1x1x16xf32>,
        %add3A_730 = arith.constant 160 : i32
        %add3A_731 = arith.addi %add3A_730, %add3A_677 : i32
        %get3A_732 = arith.index_cast %add3A_731 : i32 to index
        %get3A_733 = arith.constant 64 : index
        %get3A_734 = tpu.vector_load %arg7[%get3A_732, %get3A_733] {strides = array<i32>} : memref<240x128xf32, #tpu.memory_space<vmem>>, vector<1x16xf32>,
        %get3A_735 = vector.shape_cast %get3A_734 : vector<1x16xf32> to vector<16xf32>
        %swap3A_736 = arith.constant 2 : i32
        %swap3A_737 = arith.index_cast %swap3A_736 : i32 to index
        %swap3A_738 = arith.index_cast %add3A_677 : i32 to index
        %swap3A_739 = arith.constant 64 : index
        %swap3A_740 = tpu.vector_load %arg8[%swap3A_737, %swap3A_738, %swap3A_739] {strides = array<i32>} : memref<5x80x128xf32, #tpu.memory_space<vmem>>, vector<1x1x16xf32>,
        %swap3A_741 = vector.shape_cast %swap3A_740 : vector<1x1x16xf32> to vector<16xf32>
        %swap3A_742 = vector.shape_cast %get3A_735 : vector<16xf32> to vector<1x1x16xf32>
        tpu.vector_store %arg8[%swap3A_737, %swap3A_738, %swap3A_739], %swap3A_742 {add = true, strides = array<i32>} : memref<5x80x128xf32, #tpu.memory_space<vmem>>, vector<1x1x16xf32>,
        %add3A_743 = arith.constant 160 : i32
        %add3A_744 = arith.addi %add3A_743, %add3A_677 : i32
        %get3A_745 = arith.index_cast %add3A_744 : i32 to index
        %get3A_746 = arith.constant 80 : index
        %get3A_747 = tpu.vector_load %arg7[%get3A_745, %get3A_746] {strides = array<i32>} : memref<240x128xf32, #tpu.memory_space<vmem>>, vector<1x16xf32>,
        %get3A_748 = vector.shape_cast %get3A_747 : vector<1x16xf32> to vector<16xf32>
        %swap3A_749 = arith.constant 2 : i32
        %swap3A_750 = arith.index_cast %swap3A_749 : i32 to index
        %swap3A_751 = arith.index_cast %add3A_677 : i32 to index
        %swap3A_752 = arith.constant 80 : index
        %swap3A_753 = tpu.vector_load %arg8[%swap3A_750, %swap3A_751, %swap3A_752] {strides = array<i32>} : memref<5x80x128xf32, #tpu.memory_space<vmem>>, vector<1x1x16xf32>,
        %swap3A_754 = vector.shape_cast %swap3A_753 : vector<1x1x16xf32> to vector<16xf32>
        %swap3A_755 = vector.shape_cast %get3A_748 : vector<16xf32> to vector<1x1x16xf32>
        tpu.vector_store %arg8[%swap3A_750, %swap3A_751, %swap3A_752], %swap3A_755 {add = true, strides = array<i32>} : memref<5x80x128xf32, #tpu.memory_space<vmem>>, vector<1x1x16xf32>,
        %add3A_756 = arith.constant 160 : i32
        %add3A_757 = arith.addi %add3A_756, %add3A_677 : i32
        %get3A_758 = arith.index_cast %add3A_757 : i32 to index
        %get3A_759 = arith.constant 96 : index
        %get3A_760 = tpu.vector_load %arg7[%get3A_758, %get3A_759] {strides = array<i32>} : memref<240x128xf32, #tpu.memory_space<vmem>>, vector<1x16xf32>,
        %get3A_761 = vector.shape_cast %get3A_760 : vector<1x16xf32> to vector<16xf32>
        %swap3A_762 = arith.constant 2 : i32
        %swap3A_763 = arith.index_cast %swap3A_762 : i32 to index
        %swap3A_764 = arith.index_cast %add3A_677 : i32 to index
        %swap3A_765 = arith.constant 96 : index
        %swap3A_766 = tpu.vector_load %arg8[%swap3A_763, %swap3A_764, %swap3A_765] {strides = array<i32>} : memref<5x80x128xf32, #tpu.memory_space<vmem>>, vector<1x1x16xf32>,
        %swap3A_767 = vector.shape_cast %swap3A_766 : vector<1x1x16xf32> to vector<16xf32>
        %swap3A_768 = vector.shape_cast %get3A_761 : vector<16xf32> to vector<1x1x16xf32>
        tpu.vector_store %arg8[%swap3A_763, %swap3A_764, %swap3A_765], %swap3A_768 {add = true, strides = array<i32>} : memref<5x80x128xf32, #tpu.memory_space<vmem>>, vector<1x1x16xf32>,
        %add3A_769 = arith.constant 160 : i32
        %add3A_770 = arith.addi %add3A_769, %add3A_677 : i32
        %get3A_771 = arith.index_cast %add3A_770 : i32 to index
        %get3A_772 = arith.constant 112 : index
        %get3A_773 = tpu.vector_load %arg7[%get3A_771, %get3A_772] {strides = array<i32>} : memref<240x128xf32, #tpu.memory_space<vmem>>, vector<1x16xf32>,
        %get3A_774 = vector.shape_cast %get3A_773 : vector<1x16xf32> to vector<16xf32>
        %swap3A_775 = arith.constant 2 : i32
        %swap3A_776 = arith.index_cast %swap3A_775 : i32 to index
        %swap3A_777 = arith.index_cast %add3A_677 : i32 to index
        %swap3A_778 = arith.constant 112 : index
        %swap3A_779 = tpu.vector_load %arg8[%swap3A_776, %swap3A_777, %swap3A_778] {strides = array<i32>} : memref<5x80x128xf32, #tpu.memory_space<vmem>>, vector<1x1x16xf32>,
        %swap3A_780 = vector.shape_cast %swap3A_779 : vector<1x1x16xf32> to vector<16xf32>
        %swap3A_781 = vector.shape_cast %get3A_774 : vector<16xf32> to vector<1x1x16xf32>
        tpu.vector_store %arg8[%swap3A_776, %swap3A_777, %swap3A_778], %swap3A_781 {add = true, strides = array<i32>} : memref<5x80x128xf32, #tpu.memory_space<vmem>>, vector<1x1x16xf32>,
        %mul3A_782 = arith.constant 4 : i32
        %mul3A_783 = arith.muli %scan3A_673, %mul3A_782 : i32
        %add3A_784 = arith.constant 1 : i32
        %add3A_785 = arith.addi %mul3A_783, %add3A_784 : i32
        %add3A_786 = arith.constant 160 : i32
        %add3A_787 = arith.addi %add3A_786, %add3A_785 : i32
        %get3A_788 = arith.index_cast %add3A_787 : i32 to index
        %get3A_789 = arith.constant 0 : index
        %get3A_790 = tpu.vector_load %arg7[%get3A_788, %get3A_789] {strides = array<i32>} : memref<240x128xf32, #tpu.memory_space<vmem>>, vector<1x16xf32>,
        %get3A_791 = vector.shape_cast %get3A_790 : vector<1x16xf32> to vector<16xf32>
        %swap3A_792 = arith.constant 2 : i32
        %swap3A_793 = arith.index_cast %swap3A_792 : i32 to index
        %swap3A_794 = arith.index_cast %add3A_785 : i32 to index
        %swap3A_795 = arith.constant 0 : index
        %swap3A_796 = tpu.vector_load %arg8[%swap3A_793, %swap3A_794, %swap3A_795] {strides = array<i32>} : memref<5x80x128xf32, #tpu.memory_space<vmem>>, vector<1x1x16xf32>,
        %swap3A_797 = vector.shape_cast %swap3A_796 : vector<1x1x16xf32> to vector<16xf32>
        %swap3A_798 = vector.shape_cast %get3A_791 : vector<16xf32> to vector<1x1x16xf32>
        tpu.vector_store %arg8[%swap3A_793, %swap3A_794, %swap3A_795], %swap3A_798 {add = true, strides = array<i32>} : memref<5x80x128xf32, #tpu.memory_space<vmem>>, vector<1x1x16xf32>,
        %add3A_799 = arith.constant 160 : i32
        %add3A_800 = arith.addi %add3A_799, %add3A_785 : i32
        %get3A_801 = arith.index_cast %add3A_800 : i32 to index
        %get3A_802 = arith.constant 16 : index
        %get3A_803 = tpu.vector_load %arg7[%get3A_801, %get3A_802] {strides = array<i32>} : memref<240x128xf32, #tpu.memory_space<vmem>>, vector<1x16xf32>,
        %get3A_804 = vector.shape_cast %get3A_803 : vector<1x16xf32> to vector<16xf32>
        %swap3A_805 = arith.constant 2 : i32
        %swap3A_806 = arith.index_cast %swap3A_805 : i32 to index
        %swap3A_807 = arith.index_cast %add3A_785 : i32 to index
        %swap3A_808 = arith.constant 16 : index
        %swap3A_809 = tpu.vector_load %arg8[%swap3A_806, %swap3A_807, %swap3A_808] {strides = array<i32>} : memref<5x80x128xf32, #tpu.memory_space<vmem>>, vector<1x1x16xf32>,
        %swap3A_810 = vector.shape_cast %swap3A_809 : vector<1x1x16xf32> to vector<16xf32>
        %swap3A_811 = vector.shape_cast %get3A_804 : vector<16xf32> to vector<1x1x16xf32>
        tpu.vector_store %arg8[%swap3A_806, %swap3A_807, %swap3A_808], %swap3A_811 {add = true, strides = array<i32>} : memref<5x80x128xf32, #tpu.memory_space<vmem>>, vector<1x1x16xf32>,
        %add3A_812 = arith.constant 160 : i32
        %add3A_813 = arith.addi %add3A_812, %add3A_785 : i32
        %get3A_814 = arith.index_cast %add3A_813 : i32 to index
        %get3A_815 = arith.constant 32 : index
        %get3A_816 = tpu.vector_load %arg7[%get3A_814, %get3A_815] {strides = array<i32>} : memref<240x128xf32, #tpu.memory_space<vmem>>, vector<1x16xf32>,
        %get3A_817 = vector.shape_cast %get3A_816 : vector<1x16xf32> to vector<16xf32>
        %swap3A_818 = arith.constant 2 : i32
        %swap3A_819 = arith.index_cast %swap3A_818 : i32 to index
        %swap3A_820 = arith.index_cast %add3A_785 : i32 to index
        %swap3A_821 = arith.constant 32 : index
        %swap3A_822 = tpu.vector_load %arg8[%swap3A_819, %swap3A_820, %swap3A_821] {strides = array<i32>} : memref<5x80x128xf32, #tpu.memory_space<vmem>>, vector<1x1x16xf32>,
        %swap3A_823 = vector.shape_cast %swap3A_822 : vector<1x1x16xf32> to vector<16xf32>
        %swap3A_824 = vector.shape_cast %get3A_817 : vector<16xf32> to vector<1x1x16xf32>
        tpu.vector_store %arg8[%swap3A_819, %swap3A_820, %swap3A_821], %swap3A_824 {add = true, strides = array<i32>} : memref<5x80x128xf32, #tpu.memory_space<vmem>>, vector<1x1x16xf32>,
        %add3A_825 = arith.constant 160 : i32
        %add3A_826 = arith.addi %add3A_825, %add3A_785 : i32
        %get3A_827 = arith.index_cast %add3A_826 : i32 to index
        %get3A_828 = arith.constant 48 : index
        %get3A_829 = tpu.vector_load %arg7[%get3A_827, %get3A_828] {strides = array<i32>} : memref<240x128xf32, #tpu.memory_space<vmem>>, vector<1x16xf32>,
        %get3A_830 = vector.shape_cast %get3A_829 : vector<1x16xf32> to vector<16xf32>
        %swap3A_831 = arith.constant 2 : i32
        %swap3A_832 = arith.index_cast %swap3A_831 : i32 to index
        %swap3A_833 = arith.index_cast %add3A_785 : i32 to index
        %swap3A_834 = arith.constant 48 : index
        %swap3A_835 = tpu.vector_load %arg8[%swap3A_832, %swap3A_833, %swap3A_834] {strides = array<i32>} : memref<5x80x128xf32, #tpu.memory_space<vmem>>, vector<1x1x16xf32>,
        %swap3A_836 = vector.shape_cast %swap3A_835 : vector<1x1x16xf32> to vector<16xf32>
        %swap3A_837 = vector.shape_cast %get3A_830 : vector<16xf32> to vector<1x1x16xf32>
        tpu.vector_store %arg8[%swap3A_832, %swap3A_833, %swap3A_834], %swap3A_837 {add = true, strides = array<i32>} : memref<5x80x128xf32, #tpu.memory_space<vmem>>, vector<1x1x16xf32>,
        %add3A_838 = arith.constant 160 : i32
        %add3A_839 = arith.addi %add3A_838, %add3A_785 : i32
        %get3A_840 = arith.index_cast %add3A_839 : i32 to index
        %get3A_841 = arith.constant 64 : index
        %get3A_842 = tpu.vector_load %arg7[%get3A_840, %get3A_841] {strides = array<i32>} : memref<240x128xf32, #tpu.memory_space<vmem>>, vector<1x16xf32>,
        %get3A_843 = vector.shape_cast %get3A_842 : vector<1x16xf32> to vector<16xf32>
        %swap3A_844 = arith.constant 2 : i32
        %swap3A_845 = arith.index_cast %swap3A_844 : i32 to index
        %swap3A_846 = arith.index_cast %add3A_785 : i32 to index
        %swap3A_847 = arith.constant 64 : index
        %swap3A_848 = tpu.vector_load %arg8[%swap3A_845, %swap3A_846, %swap3A_847] {strides = array<i32>} : memref<5x80x128xf32, #tpu.memory_space<vmem>>, vector<1x1x16xf32>,
        %swap3A_849 = vector.shape_cast %swap3A_848 : vector<1x1x16xf32> to vector<16xf32>
        %swap3A_850 = vector.shape_cast %get3A_843 : vector<16xf32> to vector<1x1x16xf32>
        tpu.vector_store %arg8[%swap3A_845, %swap3A_846, %swap3A_847], %swap3A_850 {add = true, strides = array<i32>} : memref<5x80x128xf32, #tpu.memory_space<vmem>>, vector<1x1x16xf32>,
        %add3A_851 = arith.constant 160 : i32
        %add3A_852 = arith.addi %add3A_851, %add3A_785 : i32
        %get3A_853 = arith.index_cast %add3A_852 : i32 to index
        %get3A_854 = arith.constant 80 : index
        %get3A_855 = tpu.vector_load %arg7[%get3A_853, %get3A_854] {strides = array<i32>} : memref<240x128xf32, #tpu.memory_space<vmem>>, vector<1x16xf32>,
        %get3A_856 = vector.shape_cast %get3A_855 : vector<1x16xf32> to vector<16xf32>
        %swap3A_857 = arith.constant 2 : i32
        %swap3A_858 = arith.index_cast %swap3A_857 : i32 to index
        %swap3A_859 = arith.index_cast %add3A_785 : i32 to index
        %swap3A_860 = arith.constant 80 : index
        %swap3A_861 = tpu.vector_load %arg8[%swap3A_858, %swap3A_859, %swap3A_860] {strides = array<i32>} : memref<5x80x128xf32, #tpu.memory_space<vmem>>, vector<1x1x16xf32>,
        %swap3A_862 = vector.shape_cast %swap3A_861 : vector<1x1x16xf32> to vector<16xf32>
        %swap3A_863 = vector.shape_cast %get3A_856 : vector<16xf32> to vector<1x1x16xf32>
        tpu.vector_store %arg8[%swap3A_858, %swap3A_859, %swap3A_860], %swap3A_863 {add = true, strides = array<i32>} : memref<5x80x128xf32, #tpu.memory_space<vmem>>, vector<1x1x16xf32>,
        %add3A_864 = arith.constant 160 : i32
        %add3A_865 = arith.addi %add3A_864, %add3A_785 : i32
        %get3A_866 = arith.index_cast %add3A_865 : i32 to index
        %get3A_867 = arith.constant 96 : index
        %get3A_868 = tpu.vector_load %arg7[%get3A_866, %get3A_867] {strides = array<i32>} : memref<240x128xf32, #tpu.memory_space<vmem>>, vector<1x16xf32>,
        %get3A_869 = vector.shape_cast %get3A_868 : vector<1x16xf32> to vector<16xf32>
        %swap3A_870 = arith.constant 2 : i32
        %swap3A_871 = arith.index_cast %swap3A_870 : i32 to index
        %swap3A_872 = arith.index_cast %add3A_785 : i32 to index
        %swap3A_873 = arith.constant 96 : index
        %swap3A_874 = tpu.vector_load %arg8[%swap3A_871, %swap3A_872, %swap3A_873] {strides = array<i32>} : memref<5x80x128xf32, #tpu.memory_space<vmem>>, vector<1x1x16xf32>,
        %swap3A_875 = vector.shape_cast %swap3A_874 : vector<1x1x16xf32> to vector<16xf32>
        %swap3A_876 = vector.shape_cast %get3A_869 : vector<16xf32> to vector<1x1x16xf32>
        tpu.vector_store %arg8[%swap3A_871, %swap3A_872, %swap3A_873], %swap3A_876 {add = true, strides = array<i32>} : memref<5x80x128xf32, #tpu.memory_space<vmem>>, vector<1x1x16xf32>,
        %add3A_877 = arith.constant 160 : i32
        %add3A_878 = arith.addi %add3A_877, %add3A_785 : i32
        %get3A_879 = arith.index_cast %add3A_878 : i32 to index
        %get3A_880 = arith.constant 112 : index
        %get3A_881 = tpu.vector_load %arg7[%get3A_879, %get3A_880] {strides = array<i32>} : memref<240x128xf32, #tpu.memory_space<vmem>>, vector<1x16xf32>,
        %get3A_882 = vector.shape_cast %get3A_881 : vector<1x16xf32> to vector<16xf32>
        %swap3A_883 = arith.constant 2 : i32
        %swap3A_884 = arith.index_cast %swap3A_883 : i32 to index
        %swap3A_885 = arith.index_cast %add3A_785 : i32 to index
        %swap3A_886 = arith.constant 112 : index
        %swap3A_887 = tpu.vector_load %arg8[%swap3A_884, %swap3A_885, %swap3A_886] {strides = array<i32>} : memref<5x80x128xf32, #tpu.memory_space<vmem>>, vector<1x1x16xf32>,
        %swap3A_888 = vector.shape_cast %swap3A_887 : vector<1x1x16xf32> to vector<16xf32>
        %swap3A_889 = vector.shape_cast %get3A_882 : vector<16xf32> to vector<1x1x16xf32>
        tpu.vector_store %arg8[%swap3A_884, %swap3A_885, %swap3A_886], %swap3A_889 {add = true, strides = array<i32>} : memref<5x80x128xf32, #tpu.memory_space<vmem>>, vector<1x1x16xf32>,
        %mul3A_890 = arith.constant 4 : i32
        %mul3A_891 = arith.muli %scan3A_673, %mul3A_890 : i32
        %add3A_892 = arith.constant 2 : i32
        %add3A_893 = arith.addi %mul3A_891, %add3A_892 : i32
        %add3A_894 = arith.constant 160 : i32
        %add3A_895 = arith.addi %add3A_894, %add3A_893 : i32
        %get3A_896 = arith.index_cast %add3A_895 : i32 to index
        %get3A_897 = arith.constant 0 : index
        %get3A_898 = tpu.vector_load %arg7[%get3A_896, %get3A_897] {strides = array<i32>} : memref<240x128xf32, #tpu.memory_space<vmem>>, vector<1x16xf32>,
        %get3A_899 = vector.shape_cast %get3A_898 : vector<1x16xf32> to vector<16xf32>
        %swap3A_900 = arith.constant 2 : i32
        %swap3A_901 = arith.index_cast %swap3A_900 : i32 to index
        %swap3A_902 = arith.index_cast %add3A_893 : i32 to index
        %swap3A_903 = arith.constant 0 : index
        %swap3A_904 = tpu.vector_load %arg8[%swap3A_901, %swap3A_902, %swap3A_903] {strides = array<i32>} : memref<5x80x128xf32, #tpu.memory_space<vmem>>, vector<1x1x16xf32>,
        %swap3A_905 = vector.shape_cast %swap3A_904 : vector<1x1x16xf32> to vector<16xf32>
        %swap3A_906 = vector.shape_cast %get3A_899 : vector<16xf32> to vector<1x1x16xf32>
        tpu.vector_store %arg8[%swap3A_901, %swap3A_902, %swap3A_903], %swap3A_906 {add = true, strides = array<i32>} : memref<5x80x128xf32, #tpu.memory_space<vmem>>, vector<1x1x16xf32>,
        %add3A_907 = arith.constant 160 : i32
        %add3A_908 = arith.addi %add3A_907, %add3A_893 : i32
        %get3A_909 = arith.index_cast %add3A_908 : i32 to index
        %get3A_910 = arith.constant 16 : index
        %get3A_911 = tpu.vector_load %arg7[%get3A_909, %get3A_910] {strides = array<i32>} : memref<240x128xf32, #tpu.memory_space<vmem>>, vector<1x16xf32>,
        %get3A_912 = vector.shape_cast %get3A_911 : vector<1x16xf32> to vector<16xf32>
        %swap3A_913 = arith.constant 2 : i32
        %swap3A_914 = arith.index_cast %swap3A_913 : i32 to index
        %swap3A_915 = arith.index_cast %add3A_893 : i32 to index
        %swap3A_916 = arith.constant 16 : index
        %swap3A_917 = tpu.vector_load %arg8[%swap3A_914, %swap3A_915, %swap3A_916] {strides = array<i32>} : memref<5x80x128xf32, #tpu.memory_space<vmem>>, vector<1x1x16xf32>,
        %swap3A_918 = vector.shape_cast %swap3A_917 : vector<1x1x16xf32> to vector<16xf32>
        %swap3A_919 = vector.shape_cast %get3A_912 : vector<16xf32> to vector<1x1x16xf32>
        tpu.vector_store %arg8[%swap3A_914, %swap3A_915, %swap3A_916], %swap3A_919 {add = true, strides = array<i32>} : memref<5x80x128xf32, #tpu.memory_space<vmem>>, vector<1x1x16xf32>,
        %add3A_920 = arith.constant 160 : i32
        %add3A_921 = arith.addi %add3A_920, %add3A_893 : i32
        %get3A_922 = arith.index_cast %add3A_921 : i32 to index
        %get3A_923 = arith.constant 32 : index
        %get3A_924 = tpu.vector_load %arg7[%get3A_922, %get3A_923] {strides = array<i32>} : memref<240x128xf32, #tpu.memory_space<vmem>>, vector<1x16xf32>,
        %get3A_925 = vector.shape_cast %get3A_924 : vector<1x16xf32> to vector<16xf32>
        %swap3A_926 = arith.constant 2 : i32
        %swap3A_927 = arith.index_cast %swap3A_926 : i32 to index
        %swap3A_928 = arith.index_cast %add3A_893 : i32 to index
        %swap3A_929 = arith.constant 32 : index
        %swap3A_930 = tpu.vector_load %arg8[%swap3A_927, %swap3A_928, %swap3A_929] {strides = array<i32>} : memref<5x80x128xf32, #tpu.memory_space<vmem>>, vector<1x1x16xf32>,
        %swap3A_931 = vector.shape_cast %swap3A_930 : vector<1x1x16xf32> to vector<16xf32>
        %swap3A_932 = vector.shape_cast %get3A_925 : vector<16xf32> to vector<1x1x16xf32>
        tpu.vector_store %arg8[%swap3A_927, %swap3A_928, %swap3A_929], %swap3A_932 {add = true, strides = array<i32>} : memref<5x80x128xf32, #tpu.memory_space<vmem>>, vector<1x1x16xf32>,
        %add3A_933 = arith.constant 160 : i32
        %add3A_934 = arith.addi %add3A_933, %add3A_893 : i32
        %get3A_935 = arith.index_cast %add3A_934 : i32 to index
        %get3A_936 = arith.constant 48 : index
        %get3A_937 = tpu.vector_load %arg7[%get3A_935, %get3A_936] {strides = array<i32>} : memref<240x128xf32, #tpu.memory_space<vmem>>, vector<1x16xf32>,
        %get3A_938 = vector.shape_cast %get3A_937 : vector<1x16xf32> to vector<16xf32>
        %swap3A_939 = arith.constant 2 : i32
        %swap3A_940 = arith.index_cast %swap3A_939 : i32 to index
        %swap3A_941 = arith.index_cast %add3A_893 : i32 to index
        %swap3A_942 = arith.constant 48 : index
        %swap3A_943 = tpu.vector_load %arg8[%swap3A_940, %swap3A_941, %swap3A_942] {strides = array<i32>} : memref<5x80x128xf32, #tpu.memory_space<vmem>>, vector<1x1x16xf32>,
        %swap3A_944 = vector.shape_cast %swap3A_943 : vector<1x1x16xf32> to vector<16xf32>
        %swap3A_945 = vector.shape_cast %get3A_938 : vector<16xf32> to vector<1x1x16xf32>
        tpu.vector_store %arg8[%swap3A_940, %swap3A_941, %swap3A_942], %swap3A_945 {add = true, strides = array<i32>} : memref<5x80x128xf32, #tpu.memory_space<vmem>>, vector<1x1x16xf32>,
        %add3A_946 = arith.constant 160 : i32
        %add3A_947 = arith.addi %add3A_946, %add3A_893 : i32
        %get3A_948 = arith.index_cast %add3A_947 : i32 to index
        %get3A_949 = arith.constant 64 : index
        %get3A_950 = tpu.vector_load %arg7[%get3A_948, %get3A_949] {strides = array<i32>} : memref<240x128xf32, #tpu.memory_space<vmem>>, vector<1x16xf32>,
        %get3A_951 = vector.shape_cast %get3A_950 : vector<1x16xf32> to vector<16xf32>
        %swap3A_952 = arith.constant 2 : i32
        %swap3A_953 = arith.index_cast %swap3A_952 : i32 to index
        %swap3A_954 = arith.index_cast %add3A_893 : i32 to index
        %swap3A_955 = arith.constant 64 : index
        %swap3A_956 = tpu.vector_load %arg8[%swap3A_953, %swap3A_954, %swap3A_955] {strides = array<i32>} : memref<5x80x128xf32, #tpu.memory_space<vmem>>, vector<1x1x16xf32>,
        %swap3A_957 = vector.shape_cast %swap3A_956 : vector<1x1x16xf32> to vector<16xf32>
        %swap3A_958 = vector.shape_cast %get3A_951 : vector<16xf32> to vector<1x1x16xf32>
        tpu.vector_store %arg8[%swap3A_953, %swap3A_954, %swap3A_955], %swap3A_958 {add = true, strides = array<i32>} : memref<5x80x128xf32, #tpu.memory_space<vmem>>, vector<1x1x16xf32>,
        %add3A_959 = arith.constant 160 : i32
        %add3A_960 = arith.addi %add3A_959, %add3A_893 : i32
        %get3A_961 = arith.index_cast %add3A_960 : i32 to index
        %get3A_962 = arith.constant 80 : index
        %get3A_963 = tpu.vector_load %arg7[%get3A_961, %get3A_962] {strides = array<i32>} : memref<240x128xf32, #tpu.memory_space<vmem>>, vector<1x16xf32>,
        %get3A_964 = vector.shape_cast %get3A_963 : vector<1x16xf32> to vector<16xf32>
        %swap3A_965 = arith.constant 2 : i32
        %swap3A_966 = arith.index_cast %swap3A_965 : i32 to index
        %swap3A_967 = arith.index_cast %add3A_893 : i32 to index
        %swap3A_968 = arith.constant 80 : index
        %swap3A_969 = tpu.vector_load %arg8[%swap3A_966, %swap3A_967, %swap3A_968] {strides = array<i32>} : memref<5x80x128xf32, #tpu.memory_space<vmem>>, vector<1x1x16xf32>,
        %swap3A_970 = vector.shape_cast %swap3A_969 : vector<1x1x16xf32> to vector<16xf32>
        %swap3A_971 = vector.shape_cast %get3A_964 : vector<16xf32> to vector<1x1x16xf32>
        tpu.vector_store %arg8[%swap3A_966, %swap3A_967, %swap3A_968], %swap3A_971 {add = true, strides = array<i32>} : memref<5x80x128xf32, #tpu.memory_space<vmem>>, vector<1x1x16xf32>,
        %add3A_972 = arith.constant 160 : i32
        %add3A_973 = arith.addi %add3A_972, %add3A_893 : i32
        %get3A_974 = arith.index_cast %add3A_973 : i32 to index
        %get3A_975 = arith.constant 96 : index
        %get3A_976 = tpu.vector_load %arg7[%get3A_974, %get3A_975] {strides = array<i32>} : memref<240x128xf32, #tpu.memory_space<vmem>>, vector<1x16xf32>,
        %get3A_977 = vector.shape_cast %get3A_976 : vector<1x16xf32> to vector<16xf32>
        %swap3A_978 = arith.constant 2 : i32
        %swap3A_979 = arith.index_cast %swap3A_978 : i32 to index
        %swap3A_980 = arith.index_cast %add3A_893 : i32 to index
        %swap3A_981 = arith.constant 96 : index
        %swap3A_982 = tpu.vector_load %arg8[%swap3A_979, %swap3A_980, %swap3A_981] {strides = array<i32>} : memref<5x80x128xf32, #tpu.memory_space<vmem>>, vector<1x1x16xf32>,
        %swap3A_983 = vector.shape_cast %swap3A_982 : vector<1x1x16xf32> to vector<16xf32>
        %swap3A_984 = vector.shape_cast %get3A_977 : vector<16xf32> to vector<1x1x16xf32>
        tpu.vector_store %arg8[%swap3A_979, %swap3A_980, %swap3A_981], %swap3A_984 {add = true, strides = array<i32>} : memref<5x80x128xf32, #tpu.memory_space<vmem>>, vector<1x1x16xf32>,
        %add3A_985 = arith.constant 160 : i32
        %add3A_986 = arith.addi %add3A_985, %add3A_893 : i32
        %get3A_987 = arith.index_cast %add3A_986 : i32 to index
        %get3A_988 = arith.constant 112 : index
        %get3A_989 = tpu.vector_load %arg7[%get3A_987, %get3A_988] {strides = array<i32>} : memref<240x128xf32, #tpu.memory_space<vmem>>, vector<1x16xf32>,
        %get3A_990 = vector.shape_cast %get3A_989 : vector<1x16xf32> to vector<16xf32>
        %swap3A_991 = arith.constant 2 : i32
        %swap3A_992 = arith.index_cast %swap3A_991 : i32 to index
        %swap3A_993 = arith.index_cast %add3A_893 : i32 to index
        %swap3A_994 = arith.constant 112 : index
        %swap3A_995 = tpu.vector_load %arg8[%swap3A_992, %swap3A_993, %swap3A_994] {strides = array<i32>} : memref<5x80x128xf32, #tpu.memory_space<vmem>>, vector<1x1x16xf32>,
        %swap3A_996 = vector.shape_cast %swap3A_995 : vector<1x1x16xf32> to vector<16xf32>
        %swap3A_997 = vector.shape_cast %get3A_990 : vector<16xf32> to vector<1x1x16xf32>
        tpu.vector_store %arg8[%swap3A_992, %swap3A_993, %swap3A_994], %swap3A_997 {add = true, strides = array<i32>} : memref<5x80x128xf32, #tpu.memory_space<vmem>>, vector<1x1x16xf32>,
        %mul3A_998 = arith.constant 4 : i32
        %mul3A_999 = arith.muli %scan3A_673, %mul3A_998 : i32
        %add3A_1000 = arith.constant 3 : i32
        %add3A_1001 = arith.addi %mul3A_999, %add3A_1000 : i32
        %add3A_1002 = arith.constant 160 : i32
        %add3A_1003 = arith.addi %add3A_1002, %add3A_1001 : i32
        %get3A_1004 = arith.index_cast %add3A_1003 : i32 to index
        %get3A_1005 = arith.constant 0 : index
        %get3A_1006 = tpu.vector_load %arg7[%get3A_1004, %get3A_1005] {strides = array<i32>} : memref<240x128xf32, #tpu.memory_space<vmem>>, vector<1x16xf32>,
        %get3A_1007 = vector.shape_cast %get3A_1006 : vector<1x16xf32> to vector<16xf32>
        %swap3A_1008 = arith.constant 2 : i32
        %swap3A_1009 = arith.index_cast %swap3A_1008 : i32 to index
        %swap3A_1010 = arith.index_cast %add3A_1001 : i32 to index
        %swap3A_1011 = arith.constant 0 : index
        %swap3A_1012 = tpu.vector_load %arg8[%swap3A_1009, %swap3A_1010, %swap3A_1011] {strides = array<i32>} : memref<5x80x128xf32, #tpu.memory_space<vmem>>, vector<1x1x16xf32>,
        %swap3A_1013 = vector.shape_cast %swap3A_1012 : vector<1x1x16xf32> to vector<16xf32>
        %swap3A_1014 = vector.shape_cast %get3A_1007 : vector<16xf32> to vector<1x1x16xf32>
        tpu.vector_store %arg8[%swap3A_1009, %swap3A_1010, %swap3A_1011], %swap3A_1014 {add = true, strides = array<i32>} : memref<5x80x128xf32, #tpu.memory_space<vmem>>, vector<1x1x16xf32>,
        %add3A_1015 = arith.constant 160 : i32
        %add3A_1016 = arith.addi %add3A_1015, %add3A_1001 : i32
        %get3A_1017 = arith.index_cast %add3A_1016 : i32 to index
        %get3A_1018 = arith.constant 16 : index
        %get3A_1019 = tpu.vector_load %arg7[%get3A_1017, %get3A_1018] {strides = array<i32>} : memref<240x128xf32, #tpu.memory_space<vmem>>, vector<1x16xf32>,
        %get3A_1020 = vector.shape_cast %get3A_1019 : vector<1x16xf32> to vector<16xf32>
        %swap3A_1021 = arith.constant 2 : i32
        %swap3A_1022 = arith.index_cast %swap3A_1021 : i32 to index
        %swap3A_1023 = arith.index_cast %add3A_1001 : i32 to index
        %swap3A_1024 = arith.constant 16 : index
        %swap3A_1025 = tpu.vector_load %arg8[%swap3A_1022, %swap3A_1023, %swap3A_1024] {strides = array<i32>} : memref<5x80x128xf32, #tpu.memory_space<vmem>>, vector<1x1x16xf32>,
        %swap3A_1026 = vector.shape_cast %swap3A_1025 : vector<1x1x16xf32> to vector<16xf32>
        %swap3A_1027 = vector.shape_cast %get3A_1020 : vector<16xf32> to vector<1x1x16xf32>
        tpu.vector_store %arg8[%swap3A_1022, %swap3A_1023, %swap3A_1024], %swap3A_1027 {add = true, strides = array<i32>} : memref<5x80x128xf32, #tpu.memory_space<vmem>>, vector<1x1x16xf32>,
        %add3A_1028 = arith.constant 160 : i32
        %add3A_1029 = arith.addi %add3A_1028, %add3A_1001 : i32
        %get3A_1030 = arith.index_cast %add3A_1029 : i32 to index
        %get3A_1031 = arith.constant 32 : index
        %get3A_1032 = tpu.vector_load %arg7[%get3A_1030, %get3A_1031] {strides = array<i32>} : memref<240x128xf32, #tpu.memory_space<vmem>>, vector<1x16xf32>,
        %get3A_1033 = vector.shape_cast %get3A_1032 : vector<1x16xf32> to vector<16xf32>
        %swap3A_1034 = arith.constant 2 : i32
        %swap3A_1035 = arith.index_cast %swap3A_1034 : i32 to index
        %swap3A_1036 = arith.index_cast %add3A_1001 : i32 to index
        %swap3A_1037 = arith.constant 32 : index
        %swap3A_1038 = tpu.vector_load %arg8[%swap3A_1035, %swap3A_1036, %swap3A_1037] {strides = array<i32>} : memref<5x80x128xf32, #tpu.memory_space<vmem>>, vector<1x1x16xf32>,
        %swap3A_1039 = vector.shape_cast %swap3A_1038 : vector<1x1x16xf32> to vector<16xf32>
        %swap3A_1040 = vector.shape_cast %get3A_1033 : vector<16xf32> to vector<1x1x16xf32>
        tpu.vector_store %arg8[%swap3A_1035, %swap3A_1036, %swap3A_1037], %swap3A_1040 {add = true, strides = array<i32>} : memref<5x80x128xf32, #tpu.memory_space<vmem>>, vector<1x1x16xf32>,
        %add3A_1041 = arith.constant 160 : i32
        %add3A_1042 = arith.addi %add3A_1041, %add3A_1001 : i32
        %get3A_1043 = arith.index_cast %add3A_1042 : i32 to index
        %get3A_1044 = arith.constant 48 : index
        %get3A_1045 = tpu.vector_load %arg7[%get3A_1043, %get3A_1044] {strides = array<i32>} : memref<240x128xf32, #tpu.memory_space<vmem>>, vector<1x16xf32>,
        %get3A_1046 = vector.shape_cast %get3A_1045 : vector<1x16xf32> to vector<16xf32>
        %swap3A_1047 = arith.constant 2 : i32
        %swap3A_1048 = arith.index_cast %swap3A_1047 : i32 to index
        %swap3A_1049 = arith.index_cast %add3A_1001 : i32 to index
        %swap3A_1050 = arith.constant 48 : index
        %swap3A_1051 = tpu.vector_load %arg8[%swap3A_1048, %swap3A_1049, %swap3A_1050] {strides = array<i32>} : memref<5x80x128xf32, #tpu.memory_space<vmem>>, vector<1x1x16xf32>,
        %swap3A_1052 = vector.shape_cast %swap3A_1051 : vector<1x1x16xf32> to vector<16xf32>
        %swap3A_1053 = vector.shape_cast %get3A_1046 : vector<16xf32> to vector<1x1x16xf32>
        tpu.vector_store %arg8[%swap3A_1048, %swap3A_1049, %swap3A_1050], %swap3A_1053 {add = true, strides = array<i32>} : memref<5x80x128xf32, #tpu.memory_space<vmem>>, vector<1x1x16xf32>,
        %add3A_1054 = arith.constant 160 : i32
        %add3A_1055 = arith.addi %add3A_1054, %add3A_1001 : i32
        %get3A_1056 = arith.index_cast %add3A_1055 : i32 to index
        %get3A_1057 = arith.constant 64 : index
        %get3A_1058 = tpu.vector_load %arg7[%get3A_1056, %get3A_1057] {strides = array<i32>} : memref<240x128xf32, #tpu.memory_space<vmem>>, vector<1x16xf32>,
        %get3A_1059 = vector.shape_cast %get3A_1058 : vector<1x16xf32> to vector<16xf32>
        %swap3A_1060 = arith.constant 2 : i32
        %swap3A_1061 = arith.index_cast %swap3A_1060 : i32 to index
        %swap3A_1062 = arith.index_cast %add3A_1001 : i32 to index
        %swap3A_1063 = arith.constant 64 : index
        %swap3A_1064 = tpu.vector_load %arg8[%swap3A_1061, %swap3A_1062, %swap3A_1063] {strides = array<i32>} : memref<5x80x128xf32, #tpu.memory_space<vmem>>, vector<1x1x16xf32>,
        %swap3A_1065 = vector.shape_cast %swap3A_1064 : vector<1x1x16xf32> to vector<16xf32>
        %swap3A_1066 = vector.shape_cast %get3A_1059 : vector<16xf32> to vector<1x1x16xf32>
        tpu.vector_store %arg8[%swap3A_1061, %swap3A_1062, %swap3A_1063], %swap3A_1066 {add = true, strides = array<i32>} : memref<5x80x128xf32, #tpu.memory_space<vmem>>, vector<1x1x16xf32>,
        %add3A_1067 = arith.constant 160 : i32
        %add3A_1068 = arith.addi %add3A_1067, %add3A_1001 : i32
        %get3A_1069 = arith.index_cast %add3A_1068 : i32 to index
        %get3A_1070 = arith.constant 80 : index
        %get3A_1071 = tpu.vector_load %arg7[%get3A_1069, %get3A_1070] {strides = array<i32>} : memref<240x128xf32, #tpu.memory_space<vmem>>, vector<1x16xf32>,
        %get3A_1072 = vector.shape_cast %get3A_1071 : vector<1x16xf32> to vector<16xf32>
        %swap3A_1073 = arith.constant 2 : i32
        %swap3A_1074 = arith.index_cast %swap3A_1073 : i32 to index
        %swap3A_1075 = arith.index_cast %add3A_1001 : i32 to index
        %swap3A_1076 = arith.constant 80 : index
        %swap3A_1077 = tpu.vector_load %arg8[%swap3A_1074, %swap3A_1075, %swap3A_1076] {strides = array<i32>} : memref<5x80x128xf32, #tpu.memory_space<vmem>>, vector<1x1x16xf32>,
        %swap3A_1078 = vector.shape_cast %swap3A_1077 : vector<1x1x16xf32> to vector<16xf32>
        %swap3A_1079 = vector.shape_cast %get3A_1072 : vector<16xf32> to vector<1x1x16xf32>
        tpu.vector_store %arg8[%swap3A_1074, %swap3A_1075, %swap3A_1076], %swap3A_1079 {add = true, strides = array<i32>} : memref<5x80x128xf32, #tpu.memory_space<vmem>>, vector<1x1x16xf32>,
        %add3A_1080 = arith.constant 160 : i32
        %add3A_1081 = arith.addi %add3A_1080, %add3A_1001 : i32
        %get3A_1082 = arith.index_cast %add3A_1081 : i32 to index
        %get3A_1083 = arith.constant 96 : index
        %get3A_1084 = tpu.vector_load %arg7[%get3A_1082, %get3A_1083] {strides = array<i32>} : memref<240x128xf32, #tpu.memory_space<vmem>>, vector<1x16xf32>,
        %get3A_1085 = vector.shape_cast %get3A_1084 : vector<1x16xf32> to vector<16xf32>
        %swap3A_1086 = arith.constant 2 : i32
        %swap3A_1087 = arith.index_cast %swap3A_1086 : i32 to index
        %swap3A_1088 = arith.index_cast %add3A_1001 : i32 to index
        %swap3A_1089 = arith.constant 96 : index
        %swap3A_1090 = tpu.vector_load %arg8[%swap3A_1087, %swap3A_1088, %swap3A_1089] {strides = array<i32>} : memref<5x80x128xf32, #tpu.memory_space<vmem>>, vector<1x1x16xf32>,
        %swap3A_1091 = vector.shape_cast %swap3A_1090 : vector<1x1x16xf32> to vector<16xf32>
        %swap3A_1092 = vector.shape_cast %get3A_1085 : vector<16xf32> to vector<1x1x16xf32>
        tpu.vector_store %arg8[%swap3A_1087, %swap3A_1088, %swap3A_1089], %swap3A_1092 {add = true, strides = array<i32>} : memref<5x80x128xf32, #tpu.memory_space<vmem>>, vector<1x1x16xf32>,
        %add3A_1093 = arith.constant 160 : i32
        %add3A_1094 = arith.addi %add3A_1093, %add3A_1001 : i32
        %get3A_1095 = arith.index_cast %add3A_1094 : i32 to index
        %get3A_1096 = arith.constant 112 : index
        %get3A_1097 = tpu.vector_load %arg7[%get3A_1095, %get3A_1096] {strides = array<i32>} : memref<240x128xf32, #tpu.memory_space<vmem>>, vector<1x16xf32>,
        %get3A_1098 = vector.shape_cast %get3A_1097 : vector<1x16xf32> to vector<16xf32>
        %swap3A_1099 = arith.constant 2 : i32
        %swap3A_1100 = arith.index_cast %swap3A_1099 : i32 to index
        %swap3A_1101 = arith.index_cast %add3A_1001 : i32 to index
        %swap3A_1102 = arith.constant 112 : index
        %swap3A_1103 = tpu.vector_load %arg8[%swap3A_1100, %swap3A_1101, %swap3A_1102] {strides = array<i32>} : memref<5x80x128xf32, #tpu.memory_space<vmem>>, vector<1x1x16xf32>,
        %swap3A_1104 = vector.shape_cast %swap3A_1103 : vector<1x1x16xf32> to vector<16xf32>
        %swap3A_1105 = vector.shape_cast %get3A_1098 : vector<16xf32> to vector<1x1x16xf32>
        tpu.vector_store %arg8[%swap3A_1100, %swap3A_1101, %swap3A_1102], %swap3A_1105 {add = true, strides = array<i32>} : memref<5x80x128xf32, #tpu.memory_space<vmem>>, vector<1x1x16xf32>,
      }
      %scan3A_510 = arith.constant 20 : i32
      %mul3A_511 = arith.constant 80 : i32
      %mul3A_512 = arith.muli %add3A_457, %mul3A_511 : i32
      %add3A_513 = arith.addi %mul3A_2, %mul3A_512 : i32
      %dma_start3A_514 = arith.constant 2 : i32
      %dma_start3A_515 = arith.constant 0 : i32
      %dma_start3A_516 = arith.constant 0 : i32
      %dma_start3A_517 = tpu.memref_slice %arg8[%dma_start3A_514, %dma_start3A_515, %dma_start3A_516] : memref<5x80x128xf32, #tpu.memory_space<vmem>> -> memref<1x80x128xf32, #tpu.memory_space<vmem>>
      %dma_start3A_518 = tpu.memref_squeeze %dma_start3A_517 : memref<1x80x128xf32, #tpu.memory_space<vmem>> -> memref<80x128xf32, #tpu.memory_space<vmem>>
      %dma_start3A_519 = arith.constant 0 : i32
      %dma_start3A_520 = tpu.memref_slice %arg5[%add3A_513, %dma_start3A_519] : memref<819200x128xf32, #tpu.memory_space<hbm>> -> memref<80x128xf32, #tpu.memory_space<hbm>>
      %dma_start3A_521 = arith.constant 0 : i32
      %dma_start3A_522 = tpu.memref_slice %arg5[%add3A_513, %dma_start3A_521] : memref<819200x128xf32, #tpu.memory_space<hbm>> -> memref<80x128xf32, #tpu.memory_space<hbm>>
      %dma_start3A_523 = arith.constant 0 : i32
      %dma_start3A_524 = arith.constant 0 : i32
      %dma_start3A_525 = tpu.memref_slice %arg8[%dma_start3A_514, %dma_start3A_523, %dma_start3A_524] : memref<5x80x128xf32, #tpu.memory_space<vmem>> -> memref<1x80x128xf32, #tpu.memory_space<vmem>>
      %dma_start3A_526 = tpu.memref_squeeze %dma_start3A_525 : memref<1x80x128xf32, #tpu.memory_space<vmem>> -> memref<80x128xf32, #tpu.memory_space<vmem>>
      tpu.enqueue_dma source(%dma_start3A_526 : memref<80x128xf32, #tpu.memory_space<vmem>>) target(%dma_start3A_522 : memref<80x128xf32, #tpu.memory_space<hbm>>) target_semaphore(%arg17 : memref<!tpu.dma_semaphore, #tpu.memory_space<semaphore_mem>>)
      %mul3A_527 = arith.constant 5 : i32
      %mul3A_528 = arith.muli %scan3A_331, %mul3A_527 : i32
      %add3A_529 = arith.constant 3 : i32
      %add3A_530 = arith.addi %mul3A_528, %add3A_529 : i32
      %dma_wait3A_531 = arith.constant 1 : i32
      %dma_wait3A_532 = arith.constant 0 : i32
      %dma_wait3A_533 = arith.constant 0 : i32
      %dma_wait3A_534 = tpu.memref_slice %arg8[%dma_wait3A_531, %dma_wait3A_532, %dma_wait3A_533] : memref<5x80x128xf32, #tpu.memory_space<vmem>> -> memref<1x80x128xf32, #tpu.memory_space<vmem>>
      %dma_wait3A_535 = tpu.memref_squeeze %dma_wait3A_534 : memref<1x80x128xf32, #tpu.memory_space<vmem>> -> memref<80x128xf32, #tpu.memory_space<vmem>>
      %dma_wait3A_536 = arith.constant 0 : i32
      %dma_wait3A_537 = arith.constant 0 : i32
      %dma_wait3A_538 = tpu.memref_slice %arg5[%dma_wait3A_536, %dma_wait3A_537] : memref<819200x128xf32, #tpu.memory_space<hbm>> -> memref<80x128xf32, #tpu.memory_space<hbm>>
      %dma_wait3A_539 = arith.constant 0 : i32
      %dma_wait3A_540 = arith.constant 0 : i32
      %dma_wait3A_541 = tpu.memref_slice %arg5[%dma_wait3A_539, %dma_wait3A_540] : memref<819200x128xf32, #tpu.memory_space<hbm>> -> memref<80x128xf32, #tpu.memory_space<hbm>>
      %dma_wait3A_542 = arith.constant 0 : i32
      %dma_wait3A_543 = arith.constant 0 : i32
      %dma_wait3A_544 = tpu.memref_slice %arg8[%dma_wait3A_531, %dma_wait3A_542, %dma_wait3A_543] : memref<5x80x128xf32, #tpu.memory_space<vmem>> -> memref<1x80x128xf32, #tpu.memory_space<vmem>>
      %dma_wait3A_545 = tpu.memref_squeeze %dma_wait3A_544 : memref<1x80x128xf32, #tpu.memory_space<vmem>> -> memref<80x128xf32, #tpu.memory_space<vmem>>
      tpu.wait_dma2 semaphore(%arg16 : memref<!tpu.dma_semaphore, #tpu.memory_space<semaphore_mem>>) src(%dma_wait3A_545 : memref<80x128xf32, #tpu.memory_space<vmem>>) dst(%dma_wait3A_541 : memref<80x128xf32, #tpu.memory_space<hbm>>)
      %add3A_546 = arith.constant 3 : i32
      %add3A_547 = arith.addi %add3A_530, %add3A_546 : i32
      %lt3A_548 = arith.constant 320 : i32
      %lt3A_549 = arith.cmpi slt, %add3A_547, %lt3A_548 : i32
      %convert_element_type3A_550 = arith.extui %lt3A_549 : i1 to i32
      %cond3A_551 = arith.constant 0 : i32
      %cond3A_552 = arith.cmpi ne, %convert_element_type3A_550, %cond3A_551 : i32
      scf.if %cond3A_552 {
        %dma_wait3A_673 = arith.constant 1 : i32
        %dma_wait3A_674 = arith.constant 0 : i32
        %dma_wait3A_675 = tpu.memref_slice %arg6[%dma_wait3A_673, %dma_wait3A_674] : memref<5x80xi32, #tpu.memory_space<vmem>> -> memref<1x80xi32, #tpu.memory_space<vmem>>
        %dma_wait3A_676 = tpu.memref_squeeze %dma_wait3A_675 : memref<1x80xi32, #tpu.memory_space<vmem>> -> memref<80xi32, #tpu.memory_space<vmem>>
        %dma_wait3A_677 = arith.constant 0 : i32
        %dma_wait3A_678 = tpu.memref_slice %arg2[%dma_wait3A_677] : memref<819200xi32, #tpu.memory_space<hbm>> -> memref<80xi32, #tpu.memory_space<hbm>>
        %dma_wait3A_679 = arith.constant 0 : i32
        %dma_wait3A_680 = tpu.memref_slice %arg6[%dma_wait3A_673, %dma_wait3A_679] : memref<5x80xi32, #tpu.memory_space<vmem>> -> memref<1x80xi32, #tpu.memory_space<vmem>>
        %dma_wait3A_681 = tpu.memref_squeeze %dma_wait3A_680 : memref<1x80xi32, #tpu.memory_space<vmem>> -> memref<80xi32, #tpu.memory_space<vmem>>
        %dma_wait3A_682 = arith.constant 0 : i32
        %dma_wait3A_683 = tpu.memref_slice %arg2[%dma_wait3A_682] : memref<819200xi32, #tpu.memory_space<hbm>> -> memref<80xi32, #tpu.memory_space<hbm>>
        tpu.wait_dma2 semaphore(%arg21 : memref<!tpu.dma_semaphore, #tpu.memory_space<semaphore_mem>>) src(%dma_wait3A_683 : memref<80xi32, #tpu.memory_space<hbm>>) dst(%dma_wait3A_681 : memref<80xi32, #tpu.memory_space<vmem>>)
        %get3A_684 = arith.constant 1 : i32
        %get3A_685 = arith.index_cast %get3A_684 : i32 to index
        %get3A_686 = arith.constant 0 : index
        %get3A_687 = tpu.vector_load %arg6[%get3A_685, %get3A_686] {strides = array<i32>} : memref<5x80xi32, #tpu.memory_space<vmem>>, vector<1x16xi32>,
        %get3A_688 = vector.shape_cast %get3A_687 : vector<1x16xi32> to vector<16xi32>
        %add3A_689 = arith.addi %get3A_688, %broadcast_in_dim3A : vector<16xi32>
        %swap3A_690 = arith.constant 1 : i32
        %swap3A_691 = arith.index_cast %swap3A_690 : i32 to index
        %swap3A_692 = arith.constant 0 : index
        %swap3A_693 = tpu.vector_load %arg6[%swap3A_691, %swap3A_692] {strides = array<i32>} : memref<5x80xi32, #tpu.memory_space<vmem>>, vector<1x16xi32>,
        %swap3A_694 = vector.shape_cast %swap3A_693 : vector<1x16xi32> to vector<16xi32>
        %swap3A_695 = vector.shape_cast %add3A_689 : vector<16xi32> to vector<1x16xi32>
        tpu.vector_store %arg6[%swap3A_691, %swap3A_692], %swap3A_695 {strides = array<i32>} : memref<5x80xi32, #tpu.memory_space<vmem>>, vector<1x16xi32>,
        %get3A_696 = arith.constant 1 : i32
        %get3A_697 = arith.index_cast %get3A_696 : i32 to index
        %get3A_698 = arith.constant 16 : index
        %get3A_699 = tpu.vector_load %arg6[%get3A_697, %get3A_698] {strides = array<i32>} : memref<5x80xi32, #tpu.memory_space<vmem>>, vector<1x16xi32>,
        %get3A_700 = vector.shape_cast %get3A_699 : vector<1x16xi32> to vector<16xi32>
        %add3A_701 = arith.addi %get3A_700, %broadcast_in_dim3A : vector<16xi32>
        %swap3A_702 = arith.constant 1 : i32
        %swap3A_703 = arith.index_cast %swap3A_702 : i32 to index
        %swap3A_704 = arith.constant 16 : index
        %swap3A_705 = tpu.vector_load %arg6[%swap3A_703, %swap3A_704] {strides = array<i32>} : memref<5x80xi32, #tpu.memory_space<vmem>>, vector<1x16xi32>,
        %swap3A_706 = vector.shape_cast %swap3A_705 : vector<1x16xi32> to vector<16xi32>
        %swap3A_707 = vector.shape_cast %add3A_701 : vector<16xi32> to vector<1x16xi32>
        tpu.vector_store %arg6[%swap3A_703, %swap3A_704], %swap3A_707 {strides = array<i32>} : memref<5x80xi32, #tpu.memory_space<vmem>>, vector<1x16xi32>,
        %get3A_708 = arith.constant 1 : i32
        %get3A_709 = arith.index_cast %get3A_708 : i32 to index
        %get3A_710 = arith.constant 32 : index
        %get3A_711 = tpu.vector_load %arg6[%get3A_709, %get3A_710] {strides = array<i32>} : memref<5x80xi32, #tpu.memory_space<vmem>>, vector<1x16xi32>,
        %get3A_712 = vector.shape_cast %get3A_711 : vector<1x16xi32> to vector<16xi32>
        %add3A_713 = arith.addi %get3A_712, %broadcast_in_dim3A : vector<16xi32>
        %swap3A_714 = arith.constant 1 : i32
        %swap3A_715 = arith.index_cast %swap3A_714 : i32 to index
        %swap3A_716 = arith.constant 32 : index
        %swap3A_717 = tpu.vector_load %arg6[%swap3A_715, %swap3A_716] {strides = array<i32>} : memref<5x80xi32, #tpu.memory_space<vmem>>, vector<1x16xi32>,
        %swap3A_718 = vector.shape_cast %swap3A_717 : vector<1x16xi32> to vector<16xi32>
        %swap3A_719 = vector.shape_cast %add3A_713 : vector<16xi32> to vector<1x16xi32>
        tpu.vector_store %arg6[%swap3A_715, %swap3A_716], %swap3A_719 {strides = array<i32>} : memref<5x80xi32, #tpu.memory_space<vmem>>, vector<1x16xi32>,
        %get3A_720 = arith.constant 1 : i32
        %get3A_721 = arith.index_cast %get3A_720 : i32 to index
        %get3A_722 = arith.constant 48 : index
        %get3A_723 = tpu.vector_load %arg6[%get3A_721, %get3A_722] {strides = array<i32>} : memref<5x80xi32, #tpu.memory_space<vmem>>, vector<1x16xi32>,
        %get3A_724 = vector.shape_cast %get3A_723 : vector<1x16xi32> to vector<16xi32>
        %add3A_725 = arith.addi %get3A_724, %broadcast_in_dim3A : vector<16xi32>
        %swap3A_726 = arith.constant 1 : i32
        %swap3A_727 = arith.index_cast %swap3A_726 : i32 to index
        %swap3A_728 = arith.constant 48 : index
        %swap3A_729 = tpu.vector_load %arg6[%swap3A_727, %swap3A_728] {strides = array<i32>} : memref<5x80xi32, #tpu.memory_space<vmem>>, vector<1x16xi32>,
        %swap3A_730 = vector.shape_cast %swap3A_729 : vector<1x16xi32> to vector<16xi32>
        %swap3A_731 = vector.shape_cast %add3A_725 : vector<16xi32> to vector<1x16xi32>
        tpu.vector_store %arg6[%swap3A_727, %swap3A_728], %swap3A_731 {strides = array<i32>} : memref<5x80xi32, #tpu.memory_space<vmem>>, vector<1x16xi32>,
        %get3A_732 = arith.constant 1 : i32
        %get3A_733 = arith.index_cast %get3A_732 : i32 to index
        %get3A_734 = arith.constant 64 : index
        %get3A_735 = tpu.vector_load %arg6[%get3A_733, %get3A_734] {strides = array<i32>} : memref<5x80xi32, #tpu.memory_space<vmem>>, vector<1x16xi32>,
        %get3A_736 = vector.shape_cast %get3A_735 : vector<1x16xi32> to vector<16xi32>
        %add3A_737 = arith.addi %get3A_736, %broadcast_in_dim3A : vector<16xi32>
        %swap3A_738 = arith.constant 1 : i32
        %swap3A_739 = arith.index_cast %swap3A_738 : i32 to index
        %swap3A_740 = arith.constant 64 : index
        %swap3A_741 = tpu.vector_load %arg6[%swap3A_739, %swap3A_740] {strides = array<i32>} : memref<5x80xi32, #tpu.memory_space<vmem>>, vector<1x16xi32>,
        %swap3A_742 = vector.shape_cast %swap3A_741 : vector<1x16xi32> to vector<16xi32>
        %swap3A_743 = vector.shape_cast %add3A_737 : vector<16xi32> to vector<1x16xi32>
        tpu.vector_store %arg6[%swap3A_739, %swap3A_740], %swap3A_743 {strides = array<i32>} : memref<5x80xi32, #tpu.memory_space<vmem>>, vector<1x16xi32>,
        %dma_start3A_744 = arith.constant 1 : i32
        %dma_start3A_745 = arith.constant 1 : i32
        %dma_start3A_746 = arith.constant 0 : i32
        %dma_start3A_747 = arith.constant 0 : i32
        %dma_start3A_748 = tpu.memref_slice %arg8[%dma_start3A_745, %dma_start3A_746, %dma_start3A_747] : memref<5x80x128xf32, #tpu.memory_space<vmem>> -> memref<1x80x128xf32, #tpu.memory_space<vmem>>
        %dma_start3A_749 = tpu.memref_squeeze %dma_start3A_748 : memref<1x80x128xf32, #tpu.memory_space<vmem>> -> memref<80x128xf32, #tpu.memory_space<vmem>>
        %dma_start3A_750 = arith.constant 0 : i32
        %dma_start3A_751 = tpu.memref_slice %arg6[%dma_start3A_744, %dma_start3A_750] : memref<5x80xi32, #tpu.memory_space<vmem>> -> memref<1x80xi32, #tpu.memory_space<vmem>>
        %dma_start3A_752 = tpu.memref_squeeze %dma_start3A_751 : memref<1x80xi32, #tpu.memory_space<vmem>> -> memref<80xi32, #tpu.memory_space<vmem>>
        %dma_start3A_753 = arith.constant 0 : i32
        %dma_start3A_754 = arith.constant 0 : i32
        %dma_start3A_755 = tpu.memref_slice %arg9[%dma_start3A_753, %dma_start3A_754] : memref<4096x128xf32, #tpu.memory_space<vmem_shared>> -> memref<4096x128xf32, #tpu.memory_space<vmem_shared>>
        tpu.enqueue_indirect_dma source(%dma_start3A_755 : memref<4096x128xf32, #tpu.memory_space<vmem_shared>>) target(%dma_start3A_749 : memref<80x128xf32, #tpu.memory_space<vmem>>) offsets(%dma_start3A_752 : memref<80xi32, #tpu.memory_space<vmem>>) semaphore(%arg11 : memref<!tpu.dma_semaphore, #tpu.memory_space<semaphore_mem>>)
      } else {
      }
      %add3A_553 = arith.constant 3 : i32
      %add3A_554 = arith.addi %add3A_530, %add3A_553 : i32
      %add3A_555 = arith.constant 1 : i32
      %add3A_556 = arith.addi %add3A_554, %add3A_555 : i32
      %lt3A_557 = arith.constant 320 : i32
      %lt3A_558 = arith.cmpi slt, %add3A_556, %lt3A_557 : i32
      %add3A_559 = arith.constant 3 : i32
      %add3A_560 = arith.addi %add3A_530, %add3A_559 : i32
      %add3A_561 = arith.constant 1 : i32
      %add3A_562 = arith.addi %add3A_560, %add3A_561 : i32
      %convert_element_type3A_563 = arith.extui %lt3A_558 : i1 to i32
      %cond3A_564 = arith.constant 0 : i32
      %cond3A_565 = arith.cmpi ne, %convert_element_type3A_563, %cond3A_564 : i32
      scf.if %cond3A_565 {
        %mul3A_673 = arith.constant 80 : i32
        %mul3A_674 = arith.muli %add3A_562, %mul3A_673 : i32
        %add3A_675 = arith.addi %mul3A_2, %mul3A_674 : i32
        %dma_start3A_676 = arith.constant 2 : i32
        %dma_start3A_677 = arith.constant 0 : i32
        %dma_start3A_678 = tpu.memref_slice %arg6[%dma_start3A_676, %dma_start3A_677] : memref<5x80xi32, #tpu.memory_space<vmem>> -> memref<1x80xi32, #tpu.memory_space<vmem>>
        %dma_start3A_679 = tpu.memref_squeeze %dma_start3A_678 : memref<1x80xi32, #tpu.memory_space<vmem>> -> memref<80xi32, #tpu.memory_space<vmem>>
        %dma_start3A_680 = tpu.memref_slice %arg2[%add3A_675] : memref<819200xi32, #tpu.memory_space<hbm>> -> memref<80xi32, #tpu.memory_space<hbm>>
        %dma_start3A_681 = arith.constant 0 : i32
        %dma_start3A_682 = tpu.memref_slice %arg6[%dma_start3A_676, %dma_start3A_681] : memref<5x80xi32, #tpu.memory_space<vmem>> -> memref<1x80xi32, #tpu.memory_space<vmem>>
        %dma_start3A_683 = tpu.memref_squeeze %dma_start3A_682 : memref<1x80xi32, #tpu.memory_space<vmem>> -> memref<80xi32, #tpu.memory_space<vmem>>
        %dma_start3A_684 = tpu.memref_slice %arg2[%add3A_675] : memref<819200xi32, #tpu.memory_space<hbm>> -> memref<80xi32, #tpu.memory_space<hbm>>
        tpu.enqueue_dma source(%dma_start3A_684 : memref<80xi32, #tpu.memory_space<hbm>>) target(%dma_start3A_683 : memref<80xi32, #tpu.memory_space<vmem>>) target_semaphore(%arg22 : memref<!tpu.dma_semaphore, #tpu.memory_space<semaphore_mem>>)
      } else {
      }
      %dma_wait3A_566 = arith.constant 3 : i32
      %dma_wait3A_567 = arith.constant 3 : i32
      %dma_wait3A_568 = arith.constant 0 : i32
      %dma_wait3A_569 = arith.constant 0 : i32
      %dma_wait3A_570 = tpu.memref_slice %arg8[%dma_wait3A_567, %dma_wait3A_568, %dma_wait3A_569] : memref<5x80x128xf32, #tpu.memory_space<vmem>> -> memref<1x80x128xf32, #tpu.memory_space<vmem>>
      %dma_wait3A_571 = tpu.memref_squeeze %dma_wait3A_570 : memref<1x80x128xf32, #tpu.memory_space<vmem>> -> memref<80x128xf32, #tpu.memory_space<vmem>>
      %dma_wait3A_572 = arith.constant 0 : i32
      %dma_wait3A_573 = tpu.memref_slice %arg6[%dma_wait3A_566, %dma_wait3A_572] : memref<5x80xi32, #tpu.memory_space<vmem>> -> memref<1x80xi32, #tpu.memory_space<vmem>>
      %dma_wait3A_574 = tpu.memref_squeeze %dma_wait3A_573 : memref<1x80xi32, #tpu.memory_space<vmem>> -> memref<80xi32, #tpu.memory_space<vmem>>
      %dma_wait3A_575 = arith.constant 0 : i32
      %dma_wait3A_576 = arith.constant 0 : i32
      %dma_wait3A_577 = tpu.memref_slice %arg9[%dma_wait3A_575, %dma_wait3A_576] : memref<4096x128xf32, #tpu.memory_space<vmem_shared>> -> memref<4096x128xf32, #tpu.memory_space<vmem_shared>>
      tpu.wait_indirect_dma semaphore(%arg13 : memref<!tpu.dma_semaphore, #tpu.memory_space<semaphore_mem>>) src(%dma_wait3A_577 : memref<4096x128xf32, #tpu.memory_space<vmem_shared>>) dst(%dma_wait3A_571 : memref<80x128xf32, #tpu.memory_space<vmem>>)
      %scan3A_578 = arith.constant 0 : i32
      %scan3A_579 = arith.constant 0 : i32
      %scan3A_580 = arith.constant 20 : i32
      %scan3A_581 = arith.addi %scan3A_579, %scan3A_580 : i32
      %scan3A_582 = arith.constant 1 : i32
      scf.for %scan3A_673 = %scan3A_579 to %scan3A_581 step %scan3A_582  : i32 {
        %mul3A_674 = arith.constant 4 : i32
        %mul3A_675 = arith.muli %scan3A_673, %mul3A_674 : i32
        %add3A_676 = arith.constant 0 : i32
        %add3A_677 = arith.addi %mul3A_675, %add3A_676 : i32
        %add3A_678 = arith.constant 40 : i32
        %add3A_679 = arith.addi %add3A_678, %add3A_677 : i32
        %get3A_680 = arith.index_cast %add3A_679 : i32 to index
        %get3A_681 = arith.constant 0 : index
        %get3A_682 = tpu.vector_load %arg7[%get3A_680, %get3A_681] {strides = array<i32>} : memref<240x128xf32, #tpu.memory_space<vmem>>, vector<1x16xf32>,
        %get3A_683 = vector.shape_cast %get3A_682 : vector<1x16xf32> to vector<16xf32>
        %swap3A_684 = arith.constant 3 : i32
        %swap3A_685 = arith.index_cast %swap3A_684 : i32 to index
        %swap3A_686 = arith.index_cast %add3A_677 : i32 to index
        %swap3A_687 = arith.constant 0 : index
        %swap3A_688 = tpu.vector_load %arg8[%swap3A_685, %swap3A_686, %swap3A_687] {strides = array<i32>} : memref<5x80x128xf32, #tpu.memory_space<vmem>>, vector<1x1x16xf32>,
        %swap3A_689 = vector.shape_cast %swap3A_688 : vector<1x1x16xf32> to vector<16xf32>
        %swap3A_690 = vector.shape_cast %get3A_683 : vector<16xf32> to vector<1x1x16xf32>
        tpu.vector_store %arg8[%swap3A_685, %swap3A_686, %swap3A_687], %swap3A_690 {add = true, strides = array<i32>} : memref<5x80x128xf32, #tpu.memory_space<vmem>>, vector<1x1x16xf32>,
        %add3A_691 = arith.constant 40 : i32
        %add3A_692 = arith.addi %add3A_691, %add3A_677 : i32
        %get3A_693 = arith.index_cast %add3A_692 : i32 to index
        %get3A_694 = arith.constant 16 : index
        %get3A_695 = tpu.vector_load %arg7[%get3A_693, %get3A_694] {strides = array<i32>} : memref<240x128xf32, #tpu.memory_space<vmem>>, vector<1x16xf32>,
        %get3A_696 = vector.shape_cast %get3A_695 : vector<1x16xf32> to vector<16xf32>
        %swap3A_697 = arith.constant 3 : i32
        %swap3A_698 = arith.index_cast %swap3A_697 : i32 to index
        %swap3A_699 = arith.index_cast %add3A_677 : i32 to index
        %swap3A_700 = arith.constant 16 : index
        %swap3A_701 = tpu.vector_load %arg8[%swap3A_698, %swap3A_699, %swap3A_700] {strides = array<i32>} : memref<5x80x128xf32, #tpu.memory_space<vmem>>, vector<1x1x16xf32>,
        %swap3A_702 = vector.shape_cast %swap3A_701 : vector<1x1x16xf32> to vector<16xf32>
        %swap3A_703 = vector.shape_cast %get3A_696 : vector<16xf32> to vector<1x1x16xf32>
        tpu.vector_store %arg8[%swap3A_698, %swap3A_699, %swap3A_700], %swap3A_703 {add = true, strides = array<i32>} : memref<5x80x128xf32, #tpu.memory_space<vmem>>, vector<1x1x16xf32>,
        %add3A_704 = arith.constant 40 : i32
        %add3A_705 = arith.addi %add3A_704, %add3A_677 : i32
        %get3A_706 = arith.index_cast %add3A_705 : i32 to index
        %get3A_707 = arith.constant 32 : index
        %get3A_708 = tpu.vector_load %arg7[%get3A_706, %get3A_707] {strides = array<i32>} : memref<240x128xf32, #tpu.memory_space<vmem>>, vector<1x16xf32>,
        %get3A_709 = vector.shape_cast %get3A_708 : vector<1x16xf32> to vector<16xf32>
        %swap3A_710 = arith.constant 3 : i32
        %swap3A_711 = arith.index_cast %swap3A_710 : i32 to index
        %swap3A_712 = arith.index_cast %add3A_677 : i32 to index
        %swap3A_713 = arith.constant 32 : index
        %swap3A_714 = tpu.vector_load %arg8[%swap3A_711, %swap3A_712, %swap3A_713] {strides = array<i32>} : memref<5x80x128xf32, #tpu.memory_space<vmem>>, vector<1x1x16xf32>,
        %swap3A_715 = vector.shape_cast %swap3A_714 : vector<1x1x16xf32> to vector<16xf32>
        %swap3A_716 = vector.shape_cast %get3A_709 : vector<16xf32> to vector<1x1x16xf32>
        tpu.vector_store %arg8[%swap3A_711, %swap3A_712, %swap3A_713], %swap3A_716 {add = true, strides = array<i32>} : memref<5x80x128xf32, #tpu.memory_space<vmem>>, vector<1x1x16xf32>,
        %add3A_717 = arith.constant 40 : i32
        %add3A_718 = arith.addi %add3A_717, %add3A_677 : i32
        %get3A_719 = arith.index_cast %add3A_718 : i32 to index
        %get3A_720 = arith.constant 48 : index
        %get3A_721 = tpu.vector_load %arg7[%get3A_719, %get3A_720] {strides = array<i32>} : memref<240x128xf32, #tpu.memory_space<vmem>>, vector<1x16xf32>,
        %get3A_722 = vector.shape_cast %get3A_721 : vector<1x16xf32> to vector<16xf32>
        %swap3A_723 = arith.constant 3 : i32
        %swap3A_724 = arith.index_cast %swap3A_723 : i32 to index
        %swap3A_725 = arith.index_cast %add3A_677 : i32 to index
        %swap3A_726 = arith.constant 48 : index
        %swap3A_727 = tpu.vector_load %arg8[%swap3A_724, %swap3A_725, %swap3A_726] {strides = array<i32>} : memref<5x80x128xf32, #tpu.memory_space<vmem>>, vector<1x1x16xf32>,
        %swap3A_728 = vector.shape_cast %swap3A_727 : vector<1x1x16xf32> to vector<16xf32>
        %swap3A_729 = vector.shape_cast %get3A_722 : vector<16xf32> to vector<1x1x16xf32>
        tpu.vector_store %arg8[%swap3A_724, %swap3A_725, %swap3A_726], %swap3A_729 {add = true, strides = array<i32>} : memref<5x80x128xf32, #tpu.memory_space<vmem>>, vector<1x1x16xf32>,
        %add3A_730 = arith.constant 40 : i32
        %add3A_731 = arith.addi %add3A_730, %add3A_677 : i32
        %get3A_732 = arith.index_cast %add3A_731 : i32 to index
        %get3A_733 = arith.constant 64 : index
        %get3A_734 = tpu.vector_load %arg7[%get3A_732, %get3A_733] {strides = array<i32>} : memref<240x128xf32, #tpu.memory_space<vmem>>, vector<1x16xf32>,
        %get3A_735 = vector.shape_cast %get3A_734 : vector<1x16xf32> to vector<16xf32>
        %swap3A_736 = arith.constant 3 : i32
        %swap3A_737 = arith.index_cast %swap3A_736 : i32 to index
        %swap3A_738 = arith.index_cast %add3A_677 : i32 to index
        %swap3A_739 = arith.constant 64 : index
        %swap3A_740 = tpu.vector_load %arg8[%swap3A_737, %swap3A_738, %swap3A_739] {strides = array<i32>} : memref<5x80x128xf32, #tpu.memory_space<vmem>>, vector<1x1x16xf32>,
        %swap3A_741 = vector.shape_cast %swap3A_740 : vector<1x1x16xf32> to vector<16xf32>
        %swap3A_742 = vector.shape_cast %get3A_735 : vector<16xf32> to vector<1x1x16xf32>
        tpu.vector_store %arg8[%swap3A_737, %swap3A_738, %swap3A_739], %swap3A_742 {add = true, strides = array<i32>} : memref<5x80x128xf32, #tpu.memory_space<vmem>>, vector<1x1x16xf32>,
        %add3A_743 = arith.constant 40 : i32
        %add3A_744 = arith.addi %add3A_743, %add3A_677 : i32
        %get3A_745 = arith.index_cast %add3A_744 : i32 to index
        %get3A_746 = arith.constant 80 : index
        %get3A_747 = tpu.vector_load %arg7[%get3A_745, %get3A_746] {strides = array<i32>} : memref<240x128xf32, #tpu.memory_space<vmem>>, vector<1x16xf32>,
        %get3A_748 = vector.shape_cast %get3A_747 : vector<1x16xf32> to vector<16xf32>
        %swap3A_749 = arith.constant 3 : i32
        %swap3A_750 = arith.index_cast %swap3A_749 : i32 to index
        %swap3A_751 = arith.index_cast %add3A_677 : i32 to index
        %swap3A_752 = arith.constant 80 : index
        %swap3A_753 = tpu.vector_load %arg8[%swap3A_750, %swap3A_751, %swap3A_752] {strides = array<i32>} : memref<5x80x128xf32, #tpu.memory_space<vmem>>, vector<1x1x16xf32>,
        %swap3A_754 = vector.shape_cast %swap3A_753 : vector<1x1x16xf32> to vector<16xf32>
        %swap3A_755 = vector.shape_cast %get3A_748 : vector<16xf32> to vector<1x1x16xf32>
        tpu.vector_store %arg8[%swap3A_750, %swap3A_751, %swap3A_752], %swap3A_755 {add = true, strides = array<i32>} : memref<5x80x128xf32, #tpu.memory_space<vmem>>, vector<1x1x16xf32>,
        %add3A_756 = arith.constant 40 : i32
        %add3A_757 = arith.addi %add3A_756, %add3A_677 : i32
        %get3A_758 = arith.index_cast %add3A_757 : i32 to index
        %get3A_759 = arith.constant 96 : index
        %get3A_760 = tpu.vector_load %arg7[%get3A_758, %get3A_759] {strides = array<i32>} : memref<240x128xf32, #tpu.memory_space<vmem>>, vector<1x16xf32>,
        %get3A_761 = vector.shape_cast %get3A_760 : vector<1x16xf32> to vector<16xf32>
        %swap3A_762 = arith.constant 3 : i32
        %swap3A_763 = arith.index_cast %swap3A_762 : i32 to index
        %swap3A_764 = arith.index_cast %add3A_677 : i32 to index
        %swap3A_765 = arith.constant 96 : index
        %swap3A_766 = tpu.vector_load %arg8[%swap3A_763, %swap3A_764, %swap3A_765] {strides = array<i32>} : memref<5x80x128xf32, #tpu.memory_space<vmem>>, vector<1x1x16xf32>,
        %swap3A_767 = vector.shape_cast %swap3A_766 : vector<1x1x16xf32> to vector<16xf32>
        %swap3A_768 = vector.shape_cast %get3A_761 : vector<16xf32> to vector<1x1x16xf32>
        tpu.vector_store %arg8[%swap3A_763, %swap3A_764, %swap3A_765], %swap3A_768 {add = true, strides = array<i32>} : memref<5x80x128xf32, #tpu.memory_space<vmem>>, vector<1x1x16xf32>,
        %add3A_769 = arith.constant 40 : i32
        %add3A_770 = arith.addi %add3A_769, %add3A_677 : i32
        %get3A_771 = arith.index_cast %add3A_770 : i32 to index
        %get3A_772 = arith.constant 112 : index
        %get3A_773 = tpu.vector_load %arg7[%get3A_771, %get3A_772] {strides = array<i32>} : memref<240x128xf32, #tpu.memory_space<vmem>>, vector<1x16xf32>,
        %get3A_774 = vector.shape_cast %get3A_773 : vector<1x16xf32> to vector<16xf32>
        %swap3A_775 = arith.constant 3 : i32
        %swap3A_776 = arith.index_cast %swap3A_775 : i32 to index
        %swap3A_777 = arith.index_cast %add3A_677 : i32 to index
        %swap3A_778 = arith.constant 112 : index
        %swap3A_779 = tpu.vector_load %arg8[%swap3A_776, %swap3A_777, %swap3A_778] {strides = array<i32>} : memref<5x80x128xf32, #tpu.memory_space<vmem>>, vector<1x1x16xf32>,
        %swap3A_780 = vector.shape_cast %swap3A_779 : vector<1x1x16xf32> to vector<16xf32>
        %swap3A_781 = vector.shape_cast %get3A_774 : vector<16xf32> to vector<1x1x16xf32>
        tpu.vector_store %arg8[%swap3A_776, %swap3A_777, %swap3A_778], %swap3A_781 {add = true, strides = array<i32>} : memref<5x80x128xf32, #tpu.memory_space<vmem>>, vector<1x1x16xf32>,
        %mul3A_782 = arith.constant 4 : i32
        %mul3A_783 = arith.muli %scan3A_673, %mul3A_782 : i32
        %add3A_784 = arith.constant 1 : i32
        %add3A_785 = arith.addi %mul3A_783, %add3A_784 : i32
        %add3A_786 = arith.constant 40 : i32
        %add3A_787 = arith.addi %add3A_786, %add3A_785 : i32
        %get3A_788 = arith.index_cast %add3A_787 : i32 to index
        %get3A_789 = arith.constant 0 : index
        %get3A_790 = tpu.vector_load %arg7[%get3A_788, %get3A_789] {strides = array<i32>} : memref<240x128xf32, #tpu.memory_space<vmem>>, vector<1x16xf32>,
        %get3A_791 = vector.shape_cast %get3A_790 : vector<1x16xf32> to vector<16xf32>
        %swap3A_792 = arith.constant 3 : i32
        %swap3A_793 = arith.index_cast %swap3A_792 : i32 to index
        %swap3A_794 = arith.index_cast %add3A_785 : i32 to index
        %swap3A_795 = arith.constant 0 : index
        %swap3A_796 = tpu.vector_load %arg8[%swap3A_793, %swap3A_794, %swap3A_795] {strides = array<i32>} : memref<5x80x128xf32, #tpu.memory_space<vmem>>, vector<1x1x16xf32>,
        %swap3A_797 = vector.shape_cast %swap3A_796 : vector<1x1x16xf32> to vector<16xf32>
        %swap3A_798 = vector.shape_cast %get3A_791 : vector<16xf32> to vector<1x1x16xf32>
        tpu.vector_store %arg8[%swap3A_793, %swap3A_794, %swap3A_795], %swap3A_798 {add = true, strides = array<i32>} : memref<5x80x128xf32, #tpu.memory_space<vmem>>, vector<1x1x16xf32>,
        %add3A_799 = arith.constant 40 : i32
        %add3A_800 = arith.addi %add3A_799, %add3A_785 : i32
        %get3A_801 = arith.index_cast %add3A_800 : i32 to index
        %get3A_802 = arith.constant 16 : index
        %get3A_803 = tpu.vector_load %arg7[%get3A_801, %get3A_802] {strides = array<i32>} : memref<240x128xf32, #tpu.memory_space<vmem>>, vector<1x16xf32>,
        %get3A_804 = vector.shape_cast %get3A_803 : vector<1x16xf32> to vector<16xf32>
        %swap3A_805 = arith.constant 3 : i32
        %swap3A_806 = arith.index_cast %swap3A_805 : i32 to index
        %swap3A_807 = arith.index_cast %add3A_785 : i32 to index
        %swap3A_808 = arith.constant 16 : index
        %swap3A_809 = tpu.vector_load %arg8[%swap3A_806, %swap3A_807, %swap3A_808] {strides = array<i32>} : memref<5x80x128xf32, #tpu.memory_space<vmem>>, vector<1x1x16xf32>,
        %swap3A_810 = vector.shape_cast %swap3A_809 : vector<1x1x16xf32> to vector<16xf32>
        %swap3A_811 = vector.shape_cast %get3A_804 : vector<16xf32> to vector<1x1x16xf32>
        tpu.vector_store %arg8[%swap3A_806, %swap3A_807, %swap3A_808], %swap3A_811 {add = true, strides = array<i32>} : memref<5x80x128xf32, #tpu.memory_space<vmem>>, vector<1x1x16xf32>,
        %add3A_812 = arith.constant 40 : i32
        %add3A_813 = arith.addi %add3A_812, %add3A_785 : i32
        %get3A_814 = arith.index_cast %add3A_813 : i32 to index
        %get3A_815 = arith.constant 32 : index
        %get3A_816 = tpu.vector_load %arg7[%get3A_814, %get3A_815] {strides = array<i32>} : memref<240x128xf32, #tpu.memory_space<vmem>>, vector<1x16xf32>,
        %get3A_817 = vector.shape_cast %get3A_816 : vector<1x16xf32> to vector<16xf32>
        %swap3A_818 = arith.constant 3 : i32
        %swap3A_819 = arith.index_cast %swap3A_818 : i32 to index
        %swap3A_820 = arith.index_cast %add3A_785 : i32 to index
        %swap3A_821 = arith.constant 32 : index
        %swap3A_822 = tpu.vector_load %arg8[%swap3A_819, %swap3A_820, %swap3A_821] {strides = array<i32>} : memref<5x80x128xf32, #tpu.memory_space<vmem>>, vector<1x1x16xf32>,
        %swap3A_823 = vector.shape_cast %swap3A_822 : vector<1x1x16xf32> to vector<16xf32>
        %swap3A_824 = vector.shape_cast %get3A_817 : vector<16xf32> to vector<1x1x16xf32>
        tpu.vector_store %arg8[%swap3A_819, %swap3A_820, %swap3A_821], %swap3A_824 {add = true, strides = array<i32>} : memref<5x80x128xf32, #tpu.memory_space<vmem>>, vector<1x1x16xf32>,
        %add3A_825 = arith.constant 40 : i32
        %add3A_826 = arith.addi %add3A_825, %add3A_785 : i32
        %get3A_827 = arith.index_cast %add3A_826 : i32 to index
        %get3A_828 = arith.constant 48 : index
        %get3A_829 = tpu.vector_load %arg7[%get3A_827, %get3A_828] {strides = array<i32>} : memref<240x128xf32, #tpu.memory_space<vmem>>, vector<1x16xf32>,
        %get3A_830 = vector.shape_cast %get3A_829 : vector<1x16xf32> to vector<16xf32>
        %swap3A_831 = arith.constant 3 : i32
        %swap3A_832 = arith.index_cast %swap3A_831 : i32 to index
        %swap3A_833 = arith.index_cast %add3A_785 : i32 to index
        %swap3A_834 = arith.constant 48 : index
        %swap3A_835 = tpu.vector_load %arg8[%swap3A_832, %swap3A_833, %swap3A_834] {strides = array<i32>} : memref<5x80x128xf32, #tpu.memory_space<vmem>>, vector<1x1x16xf32>,
        %swap3A_836 = vector.shape_cast %swap3A_835 : vector<1x1x16xf32> to vector<16xf32>
        %swap3A_837 = vector.shape_cast %get3A_830 : vector<16xf32> to vector<1x1x16xf32>
        tpu.vector_store %arg8[%swap3A_832, %swap3A_833, %swap3A_834], %swap3A_837 {add = true, strides = array<i32>} : memref<5x80x128xf32, #tpu.memory_space<vmem>>, vector<1x1x16xf32>,
        %add3A_838 = arith.constant 40 : i32
        %add3A_839 = arith.addi %add3A_838, %add3A_785 : i32
        %get3A_840 = arith.index_cast %add3A_839 : i32 to index
        %get3A_841 = arith.constant 64 : index
        %get3A_842 = tpu.vector_load %arg7[%get3A_840, %get3A_841] {strides = array<i32>} : memref<240x128xf32, #tpu.memory_space<vmem>>, vector<1x16xf32>,
        %get3A_843 = vector.shape_cast %get3A_842 : vector<1x16xf32> to vector<16xf32>
        %swap3A_844 = arith.constant 3 : i32
        %swap3A_845 = arith.index_cast %swap3A_844 : i32 to index
        %swap3A_846 = arith.index_cast %add3A_785 : i32 to index
        %swap3A_847 = arith.constant 64 : index
        %swap3A_848 = tpu.vector_load %arg8[%swap3A_845, %swap3A_846, %swap3A_847] {strides = array<i32>} : memref<5x80x128xf32, #tpu.memory_space<vmem>>, vector<1x1x16xf32>,
        %swap3A_849 = vector.shape_cast %swap3A_848 : vector<1x1x16xf32> to vector<16xf32>
        %swap3A_850 = vector.shape_cast %get3A_843 : vector<16xf32> to vector<1x1x16xf32>
        tpu.vector_store %arg8[%swap3A_845, %swap3A_846, %swap3A_847], %swap3A_850 {add = true, strides = array<i32>} : memref<5x80x128xf32, #tpu.memory_space<vmem>>, vector<1x1x16xf32>,
        %add3A_851 = arith.constant 40 : i32
        %add3A_852 = arith.addi %add3A_851, %add3A_785 : i32
        %get3A_853 = arith.index_cast %add3A_852 : i32 to index
        %get3A_854 = arith.constant 80 : index
        %get3A_855 = tpu.vector_load %arg7[%get3A_853, %get3A_854] {strides = array<i32>} : memref<240x128xf32, #tpu.memory_space<vmem>>, vector<1x16xf32>,
        %get3A_856 = vector.shape_cast %get3A_855 : vector<1x16xf32> to vector<16xf32>
        %swap3A_857 = arith.constant 3 : i32
        %swap3A_858 = arith.index_cast %swap3A_857 : i32 to index
        %swap3A_859 = arith.index_cast %add3A_785 : i32 to index
        %swap3A_860 = arith.constant 80 : index
        %swap3A_861 = tpu.vector_load %arg8[%swap3A_858, %swap3A_859, %swap3A_860] {strides = array<i32>} : memref<5x80x128xf32, #tpu.memory_space<vmem>>, vector<1x1x16xf32>,
        %swap3A_862 = vector.shape_cast %swap3A_861 : vector<1x1x16xf32> to vector<16xf32>
        %swap3A_863 = vector.shape_cast %get3A_856 : vector<16xf32> to vector<1x1x16xf32>
        tpu.vector_store %arg8[%swap3A_858, %swap3A_859, %swap3A_860], %swap3A_863 {add = true, strides = array<i32>} : memref<5x80x128xf32, #tpu.memory_space<vmem>>, vector<1x1x16xf32>,
        %add3A_864 = arith.constant 40 : i32
        %add3A_865 = arith.addi %add3A_864, %add3A_785 : i32
        %get3A_866 = arith.index_cast %add3A_865 : i32 to index
        %get3A_867 = arith.constant 96 : index
        %get3A_868 = tpu.vector_load %arg7[%get3A_866, %get3A_867] {strides = array<i32>} : memref<240x128xf32, #tpu.memory_space<vmem>>, vector<1x16xf32>,
        %get3A_869 = vector.shape_cast %get3A_868 : vector<1x16xf32> to vector<16xf32>
        %swap3A_870 = arith.constant 3 : i32
        %swap3A_871 = arith.index_cast %swap3A_870 : i32 to index
        %swap3A_872 = arith.index_cast %add3A_785 : i32 to index
        %swap3A_873 = arith.constant 96 : index
        %swap3A_874 = tpu.vector_load %arg8[%swap3A_871, %swap3A_872, %swap3A_873] {strides = array<i32>} : memref<5x80x128xf32, #tpu.memory_space<vmem>>, vector<1x1x16xf32>,
        %swap3A_875 = vector.shape_cast %swap3A_874 : vector<1x1x16xf32> to vector<16xf32>
        %swap3A_876 = vector.shape_cast %get3A_869 : vector<16xf32> to vector<1x1x16xf32>
        tpu.vector_store %arg8[%swap3A_871, %swap3A_872, %swap3A_873], %swap3A_876 {add = true, strides = array<i32>} : memref<5x80x128xf32, #tpu.memory_space<vmem>>, vector<1x1x16xf32>,
        %add3A_877 = arith.constant 40 : i32
        %add3A_878 = arith.addi %add3A_877, %add3A_785 : i32
        %get3A_879 = arith.index_cast %add3A_878 : i32 to index
        %get3A_880 = arith.constant 112 : index
        %get3A_881 = tpu.vector_load %arg7[%get3A_879, %get3A_880] {strides = array<i32>} : memref<240x128xf32, #tpu.memory_space<vmem>>, vector<1x16xf32>,
        %get3A_882 = vector.shape_cast %get3A_881 : vector<1x16xf32> to vector<16xf32>
        %swap3A_883 = arith.constant 3 : i32
        %swap3A_884 = arith.index_cast %swap3A_883 : i32 to index
        %swap3A_885 = arith.index_cast %add3A_785 : i32 to index
        %swap3A_886 = arith.constant 112 : index
        %swap3A_887 = tpu.vector_load %arg8[%swap3A_884, %swap3A_885, %swap3A_886] {strides = array<i32>} : memref<5x80x128xf32, #tpu.memory_space<vmem>>, vector<1x1x16xf32>,
        %swap3A_888 = vector.shape_cast %swap3A_887 : vector<1x1x16xf32> to vector<16xf32>
        %swap3A_889 = vector.shape_cast %get3A_882 : vector<16xf32> to vector<1x1x16xf32>
        tpu.vector_store %arg8[%swap3A_884, %swap3A_885, %swap3A_886], %swap3A_889 {add = true, strides = array<i32>} : memref<5x80x128xf32, #tpu.memory_space<vmem>>, vector<1x1x16xf32>,
        %mul3A_890 = arith.constant 4 : i32
        %mul3A_891 = arith.muli %scan3A_673, %mul3A_890 : i32
        %add3A_892 = arith.constant 2 : i32
        %add3A_893 = arith.addi %mul3A_891, %add3A_892 : i32
        %add3A_894 = arith.constant 40 : i32
        %add3A_895 = arith.addi %add3A_894, %add3A_893 : i32
        %get3A_896 = arith.index_cast %add3A_895 : i32 to index
        %get3A_897 = arith.constant 0 : index
        %get3A_898 = tpu.vector_load %arg7[%get3A_896, %get3A_897] {strides = array<i32>} : memref<240x128xf32, #tpu.memory_space<vmem>>, vector<1x16xf32>,
        %get3A_899 = vector.shape_cast %get3A_898 : vector<1x16xf32> to vector<16xf32>
        %swap3A_900 = arith.constant 3 : i32
        %swap3A_901 = arith.index_cast %swap3A_900 : i32 to index
        %swap3A_902 = arith.index_cast %add3A_893 : i32 to index
        %swap3A_903 = arith.constant 0 : index
        %swap3A_904 = tpu.vector_load %arg8[%swap3A_901, %swap3A_902, %swap3A_903] {strides = array<i32>} : memref<5x80x128xf32, #tpu.memory_space<vmem>>, vector<1x1x16xf32>,
        %swap3A_905 = vector.shape_cast %swap3A_904 : vector<1x1x16xf32> to vector<16xf32>
        %swap3A_906 = vector.shape_cast %get3A_899 : vector<16xf32> to vector<1x1x16xf32>
        tpu.vector_store %arg8[%swap3A_901, %swap3A_902, %swap3A_903], %swap3A_906 {add = true, strides = array<i32>} : memref<5x80x128xf32, #tpu.memory_space<vmem>>, vector<1x1x16xf32>,
        %add3A_907 = arith.constant 40 : i32
        %add3A_908 = arith.addi %add3A_907, %add3A_893 : i32
        %get3A_909 = arith.index_cast %add3A_908 : i32 to index
        %get3A_910 = arith.constant 16 : index
        %get3A_911 = tpu.vector_load %arg7[%get3A_909, %get3A_910] {strides = array<i32>} : memref<240x128xf32, #tpu.memory_space<vmem>>, vector<1x16xf32>,
        %get3A_912 = vector.shape_cast %get3A_911 : vector<1x16xf32> to vector<16xf32>
        %swap3A_913 = arith.constant 3 : i32
        %swap3A_914 = arith.index_cast %swap3A_913 : i32 to index
        %swap3A_915 = arith.index_cast %add3A_893 : i32 to index
        %swap3A_916 = arith.constant 16 : index
        %swap3A_917 = tpu.vector_load %arg8[%swap3A_914, %swap3A_915, %swap3A_916] {strides = array<i32>} : memref<5x80x128xf32, #tpu.memory_space<vmem>>, vector<1x1x16xf32>,
        %swap3A_918 = vector.shape_cast %swap3A_917 : vector<1x1x16xf32> to vector<16xf32>
        %swap3A_919 = vector.shape_cast %get3A_912 : vector<16xf32> to vector<1x1x16xf32>
        tpu.vector_store %arg8[%swap3A_914, %swap3A_915, %swap3A_916], %swap3A_919 {add = true, strides = array<i32>} : memref<5x80x128xf32, #tpu.memory_space<vmem>>, vector<1x1x16xf32>,
        %add3A_920 = arith.constant 40 : i32
        %add3A_921 = arith.addi %add3A_920, %add3A_893 : i32
        %get3A_922 = arith.index_cast %add3A_921 : i32 to index
        %get3A_923 = arith.constant 32 : index
        %get3A_924 = tpu.vector_load %arg7[%get3A_922, %get3A_923] {strides = array<i32>} : memref<240x128xf32, #tpu.memory_space<vmem>>, vector<1x16xf32>,
        %get3A_925 = vector.shape_cast %get3A_924 : vector<1x16xf32> to vector<16xf32>
        %swap3A_926 = arith.constant 3 : i32
        %swap3A_927 = arith.index_cast %swap3A_926 : i32 to index
        %swap3A_928 = arith.index_cast %add3A_893 : i32 to index
        %swap3A_929 = arith.constant 32 : index
        %swap3A_930 = tpu.vector_load %arg8[%swap3A_927, %swap3A_928, %swap3A_929] {strides = array<i32>} : memref<5x80x128xf32, #tpu.memory_space<vmem>>, vector<1x1x16xf32>,
        %swap3A_931 = vector.shape_cast %swap3A_930 : vector<1x1x16xf32> to vector<16xf32>
        %swap3A_932 = vector.shape_cast %get3A_925 : vector<16xf32> to vector<1x1x16xf32>
        tpu.vector_store %arg8[%swap3A_927, %swap3A_928, %swap3A_929], %swap3A_932 {add = true, strides = array<i32>} : memref<5x80x128xf32, #tpu.memory_space<vmem>>, vector<1x1x16xf32>,
        %add3A_933 = arith.constant 40 : i32
        %add3A_934 = arith.addi %add3A_933, %add3A_893 : i32
        %get3A_935 = arith.index_cast %add3A_934 : i32 to index
        %get3A_936 = arith.constant 48 : index
        %get3A_937 = tpu.vector_load %arg7[%get3A_935, %get3A_936] {strides = array<i32>} : memref<240x128xf32, #tpu.memory_space<vmem>>, vector<1x16xf32>,
        %get3A_938 = vector.shape_cast %get3A_937 : vector<1x16xf32> to vector<16xf32>
        %swap3A_939 = arith.constant 3 : i32
        %swap3A_940 = arith.index_cast %swap3A_939 : i32 to index
        %swap3A_941 = arith.index_cast %add3A_893 : i32 to index
        %swap3A_942 = arith.constant 48 : index
        %swap3A_943 = tpu.vector_load %arg8[%swap3A_940, %swap3A_941, %swap3A_942] {strides = array<i32>} : memref<5x80x128xf32, #tpu.memory_space<vmem>>, vector<1x1x16xf32>,
        %swap3A_944 = vector.shape_cast %swap3A_943 : vector<1x1x16xf32> to vector<16xf32>
        %swap3A_945 = vector.shape_cast %get3A_938 : vector<16xf32> to vector<1x1x16xf32>
        tpu.vector_store %arg8[%swap3A_940, %swap3A_941, %swap3A_942], %swap3A_945 {add = true, strides = array<i32>} : memref<5x80x128xf32, #tpu.memory_space<vmem>>, vector<1x1x16xf32>,
        %add3A_946 = arith.constant 40 : i32
        %add3A_947 = arith.addi %add3A_946, %add3A_893 : i32
        %get3A_948 = arith.index_cast %add3A_947 : i32 to index
        %get3A_949 = arith.constant 64 : index
        %get3A_950 = tpu.vector_load %arg7[%get3A_948, %get3A_949] {strides = array<i32>} : memref<240x128xf32, #tpu.memory_space<vmem>>, vector<1x16xf32>,
        %get3A_951 = vector.shape_cast %get3A_950 : vector<1x16xf32> to vector<16xf32>
        %swap3A_952 = arith.constant 3 : i32
        %swap3A_953 = arith.index_cast %swap3A_952 : i32 to index
        %swap3A_954 = arith.index_cast %add3A_893 : i32 to index
        %swap3A_955 = arith.constant 64 : index
        %swap3A_956 = tpu.vector_load %arg8[%swap3A_953, %swap3A_954, %swap3A_955] {strides = array<i32>} : memref<5x80x128xf32, #tpu.memory_space<vmem>>, vector<1x1x16xf32>,
        %swap3A_957 = vector.shape_cast %swap3A_956 : vector<1x1x16xf32> to vector<16xf32>
        %swap3A_958 = vector.shape_cast %get3A_951 : vector<16xf32> to vector<1x1x16xf32>
        tpu.vector_store %arg8[%swap3A_953, %swap3A_954, %swap3A_955], %swap3A_958 {add = true, strides = array<i32>} : memref<5x80x128xf32, #tpu.memory_space<vmem>>, vector<1x1x16xf32>,
        %add3A_959 = arith.constant 40 : i32
        %add3A_960 = arith.addi %add3A_959, %add3A_893 : i32
        %get3A_961 = arith.index_cast %add3A_960 : i32 to index
        %get3A_962 = arith.constant 80 : index
        %get3A_963 = tpu.vector_load %arg7[%get3A_961, %get3A_962] {strides = array<i32>} : memref<240x128xf32, #tpu.memory_space<vmem>>, vector<1x16xf32>,
        %get3A_964 = vector.shape_cast %get3A_963 : vector<1x16xf32> to vector<16xf32>
        %swap3A_965 = arith.constant 3 : i32
        %swap3A_966 = arith.index_cast %swap3A_965 : i32 to index
        %swap3A_967 = arith.index_cast %add3A_893 : i32 to index
        %swap3A_968 = arith.constant 80 : index
        %swap3A_969 = tpu.vector_load %arg8[%swap3A_966, %swap3A_967, %swap3A_968] {strides = array<i32>} : memref<5x80x128xf32, #tpu.memory_space<vmem>>, vector<1x1x16xf32>,
        %swap3A_970 = vector.shape_cast %swap3A_969 : vector<1x1x16xf32> to vector<16xf32>
        %swap3A_971 = vector.shape_cast %get3A_964 : vector<16xf32> to vector<1x1x16xf32>
        tpu.vector_store %arg8[%swap3A_966, %swap3A_967, %swap3A_968], %swap3A_971 {add = true, strides = array<i32>} : memref<5x80x128xf32, #tpu.memory_space<vmem>>, vector<1x1x16xf32>,
        %add3A_972 = arith.constant 40 : i32
        %add3A_973 = arith.addi %add3A_972, %add3A_893 : i32
        %get3A_974 = arith.index_cast %add3A_973 : i32 to index
        %get3A_975 = arith.constant 96 : index
        %get3A_976 = tpu.vector_load %arg7[%get3A_974, %get3A_975] {strides = array<i32>} : memref<240x128xf32, #tpu.memory_space<vmem>>, vector<1x16xf32>,
        %get3A_977 = vector.shape_cast %get3A_976 : vector<1x16xf32> to vector<16xf32>
        %swap3A_978 = arith.constant 3 : i32
        %swap3A_979 = arith.index_cast %swap3A_978 : i32 to index
        %swap3A_980 = arith.index_cast %add3A_893 : i32 to index
        %swap3A_981 = arith.constant 96 : index
        %swap3A_982 = tpu.vector_load %arg8[%swap3A_979, %swap3A_980, %swap3A_981] {strides = array<i32>} : memref<5x80x128xf32, #tpu.memory_space<vmem>>, vector<1x1x16xf32>,
        %swap3A_983 = vector.shape_cast %swap3A_982 : vector<1x1x16xf32> to vector<16xf32>
        %swap3A_984 = vector.shape_cast %get3A_977 : vector<16xf32> to vector<1x1x16xf32>
        tpu.vector_store %arg8[%swap3A_979, %swap3A_980, %swap3A_981], %swap3A_984 {add = true, strides = array<i32>} : memref<5x80x128xf32, #tpu.memory_space<vmem>>, vector<1x1x16xf32>,
        %add3A_985 = arith.constant 40 : i32
        %add3A_986 = arith.addi %add3A_985, %add3A_893 : i32
        %get3A_987 = arith.index_cast %add3A_986 : i32 to index
        %get3A_988 = arith.constant 112 : index
        %get3A_989 = tpu.vector_load %arg7[%get3A_987, %get3A_988] {strides = array<i32>} : memref<240x128xf32, #tpu.memory_space<vmem>>, vector<1x16xf32>,
        %get3A_990 = vector.shape_cast %get3A_989 : vector<1x16xf32> to vector<16xf32>
        %swap3A_991 = arith.constant 3 : i32
        %swap3A_992 = arith.index_cast %swap3A_991 : i32 to index
        %swap3A_993 = arith.index_cast %add3A_893 : i32 to index
        %swap3A_994 = arith.constant 112 : index
        %swap3A_995 = tpu.vector_load %arg8[%swap3A_992, %swap3A_993, %swap3A_994] {strides = array<i32>} : memref<5x80x128xf32, #tpu.memory_space<vmem>>, vector<1x1x16xf32>,
        %swap3A_996 = vector.shape_cast %swap3A_995 : vector<1x1x16xf32> to vector<16xf32>
        %swap3A_997 = vector.shape_cast %get3A_990 : vector<16xf32> to vector<1x1x16xf32>
        tpu.vector_store %arg8[%swap3A_992, %swap3A_993, %swap3A_994], %swap3A_997 {add = true, strides = array<i32>} : memref<5x80x128xf32, #tpu.memory_space<vmem>>, vector<1x1x16xf32>,
        %mul3A_998 = arith.constant 4 : i32
        %mul3A_999 = arith.muli %scan3A_673, %mul3A_998 : i32
        %add3A_1000 = arith.constant 3 : i32
        %add3A_1001 = arith.addi %mul3A_999, %add3A_1000 : i32
        %add3A_1002 = arith.constant 40 : i32
        %add3A_1003 = arith.addi %add3A_1002, %add3A_1001 : i32
        %get3A_1004 = arith.index_cast %add3A_1003 : i32 to index
        %get3A_1005 = arith.constant 0 : index
        %get3A_1006 = tpu.vector_load %arg7[%get3A_1004, %get3A_1005] {strides = array<i32>} : memref<240x128xf32, #tpu.memory_space<vmem>>, vector<1x16xf32>,
        %get3A_1007 = vector.shape_cast %get3A_1006 : vector<1x16xf32> to vector<16xf32>
        %swap3A_1008 = arith.constant 3 : i32
        %swap3A_1009 = arith.index_cast %swap3A_1008 : i32 to index
        %swap3A_1010 = arith.index_cast %add3A_1001 : i32 to index
        %swap3A_1011 = arith.constant 0 : index
        %swap3A_1012 = tpu.vector_load %arg8[%swap3A_1009, %swap3A_1010, %swap3A_1011] {strides = array<i32>} : memref<5x80x128xf32, #tpu.memory_space<vmem>>, vector<1x1x16xf32>,
        %swap3A_1013 = vector.shape_cast %swap3A_1012 : vector<1x1x16xf32> to vector<16xf32>
        %swap3A_1014 = vector.shape_cast %get3A_1007 : vector<16xf32> to vector<1x1x16xf32>
        tpu.vector_store %arg8[%swap3A_1009, %swap3A_1010, %swap3A_1011], %swap3A_1014 {add = true, strides = array<i32>} : memref<5x80x128xf32, #tpu.memory_space<vmem>>, vector<1x1x16xf32>,
        %add3A_1015 = arith.constant 40 : i32
        %add3A_1016 = arith.addi %add3A_1015, %add3A_1001 : i32
        %get3A_1017 = arith.index_cast %add3A_1016 : i32 to index
        %get3A_1018 = arith.constant 16 : index
        %get3A_1019 = tpu.vector_load %arg7[%get3A_1017, %get3A_1018] {strides = array<i32>} : memref<240x128xf32, #tpu.memory_space<vmem>>, vector<1x16xf32>,
        %get3A_1020 = vector.shape_cast %get3A_1019 : vector<1x16xf32> to vector<16xf32>
        %swap3A_1021 = arith.constant 3 : i32
        %swap3A_1022 = arith.index_cast %swap3A_1021 : i32 to index
        %swap3A_1023 = arith.index_cast %add3A_1001 : i32 to index
        %swap3A_1024 = arith.constant 16 : index
        %swap3A_1025 = tpu.vector_load %arg8[%swap3A_1022, %swap3A_1023, %swap3A_1024] {strides = array<i32>} : memref<5x80x128xf32, #tpu.memory_space<vmem>>, vector<1x1x16xf32>,
        %swap3A_1026 = vector.shape_cast %swap3A_1025 : vector<1x1x16xf32> to vector<16xf32>
        %swap3A_1027 = vector.shape_cast %get3A_1020 : vector<16xf32> to vector<1x1x16xf32>
        tpu.vector_store %arg8[%swap3A_1022, %swap3A_1023, %swap3A_1024], %swap3A_1027 {add = true, strides = array<i32>} : memref<5x80x128xf32, #tpu.memory_space<vmem>>, vector<1x1x16xf32>,
        %add3A_1028 = arith.constant 40 : i32
        %add3A_1029 = arith.addi %add3A_1028, %add3A_1001 : i32
        %get3A_1030 = arith.index_cast %add3A_1029 : i32 to index
        %get3A_1031 = arith.constant 32 : index
        %get3A_1032 = tpu.vector_load %arg7[%get3A_1030, %get3A_1031] {strides = array<i32>} : memref<240x128xf32, #tpu.memory_space<vmem>>, vector<1x16xf32>,
        %get3A_1033 = vector.shape_cast %get3A_1032 : vector<1x16xf32> to vector<16xf32>
        %swap3A_1034 = arith.constant 3 : i32
        %swap3A_1035 = arith.index_cast %swap3A_1034 : i32 to index
        %swap3A_1036 = arith.index_cast %add3A_1001 : i32 to index
        %swap3A_1037 = arith.constant 32 : index
        %swap3A_1038 = tpu.vector_load %arg8[%swap3A_1035, %swap3A_1036, %swap3A_1037] {strides = array<i32>} : memref<5x80x128xf32, #tpu.memory_space<vmem>>, vector<1x1x16xf32>,
        %swap3A_1039 = vector.shape_cast %swap3A_1038 : vector<1x1x16xf32> to vector<16xf32>
        %swap3A_1040 = vector.shape_cast %get3A_1033 : vector<16xf32> to vector<1x1x16xf32>
        tpu.vector_store %arg8[%swap3A_1035, %swap3A_1036, %swap3A_1037], %swap3A_1040 {add = true, strides = array<i32>} : memref<5x80x128xf32, #tpu.memory_space<vmem>>, vector<1x1x16xf32>,
        %add3A_1041 = arith.constant 40 : i32
        %add3A_1042 = arith.addi %add3A_1041, %add3A_1001 : i32
        %get3A_1043 = arith.index_cast %add3A_1042 : i32 to index
        %get3A_1044 = arith.constant 48 : index
        %get3A_1045 = tpu.vector_load %arg7[%get3A_1043, %get3A_1044] {strides = array<i32>} : memref<240x128xf32, #tpu.memory_space<vmem>>, vector<1x16xf32>,
        %get3A_1046 = vector.shape_cast %get3A_1045 : vector<1x16xf32> to vector<16xf32>
        %swap3A_1047 = arith.constant 3 : i32
        %swap3A_1048 = arith.index_cast %swap3A_1047 : i32 to index
        %swap3A_1049 = arith.index_cast %add3A_1001 : i32 to index
        %swap3A_1050 = arith.constant 48 : index
        %swap3A_1051 = tpu.vector_load %arg8[%swap3A_1048, %swap3A_1049, %swap3A_1050] {strides = array<i32>} : memref<5x80x128xf32, #tpu.memory_space<vmem>>, vector<1x1x16xf32>,
        %swap3A_1052 = vector.shape_cast %swap3A_1051 : vector<1x1x16xf32> to vector<16xf32>
        %swap3A_1053 = vector.shape_cast %get3A_1046 : vector<16xf32> to vector<1x1x16xf32>
        tpu.vector_store %arg8[%swap3A_1048, %swap3A_1049, %swap3A_1050], %swap3A_1053 {add = true, strides = array<i32>} : memref<5x80x128xf32, #tpu.memory_space<vmem>>, vector<1x1x16xf32>,
        %add3A_1054 = arith.constant 40 : i32
        %add3A_1055 = arith.addi %add3A_1054, %add3A_1001 : i32
        %get3A_1056 = arith.index_cast %add3A_1055 : i32 to index
        %get3A_1057 = arith.constant 64 : index
        %get3A_1058 = tpu.vector_load %arg7[%get3A_1056, %get3A_1057] {strides = array<i32>} : memref<240x128xf32, #tpu.memory_space<vmem>>, vector<1x16xf32>,
        %get3A_1059 = vector.shape_cast %get3A_1058 : vector<1x16xf32> to vector<16xf32>
        %swap3A_1060 = arith.constant 3 : i32
        %swap3A_1061 = arith.index_cast %swap3A_1060 : i32 to index
        %swap3A_1062 = arith.index_cast %add3A_1001 : i32 to index
        %swap3A_1063 = arith.constant 64 : index
        %swap3A_1064 = tpu.vector_load %arg8[%swap3A_1061, %swap3A_1062, %swap3A_1063] {strides = array<i32>} : memref<5x80x128xf32, #tpu.memory_space<vmem>>, vector<1x1x16xf32>,
        %swap3A_1065 = vector.shape_cast %swap3A_1064 : vector<1x1x16xf32> to vector<16xf32>
        %swap3A_1066 = vector.shape_cast %get3A_1059 : vector<16xf32> to vector<1x1x16xf32>
        tpu.vector_store %arg8[%swap3A_1061, %swap3A_1062, %swap3A_1063], %swap3A_1066 {add = true, strides = array<i32>} : memref<5x80x128xf32, #tpu.memory_space<vmem>>, vector<1x1x16xf32>,
        %add3A_1067 = arith.constant 40 : i32
        %add3A_1068 = arith.addi %add3A_1067, %add3A_1001 : i32
        %get3A_1069 = arith.index_cast %add3A_1068 : i32 to index
        %get3A_1070 = arith.constant 80 : index
        %get3A_1071 = tpu.vector_load %arg7[%get3A_1069, %get3A_1070] {strides = array<i32>} : memref<240x128xf32, #tpu.memory_space<vmem>>, vector<1x16xf32>,
        %get3A_1072 = vector.shape_cast %get3A_1071 : vector<1x16xf32> to vector<16xf32>
        %swap3A_1073 = arith.constant 3 : i32
        %swap3A_1074 = arith.index_cast %swap3A_1073 : i32 to index
        %swap3A_1075 = arith.index_cast %add3A_1001 : i32 to index
        %swap3A_1076 = arith.constant 80 : index
        %swap3A_1077 = tpu.vector_load %arg8[%swap3A_1074, %swap3A_1075, %swap3A_1076] {strides = array<i32>} : memref<5x80x128xf32, #tpu.memory_space<vmem>>, vector<1x1x16xf32>,
        %swap3A_1078 = vector.shape_cast %swap3A_1077 : vector<1x1x16xf32> to vector<16xf32>
        %swap3A_1079 = vector.shape_cast %get3A_1072 : vector<16xf32> to vector<1x1x16xf32>
        tpu.vector_store %arg8[%swap3A_1074, %swap3A_1075, %swap3A_1076], %swap3A_1079 {add = true, strides = array<i32>} : memref<5x80x128xf32, #tpu.memory_space<vmem>>, vector<1x1x16xf32>,
        %add3A_1080 = arith.constant 40 : i32
        %add3A_1081 = arith.addi %add3A_1080, %add3A_1001 : i32
        %get3A_1082 = arith.index_cast %add3A_1081 : i32 to index
        %get3A_1083 = arith.constant 96 : index
        %get3A_1084 = tpu.vector_load %arg7[%get3A_1082, %get3A_1083] {strides = array<i32>} : memref<240x128xf32, #tpu.memory_space<vmem>>, vector<1x16xf32>,
        %get3A_1085 = vector.shape_cast %get3A_1084 : vector<1x16xf32> to vector<16xf32>
        %swap3A_1086 = arith.constant 3 : i32
        %swap3A_1087 = arith.index_cast %swap3A_1086 : i32 to index
        %swap3A_1088 = arith.index_cast %add3A_1001 : i32 to index
        %swap3A_1089 = arith.constant 96 : index
        %swap3A_1090 = tpu.vector_load %arg8[%swap3A_1087, %swap3A_1088, %swap3A_1089] {strides = array<i32>} : memref<5x80x128xf32, #tpu.memory_space<vmem>>, vector<1x1x16xf32>,
        %swap3A_1091 = vector.shape_cast %swap3A_1090 : vector<1x1x16xf32> to vector<16xf32>
        %swap3A_1092 = vector.shape_cast %get3A_1085 : vector<16xf32> to vector<1x1x16xf32>
        tpu.vector_store %arg8[%swap3A_1087, %swap3A_1088, %swap3A_1089], %swap3A_1092 {add = true, strides = array<i32>} : memref<5x80x128xf32, #tpu.memory_space<vmem>>, vector<1x1x16xf32>,
        %add3A_1093 = arith.constant 40 : i32
        %add3A_1094 = arith.addi %add3A_1093, %add3A_1001 : i32
        %get3A_1095 = arith.index_cast %add3A_1094 : i32 to index
        %get3A_1096 = arith.constant 112 : index
        %get3A_1097 = tpu.vector_load %arg7[%get3A_1095, %get3A_1096] {strides = array<i32>} : memref<240x128xf32, #tpu.memory_space<vmem>>, vector<1x16xf32>,
        %get3A_1098 = vector.shape_cast %get3A_1097 : vector<1x16xf32> to vector<16xf32>
        %swap3A_1099 = arith.constant 3 : i32
        %swap3A_1100 = arith.index_cast %swap3A_1099 : i32 to index
        %swap3A_1101 = arith.index_cast %add3A_1001 : i32 to index
        %swap3A_1102 = arith.constant 112 : index
        %swap3A_1103 = tpu.vector_load %arg8[%swap3A_1100, %swap3A_1101, %swap3A_1102] {strides = array<i32>} : memref<5x80x128xf32, #tpu.memory_space<vmem>>, vector<1x1x16xf32>,
        %swap3A_1104 = vector.shape_cast %swap3A_1103 : vector<1x1x16xf32> to vector<16xf32>
        %swap3A_1105 = vector.shape_cast %get3A_1098 : vector<16xf32> to vector<1x1x16xf32>
        tpu.vector_store %arg8[%swap3A_1100, %swap3A_1101, %swap3A_1102], %swap3A_1105 {add = true, strides = array<i32>} : memref<5x80x128xf32, #tpu.memory_space<vmem>>, vector<1x1x16xf32>,
      }
      %scan3A_583 = arith.constant 20 : i32
      %mul3A_584 = arith.constant 80 : i32
      %mul3A_585 = arith.muli %add3A_530, %mul3A_584 : i32
      %add3A_586 = arith.addi %mul3A_2, %mul3A_585 : i32
      %dma_start3A_587 = arith.constant 3 : i32
      %dma_start3A_588 = arith.constant 0 : i32
      %dma_start3A_589 = arith.constant 0 : i32
      %dma_start3A_590 = tpu.memref_slice %arg8[%dma_start3A_587, %dma_start3A_588, %dma_start3A_589] : memref<5x80x128xf32, #tpu.memory_space<vmem>> -> memref<1x80x128xf32, #tpu.memory_space<vmem>>
      %dma_start3A_591 = tpu.memref_squeeze %dma_start3A_590 : memref<1x80x128xf32, #tpu.memory_space<vmem>> -> memref<80x128xf32, #tpu.memory_space<vmem>>
      %dma_start3A_592 = arith.constant 0 : i32
      %dma_start3A_593 = tpu.memref_slice %arg5[%add3A_586, %dma_start3A_592] : memref<819200x128xf32, #tpu.memory_space<hbm>> -> memref<80x128xf32, #tpu.memory_space<hbm>>
      %dma_start3A_594 = arith.constant 0 : i32
      %dma_start3A_595 = tpu.memref_slice %arg5[%add3A_586, %dma_start3A_594] : memref<819200x128xf32, #tpu.memory_space<hbm>> -> memref<80x128xf32, #tpu.memory_space<hbm>>
      %dma_start3A_596 = arith.constant 0 : i32
      %dma_start3A_597 = arith.constant 0 : i32
      %dma_start3A_598 = tpu.memref_slice %arg8[%dma_start3A_587, %dma_start3A_596, %dma_start3A_597] : memref<5x80x128xf32, #tpu.memory_space<vmem>> -> memref<1x80x128xf32, #tpu.memory_space<vmem>>
      %dma_start3A_599 = tpu.memref_squeeze %dma_start3A_598 : memref<1x80x128xf32, #tpu.memory_space<vmem>> -> memref<80x128xf32, #tpu.memory_space<vmem>>
      tpu.enqueue_dma source(%dma_start3A_599 : memref<80x128xf32, #tpu.memory_space<vmem>>) target(%dma_start3A_595 : memref<80x128xf32, #tpu.memory_space<hbm>>) target_semaphore(%arg18 : memref<!tpu.dma_semaphore, #tpu.memory_space<semaphore_mem>>)
      %mul3A_600 = arith.constant 5 : i32
      %mul3A_601 = arith.muli %scan3A_331, %mul3A_600 : i32
      %add3A_602 = arith.constant 4 : i32
      %add3A_603 = arith.addi %mul3A_601, %add3A_602 : i32
      %dma_wait3A_604 = arith.constant 2 : i32
      %dma_wait3A_605 = arith.constant 0 : i32
      %dma_wait3A_606 = arith.constant 0 : i32
      %dma_wait3A_607 = tpu.memref_slice %arg8[%dma_wait3A_604, %dma_wait3A_605, %dma_wait3A_606] : memref<5x80x128xf32, #tpu.memory_space<vmem>> -> memref<1x80x128xf32, #tpu.memory_space<vmem>>
      %dma_wait3A_608 = tpu.memref_squeeze %dma_wait3A_607 : memref<1x80x128xf32, #tpu.memory_space<vmem>> -> memref<80x128xf32, #tpu.memory_space<vmem>>
      %dma_wait3A_609 = arith.constant 0 : i32
      %dma_wait3A_610 = arith.constant 0 : i32
      %dma_wait3A_611 = tpu.memref_slice %arg5[%dma_wait3A_609, %dma_wait3A_610] : memref<819200x128xf32, #tpu.memory_space<hbm>> -> memref<80x128xf32, #tpu.memory_space<hbm>>
      %dma_wait3A_612 = arith.constant 0 : i32
      %dma_wait3A_613 = arith.constant 0 : i32
      %dma_wait3A_614 = tpu.memref_slice %arg5[%dma_wait3A_612, %dma_wait3A_613] : memref<819200x128xf32, #tpu.memory_space<hbm>> -> memref<80x128xf32, #tpu.memory_space<hbm>>
      %dma_wait3A_615 = arith.constant 0 : i32
      %dma_wait3A_616 = arith.constant 0 : i32
      %dma_wait3A_617 = tpu.memref_slice %arg8[%dma_wait3A_604, %dma_wait3A_615, %dma_wait3A_616] : memref<5x80x128xf32, #tpu.memory_space<vmem>> -> memref<1x80x128xf32, #tpu.memory_space<vmem>>
      %dma_wait3A_618 = tpu.memref_squeeze %dma_wait3A_617 : memref<1x80x128xf32, #tpu.memory_space<vmem>> -> memref<80x128xf32, #tpu.memory_space<vmem>>
      tpu.wait_dma2 semaphore(%arg17 : memref<!tpu.dma_semaphore, #tpu.memory_space<semaphore_mem>>) src(%dma_wait3A_618 : memref<80x128xf32, #tpu.memory_space<vmem>>) dst(%dma_wait3A_614 : memref<80x128xf32, #tpu.memory_space<hbm>>)
      %add3A_619 = arith.constant 3 : i32
      %add3A_620 = arith.addi %add3A_603, %add3A_619 : i32
      %lt3A_621 = arith.constant 320 : i32
      %lt3A_622 = arith.cmpi slt, %add3A_620, %lt3A_621 : i32
      %convert_element_type3A_623 = arith.extui %lt3A_622 : i1 to i32
      %cond3A_624 = arith.constant 0 : i32
      %cond3A_625 = arith.cmpi ne, %convert_element_type3A_623, %cond3A_624 : i32
      scf.if %cond3A_625 {
        %dma_wait3A_673 = arith.constant 2 : i32
        %dma_wait3A_674 = arith.constant 0 : i32
        %dma_wait3A_675 = tpu.memref_slice %arg6[%dma_wait3A_673, %dma_wait3A_674] : memref<5x80xi32, #tpu.memory_space<vmem>> -> memref<1x80xi32, #tpu.memory_space<vmem>>
        %dma_wait3A_676 = tpu.memref_squeeze %dma_wait3A_675 : memref<1x80xi32, #tpu.memory_space<vmem>> -> memref<80xi32, #tpu.memory_space<vmem>>
        %dma_wait3A_677 = arith.constant 0 : i32
        %dma_wait3A_678 = tpu.memref_slice %arg2[%dma_wait3A_677] : memref<819200xi32, #tpu.memory_space<hbm>> -> memref<80xi32, #tpu.memory_space<hbm>>
        %dma_wait3A_679 = arith.constant 0 : i32
        %dma_wait3A_680 = tpu.memref_slice %arg6[%dma_wait3A_673, %dma_wait3A_679] : memref<5x80xi32, #tpu.memory_space<vmem>> -> memref<1x80xi32, #tpu.memory_space<vmem>>
        %dma_wait3A_681 = tpu.memref_squeeze %dma_wait3A_680 : memref<1x80xi32, #tpu.memory_space<vmem>> -> memref<80xi32, #tpu.memory_space<vmem>>
        %dma_wait3A_682 = arith.constant 0 : i32
        %dma_wait3A_683 = tpu.memref_slice %arg2[%dma_wait3A_682] : memref<819200xi32, #tpu.memory_space<hbm>> -> memref<80xi32, #tpu.memory_space<hbm>>
        tpu.wait_dma2 semaphore(%arg22 : memref<!tpu.dma_semaphore, #tpu.memory_space<semaphore_mem>>) src(%dma_wait3A_683 : memref<80xi32, #tpu.memory_space<hbm>>) dst(%dma_wait3A_681 : memref<80xi32, #tpu.memory_space<vmem>>)
        %get3A_684 = arith.constant 2 : i32
        %get3A_685 = arith.index_cast %get3A_684 : i32 to index
        %get3A_686 = arith.constant 0 : index
        %get3A_687 = tpu.vector_load %arg6[%get3A_685, %get3A_686] {strides = array<i32>} : memref<5x80xi32, #tpu.memory_space<vmem>>, vector<1x16xi32>,
        %get3A_688 = vector.shape_cast %get3A_687 : vector<1x16xi32> to vector<16xi32>
        %add3A_689 = arith.addi %get3A_688, %broadcast_in_dim3A : vector<16xi32>
        %swap3A_690 = arith.constant 2 : i32
        %swap3A_691 = arith.index_cast %swap3A_690 : i32 to index
        %swap3A_692 = arith.constant 0 : index
        %swap3A_693 = tpu.vector_load %arg6[%swap3A_691, %swap3A_692] {strides = array<i32>} : memref<5x80xi32, #tpu.memory_space<vmem>>, vector<1x16xi32>,
        %swap3A_694 = vector.shape_cast %swap3A_693 : vector<1x16xi32> to vector<16xi32>
        %swap3A_695 = vector.shape_cast %add3A_689 : vector<16xi32> to vector<1x16xi32>
        tpu.vector_store %arg6[%swap3A_691, %swap3A_692], %swap3A_695 {strides = array<i32>} : memref<5x80xi32, #tpu.memory_space<vmem>>, vector<1x16xi32>,
        %get3A_696 = arith.constant 2 : i32
        %get3A_697 = arith.index_cast %get3A_696 : i32 to index
        %get3A_698 = arith.constant 16 : index
        %get3A_699 = tpu.vector_load %arg6[%get3A_697, %get3A_698] {strides = array<i32>} : memref<5x80xi32, #tpu.memory_space<vmem>>, vector<1x16xi32>,
        %get3A_700 = vector.shape_cast %get3A_699 : vector<1x16xi32> to vector<16xi32>
        %add3A_701 = arith.addi %get3A_700, %broadcast_in_dim3A : vector<16xi32>
        %swap3A_702 = arith.constant 2 : i32
        %swap3A_703 = arith.index_cast %swap3A_702 : i32 to index
        %swap3A_704 = arith.constant 16 : index
        %swap3A_705 = tpu.vector_load %arg6[%swap3A_703, %swap3A_704] {strides = array<i32>} : memref<5x80xi32, #tpu.memory_space<vmem>>, vector<1x16xi32>,
        %swap3A_706 = vector.shape_cast %swap3A_705 : vector<1x16xi32> to vector<16xi32>
        %swap3A_707 = vector.shape_cast %add3A_701 : vector<16xi32> to vector<1x16xi32>
        tpu.vector_store %arg6[%swap3A_703, %swap3A_704], %swap3A_707 {strides = array<i32>} : memref<5x80xi32, #tpu.memory_space<vmem>>, vector<1x16xi32>,
        %get3A_708 = arith.constant 2 : i32
        %get3A_709 = arith.index_cast %get3A_708 : i32 to index
        %get3A_710 = arith.constant 32 : index
        %get3A_711 = tpu.vector_load %arg6[%get3A_709, %get3A_710] {strides = array<i32>} : memref<5x80xi32, #tpu.memory_space<vmem>>, vector<1x16xi32>,
        %get3A_712 = vector.shape_cast %get3A_711 : vector<1x16xi32> to vector<16xi32>
        %add3A_713 = arith.addi %get3A_712, %broadcast_in_dim3A : vector<16xi32>
        %swap3A_714 = arith.constant 2 : i32
        %swap3A_715 = arith.index_cast %swap3A_714 : i32 to index
        %swap3A_716 = arith.constant 32 : index
        %swap3A_717 = tpu.vector_load %arg6[%swap3A_715, %swap3A_716] {strides = array<i32>} : memref<5x80xi32, #tpu.memory_space<vmem>>, vector<1x16xi32>,
        %swap3A_718 = vector.shape_cast %swap3A_717 : vector<1x16xi32> to vector<16xi32>
        %swap3A_719 = vector.shape_cast %add3A_713 : vector<16xi32> to vector<1x16xi32>
        tpu.vector_store %arg6[%swap3A_715, %swap3A_716], %swap3A_719 {strides = array<i32>} : memref<5x80xi32, #tpu.memory_space<vmem>>, vector<1x16xi32>,
        %get3A_720 = arith.constant 2 : i32
        %get3A_721 = arith.index_cast %get3A_720 : i32 to index
        %get3A_722 = arith.constant 48 : index
        %get3A_723 = tpu.vector_load %arg6[%get3A_721, %get3A_722] {strides = array<i32>} : memref<5x80xi32, #tpu.memory_space<vmem>>, vector<1x16xi32>,
        %get3A_724 = vector.shape_cast %get3A_723 : vector<1x16xi32> to vector<16xi32>
        %add3A_725 = arith.addi %get3A_724, %broadcast_in_dim3A : vector<16xi32>
        %swap3A_726 = arith.constant 2 : i32
        %swap3A_727 = arith.index_cast %swap3A_726 : i32 to index
        %swap3A_728 = arith.constant 48 : index
        %swap3A_729 = tpu.vector_load %arg6[%swap3A_727, %swap3A_728] {strides = array<i32>} : memref<5x80xi32, #tpu.memory_space<vmem>>, vector<1x16xi32>,
        %swap3A_730 = vector.shape_cast %swap3A_729 : vector<1x16xi32> to vector<16xi32>
        %swap3A_731 = vector.shape_cast %add3A_725 : vector<16xi32> to vector<1x16xi32>
        tpu.vector_store %arg6[%swap3A_727, %swap3A_728], %swap3A_731 {strides = array<i32>} : memref<5x80xi32, #tpu.memory_space<vmem>>, vector<1x16xi32>,
        %get3A_732 = arith.constant 2 : i32
        %get3A_733 = arith.index_cast %get3A_732 : i32 to index
        %get3A_734 = arith.constant 64 : index
        %get3A_735 = tpu.vector_load %arg6[%get3A_733, %get3A_734] {strides = array<i32>} : memref<5x80xi32, #tpu.memory_space<vmem>>, vector<1x16xi32>,
        %get3A_736 = vector.shape_cast %get3A_735 : vector<1x16xi32> to vector<16xi32>
        %add3A_737 = arith.addi %get3A_736, %broadcast_in_dim3A : vector<16xi32>
        %swap3A_738 = arith.constant 2 : i32
        %swap3A_739 = arith.index_cast %swap3A_738 : i32 to index
        %swap3A_740 = arith.constant 64 : index
        %swap3A_741 = tpu.vector_load %arg6[%swap3A_739, %swap3A_740] {strides = array<i32>} : memref<5x80xi32, #tpu.memory_space<vmem>>, vector<1x16xi32>,
        %swap3A_742 = vector.shape_cast %swap3A_741 : vector<1x16xi32> to vector<16xi32>
        %swap3A_743 = vector.shape_cast %add3A_737 : vector<16xi32> to vector<1x16xi32>
        tpu.vector_store %arg6[%swap3A_739, %swap3A_740], %swap3A_743 {strides = array<i32>} : memref<5x80xi32, #tpu.memory_space<vmem>>, vector<1x16xi32>,
        %dma_start3A_744 = arith.constant 2 : i32
        %dma_start3A_745 = arith.constant 2 : i32
        %dma_start3A_746 = arith.constant 0 : i32
        %dma_start3A_747 = arith.constant 0 : i32
        %dma_start3A_748 = tpu.memref_slice %arg8[%dma_start3A_745, %dma_start3A_746, %dma_start3A_747] : memref<5x80x128xf32, #tpu.memory_space<vmem>> -> memref<1x80x128xf32, #tpu.memory_space<vmem>>
        %dma_start3A_749 = tpu.memref_squeeze %dma_start3A_748 : memref<1x80x128xf32, #tpu.memory_space<vmem>> -> memref<80x128xf32, #tpu.memory_space<vmem>>
        %dma_start3A_750 = arith.constant 0 : i32
        %dma_start3A_751 = tpu.memref_slice %arg6[%dma_start3A_744, %dma_start3A_750] : memref<5x80xi32, #tpu.memory_space<vmem>> -> memref<1x80xi32, #tpu.memory_space<vmem>>
        %dma_start3A_752 = tpu.memref_squeeze %dma_start3A_751 : memref<1x80xi32, #tpu.memory_space<vmem>> -> memref<80xi32, #tpu.memory_space<vmem>>
        %dma_start3A_753 = arith.constant 0 : i32
        %dma_start3A_754 = arith.constant 0 : i32
        %dma_start3A_755 = tpu.memref_slice %arg9[%dma_start3A_753, %dma_start3A_754] : memref<4096x128xf32, #tpu.memory_space<vmem_shared>> -> memref<4096x128xf32, #tpu.memory_space<vmem_shared>>
        tpu.enqueue_indirect_dma source(%dma_start3A_755 : memref<4096x128xf32, #tpu.memory_space<vmem_shared>>) target(%dma_start3A_749 : memref<80x128xf32, #tpu.memory_space<vmem>>) offsets(%dma_start3A_752 : memref<80xi32, #tpu.memory_space<vmem>>) semaphore(%arg12 : memref<!tpu.dma_semaphore, #tpu.memory_space<semaphore_mem>>)
      } else {
      }
      %add3A_626 = arith.constant 3 : i32
      %add3A_627 = arith.addi %add3A_603, %add3A_626 : i32
      %add3A_628 = arith.constant 1 : i32
      %add3A_629 = arith.addi %add3A_627, %add3A_628 : i32
      %lt3A_630 = arith.constant 320 : i32
      %lt3A_631 = arith.cmpi slt, %add3A_629, %lt3A_630 : i32
      %add3A_632 = arith.constant 3 : i32
      %add3A_633 = arith.addi %add3A_603, %add3A_632 : i32
      %add3A_634 = arith.constant 1 : i32
      %add3A_635 = arith.addi %add3A_633, %add3A_634 : i32
      %convert_element_type3A_636 = arith.extui %lt3A_631 : i1 to i32
      %cond3A_637 = arith.constant 0 : i32
      %cond3A_638 = arith.cmpi ne, %convert_element_type3A_636, %cond3A_637 : i32
      scf.if %cond3A_638 {
        %mul3A_673 = arith.constant 80 : i32
        %mul3A_674 = arith.muli %add3A_635, %mul3A_673 : i32
        %add3A_675 = arith.addi %mul3A_2, %mul3A_674 : i32
        %dma_start3A_676 = arith.constant 3 : i32
        %dma_start3A_677 = arith.constant 0 : i32
        %dma_start3A_678 = tpu.memref_slice %arg6[%dma_start3A_676, %dma_start3A_677] : memref<5x80xi32, #tpu.memory_space<vmem>> -> memref<1x80xi32, #tpu.memory_space<vmem>>
        %dma_start3A_679 = tpu.memref_squeeze %dma_start3A_678 : memref<1x80xi32, #tpu.memory_space<vmem>> -> memref<80xi32, #tpu.memory_space<vmem>>
        %dma_start3A_680 = tpu.memref_slice %arg2[%add3A_675] : memref<819200xi32, #tpu.memory_space<hbm>> -> memref<80xi32, #tpu.memory_space<hbm>>
        %dma_start3A_681 = arith.constant 0 : i32
        %dma_start3A_682 = tpu.memref_slice %arg6[%dma_start3A_676, %dma_start3A_681] : memref<5x80xi32, #tpu.memory_space<vmem>> -> memref<1x80xi32, #tpu.memory_space<vmem>>
        %dma_start3A_683 = tpu.memref_squeeze %dma_start3A_682 : memref<1x80xi32, #tpu.memory_space<vmem>> -> memref<80xi32, #tpu.memory_space<vmem>>
        %dma_start3A_684 = tpu.memref_slice %arg2[%add3A_675] : memref<819200xi32, #tpu.memory_space<hbm>> -> memref<80xi32, #tpu.memory_space<hbm>>
        tpu.enqueue_dma source(%dma_start3A_684 : memref<80xi32, #tpu.memory_space<hbm>>) target(%dma_start3A_683 : memref<80xi32, #tpu.memory_space<vmem>>) target_semaphore(%arg23 : memref<!tpu.dma_semaphore, #tpu.memory_space<semaphore_mem>>)
      } else {
      }
      %dma_wait3A_639 = arith.constant 4 : i32
      %dma_wait3A_640 = arith.constant 4 : i32
      %dma_wait3A_641 = arith.constant 0 : i32
      %dma_wait3A_642 = arith.constant 0 : i32
      %dma_wait3A_643 = tpu.memref_slice %arg8[%dma_wait3A_640, %dma_wait3A_641, %dma_wait3A_642] : memref<5x80x128xf32, #tpu.memory_space<vmem>> -> memref<1x80x128xf32, #tpu.memory_space<vmem>>
      %dma_wait3A_644 = tpu.memref_squeeze %dma_wait3A_643 : memref<1x80x128xf32, #tpu.memory_space<vmem>> -> memref<80x128xf32, #tpu.memory_space<vmem>>
      %dma_wait3A_645 = arith.constant 0 : i32
      %dma_wait3A_646 = tpu.memref_slice %arg6[%dma_wait3A_639, %dma_wait3A_645] : memref<5x80xi32, #tpu.memory_space<vmem>> -> memref<1x80xi32, #tpu.memory_space<vmem>>
      %dma_wait3A_647 = tpu.memref_squeeze %dma_wait3A_646 : memref<1x80xi32, #tpu.memory_space<vmem>> -> memref<80xi32, #tpu.memory_space<vmem>>
      %dma_wait3A_648 = arith.constant 0 : i32
      %dma_wait3A_649 = arith.constant 0 : i32
      %dma_wait3A_650 = tpu.memref_slice %arg9[%dma_wait3A_648, %dma_wait3A_649] : memref<4096x128xf32, #tpu.memory_space<vmem_shared>> -> memref<4096x128xf32, #tpu.memory_space<vmem_shared>>
      tpu.wait_indirect_dma semaphore(%arg14 : memref<!tpu.dma_semaphore, #tpu.memory_space<semaphore_mem>>) src(%dma_wait3A_650 : memref<4096x128xf32, #tpu.memory_space<vmem_shared>>) dst(%dma_wait3A_644 : memref<80x128xf32, #tpu.memory_space<vmem>>)
      %scan3A_651 = arith.constant 0 : i32
      %scan3A_652 = arith.constant 0 : i32
      %scan3A_653 = arith.constant 20 : i32
      %scan3A_654 = arith.addi %scan3A_652, %scan3A_653 : i32
      %scan3A_655 = arith.constant 1 : i32
      scf.for %scan3A_673 = %scan3A_652 to %scan3A_654 step %scan3A_655  : i32 {
        %mul3A_674 = arith.constant 4 : i32
        %mul3A_675 = arith.muli %scan3A_673, %mul3A_674 : i32
        %add3A_676 = arith.constant 0 : i32
        %add3A_677 = arith.addi %mul3A_675, %add3A_676 : i32
        %add3A_678 = arith.constant 120 : i32
        %add3A_679 = arith.addi %add3A_678, %add3A_677 : i32
        %get3A_680 = arith.index_cast %add3A_679 : i32 to index
        %get3A_681 = arith.constant 0 : index
        %get3A_682 = tpu.vector_load %arg7[%get3A_680, %get3A_681] {strides = array<i32>} : memref<240x128xf32, #tpu.memory_space<vmem>>, vector<1x16xf32>,
        %get3A_683 = vector.shape_cast %get3A_682 : vector<1x16xf32> to vector<16xf32>
        %swap3A_684 = arith.constant 4 : i32
        %swap3A_685 = arith.index_cast %swap3A_684 : i32 to index
        %swap3A_686 = arith.index_cast %add3A_677 : i32 to index
        %swap3A_687 = arith.constant 0 : index
        %swap3A_688 = tpu.vector_load %arg8[%swap3A_685, %swap3A_686, %swap3A_687] {strides = array<i32>} : memref<5x80x128xf32, #tpu.memory_space<vmem>>, vector<1x1x16xf32>,
        %swap3A_689 = vector.shape_cast %swap3A_688 : vector<1x1x16xf32> to vector<16xf32>
        %swap3A_690 = vector.shape_cast %get3A_683 : vector<16xf32> to vector<1x1x16xf32>
        tpu.vector_store %arg8[%swap3A_685, %swap3A_686, %swap3A_687], %swap3A_690 {add = true, strides = array<i32>} : memref<5x80x128xf32, #tpu.memory_space<vmem>>, vector<1x1x16xf32>,
        %add3A_691 = arith.constant 120 : i32
        %add3A_692 = arith.addi %add3A_691, %add3A_677 : i32
        %get3A_693 = arith.index_cast %add3A_692 : i32 to index
        %get3A_694 = arith.constant 16 : index
        %get3A_695 = tpu.vector_load %arg7[%get3A_693, %get3A_694] {strides = array<i32>} : memref<240x128xf32, #tpu.memory_space<vmem>>, vector<1x16xf32>,
        %get3A_696 = vector.shape_cast %get3A_695 : vector<1x16xf32> to vector<16xf32>
        %swap3A_697 = arith.constant 4 : i32
        %swap3A_698 = arith.index_cast %swap3A_697 : i32 to index
        %swap3A_699 = arith.index_cast %add3A_677 : i32 to index
        %swap3A_700 = arith.constant 16 : index
        %swap3A_701 = tpu.vector_load %arg8[%swap3A_698, %swap3A_699, %swap3A_700] {strides = array<i32>} : memref<5x80x128xf32, #tpu.memory_space<vmem>>, vector<1x1x16xf32>,
        %swap3A_702 = vector.shape_cast %swap3A_701 : vector<1x1x16xf32> to vector<16xf32>
        %swap3A_703 = vector.shape_cast %get3A_696 : vector<16xf32> to vector<1x1x16xf32>
        tpu.vector_store %arg8[%swap3A_698, %swap3A_699, %swap3A_700], %swap3A_703 {add = true, strides = array<i32>} : memref<5x80x128xf32, #tpu.memory_space<vmem>>, vector<1x1x16xf32>,
        %add3A_704 = arith.constant 120 : i32
        %add3A_705 = arith.addi %add3A_704, %add3A_677 : i32
        %get3A_706 = arith.index_cast %add3A_705 : i32 to index
        %get3A_707 = arith.constant 32 : index
        %get3A_708 = tpu.vector_load %arg7[%get3A_706, %get3A_707] {strides = array<i32>} : memref<240x128xf32, #tpu.memory_space<vmem>>, vector<1x16xf32>,
        %get3A_709 = vector.shape_cast %get3A_708 : vector<1x16xf32> to vector<16xf32>
        %swap3A_710 = arith.constant 4 : i32
        %swap3A_711 = arith.index_cast %swap3A_710 : i32 to index
        %swap3A_712 = arith.index_cast %add3A_677 : i32 to index
        %swap3A_713 = arith.constant 32 : index
        %swap3A_714 = tpu.vector_load %arg8[%swap3A_711, %swap3A_712, %swap3A_713] {strides = array<i32>} : memref<5x80x128xf32, #tpu.memory_space<vmem>>, vector<1x1x16xf32>,
        %swap3A_715 = vector.shape_cast %swap3A_714 : vector<1x1x16xf32> to vector<16xf32>
        %swap3A_716 = vector.shape_cast %get3A_709 : vector<16xf32> to vector<1x1x16xf32>
        tpu.vector_store %arg8[%swap3A_711, %swap3A_712, %swap3A_713], %swap3A_716 {add = true, strides = array<i32>} : memref<5x80x128xf32, #tpu.memory_space<vmem>>, vector<1x1x16xf32>,
        %add3A_717 = arith.constant 120 : i32
        %add3A_718 = arith.addi %add3A_717, %add3A_677 : i32
        %get3A_719 = arith.index_cast %add3A_718 : i32 to index
        %get3A_720 = arith.constant 48 : index
        %get3A_721 = tpu.vector_load %arg7[%get3A_719, %get3A_720] {strides = array<i32>} : memref<240x128xf32, #tpu.memory_space<vmem>>, vector<1x16xf32>,
        %get3A_722 = vector.shape_cast %get3A_721 : vector<1x16xf32> to vector<16xf32>
        %swap3A_723 = arith.constant 4 : i32
        %swap3A_724 = arith.index_cast %swap3A_723 : i32 to index
        %swap3A_725 = arith.index_cast %add3A_677 : i32 to index
        %swap3A_726 = arith.constant 48 : index
        %swap3A_727 = tpu.vector_load %arg8[%swap3A_724, %swap3A_725, %swap3A_726] {strides = array<i32>} : memref<5x80x128xf32, #tpu.memory_space<vmem>>, vector<1x1x16xf32>,
        %swap3A_728 = vector.shape_cast %swap3A_727 : vector<1x1x16xf32> to vector<16xf32>
        %swap3A_729 = vector.shape_cast %get3A_722 : vector<16xf32> to vector<1x1x16xf32>
        tpu.vector_store %arg8[%swap3A_724, %swap3A_725, %swap3A_726], %swap3A_729 {add = true, strides = array<i32>} : memref<5x80x128xf32, #tpu.memory_space<vmem>>, vector<1x1x16xf32>,
        %add3A_730 = arith.constant 120 : i32
        %add3A_731 = arith.addi %add3A_730, %add3A_677 : i32
        %get3A_732 = arith.index_cast %add3A_731 : i32 to index
        %get3A_733 = arith.constant 64 : index
        %get3A_734 = tpu.vector_load %arg7[%get3A_732, %get3A_733] {strides = array<i32>} : memref<240x128xf32, #tpu.memory_space<vmem>>, vector<1x16xf32>,
        %get3A_735 = vector.shape_cast %get3A_734 : vector<1x16xf32> to vector<16xf32>
        %swap3A_736 = arith.constant 4 : i32
        %swap3A_737 = arith.index_cast %swap3A_736 : i32 to index
        %swap3A_738 = arith.index_cast %add3A_677 : i32 to index
        %swap3A_739 = arith.constant 64 : index
        %swap3A_740 = tpu.vector_load %arg8[%swap3A_737, %swap3A_738, %swap3A_739] {strides = array<i32>} : memref<5x80x128xf32, #tpu.memory_space<vmem>>, vector<1x1x16xf32>,
        %swap3A_741 = vector.shape_cast %swap3A_740 : vector<1x1x16xf32> to vector<16xf32>
        %swap3A_742 = vector.shape_cast %get3A_735 : vector<16xf32> to vector<1x1x16xf32>
        tpu.vector_store %arg8[%swap3A_737, %swap3A_738, %swap3A_739], %swap3A_742 {add = true, strides = array<i32>} : memref<5x80x128xf32, #tpu.memory_space<vmem>>, vector<1x1x16xf32>,
        %add3A_743 = arith.constant 120 : i32
        %add3A_744 = arith.addi %add3A_743, %add3A_677 : i32
        %get3A_745 = arith.index_cast %add3A_744 : i32 to index
        %get3A_746 = arith.constant 80 : index
        %get3A_747 = tpu.vector_load %arg7[%get3A_745, %get3A_746] {strides = array<i32>} : memref<240x128xf32, #tpu.memory_space<vmem>>, vector<1x16xf32>,
        %get3A_748 = vector.shape_cast %get3A_747 : vector<1x16xf32> to vector<16xf32>
        %swap3A_749 = arith.constant 4 : i32
        %swap3A_750 = arith.index_cast %swap3A_749 : i32 to index
        %swap3A_751 = arith.index_cast %add3A_677 : i32 to index
        %swap3A_752 = arith.constant 80 : index
        %swap3A_753 = tpu.vector_load %arg8[%swap3A_750, %swap3A_751, %swap3A_752] {strides = array<i32>} : memref<5x80x128xf32, #tpu.memory_space<vmem>>, vector<1x1x16xf32>,
        %swap3A_754 = vector.shape_cast %swap3A_753 : vector<1x1x16xf32> to vector<16xf32>
        %swap3A_755 = vector.shape_cast %get3A_748 : vector<16xf32> to vector<1x1x16xf32>
        tpu.vector_store %arg8[%swap3A_750, %swap3A_751, %swap3A_752], %swap3A_755 {add = true, strides = array<i32>} : memref<5x80x128xf32, #tpu.memory_space<vmem>>, vector<1x1x16xf32>,
        %add3A_756 = arith.constant 120 : i32
        %add3A_757 = arith.addi %add3A_756, %add3A_677 : i32
        %get3A_758 = arith.index_cast %add3A_757 : i32 to index
        %get3A_759 = arith.constant 96 : index
        %get3A_760 = tpu.vector_load %arg7[%get3A_758, %get3A_759] {strides = array<i32>} : memref<240x128xf32, #tpu.memory_space<vmem>>, vector<1x16xf32>,
        %get3A_761 = vector.shape_cast %get3A_760 : vector<1x16xf32> to vector<16xf32>
        %swap3A_762 = arith.constant 4 : i32
        %swap3A_763 = arith.index_cast %swap3A_762 : i32 to index
        %swap3A_764 = arith.index_cast %add3A_677 : i32 to index
        %swap3A_765 = arith.constant 96 : index
        %swap3A_766 = tpu.vector_load %arg8[%swap3A_763, %swap3A_764, %swap3A_765] {strides = array<i32>} : memref<5x80x128xf32, #tpu.memory_space<vmem>>, vector<1x1x16xf32>,
        %swap3A_767 = vector.shape_cast %swap3A_766 : vector<1x1x16xf32> to vector<16xf32>
        %swap3A_768 = vector.shape_cast %get3A_761 : vector<16xf32> to vector<1x1x16xf32>
        tpu.vector_store %arg8[%swap3A_763, %swap3A_764, %swap3A_765], %swap3A_768 {add = true, strides = array<i32>} : memref<5x80x128xf32, #tpu.memory_space<vmem>>, vector<1x1x16xf32>,
        %add3A_769 = arith.constant 120 : i32
        %add3A_770 = arith.addi %add3A_769, %add3A_677 : i32
        %get3A_771 = arith.index_cast %add3A_770 : i32 to index
        %get3A_772 = arith.constant 112 : index
        %get3A_773 = tpu.vector_load %arg7[%get3A_771, %get3A_772] {strides = array<i32>} : memref<240x128xf32, #tpu.memory_space<vmem>>, vector<1x16xf32>,
        %get3A_774 = vector.shape_cast %get3A_773 : vector<1x16xf32> to vector<16xf32>
        %swap3A_775 = arith.constant 4 : i32
        %swap3A_776 = arith.index_cast %swap3A_775 : i32 to index
        %swap3A_777 = arith.index_cast %add3A_677 : i32 to index
        %swap3A_778 = arith.constant 112 : index
        %swap3A_779 = tpu.vector_load %arg8[%swap3A_776, %swap3A_777, %swap3A_778] {strides = array<i32>} : memref<5x80x128xf32, #tpu.memory_space<vmem>>, vector<1x1x16xf32>,
        %swap3A_780 = vector.shape_cast %swap3A_779 : vector<1x1x16xf32> to vector<16xf32>
        %swap3A_781 = vector.shape_cast %get3A_774 : vector<16xf32> to vector<1x1x16xf32>
        tpu.vector_store %arg8[%swap3A_776, %swap3A_777, %swap3A_778], %swap3A_781 {add = true, strides = array<i32>} : memref<5x80x128xf32, #tpu.memory_space<vmem>>, vector<1x1x16xf32>,
        %mul3A_782 = arith.constant 4 : i32
        %mul3A_783 = arith.muli %scan3A_673, %mul3A_782 : i32
        %add3A_784 = arith.constant 1 : i32
        %add3A_785 = arith.addi %mul3A_783, %add3A_784 : i32
        %add3A_786 = arith.constant 120 : i32
        %add3A_787 = arith.addi %add3A_786, %add3A_785 : i32
        %get3A_788 = arith.index_cast %add3A_787 : i32 to index
        %get3A_789 = arith.constant 0 : index
        %get3A_790 = tpu.vector_load %arg7[%get3A_788, %get3A_789] {strides = array<i32>} : memref<240x128xf32, #tpu.memory_space<vmem>>, vector<1x16xf32>,
        %get3A_791 = vector.shape_cast %get3A_790 : vector<1x16xf32> to vector<16xf32>
        %swap3A_792 = arith.constant 4 : i32
        %swap3A_793 = arith.index_cast %swap3A_792 : i32 to index
        %swap3A_794 = arith.index_cast %add3A_785 : i32 to index
        %swap3A_795 = arith.constant 0 : index
        %swap3A_796 = tpu.vector_load %arg8[%swap3A_793, %swap3A_794, %swap3A_795] {strides = array<i32>} : memref<5x80x128xf32, #tpu.memory_space<vmem>>, vector<1x1x16xf32>,
        %swap3A_797 = vector.shape_cast %swap3A_796 : vector<1x1x16xf32> to vector<16xf32>
        %swap3A_798 = vector.shape_cast %get3A_791 : vector<16xf32> to vector<1x1x16xf32>
        tpu.vector_store %arg8[%swap3A_793, %swap3A_794, %swap3A_795], %swap3A_798 {add = true, strides = array<i32>} : memref<5x80x128xf32, #tpu.memory_space<vmem>>, vector<1x1x16xf32>,
        %add3A_799 = arith.constant 120 : i32
        %add3A_800 = arith.addi %add3A_799, %add3A_785 : i32
        %get3A_801 = arith.index_cast %add3A_800 : i32 to index
        %get3A_802 = arith.constant 16 : index
        %get3A_803 = tpu.vector_load %arg7[%get3A_801, %get3A_802] {strides = array<i32>} : memref<240x128xf32, #tpu.memory_space<vmem>>, vector<1x16xf32>,
        %get3A_804 = vector.shape_cast %get3A_803 : vector<1x16xf32> to vector<16xf32>
        %swap3A_805 = arith.constant 4 : i32
        %swap3A_806 = arith.index_cast %swap3A_805 : i32 to index
        %swap3A_807 = arith.index_cast %add3A_785 : i32 to index
        %swap3A_808 = arith.constant 16 : index
        %swap3A_809 = tpu.vector_load %arg8[%swap3A_806, %swap3A_807, %swap3A_808] {strides = array<i32>} : memref<5x80x128xf32, #tpu.memory_space<vmem>>, vector<1x1x16xf32>,
        %swap3A_810 = vector.shape_cast %swap3A_809 : vector<1x1x16xf32> to vector<16xf32>
        %swap3A_811 = vector.shape_cast %get3A_804 : vector<16xf32> to vector<1x1x16xf32>
        tpu.vector_store %arg8[%swap3A_806, %swap3A_807, %swap3A_808], %swap3A_811 {add = true, strides = array<i32>} : memref<5x80x128xf32, #tpu.memory_space<vmem>>, vector<1x1x16xf32>,
        %add3A_812 = arith.constant 120 : i32
        %add3A_813 = arith.addi %add3A_812, %add3A_785 : i32
        %get3A_814 = arith.index_cast %add3A_813 : i32 to index
        %get3A_815 = arith.constant 32 : index
        %get3A_816 = tpu.vector_load %arg7[%get3A_814, %get3A_815] {strides = array<i32>} : memref<240x128xf32, #tpu.memory_space<vmem>>, vector<1x16xf32>,
        %get3A_817 = vector.shape_cast %get3A_816 : vector<1x16xf32> to vector<16xf32>
        %swap3A_818 = arith.constant 4 : i32
        %swap3A_819 = arith.index_cast %swap3A_818 : i32 to index
        %swap3A_820 = arith.index_cast %add3A_785 : i32 to index
        %swap3A_821 = arith.constant 32 : index
        %swap3A_822 = tpu.vector_load %arg8[%swap3A_819, %swap3A_820, %swap3A_821] {strides = array<i32>} : memref<5x80x128xf32, #tpu.memory_space<vmem>>, vector<1x1x16xf32>,
        %swap3A_823 = vector.shape_cast %swap3A_822 : vector<1x1x16xf32> to vector<16xf32>
        %swap3A_824 = vector.shape_cast %get3A_817 : vector<16xf32> to vector<1x1x16xf32>
        tpu.vector_store %arg8[%swap3A_819, %swap3A_820, %swap3A_821], %swap3A_824 {add = true, strides = array<i32>} : memref<5x80x128xf32, #tpu.memory_space<vmem>>, vector<1x1x16xf32>,
        %add3A_825 = arith.constant 120 : i32
        %add3A_826 = arith.addi %add3A_825, %add3A_785 : i32
        %get3A_827 = arith.index_cast %add3A_826 : i32 to index
        %get3A_828 = arith.constant 48 : index
        %get3A_829 = tpu.vector_load %arg7[%get3A_827, %get3A_828] {strides = array<i32>} : memref<240x128xf32, #tpu.memory_space<vmem>>, vector<1x16xf32>,
        %get3A_830 = vector.shape_cast %get3A_829 : vector<1x16xf32> to vector<16xf32>
        %swap3A_831 = arith.constant 4 : i32
        %swap3A_832 = arith.index_cast %swap3A_831 : i32 to index
        %swap3A_833 = arith.index_cast %add3A_785 : i32 to index
        %swap3A_834 = arith.constant 48 : index
        %swap3A_835 = tpu.vector_load %arg8[%swap3A_832, %swap3A_833, %swap3A_834] {strides = array<i32>} : memref<5x80x128xf32, #tpu.memory_space<vmem>>, vector<1x1x16xf32>,
        %swap3A_836 = vector.shape_cast %swap3A_835 : vector<1x1x16xf32> to vector<16xf32>
        %swap3A_837 = vector.shape_cast %get3A_830 : vector<16xf32> to vector<1x1x16xf32>
        tpu.vector_store %arg8[%swap3A_832, %swap3A_833, %swap3A_834], %swap3A_837 {add = true, strides = array<i32>} : memref<5x80x128xf32, #tpu.memory_space<vmem>>, vector<1x1x16xf32>,
        %add3A_838 = arith.constant 120 : i32
        %add3A_839 = arith.addi %add3A_838, %add3A_785 : i32
        %get3A_840 = arith.index_cast %add3A_839 : i32 to index
        %get3A_841 = arith.constant 64 : index
        %get3A_842 = tpu.vector_load %arg7[%get3A_840, %get3A_841] {strides = array<i32>} : memref<240x128xf32, #tpu.memory_space<vmem>>, vector<1x16xf32>,
        %get3A_843 = vector.shape_cast %get3A_842 : vector<1x16xf32> to vector<16xf32>
        %swap3A_844 = arith.constant 4 : i32
        %swap3A_845 = arith.index_cast %swap3A_844 : i32 to index
        %swap3A_846 = arith.index_cast %add3A_785 : i32 to index
        %swap3A_847 = arith.constant 64 : index
        %swap3A_848 = tpu.vector_load %arg8[%swap3A_845, %swap3A_846, %swap3A_847] {strides = array<i32>} : memref<5x80x128xf32, #tpu.memory_space<vmem>>, vector<1x1x16xf32>,
        %swap3A_849 = vector.shape_cast %swap3A_848 : vector<1x1x16xf32> to vector<16xf32>
        %swap3A_850 = vector.shape_cast %get3A_843 : vector<16xf32> to vector<1x1x16xf32>
        tpu.vector_store %arg8[%swap3A_845, %swap3A_846, %swap3A_847], %swap3A_850 {add = true, strides = array<i32>} : memref<5x80x128xf32, #tpu.memory_space<vmem>>, vector<1x1x16xf32>,
        %add3A_851 = arith.constant 120 : i32
        %add3A_852 = arith.addi %add3A_851, %add3A_785 : i32
        %get3A_853 = arith.index_cast %add3A_852 : i32 to index
        %get3A_854 = arith.constant 80 : index
        %get3A_855 = tpu.vector_load %arg7[%get3A_853, %get3A_854] {strides = array<i32>} : memref<240x128xf32, #tpu.memory_space<vmem>>, vector<1x16xf32>,
        %get3A_856 = vector.shape_cast %get3A_855 : vector<1x16xf32> to vector<16xf32>
        %swap3A_857 = arith.constant 4 : i32
        %swap3A_858 = arith.index_cast %swap3A_857 : i32 to index
        %swap3A_859 = arith.index_cast %add3A_785 : i32 to index
        %swap3A_860 = arith.constant 80 : index
        %swap3A_861 = tpu.vector_load %arg8[%swap3A_858, %swap3A_859, %swap3A_860] {strides = array<i32>} : memref<5x80x128xf32, #tpu.memory_space<vmem>>, vector<1x1x16xf32>,
        %swap3A_862 = vector.shape_cast %swap3A_861 : vector<1x1x16xf32> to vector<16xf32>
        %swap3A_863 = vector.shape_cast %get3A_856 : vector<16xf32> to vector<1x1x16xf32>
        tpu.vector_store %arg8[%swap3A_858, %swap3A_859, %swap3A_860], %swap3A_863 {add = true, strides = array<i32>} : memref<5x80x128xf32, #tpu.memory_space<vmem>>, vector<1x1x16xf32>,
        %add3A_864 = arith.constant 120 : i32
        %add3A_865 = arith.addi %add3A_864, %add3A_785 : i32
        %get3A_866 = arith.index_cast %add3A_865 : i32 to index
        %get3A_867 = arith.constant 96 : index
        %get3A_868 = tpu.vector_load %arg7[%get3A_866, %get3A_867] {strides = array<i32>} : memref<240x128xf32, #tpu.memory_space<vmem>>, vector<1x16xf32>,
        %get3A_869 = vector.shape_cast %get3A_868 : vector<1x16xf32> to vector<16xf32>
        %swap3A_870 = arith.constant 4 : i32
        %swap3A_871 = arith.index_cast %swap3A_870 : i32 to index
        %swap3A_872 = arith.index_cast %add3A_785 : i32 to index
        %swap3A_873 = arith.constant 96 : index
        %swap3A_874 = tpu.vector_load %arg8[%swap3A_871, %swap3A_872, %swap3A_873] {strides = array<i32>} : memref<5x80x128xf32, #tpu.memory_space<vmem>>, vector<1x1x16xf32>,
        %swap3A_875 = vector.shape_cast %swap3A_874 : vector<1x1x16xf32> to vector<16xf32>
        %swap3A_876 = vector.shape_cast %get3A_869 : vector<16xf32> to vector<1x1x16xf32>
        tpu.vector_store %arg8[%swap3A_871, %swap3A_872, %swap3A_873], %swap3A_876 {add = true, strides = array<i32>} : memref<5x80x128xf32, #tpu.memory_space<vmem>>, vector<1x1x16xf32>,
        %add3A_877 = arith.constant 120 : i32
        %add3A_878 = arith.addi %add3A_877, %add3A_785 : i32
        %get3A_879 = arith.index_cast %add3A_878 : i32 to index
        %get3A_880 = arith.constant 112 : index
        %get3A_881 = tpu.vector_load %arg7[%get3A_879, %get3A_880] {strides = array<i32>} : memref<240x128xf32, #tpu.memory_space<vmem>>, vector<1x16xf32>,
        %get3A_882 = vector.shape_cast %get3A_881 : vector<1x16xf32> to vector<16xf32>
        %swap3A_883 = arith.constant 4 : i32
        %swap3A_884 = arith.index_cast %swap3A_883 : i32 to index
        %swap3A_885 = arith.index_cast %add3A_785 : i32 to index
        %swap3A_886 = arith.constant 112 : index
        %swap3A_887 = tpu.vector_load %arg8[%swap3A_884, %swap3A_885, %swap3A_886] {strides = array<i32>} : memref<5x80x128xf32, #tpu.memory_space<vmem>>, vector<1x1x16xf32>,
        %swap3A_888 = vector.shape_cast %swap3A_887 : vector<1x1x16xf32> to vector<16xf32>
        %swap3A_889 = vector.shape_cast %get3A_882 : vector<16xf32> to vector<1x1x16xf32>
        tpu.vector_store %arg8[%swap3A_884, %swap3A_885, %swap3A_886], %swap3A_889 {add = true, strides = array<i32>} : memref<5x80x128xf32, #tpu.memory_space<vmem>>, vector<1x1x16xf32>,
        %mul3A_890 = arith.constant 4 : i32
        %mul3A_891 = arith.muli %scan3A_673, %mul3A_890 : i32
        %add3A_892 = arith.constant 2 : i32
        %add3A_893 = arith.addi %mul3A_891, %add3A_892 : i32
        %add3A_894 = arith.constant 120 : i32
        %add3A_895 = arith.addi %add3A_894, %add3A_893 : i32
        %get3A_896 = arith.index_cast %add3A_895 : i32 to index
        %get3A_897 = arith.constant 0 : index
        %get3A_898 = tpu.vector_load %arg7[%get3A_896, %get3A_897] {strides = array<i32>} : memref<240x128xf32, #tpu.memory_space<vmem>>, vector<1x16xf32>,
        %get3A_899 = vector.shape_cast %get3A_898 : vector<1x16xf32> to vector<16xf32>
        %swap3A_900 = arith.constant 4 : i32
        %swap3A_901 = arith.index_cast %swap3A_900 : i32 to index
        %swap3A_902 = arith.index_cast %add3A_893 : i32 to index
        %swap3A_903 = arith.constant 0 : index
        %swap3A_904 = tpu.vector_load %arg8[%swap3A_901, %swap3A_902, %swap3A_903] {strides = array<i32>} : memref<5x80x128xf32, #tpu.memory_space<vmem>>, vector<1x1x16xf32>,
        %swap3A_905 = vector.shape_cast %swap3A_904 : vector<1x1x16xf32> to vector<16xf32>
        %swap3A_906 = vector.shape_cast %get3A_899 : vector<16xf32> to vector<1x1x16xf32>
        tpu.vector_store %arg8[%swap3A_901, %swap3A_902, %swap3A_903], %swap3A_906 {add = true, strides = array<i32>} : memref<5x80x128xf32, #tpu.memory_space<vmem>>, vector<1x1x16xf32>,
        %add3A_907 = arith.constant 120 : i32
        %add3A_908 = arith.addi %add3A_907, %add3A_893 : i32
        %get3A_909 = arith.index_cast %add3A_908 : i32 to index
        %get3A_910 = arith.constant 16 : index
        %get3A_911 = tpu.vector_load %arg7[%get3A_909, %get3A_910] {strides = array<i32>} : memref<240x128xf32, #tpu.memory_space<vmem>>, vector<1x16xf32>,
        %get3A_912 = vector.shape_cast %get3A_911 : vector<1x16xf32> to vector<16xf32>
        %swap3A_913 = arith.constant 4 : i32
        %swap3A_914 = arith.index_cast %swap3A_913 : i32 to index
        %swap3A_915 = arith.index_cast %add3A_893 : i32 to index
        %swap3A_916 = arith.constant 16 : index
        %swap3A_917 = tpu.vector_load %arg8[%swap3A_914, %swap3A_915, %swap3A_916] {strides = array<i32>} : memref<5x80x128xf32, #tpu.memory_space<vmem>>, vector<1x1x16xf32>,
        %swap3A_918 = vector.shape_cast %swap3A_917 : vector<1x1x16xf32> to vector<16xf32>
        %swap3A_919 = vector.shape_cast %get3A_912 : vector<16xf32> to vector<1x1x16xf32>
        tpu.vector_store %arg8[%swap3A_914, %swap3A_915, %swap3A_916], %swap3A_919 {add = true, strides = array<i32>} : memref<5x80x128xf32, #tpu.memory_space<vmem>>, vector<1x1x16xf32>,
        %add3A_920 = arith.constant 120 : i32
        %add3A_921 = arith.addi %add3A_920, %add3A_893 : i32
        %get3A_922 = arith.index_cast %add3A_921 : i32 to index
        %get3A_923 = arith.constant 32 : index
        %get3A_924 = tpu.vector_load %arg7[%get3A_922, %get3A_923] {strides = array<i32>} : memref<240x128xf32, #tpu.memory_space<vmem>>, vector<1x16xf32>,
        %get3A_925 = vector.shape_cast %get3A_924 : vector<1x16xf32> to vector<16xf32>
        %swap3A_926 = arith.constant 4 : i32
        %swap3A_927 = arith.index_cast %swap3A_926 : i32 to index
        %swap3A_928 = arith.index_cast %add3A_893 : i32 to index
        %swap3A_929 = arith.constant 32 : index
        %swap3A_930 = tpu.vector_load %arg8[%swap3A_927, %swap3A_928, %swap3A_929] {strides = array<i32>} : memref<5x80x128xf32, #tpu.memory_space<vmem>>, vector<1x1x16xf32>,
        %swap3A_931 = vector.shape_cast %swap3A_930 : vector<1x1x16xf32> to vector<16xf32>
        %swap3A_932 = vector.shape_cast %get3A_925 : vector<16xf32> to vector<1x1x16xf32>
        tpu.vector_store %arg8[%swap3A_927, %swap3A_928, %swap3A_929], %swap3A_932 {add = true, strides = array<i32>} : memref<5x80x128xf32, #tpu.memory_space<vmem>>, vector<1x1x16xf32>,
        %add3A_933 = arith.constant 120 : i32
        %add3A_934 = arith.addi %add3A_933, %add3A_893 : i32
        %get3A_935 = arith.index_cast %add3A_934 : i32 to index
        %get3A_936 = arith.constant 48 : index
        %get3A_937 = tpu.vector_load %arg7[%get3A_935, %get3A_936] {strides = array<i32>} : memref<240x128xf32, #tpu.memory_space<vmem>>, vector<1x16xf32>,
        %get3A_938 = vector.shape_cast %get3A_937 : vector<1x16xf32> to vector<16xf32>
        %swap3A_939 = arith.constant 4 : i32
        %swap3A_940 = arith.index_cast %swap3A_939 : i32 to index
        %swap3A_941 = arith.index_cast %add3A_893 : i32 to index
        %swap3A_942 = arith.constant 48 : index
        %swap3A_943 = tpu.vector_load %arg8[%swap3A_940, %swap3A_941, %swap3A_942] {strides = array<i32>} : memref<5x80x128xf32, #tpu.memory_space<vmem>>, vector<1x1x16xf32>,
        %swap3A_944 = vector.shape_cast %swap3A_943 : vector<1x1x16xf32> to vector<16xf32>
        %swap3A_945 = vector.shape_cast %get3A_938 : vector<16xf32> to vector<1x1x16xf32>
        tpu.vector_store %arg8[%swap3A_940, %swap3A_941, %swap3A_942], %swap3A_945 {add = true, strides = array<i32>} : memref<5x80x128xf32, #tpu.memory_space<vmem>>, vector<1x1x16xf32>,
        %add3A_946 = arith.constant 120 : i32
        %add3A_947 = arith.addi %add3A_946, %add3A_893 : i32
        %get3A_948 = arith.index_cast %add3A_947 : i32 to index
        %get3A_949 = arith.constant 64 : index
        %get3A_950 = tpu.vector_load %arg7[%get3A_948, %get3A_949] {strides = array<i32>} : memref<240x128xf32, #tpu.memory_space<vmem>>, vector<1x16xf32>,
        %get3A_951 = vector.shape_cast %get3A_950 : vector<1x16xf32> to vector<16xf32>
        %swap3A_952 = arith.constant 4 : i32
        %swap3A_953 = arith.index_cast %swap3A_952 : i32 to index
        %swap3A_954 = arith.index_cast %add3A_893 : i32 to index
        %swap3A_955 = arith.constant 64 : index
        %swap3A_956 = tpu.vector_load %arg8[%swap3A_953, %swap3A_954, %swap3A_955] {strides = array<i32>} : memref<5x80x128xf32, #tpu.memory_space<vmem>>, vector<1x1x16xf32>,
        %swap3A_957 = vector.shape_cast %swap3A_956 : vector<1x1x16xf32> to vector<16xf32>
        %swap3A_958 = vector.shape_cast %get3A_951 : vector<16xf32> to vector<1x1x16xf32>
        tpu.vector_store %arg8[%swap3A_953, %swap3A_954, %swap3A_955], %swap3A_958 {add = true, strides = array<i32>} : memref<5x80x128xf32, #tpu.memory_space<vmem>>, vector<1x1x16xf32>,
        %add3A_959 = arith.constant 120 : i32
        %add3A_960 = arith.addi %add3A_959, %add3A_893 : i32
        %get3A_961 = arith.index_cast %add3A_960 : i32 to index
        %get3A_962 = arith.constant 80 : index
        %get3A_963 = tpu.vector_load %arg7[%get3A_961, %get3A_962] {strides = array<i32>} : memref<240x128xf32, #tpu.memory_space<vmem>>, vector<1x16xf32>,
        %get3A_964 = vector.shape_cast %get3A_963 : vector<1x16xf32> to vector<16xf32>
        %swap3A_965 = arith.constant 4 : i32
        %swap3A_966 = arith.index_cast %swap3A_965 : i32 to index
        %swap3A_967 = arith.index_cast %add3A_893 : i32 to index
        %swap3A_968 = arith.constant 80 : index
        %swap3A_969 = tpu.vector_load %arg8[%swap3A_966, %swap3A_967, %swap3A_968] {strides = array<i32>} : memref<5x80x128xf32, #tpu.memory_space<vmem>>, vector<1x1x16xf32>,
        %swap3A_970 = vector.shape_cast %swap3A_969 : vector<1x1x16xf32> to vector<16xf32>
        %swap3A_971 = vector.shape_cast %get3A_964 : vector<16xf32> to vector<1x1x16xf32>
        tpu.vector_store %arg8[%swap3A_966, %swap3A_967, %swap3A_968], %swap3A_971 {add = true, strides = array<i32>} : memref<5x80x128xf32, #tpu.memory_space<vmem>>, vector<1x1x16xf32>,
        %add3A_972 = arith.constant 120 : i32
        %add3A_973 = arith.addi %add3A_972, %add3A_893 : i32
        %get3A_974 = arith.index_cast %add3A_973 : i32 to index
        %get3A_975 = arith.constant 96 : index
        %get3A_976 = tpu.vector_load %arg7[%get3A_974, %get3A_975] {strides = array<i32>} : memref<240x128xf32, #tpu.memory_space<vmem>>, vector<1x16xf32>,
        %get3A_977 = vector.shape_cast %get3A_976 : vector<1x16xf32> to vector<16xf32>
        %swap3A_978 = arith.constant 4 : i32
        %swap3A_979 = arith.index_cast %swap3A_978 : i32 to index
        %swap3A_980 = arith.index_cast %add3A_893 : i32 to index
        %swap3A_981 = arith.constant 96 : index
        %swap3A_982 = tpu.vector_load %arg8[%swap3A_979, %swap3A_980, %swap3A_981] {strides = array<i32>} : memref<5x80x128xf32, #tpu.memory_space<vmem>>, vector<1x1x16xf32>,
        %swap3A_983 = vector.shape_cast %swap3A_982 : vector<1x1x16xf32> to vector<16xf32>
        %swap3A_984 = vector.shape_cast %get3A_977 : vector<16xf32> to vector<1x1x16xf32>
        tpu.vector_store %arg8[%swap3A_979, %swap3A_980, %swap3A_981], %swap3A_984 {add = true, strides = array<i32>} : memref<5x80x128xf32, #tpu.memory_space<vmem>>, vector<1x1x16xf32>,
        %add3A_985 = arith.constant 120 : i32
        %add3A_986 = arith.addi %add3A_985, %add3A_893 : i32
        %get3A_987 = arith.index_cast %add3A_986 : i32 to index
        %get3A_988 = arith.constant 112 : index
        %get3A_989 = tpu.vector_load %arg7[%get3A_987, %get3A_988] {strides = array<i32>} : memref<240x128xf32, #tpu.memory_space<vmem>>, vector<1x16xf32>,
        %get3A_990 = vector.shape_cast %get3A_989 : vector<1x16xf32> to vector<16xf32>
        %swap3A_991 = arith.constant 4 : i32
        %swap3A_992 = arith.index_cast %swap3A_991 : i32 to index
        %swap3A_993 = arith.index_cast %add3A_893 : i32 to index
        %swap3A_994 = arith.constant 112 : index
        %swap3A_995 = tpu.vector_load %arg8[%swap3A_992, %swap3A_993, %swap3A_994] {strides = array<i32>} : memref<5x80x128xf32, #tpu.memory_space<vmem>>, vector<1x1x16xf32>,
        %swap3A_996 = vector.shape_cast %swap3A_995 : vector<1x1x16xf32> to vector<16xf32>
        %swap3A_997 = vector.shape_cast %get3A_990 : vector<16xf32> to vector<1x1x16xf32>
        tpu.vector_store %arg8[%swap3A_992, %swap3A_993, %swap3A_994], %swap3A_997 {add = true, strides = array<i32>} : memref<5x80x128xf32, #tpu.memory_space<vmem>>, vector<1x1x16xf32>,
        %mul3A_998 = arith.constant 4 : i32
        %mul3A_999 = arith.muli %scan3A_673, %mul3A_998 : i32
        %add3A_1000 = arith.constant 3 : i32
        %add3A_1001 = arith.addi %mul3A_999, %add3A_1000 : i32
        %add3A_1002 = arith.constant 120 : i32
        %add3A_1003 = arith.addi %add3A_1002, %add3A_1001 : i32
        %get3A_1004 = arith.index_cast %add3A_1003 : i32 to index
        %get3A_1005 = arith.constant 0 : index
        %get3A_1006 = tpu.vector_load %arg7[%get3A_1004, %get3A_1005] {strides = array<i32>} : memref<240x128xf32, #tpu.memory_space<vmem>>, vector<1x16xf32>,
        %get3A_1007 = vector.shape_cast %get3A_1006 : vector<1x16xf32> to vector<16xf32>
        %swap3A_1008 = arith.constant 4 : i32
        %swap3A_1009 = arith.index_cast %swap3A_1008 : i32 to index
        %swap3A_1010 = arith.index_cast %add3A_1001 : i32 to index
        %swap3A_1011 = arith.constant 0 : index
        %swap3A_1012 = tpu.vector_load %arg8[%swap3A_1009, %swap3A_1010, %swap3A_1011] {strides = array<i32>} : memref<5x80x128xf32, #tpu.memory_space<vmem>>, vector<1x1x16xf32>,
        %swap3A_1013 = vector.shape_cast %swap3A_1012 : vector<1x1x16xf32> to vector<16xf32>
        %swap3A_1014 = vector.shape_cast %get3A_1007 : vector<16xf32> to vector<1x1x16xf32>
        tpu.vector_store %arg8[%swap3A_1009, %swap3A_1010, %swap3A_1011], %swap3A_1014 {add = true, strides = array<i32>} : memref<5x80x128xf32, #tpu.memory_space<vmem>>, vector<1x1x16xf32>,
        %add3A_1015 = arith.constant 120 : i32
        %add3A_1016 = arith.addi %add3A_1015, %add3A_1001 : i32
        %get3A_1017 = arith.index_cast %add3A_1016 : i32 to index
        %get3A_1018 = arith.constant 16 : index
        %get3A_1019 = tpu.vector_load %arg7[%get3A_1017, %get3A_1018] {strides = array<i32>} : memref<240x128xf32, #tpu.memory_space<vmem>>, vector<1x16xf32>,
        %get3A_1020 = vector.shape_cast %get3A_1019 : vector<1x16xf32> to vector<16xf32>
        %swap3A_1021 = arith.constant 4 : i32
        %swap3A_1022 = arith.index_cast %swap3A_1021 : i32 to index
        %swap3A_1023 = arith.index_cast %add3A_1001 : i32 to index
        %swap3A_1024 = arith.constant 16 : index
        %swap3A_1025 = tpu.vector_load %arg8[%swap3A_1022, %swap3A_1023, %swap3A_1024] {strides = array<i32>} : memref<5x80x128xf32, #tpu.memory_space<vmem>>, vector<1x1x16xf32>,
        %swap3A_1026 = vector.shape_cast %swap3A_1025 : vector<1x1x16xf32> to vector<16xf32>
        %swap3A_1027 = vector.shape_cast %get3A_1020 : vector<16xf32> to vector<1x1x16xf32>
        tpu.vector_store %arg8[%swap3A_1022, %swap3A_1023, %swap3A_1024], %swap3A_1027 {add = true, strides = array<i32>} : memref<5x80x128xf32, #tpu.memory_space<vmem>>, vector<1x1x16xf32>,
        %add3A_1028 = arith.constant 120 : i32
        %add3A_1029 = arith.addi %add3A_1028, %add3A_1001 : i32
        %get3A_1030 = arith.index_cast %add3A_1029 : i32 to index
        %get3A_1031 = arith.constant 32 : index
        %get3A_1032 = tpu.vector_load %arg7[%get3A_1030, %get3A_1031] {strides = array<i32>} : memref<240x128xf32, #tpu.memory_space<vmem>>, vector<1x16xf32>,
        %get3A_1033 = vector.shape_cast %get3A_1032 : vector<1x16xf32> to vector<16xf32>
        %swap3A_1034 = arith.constant 4 : i32
        %swap3A_1035 = arith.index_cast %swap3A_1034 : i32 to index
        %swap3A_1036 = arith.index_cast %add3A_1001 : i32 to index
        %swap3A_1037 = arith.constant 32 : index
        %swap3A_1038 = tpu.vector_load %arg8[%swap3A_1035, %swap3A_1036, %swap3A_1037] {strides = array<i32>} : memref<5x80x128xf32, #tpu.memory_space<vmem>>, vector<1x1x16xf32>,
        %swap3A_1039 = vector.shape_cast %swap3A_1038 : vector<1x1x16xf32> to vector<16xf32>
        %swap3A_1040 = vector.shape_cast %get3A_1033 : vector<16xf32> to vector<1x1x16xf32>
        tpu.vector_store %arg8[%swap3A_1035, %swap3A_1036, %swap3A_1037], %swap3A_1040 {add = true, strides = array<i32>} : memref<5x80x128xf32, #tpu.memory_space<vmem>>, vector<1x1x16xf32>,
        %add3A_1041 = arith.constant 120 : i32
        %add3A_1042 = arith.addi %add3A_1041, %add3A_1001 : i32
        %get3A_1043 = arith.index_cast %add3A_1042 : i32 to index
        %get3A_1044 = arith.constant 48 : index
        %get3A_1045 = tpu.vector_load %arg7[%get3A_1043, %get3A_1044] {strides = array<i32>} : memref<240x128xf32, #tpu.memory_space<vmem>>, vector<1x16xf32>,
        %get3A_1046 = vector.shape_cast %get3A_1045 : vector<1x16xf32> to vector<16xf32>
        %swap3A_1047 = arith.constant 4 : i32
        %swap3A_1048 = arith.index_cast %swap3A_1047 : i32 to index
        %swap3A_1049 = arith.index_cast %add3A_1001 : i32 to index
        %swap3A_1050 = arith.constant 48 : index
        %swap3A_1051 = tpu.vector_load %arg8[%swap3A_1048, %swap3A_1049, %swap3A_1050] {strides = array<i32>} : memref<5x80x128xf32, #tpu.memory_space<vmem>>, vector<1x1x16xf32>,
        %swap3A_1052 = vector.shape_cast %swap3A_1051 : vector<1x1x16xf32> to vector<16xf32>
        %swap3A_1053 = vector.shape_cast %get3A_1046 : vector<16xf32> to vector<1x1x16xf32>
        tpu.vector_store %arg8[%swap3A_1048, %swap3A_1049, %swap3A_1050], %swap3A_1053 {add = true, strides = array<i32>} : memref<5x80x128xf32, #tpu.memory_space<vmem>>, vector<1x1x16xf32>,
        %add3A_1054 = arith.constant 120 : i32
        %add3A_1055 = arith.addi %add3A_1054, %add3A_1001 : i32
        %get3A_1056 = arith.index_cast %add3A_1055 : i32 to index
        %get3A_1057 = arith.constant 64 : index
        %get3A_1058 = tpu.vector_load %arg7[%get3A_1056, %get3A_1057] {strides = array<i32>} : memref<240x128xf32, #tpu.memory_space<vmem>>, vector<1x16xf32>,
        %get3A_1059 = vector.shape_cast %get3A_1058 : vector<1x16xf32> to vector<16xf32>
        %swap3A_1060 = arith.constant 4 : i32
        %swap3A_1061 = arith.index_cast %swap3A_1060 : i32 to index
        %swap3A_1062 = arith.index_cast %add3A_1001 : i32 to index
        %swap3A_1063 = arith.constant 64 : index
        %swap3A_1064 = tpu.vector_load %arg8[%swap3A_1061, %swap3A_1062, %swap3A_1063] {strides = array<i32>} : memref<5x80x128xf32, #tpu.memory_space<vmem>>, vector<1x1x16xf32>,
        %swap3A_1065 = vector.shape_cast %swap3A_1064 : vector<1x1x16xf32> to vector<16xf32>
        %swap3A_1066 = vector.shape_cast %get3A_1059 : vector<16xf32> to vector<1x1x16xf32>
        tpu.vector_store %arg8[%swap3A_1061, %swap3A_1062, %swap3A_1063], %swap3A_1066 {add = true, strides = array<i32>} : memref<5x80x128xf32, #tpu.memory_space<vmem>>, vector<1x1x16xf32>,
        %add3A_1067 = arith.constant 120 : i32
        %add3A_1068 = arith.addi %add3A_1067, %add3A_1001 : i32
        %get3A_1069 = arith.index_cast %add3A_1068 : i32 to index
        %get3A_1070 = arith.constant 80 : index
        %get3A_1071 = tpu.vector_load %arg7[%get3A_1069, %get3A_1070] {strides = array<i32>} : memref<240x128xf32, #tpu.memory_space<vmem>>, vector<1x16xf32>,
        %get3A_1072 = vector.shape_cast %get3A_1071 : vector<1x16xf32> to vector<16xf32>
        %swap3A_1073 = arith.constant 4 : i32
        %swap3A_1074 = arith.index_cast %swap3A_1073 : i32 to index
        %swap3A_1075 = arith.index_cast %add3A_1001 : i32 to index
        %swap3A_1076 = arith.constant 80 : index
        %swap3A_1077 = tpu.vector_load %arg8[%swap3A_1074, %swap3A_1075, %swap3A_1076] {strides = array<i32>} : memref<5x80x128xf32, #tpu.memory_space<vmem>>, vector<1x1x16xf32>,
        %swap3A_1078 = vector.shape_cast %swap3A_1077 : vector<1x1x16xf32> to vector<16xf32>
        %swap3A_1079 = vector.shape_cast %get3A_1072 : vector<16xf32> to vector<1x1x16xf32>
        tpu.vector_store %arg8[%swap3A_1074, %swap3A_1075, %swap3A_1076], %swap3A_1079 {add = true, strides = array<i32>} : memref<5x80x128xf32, #tpu.memory_space<vmem>>, vector<1x1x16xf32>,
        %add3A_1080 = arith.constant 120 : i32
        %add3A_1081 = arith.addi %add3A_1080, %add3A_1001 : i32
        %get3A_1082 = arith.index_cast %add3A_1081 : i32 to index
        %get3A_1083 = arith.constant 96 : index
        %get3A_1084 = tpu.vector_load %arg7[%get3A_1082, %get3A_1083] {strides = array<i32>} : memref<240x128xf32, #tpu.memory_space<vmem>>, vector<1x16xf32>,
        %get3A_1085 = vector.shape_cast %get3A_1084 : vector<1x16xf32> to vector<16xf32>
        %swap3A_1086 = arith.constant 4 : i32
        %swap3A_1087 = arith.index_cast %swap3A_1086 : i32 to index
        %swap3A_1088 = arith.index_cast %add3A_1001 : i32 to index
        %swap3A_1089 = arith.constant 96 : index
        %swap3A_1090 = tpu.vector_load %arg8[%swap3A_1087, %swap3A_1088, %swap3A_1089] {strides = array<i32>} : memref<5x80x128xf32, #tpu.memory_space<vmem>>, vector<1x1x16xf32>,
        %swap3A_1091 = vector.shape_cast %swap3A_1090 : vector<1x1x16xf32> to vector<16xf32>
        %swap3A_1092 = vector.shape_cast %get3A_1085 : vector<16xf32> to vector<1x1x16xf32>
        tpu.vector_store %arg8[%swap3A_1087, %swap3A_1088, %swap3A_1089], %swap3A_1092 {add = true, strides = array<i32>} : memref<5x80x128xf32, #tpu.memory_space<vmem>>, vector<1x1x16xf32>,
        %add3A_1093 = arith.constant 120 : i32
        %add3A_1094 = arith.addi %add3A_1093, %add3A_1001 : i32
        %get3A_1095 = arith.index_cast %add3A_1094 : i32 to index
        %get3A_1096 = arith.constant 112 : index
        %get3A_1097 = tpu.vector_load %arg7[%get3A_1095, %get3A_1096] {strides = array<i32>} : memref<240x128xf32, #tpu.memory_space<vmem>>, vector<1x16xf32>,
        %get3A_1098 = vector.shape_cast %get3A_1097 : vector<1x16xf32> to vector<16xf32>
        %swap3A_1099 = arith.constant 4 : i32
        %swap3A_1100 = arith.index_cast %swap3A_1099 : i32 to index
        %swap3A_1101 = arith.index_cast %add3A_1001 : i32 to index
        %swap3A_1102 = arith.constant 112 : index
        %swap3A_1103 = tpu.vector_load %arg8[%swap3A_1100, %swap3A_1101, %swap3A_1102] {strides = array<i32>} : memref<5x80x128xf32, #tpu.memory_space<vmem>>, vector<1x1x16xf32>,
        %swap3A_1104 = vector.shape_cast %swap3A_1103 : vector<1x1x16xf32> to vector<16xf32>
        %swap3A_1105 = vector.shape_cast %get3A_1098 : vector<16xf32> to vector<1x1x16xf32>
        tpu.vector_store %arg8[%swap3A_1100, %swap3A_1101, %swap3A_1102], %swap3A_1105 {add = true, strides = array<i32>} : memref<5x80x128xf32, #tpu.memory_space<vmem>>, vector<1x1x16xf32>,
      }
      %scan3A_656 = arith.constant 20 : i32
      %mul3A_657 = arith.constant 80 : i32
      %mul3A_658 = arith.muli %add3A_603, %mul3A_657 : i32
      %add3A_659 = arith.addi %mul3A_2, %mul3A_658 : i32
      %dma_start3A_660 = arith.constant 4 : i32
      %dma_start3A_661 = arith.constant 0 : i32
      %dma_start3A_662 = arith.constant 0 : i32
      %dma_start3A_663 = tpu.memref_slice %arg8[%dma_start3A_660, %dma_start3A_661, %dma_start3A_662] : memref<5x80x128xf32, #tpu.memory_space<vmem>> -> memref<1x80x128xf32, #tpu.memory_space<vmem>>
      %dma_start3A_664 = tpu.memref_squeeze %dma_start3A_663 : memref<1x80x128xf32, #tpu.memory_space<vmem>> -> memref<80x128xf32, #tpu.memory_space<vmem>>
      %dma_start3A_665 = arith.constant 0 : i32
      %dma_start3A_666 = tpu.memref_slice %arg5[%add3A_659, %dma_start3A_665] : memref<819200x128xf32, #tpu.memory_space<hbm>> -> memref<80x128xf32, #tpu.memory_space<hbm>>
      %dma_start3A_667 = arith.constant 0 : i32
      %dma_start3A_668 = tpu.memref_slice %arg5[%add3A_659, %dma_start3A_667] : memref<819200x128xf32, #tpu.memory_space<hbm>> -> memref<80x128xf32, #tpu.memory_space<hbm>>
      %dma_start3A_669 = arith.constant 0 : i32
      %dma_start3A_670 = arith.constant 0 : i32
      %dma_start3A_671 = tpu.memref_slice %arg8[%dma_start3A_660, %dma_start3A_669, %dma_start3A_670] : memref<5x80x128xf32, #tpu.memory_space<vmem>> -> memref<1x80x128xf32, #tpu.memory_space<vmem>>
      %dma_start3A_672 = tpu.memref_squeeze %dma_start3A_671 : memref<1x80x128xf32, #tpu.memory_space<vmem>> -> memref<80x128xf32, #tpu.memory_space<vmem>>
      tpu.enqueue_dma source(%dma_start3A_672 : memref<80x128xf32, #tpu.memory_space<vmem>>) target(%dma_start3A_668 : memref<80x128xf32, #tpu.memory_space<hbm>>) target_semaphore(%arg19 : memref<!tpu.dma_semaphore, #tpu.memory_space<semaphore_mem>>)
    }
    %scan3A_300 = arith.constant 64 : i32
    %dma_wait3A_301 = arith.constant 3 : i32
    %dma_wait3A_302 = arith.constant 0 : i32
    %dma_wait3A_303 = arith.constant 0 : i32
    %dma_wait3A_304 = tpu.memref_slice %arg8[%dma_wait3A_301, %dma_wait3A_302, %dma_wait3A_303] : memref<5x80x128xf32, #tpu.memory_space<vmem>> -> memref<1x80x128xf32, #tpu.memory_space<vmem>>
    %dma_wait3A_305 = tpu.memref_squeeze %dma_wait3A_304 : memref<1x80x128xf32, #tpu.memory_space<vmem>> -> memref<80x128xf32, #tpu.memory_space<vmem>>
    %dma_wait3A_306 = arith.constant 0 : i32
    %dma_wait3A_307 = arith.constant 0 : i32
    %dma_wait3A_308 = tpu.memref_slice %arg5[%dma_wait3A_306, %dma_wait3A_307] : memref<819200x128xf32, #tpu.memory_space<hbm>> -> memref<80x128xf32, #tpu.memory_space<hbm>>
    %dma_wait3A_309 = arith.constant 0 : i32
    %dma_wait3A_310 = arith.constant 0 : i32
    %dma_wait3A_311 = tpu.memref_slice %arg5[%dma_wait3A_309, %dma_wait3A_310] : memref<819200x128xf32, #tpu.memory_space<hbm>> -> memref<80x128xf32, #tpu.memory_space<hbm>>
    %dma_wait3A_312 = arith.constant 0 : i32
    %dma_wait3A_313 = arith.constant 0 : i32
    %dma_wait3A_314 = tpu.memref_slice %arg8[%dma_wait3A_301, %dma_wait3A_312, %dma_wait3A_313] : memref<5x80x128xf32, #tpu.memory_space<vmem>> -> memref<1x80x128xf32, #tpu.memory_space<vmem>>
    %dma_wait3A_315 = tpu.memref_squeeze %dma_wait3A_314 : memref<1x80x128xf32, #tpu.memory_space<vmem>> -> memref<80x128xf32, #tpu.memory_space<vmem>>
    tpu.wait_dma2 semaphore(%arg18 : memref<!tpu.dma_semaphore, #tpu.memory_space<semaphore_mem>>) src(%dma_wait3A_315 : memref<80x128xf32, #tpu.memory_space<vmem>>) dst(%dma_wait3A_311 : memref<80x128xf32, #tpu.memory_space<hbm>>)
    %dma_wait3A_316 = arith.constant 4 : i32
    %dma_wait3A_317 = arith.constant 0 : i32
    %dma_wait3A_318 = arith.constant 0 : i32
    %dma_wait3A_319 = tpu.memref_slice %arg8[%dma_wait3A_316, %dma_wait3A_317, %dma_wait3A_318] : memref<5x80x128xf32, #tpu.memory_space<vmem>> -> memref<1x80x128xf32, #tpu.memory_space<vmem>>
    %dma_wait3A_320 = tpu.memref_squeeze %dma_wait3A_319 : memref<1x80x128xf32, #tpu.memory_space<vmem>> -> memref<80x128xf32, #tpu.memory_space<vmem>>
    %dma_wait3A_321 = arith.constant 0 : i32
    %dma_wait3A_322 = arith.constant 0 : i32
    %dma_wait3A_323 = tpu.memref_slice %arg5[%dma_wait3A_321, %dma_wait3A_322] : memref<819200x128xf32, #tpu.memory_space<hbm>> -> memref<80x128xf32, #tpu.memory_space<hbm>>
    %dma_wait3A_324 = arith.constant 0 : i32
    %dma_wait3A_325 = arith.constant 0 : i32
    %dma_wait3A_326 = tpu.memref_slice %arg5[%dma_wait3A_324, %dma_wait3A_325] : memref<819200x128xf32, #tpu.memory_space<hbm>> -> memref<80x128xf32, #tpu.memory_space<hbm>>
    %dma_wait3A_327 = arith.constant 0 : i32
    %dma_wait3A_328 = arith.constant 0 : i32
    %dma_wait3A_329 = tpu.memref_slice %arg8[%dma_wait3A_316, %dma_wait3A_327, %dma_wait3A_328] : memref<5x80x128xf32, #tpu.memory_space<vmem>> -> memref<1x80x128xf32, #tpu.memory_space<vmem>>
    %dma_wait3A_330 = tpu.memref_squeeze %dma_wait3A_329 : memref<1x80x128xf32, #tpu.memory_space<vmem>> -> memref<80x128xf32, #tpu.memory_space<vmem>>
    tpu.wait_dma2 semaphore(%arg19 : memref<!tpu.dma_semaphore, #tpu.memory_space<semaphore_mem>>) src(%dma_wait3A_330 : memref<80x128xf32, #tpu.memory_space<vmem>>) dst(%dma_wait3A_326 : memref<80x128xf32, #tpu.memory_space<hbm>>)
    return
  }
}

</mosaic_0001>

<sc_bundles>
// kernel: kernel.3.cloned.1.call-start
scs
__scs_entry_jumppad:
0x0: {  	(pc) =	sbr.rel $0x88, $3  }
0x1: {  	(tag) =	ssettag $0x0;
	lr =	simm.s32 $0x1  }
0x2: {  	[smem:$0x3F9E] =	sst lr;
	_ =	strace $0xD0000000  }
0x3: {  	_ = 	snop  }
0x4: {  	_ = 	snop  }
0x5: {  	_ = 	snop  }
0x6: {  	_ = 	snop  }
0x7: {  	_ = 	snop  }
__scs_overlays_trampoline_lowered:
0x8: {  	[smem:$0x3FAD] =	sst s0  }
0x9: {  	[smem:$0x3FAE] =	sst s1  }
0xa: {  	[smem:$0x3FAF] =	sst s2  }
0xb: {  	[smem:$0x3FB0] =	sst s3  }
0xc: {  	[smem:$0x3FB1] =	sst s4  }
0xd: {  	[smem:$0x3FB2] =	sst s5  }
0xe: {  	[smem:$0x3FB3] =	sst s6  }
0xf: {  	[smem:$0x3FB4] =	sst s7  }
0x10: {  	[smem:$0x3FB5] =	sst s8  }
0x11: {  	[smem:$0x3FB6] =	sst s9;
	s0 =	simm.s32 @!p0 $0x0  }
0x12: {  	s1 =	sld [smem:$0x3F9C];
	s0 =	simm.s32 @p0 $0x1  }
0x13: {  	[smem:$0x3FB7] =	sst s0;
	s0 =	simm.s32 @!p1 $0x0  }
0x14: {  	s2 =	sld [smem:$0x3F9B];
	s0 =	simm.s32 @p1 $0x1  }
0x15: {  	[smem:$0x3FB8] =	sst s0;
	s0 =	simm.s32 @!p2 $0x0  }
0x16: {  	s3 =	sld [smem:$0x3FDB];
	s0 =	simm.s32 @p2 $0x1  }
0x17: {  	s4 =	simm.s32 $0x1BF5;
	[smem:$0x3FBA] =	sst s0  }
0x18: {  	s0 =	sld [smem:$0x3F9D];
	_ =	swait.ge [sflag:s4], $0x0  }
0x19: {  	s7 =	sld [smem:$0x3F9E]  }
0x1a: {  	s8 =	sadd.s32 $0xFFFFE003, lr  }
0x1b: {  	s9 =	sadd.s32 $0xFFFFFEF7, lr;
	s5 =	simm.s32 $0xFFFFFFFF;
	p2 =	slt.u32 s8, $0xFFFFF086  }
0x1c: {  	p1 =	slt.u32 s9, $0xF7A;
	s5 =	simm.s32 @!p2 $0x0  }
0x1d: {  	s5 =	simm.s32 @p1 $0x1;
	p0 =	seq.s32 s7, s2  }
0x1e: {  	s7 =	smul.u32 @!p0 $0xF7A, s2;
	p2 =	seq.s32 @!p0 s5, $0x0  }
0x1f: {  	s9 =	smul.u32 $0xF7A, s1;
	s8 =	simm.s32 @!p0 $0x1BF5;
	p2 =	por !p2, p0  }
0x20: {  	[sflag:s8] =	ssyncset.s32 @!p0 $0xFFFFF086;
	s6 =	sadd.s32 @!p0 s3, s7;
	s7 =	simm.s32 @!p0 $0x108  }
0x21: {  	s3 =	sadd.s32 s3, s9;
	s6 =	sadd.s32 @!p0 $0x88, s6;
	s7 =	simm.s32 @p2 $0x1082  }
0x22: {  	[simem:s7], [sflag:s8] =	dma.local @!p0 [hbm:s6], $0xF7A  }
0x23: {  	s9 =	sor.u32 $0xD0000000, s2;
	s6 =	simm.s32 $0x108;
	_ =	swait.ge @!p0 [sflag:s8], $0x0  }
0x24: {  	s3 =	sadd.s32 $0x88, s3;
	s6 =	simm.s32 @!p1 $0x1082;
	[sflag:s4] =	ssyncset.s32 $0xFFFFF086  }
0x25: {  	[simem:s6], [sflag:s4] =	dma.local [hbm:s3], $0xF7A  }
0x26: {  	[smem:$0x3F9E] =	sst s1;
	(tag) =	ssettag s2;
	_ =	strace s9  }
0x27: {  	s1 =	sld [smem:$0x3FAE]  }
0x28: {  	s2 =	sld [smem:$0x3FAF]  }
0x29: {  	s4 =	sld [smem:$0x3FB1]  }
0x2a: {  	p0 =	seq.s32 s5, $0x0;
	s5 =	sld [smem:$0x3FB2]  }
0x2b: {  	s6 =	sld [smem:$0x3FB3]  }
0x2c: {  	s7 =	sld [smem:$0x3FB4]  }
0x2d: {  	s3 =	simm.s32 $0x108;
	s8 =	sld [smem:$0x3FB5]  }
0x2e: {  	s3 =	simm.s32 @!p0 $0x1082;
	s9 =	sld [smem:$0x3FB6]  }
0x2f: {  	lr =	sadd.s32 s0, s3;
	s0 =	sld [smem:$0x3FAD]  }
0x30: {  	s3 =	sld [smem:$0x3FB0]  }
0x31: {  	[smem:$0x3FB9] =	sst s10  }
0x32: {  	s10 =	sld [smem:$0x3FB7];
	_ =	sdelay $0x3  }
0x33: {  	p0 =	seq.s32 s10, $0x1;
	s10 =	sld [smem:$0x3FB9];
	_ =	sdelay $0x3  }
0x34: {  	[smem:$0x3FB9] =	sst s10  }
0x35: {  	s10 =	sld [smem:$0x3FB8];
	_ =	sdelay $0x3  }
0x36: {  	p1 =	seq.s32 s10, $0x1;
	s10 =	sld [smem:$0x3FB9];
	_ =	sdelay $0x3  }
0x37: {  	[smem:$0x3FB9] =	sst s10  }
0x38: {  	s10 =	sld [smem:$0x3FBA]  }
0x39: {  	_ = 	snop;
	(pc) =	sbr.ind lr, $3  }
0x3a: {  	_ = 	snop  }
0x3b: {  	_ = 	snop  }
0x3c: {  	p2 =	seq.s32 s10, $0x1;
	s10 =	sld [smem:$0x3FB9]  }
0x3d: {  	_ =	shalt  }
0x3e: {  	_ =	shalt  }
0x3f: {  	_ =	shalt  }
0x40: {  	_ =	shalt  }
0x41: {  	_ =	shalt  }
0x42: {  	_ =	shalt  }
0x43: {  	_ =	shalt  }
0x44: {  	_ =	shalt  }
0x45: {  	_ =	shalt  }
0x46: {  	_ =	shalt  }
0x47: {  	_ =	shalt  }
0x48: {  	_ =	shalt  }
0x49: {  	_ =	shalt  }
0x4a: {  	_ =	shalt  }
0x4b: {  	_ =	shalt  }
0x4c: {  	_ =	shalt  }
0x4d: {  	_ =	shalt  }
0x4e: {  	_ =	shalt  }
0x4f: {  	_ =	shalt  }
0x50: {  	_ =	shalt  }
0x51: {  	_ =	shalt  }
0x52: {  	_ =	shalt  }
0x53: {  	_ =	shalt  }
0x54: {  	_ =	shalt  }
0x55: {  	_ =	shalt  }
0x56: {  	_ =	shalt  }
0x57: {  	_ =	shalt  }
0x58: {  	_ =	shalt  }
0x59: {  	_ =	shalt  }
0x5a: {  	_ =	shalt  }
0x5b: {  	_ =	shalt  }
0x5c: {  	_ =	shalt  }
0x5d: {  	_ =	shalt  }
0x5e: {  	_ =	shalt  }
0x5f: {  	_ =	shalt  }
0x60: {  	_ =	shalt  }
0x61: {  	_ =	shalt  }
0x62: {  	_ =	shalt  }
0x63: {  	_ =	shalt  }
0x64: {  	_ =	shalt  }
0x65: {  	_ =	shalt  }
0x66: {  	_ =	shalt  }
0x67: {  	_ =	shalt  }
0x68: {  	_ =	shalt  }
0x69: {  	_ =	shalt  }
0x6a: {  	_ =	shalt  }
0x6b: {  	_ =	shalt  }
0x6c: {  	_ =	shalt  }
0x6d: {  	_ =	shalt  }
0x6e: {  	_ =	shalt  }
0x6f: {  	_ =	shalt  }
0x70: {  	_ =	shalt  }
0x71: {  	_ =	shalt  }
0x72: {  	_ =	shalt  }
0x73: {  	_ =	shalt  }
0x74: {  	_ =	shalt  }
0x75: {  	_ =	shalt  }
0x76: {  	_ =	shalt  }
0x77: {  	_ =	shalt  }
0x78: {  	_ =	shalt  }
0x79: {  	_ =	shalt  }
0x7a: {  	_ =	shalt  }
0x7b: {  	_ =	shalt  }
0x7c: {  	_ =	shalt  }
0x7d: {  	_ =	shalt  }
0x7e: {  	_ =	shalt  }
0x7f: {  	_ =	shalt  }
0x80: {  	_ =	shalt  }
0x81: {  	_ =	shalt  }
0x82: {  	_ =	shalt  }
0x83: {  	_ =	shalt  }
0x84: {  	_ =	shalt  }
0x85: {  	_ =	shalt  }
0x86: {  	_ =	shalt  }
0x87: {  	_ =	shalt  }
.Lfunc_end0:
.L_simem_size_0:
called_computation_lowered:
.L_overlay_start_0:
0x88: {  	s2 =	sld [smem:$0x3FD9]  }
0x89: {  	s3 =	sld [smem:$0x3FFE];
	_ =	sdelay $0x1  }
0x8a: {  	s1 =	srdreg.scid  }
0x8b: {  	s0 =	sand.u32 $0x1, s1  }
0x8c: {  	s17 =	sshll.u32 s0, $0xA;
	s2 =	sadd.s32 s3, s2  }
0x8d: {  	s2 =	sadd.s32 s2, s17  }
0x8e: {  	[smem:$0x3FC5] =	sst s2  }
0x8f: {  	_ = 	snop  }
0x90: {  	s2 =	sld [smem:$0x3FC8]  }
0x91: {  	s18 =	sld [smem:$0x3FD0];
	(tm) =	ssettm $0x1  }
0x92: {  	s4 =	sld [smem:$0x3FFB];
	_ =	sdelay $0x3  }
0x93: {  	_ =	strace s4  }
0x94: {  	s4 =	sld [smem:$0x3FFC];
	_ =	sdelay $0x3  }
0x95: {  	_ =	strace s4  }
0x96: {  	s4 =	sld [smem:$0x3FFD];
	_ =	sdelay $0x3  }
0x97: {  	_ =	strace s4  }
0x98: {  	_ =	strace $0x8FFFFFFF  }
0x99: {  	s19 =	sld [smem:$0x3FDB];
	_ =	sdelay $0x1  }
0x9a: {  	s5 =	simm.s32 $_scs_section_size  }
0x9b: {  	s6 =	simm.s32 $_size__tile_overlayer_lowered;
	s7 =	simm.s32 $_tile_overlayer_lowered  }
0x9c: {  	s22 =	simm.s32 $0x1BFF;
	s21 =	sshll.u32 s7, $0x1;
	s4 =	sadd.s32 s5, s19  }
0x9d: {  	s8 =	simm.s32 $0x0;
	s20 =	sshll.u32 s6, $0x1;
	s6 =	sadd.s32 s21, s4  }
0x9e: {  	[timem:s8], [sflag:s22] =	dma.local [hbm:s6], s20  }
0x9f: {  	_ =	swait.ge [sflag:s22], s20  }
0xa0: {  	s5 =	ssub.s32 $0x0, s20;
	[sflag:s22] =	ssyncset.done $0x0  }
0xa1: {  	[sflag:s22] =	ssyncadd.s32 s5;
	_ =	sdelay $0x1  }
0xa2: {  	s23 =	simm.s32 $0x1B8B  }
0xa3: {  	_ =	swait.ge [sflag:s23], $0x1  }
0xa4: {  	[sflag:s23] =	ssyncset.done $0x0  }
0xa5: {  	s25 =	simm.s32 $0x1B8E;
	s24 =	sld [smem:$0x3FFE];
	[sflag:s23] =	ssyncadd.s32 $0xFFFFFFFF  }
0xa6: {  	s26 =	simm.s32 $execute0_lowered;
	[smem:$0x3FD2] =	sst s25  }
0xa7: {  	s6 =	sshll.u32 s26, $0x1;
	_ =	strace $0x80000046;
	[dreg:$0x1] =	wrdreg $0xFFFFFFFF  }
0xa8: {  	s28 =	simm.s32 $_size_execute0_lowered;
	s4 =	sadd.s32 s4, s6;
	[dreg:$0x0] =	wrdreg $0x0  }
0xa9: {  	s6 =	sshll.u32 s28, $0x1;
	[dreg:$0x2] =	wrdreg s4  }
0xaa: {  	[dreg:$0x3] =	wrdreg s6  }
0xab: {  	[dreg:$0x4] =	wrdreg $0xC0  }
0xac: {  	_ =	task [dreg:s8], $0x5FFFF  }
0xad: {  	[dreg:$0x1] =	wrdreg $0xFFFFFFFF  }
0xae: {  	[dreg:$0x0] =	wrdreg $0x60  }
0xaf: {  	[dreg:$0x2] =	wrdreg s24  }
0xb0: {  	[dreg:$0x3] =	wrdreg s2  }
0xb1: {  	[dreg:$0x4] =	wrdreg s18  }
0xb2: {  	[dreg:$0x5] =	wrdreg $0x144000  }
0xb3: {  	[dreg:$0x6] =	wrdreg $0x9  }
0xb4: {  	_ =	task.clear_ibuf [dreg:s8], $0x7FFFF;
	_ =	strace $0x90000046  }
0xb5: {  	s29 =	simm.s32 $0x9;
	_ =	strace $0x80000048  }
0xb6: {  	_ =	swait.ge [sflag:s29], $0x1  }
0xb7: {  	[sflag:s29] =	ssyncadd.s32 $0xFFFFFFFF  }
0xb8: {  	_ =	strace $0x90000048  }
0xb9: {  	_ =	sfence  }
0xba: {  	s30 =	sld [smem:$0x0];
	_ =	sdelay $0x2  }
0xbb: {  	s31 =	sshll.u32 s1, $0xD;
	s1 =	sshrl.u32 s1, $0x2  }
0xbc: {  	s3 =	sand.u32 $0x4000, s31;
	s1 =	sadd.s32 s1, s30  }
0xbd: {  	s0 =	sor.u32 s3, s0;
	s1 =	sshll.u32 s1, $0x11  }
0xbe: {  	s0 =	sor.u32 s1, s0  }
0xbf: {  	s0 =	sadd.s32 $0x8F2B, s0  }
0xc0: {  	[sflag:s0] =	ssyncadd.remote.s32 $0x1  }
0xc1: {  	_ =	sfence.sel $0xFFFF  }
0xc2: {  	[dreg:$0x0] =	wrdreg $0xFFFFFFFF;
	(pc) =	sbr.abs _section_cstart, $3  }
0xc3: {  	[dreg:$0x1] =	wrdreg $0xFFFFFFFF  }
0xc4: {  	_ =	task.clear_ibuf [dreg:s8], $0x2FFFF;
	_ =	strace $0x9FFFFFFF  }
0xc5: {  	(tm) =	ssettm $0x7FFFFFFF  }
tec
execute0_lowered:
.L_overlay_start_1:
0x0: {  	(tag) =	ssettag $0x1  }
0x1: {  	s0 =	rddreg [dreg:$0x0]  }
0x2: {  	s3 =	rddreg [dreg:$0x2];
	s1 =	srdreg.scid  }
0x3: {  	s6 =	stileid.u32;
	s4 =	rddreg [dreg:$0x3];
	s5 =	simm.s32 $0x0  }
0x4: {  	s31 =	simm.s32 $0x50;
	s28 =	simm.s32 $0xF400;
	s21 =	simm.s32 $0x11C00  }
0x5: {  	s30 =	simm.s32 $0x7;
	s22 =	simm.s32 $0x8;
	s1 =	sand.u32 $0x1, s1  }
0x6: {  	s2 =	sshll.u32 s6, $0x1;
	[smem:$0x7FF] =	sst s5;
	s7 =	sadd.s32 $0x400, s0  }
0x7: {  	s0 =	sadd.s32 $0x19400, s0;
	s12 =	sshll.u32 s6, $0xF;
	s13 =	sshll.u32 s6, $0x8  }
0x8: {  	s26 =	sshll.u32 s6, $0x6;
	s2 =	sor.u32 s1, s2;
	s1 =	ssub.s32 $0x2, s1  }
0x9: {  	s6 =	simm.s32 $0x0;
	_ =	strace $0x80000047;
	s11 =	sshrl.u32 s1, $0x1  }
0xa: {  	[dreg:$0x5] =	wrdreg s0;
	s8 =	smul.u32 $0x6400, s2;
	s0 =	ssub.s32 s1, s11  }
0xb: {  	s1 =	sadd.s32 s12, s4;
	s11 =	simm.s32 $0x1;
	s12 =	simm.s32 $0xF  }
0xc: {  	s2 =	sshrl.u32 s8, $0x3;
	s24 =	sor.u32 $0x140, s8;
	s25 =	sor.u32 $0x190, s8  }
0xd: {  	s15 =	sor.u32 $0x50, s8;
	s16 =	sor.u32 $0x1E0, s8;
	[dreg:$0xa] =	wrdreg s24  }
0xe: {  	s17 =	sor.u32 $0xA0, s8;
	s0 =	smax.u32 s0, $0x1;
	[dreg:$0xb] =	wrdreg s25  }
0xf: {  	s18 =	sor.u32 $0x230, s8;
	s29 =	sshrl.u32 s1, $0x3;
	[dreg:$0xc] =	wrdreg s0  }
0x10: {  	s19 =	sor.u32 $0xF0, s8;
	s9 =	sadd.s32 s7, s2;
	[dreg:$0xe] =	wrdreg s29  }
0x11: {  	s14 =	smov.u32 s8;
	s0 =	sor.u32 $0x1C10, s26;
	[dreg:$0x6] =	wrdreg s9  }
0x12: {  	s20 =	sor.u32 $0x280, s8;
	s10 =	sadd.s32 $0xA, s9;
	[dreg:$0xd] =	wrdreg s0  }
0x13: {  	s26 =	simm.s32 $0xE;
	s23 =	sadd.s32 $0x14, s9;
	[dreg:$0x7] =	wrdreg s10  }
0x14: {  	s24 =	simm.s32 $0x6;
	s9 =	sadd.s32 $0x1E, s9;
	[dreg:$0x8] =	wrdreg s23  }
0x15: {  	s25 =	simm.s32 $0x5;
	s0 =	simm.s32 $0x4;
	[dreg:$0x9] =	wrdreg s9  }
0x16: {  	v0 =	vmov s13;
	s10 =	simm.s32 $0x200;
	s23 =	simm.s32 $0x2;
	s9 =	simm.s32 $0x3  }
.LBB2_1:
0x17: {  	[dreg:$0xf] =	wrdreg s6  }
0x18: {  	s1 =	rddreg [dreg:$0x5];
	s2 =	simm.s32 $0x400;
	s8 =	simm.s32 $0x10  }
0x19: {  	[tilespmem:s2], [sflag:$0x10] =	stream.linear.gather [hbm4b:s1+s5], $0x7800, $0x38;
	[tilespmem:$0x1C400] =	vst v63  }
0x1a: {  	_ =	swait.ge [sflag:s8], $0x7800  }
0x1b: {  	[sflag:s8] =	ssyncset.done $0x0;
	s6 =	rddreg [dreg:$0xd]  }
0x1c: {  	s13 =	rddreg [dreg:$0xe];
	[sflag:s8] =	ssyncadd.s32 $0xFFFF8800  }
0x1d: {  	s2 =	rddreg [dreg:$0x1]  }
0x1e: {  	[spmem:s13], [sflag:s6] =	dma.local [hbm:s2], $0x1000  }
0x1f: {  	_ =	swait.ge [sflag:s8], $0x1000  }
0x20: {  	[sflag:s8] =	ssyncset.done $0x0  }
0x21: {  	s6 =	rddreg [dreg:$0x6];
	[sflag:s8] =	ssyncadd.s32 $0xFFFFF000  }
0x22: {  	[tilespmem:s5], [sflag:$0xB] =	stream.linear.gather [hbm4b:s6+s5], $0x50, $0x38;
	[tilespmem:$0x1C400] =	vst v63  }
0x23: {  	s2 =	simm.s32 $0x80;
	s8 =	rddreg [dreg:$0x7]  }
0x24: {  	[tilespmem:s2], [sflag:$0xC] =	stream.linear.gather [hbm4b:s8+s5], $0x50, $0x38;
	[tilespmem:$0x1C400] =	vst v63  }
0x25: {  	s13 =	rddreg [dreg:$0x8];
	s6 =	simm.s32 $0x100  }
0x26: {  	[tilespmem:s6], [sflag:$0xD] =	stream.linear.gather [hbm4b:s13+s5], $0x50, $0x38;
	[tilespmem:$0x1C400] =	vst v63  }
0x27: {  	s8 =	rddreg [dreg:$0x9];
	s13 =	simm.s32 $0x180  }
0x28: {  	[tilespmem:s13], [sflag:$0xE] =	stream.linear.gather [hbm4b:s8+s5], $0x50, $0x38;
	[tilespmem:$0x1C400] =	vst v63  }
0x29: {  	s8 =	simm.s32 $0xB  }
0x2a: {  	_ =	swait.ge [sflag:s8], $0x50  }
0x2b: {  	[sflag:s8] =	ssyncset.done $0x0  }
0x2c: {  	[sflag:s8] =	ssyncadd.s32 $0xFFFFFFB0  }
0x2d: {  	v1 =	vld [tilespmem:$0x0]  }
0x2e: {  	v2 =	vld [tilespmem:$0x10]  }
0x2f: {  	v3 =	vld [tilespmem:$0x20]  }
0x30: {  	v4 =	vld [tilespmem:$0x30]  }
0x31: {  	v5 =	vld [tilespmem:$0x40]  }
0x32: {  	v1 =	vadd.s32 v0, v1  }
0x33: {  	[tilespmem:$0x0] =	vst v1;
	v1 =	vadd.s32 v0, v2  }
0x34: {  	[tilespmem:$0x10] =	vst v1;
	v1 =	vadd.s32 v0, v3  }
0x35: {  	[tilespmem:$0x20] =	vst v1;
	v1 =	vadd.s32 v0, v4  }
0x36: {  	[tilespmem:$0x30] =	vst v1;
	v1 =	vadd.s32 v0, v5  }
0x37: {  	s13 =	simm.s32 $0x7C00;
	s8 =	simm.s32 $0xC;
	[tilespmem:$0x40] =	vst v1  }
0x38: {  	[tilespmem:s13], [sflag:$0x1] =	stream.indirect.gather [spmem:s4], $0x80, s5, s31, $0xb8;
	[tilespmem:$0x1C400] =	vst v63  }
0x39: {  	_ =	swait.ge [sflag:s8], $0x50  }
0x3a: {  	[sflag:s8] =	ssyncset.done $0x0  }
0x3b: {  	[sflag:s8] =	ssyncadd.s32 $0xFFFFFFB0  }
0x3c: {  	v1 =	vld [tilespmem:$0x80]  }
0x3d: {  	v2 =	vld [tilespmem:$0x90]  }
0x3e: {  	v3 =	vld [tilespmem:$0xA0]  }
0x3f: {  	v60 =	vld [tilespmem:$0xB0]  }
0x40: {  	v61 =	vld [tilespmem:$0xC0]  }
0x41: {  	v1 =	vadd.s32 v0, v1  }
0x42: {  	[tilespmem:$0x80] =	vst v1;
	v1 =	vadd.s32 v0, v2  }
0x43: {  	[tilespmem:$0x90] =	vst v1;
	v1 =	vadd.s32 v0, v3  }
0x44: {  	[tilespmem:$0xA0] =	vst v1;
	v1 =	vadd.s32 v0, v60  }
0x45: {  	[tilespmem:$0xB0] =	vst v1;
	v1 =	vadd.s32 v0, v61  }
0x46: {  	s13 =	simm.s32 $0xA400;
	s8 =	simm.s32 $0xD;
	[tilespmem:$0xC0] =	vst v1  }
0x47: {  	[tilespmem:s13], [sflag:$0x2] =	stream.indirect.gather [spmem:s4], $0x80, s2, s31, $0xb8;
	[tilespmem:$0x1C400] =	vst v63  }
0x48: {  	_ =	swait.ge [sflag:s8], $0x50  }
0x49: {  	[sflag:s8] =	ssyncset.done $0x0  }
0x4a: {  	[sflag:s8] =	ssyncadd.s32 $0xFFFFFFB0  }
0x4b: {  	v1 =	vld [tilespmem:$0x100]  }
0x4c: {  	v2 =	vld [tilespmem:$0x110]  }
0x4d: {  	v3 =	vld [tilespmem:$0x120]  }
0x4e: {  	v62 =	vld [tilespmem:$0x130]  }
0x4f: {  	v63 =	vld [tilespmem:$0x140]  }
0x50: {  	v1 =	vadd.s32 v0, v1  }
0x51: {  	[tilespmem:$0x100] =	vst v1;
	v1 =	vadd.s32 v0, v2  }
0x52: {  	[tilespmem:$0x110] =	vst v1;
	v1 =	vadd.s32 v0, v3  }
0x53: {  	[tilespmem:$0x120] =	vst v1;
	v1 =	vadd.s32 v0, v62  }
0x54: {  	[tilespmem:$0x130] =	vst v1;
	v1 =	vadd.s32 v0, v63  }
0x55: {  	s29 =	simm.s32 $0x0;
	s13 =	simm.s32 $0xCC00;
	[tilespmem:$0x140] =	vst v1  }
0x56: {  	[tilespmem:s13], [sflag:$0x3] =	stream.indirect.gather [spmem:s4], $0x80, s6, s31, $0xb8;
	[tilespmem:$0x1C400] =	vst v63  }
.LBB2_2:
0x57: {  	p0 =	seq.s32 s29, $0x0  }
0x58: {  	s1 =	simm.s32 @!p0 $0x9  }
0x59: {  	_ =	swait.ge @!p0 [sflag:s1], $0x2800  }
0x5a: {  	[sflag:s1] =	ssyncset.done @!p0 $0x0  }
0x5b: {  	[sflag:s1] =	ssyncadd.s32 @!p0 $0xFFFFD800  }
0x5c: {  	_ =	swait.ge [sflag:s26], $0x50  }
0x5d: {  	[sflag:s26] =	ssyncset.done $0x0  }
0x5e: {  	[sflag:s26] =	ssyncadd.s32 $0xFFFFFFB0  }
0x5f: {  	v1 =	vld [tilespmem:$0x180]  }
0x60: {  	v2 =	vld [tilespmem:$0x190]  }
0x61: {  	v3 =	vld [tilespmem:$0x1A0]  }
0x62: {  	v4 =	vld [tilespmem:$0x1B0]  }
0x63: {  	v5 =	vld [tilespmem:$0x1C0]  }
0x64: {  	v1 =	vadd.s32 v0, v1  }
0x65: {  	[tilespmem:$0x180] =	vst v1;
	v1 =	vadd.s32 v0, v2  }
0x66: {  	[tilespmem:$0x190] =	vst v1;
	v1 =	vadd.s32 v0, v3  }
0x67: {  	[tilespmem:$0x1A0] =	vst v1;
	v1 =	vadd.s32 v0, v4  }
0x68: {  	[tilespmem:$0x1B0] =	vst v1;
	v1 =	vadd.s32 v0, v5  }
0x69: {  	s2 =	simm.s32 $0x180;
	s1 =	smul.u32 $0x190, s29;
	s13 =	rddreg [dreg:$0xa];
	[tilespmem:$0x1C0] =	vst v1  }
0x6a: {  	[tilespmem:s28], [sflag:$0x4] =	stream.indirect.gather [spmem:s4], $0x80, s2, s31, $0xb8;
	[tilespmem:$0x1C400] =	vst v63  }
0x6b: {  	s2 =	sadd.s32 s1, s13  }
0x6c: {  	s6 =	sshrl.u32 s2, $0x3  }
0x6d: {  	s8 =	simm.s32 $0x0;
	s6 =	sadd.s32 s7, s6  }
0x6e: {  	[tilespmem:s10], [sflag:$0xF] =	stream.linear.gather [hbm4b:s6+s8], $0x50, $0x38;
	[tilespmem:$0x1C400] =	vst v63  }
0x6f: {  	_ =	swait.ge [sflag:s11], $0x2800  }
0x70: {  	[sflag:s11] =	ssyncset.done $0x0  }
0x71: {  	s8 =	simm.s32 $0x0;
	s6 =	simm.s32 $0x800;
	[sflag:s11] =	ssyncadd.s32 $0xFFFFD800  }
.LBB2_3:
0x72: {  	p1 =	sne.s32 s6, $0x9800;
	v1 =	vld [tilespmem:s8+$0x5F0]  }
0x73: {  	v2 =	vld [tilespmem:s8+$0x400]  }
0x74: {  	v3 =	vld [tilespmem:s8+$0x410]  }
0x75: {  	v4 =	vld [tilespmem:s8+$0x420]  }
0x76: {  	v5 =	vld [tilespmem:s8+$0x430]  }
0x77: {  	[tilespmem:s8+$0x7DF0] =	vst.add.f32.msk $0xffff, v1  }
0x78: {  	v1 =	vld [tilespmem:s8+$0x440]  }
0x79: {  	v6 =	vld [tilespmem:s8+$0x450]  }
0x7a: {  	v7 =	vld [tilespmem:s8+$0x460]  }
0x7b: {  	v8 =	vld [tilespmem:s8+$0x470]  }
0x7c: {  	v9 =	vld [tilespmem:s8+$0x480]  }
0x7d: {  	v10 =	vld [tilespmem:s8+$0x490]  }
0x7e: {  	v11 =	vld [tilespmem:s8+$0x4A0]  }
0x7f: {  	v12 =	vld [tilespmem:s8+$0x4B0]  }
0x80: {  	v13 =	vld [tilespmem:s8+$0x4C0]  }
0x81: {  	v14 =	vld [tilespmem:s8+$0x4D0]  }
0x82: {  	v15 =	vld [tilespmem:s8+$0x4E0]  }
0x83: {  	v16 =	vld [tilespmem:s8+$0x4F0]  }
0x84: {  	v17 =	vld [tilespmem:s8+$0x500]  }
0x85: {  	v18 =	vld [tilespmem:s8+$0x510]  }
0x86: {  	v19 =	vld [tilespmem:s8+$0x520]  }
0x87: {  	v20 =	vld [tilespmem:s8+$0x530]  }
0x88: {  	v21 =	vld [tilespmem:s8+$0x540]  }
0x89: {  	v22 =	vld [tilespmem:s8+$0x550]  }
0x8a: {  	v23 =	vld [tilespmem:s8+$0x560]  }
0x8b: {  	v24 =	vld [tilespmem:s8+$0x570]  }
0x8c: {  	v25 =	vld [tilespmem:s8+$0x580]  }
0x8d: {  	v26 =	vld [tilespmem:s8+$0x590]  }
0x8e: {  	v27 =	vld [tilespmem:s8+$0x5A0]  }
0x8f: {  	v28 =	vld [tilespmem:s8+$0x5B0]  }
0x90: {  	v29 =	vld [tilespmem:s8+$0x5C0]  }
0x91: {  	v30 =	vld [tilespmem:s8+$0x5D0]  }
0x92: {  	v31 =	vld [tilespmem:s8+$0x5E0]  }
0x93: {  	[tilespmem:s8+$0x7C00] =	vst.add.f32.msk $0xffff, v2  }
0x94: {  	[tilespmem:s8+$0x7C10] =	vst.add.f32.msk $0xffff, v3  }
0x95: {  	[tilespmem:s8+$0x7C20] =	vst.add.f32.msk $0xffff, v4  }
0x96: {  	[tilespmem:s8+$0x7C30] =	vst.add.f32.msk $0xffff, v5  }
0x97: {  	[tilespmem:s8+$0x7C40] =	vst.add.f32.msk $0xffff, v1  }
0x98: {  	[tilespmem:s8+$0x7C50] =	vst.add.f32.msk $0xffff, v6  }
0x99: {  	[tilespmem:s8+$0x7C60] =	vst.add.f32.msk $0xffff, v7  }
0x9a: {  	[tilespmem:s8+$0x7C70] =	vst.add.f32.msk $0xffff, v8  }
0x9b: {  	[tilespmem:s8+$0x7C80] =	vst.add.f32.msk $0xffff, v9  }
0x9c: {  	[tilespmem:s8+$0x7C90] =	vst.add.f32.msk $0xffff, v10  }
0x9d: {  	[tilespmem:s8+$0x7CA0] =	vst.add.f32.msk $0xffff, v11  }
0x9e: {  	[tilespmem:s8+$0x7CB0] =	vst.add.f32.msk $0xffff, v12  }
0x9f: {  	[tilespmem:s8+$0x7CC0] =	vst.add.f32.msk $0xffff, v13  }
0xa0: {  	[tilespmem:s8+$0x7CD0] =	vst.add.f32.msk $0xffff, v14  }
0xa1: {  	[tilespmem:s8+$0x7CE0] =	vst.add.f32.msk $0xffff, v15  }
0xa2: {  	[tilespmem:s8+$0x7CF0] =	vst.add.f32.msk $0xffff, v16  }
0xa3: {  	[tilespmem:s8+$0x7D00] =	vst.add.f32.msk $0xffff, v17  }
0xa4: {  	[tilespmem:s8+$0x7D10] =	vst.add.f32.msk $0xffff, v18  }
0xa5: {  	[tilespmem:s8+$0x7D20] =	vst.add.f32.msk $0xffff, v19  }
0xa6: {  	[tilespmem:s8+$0x7D30] =	vst.add.f32.msk $0xffff, v20  }
0xa7: {  	[tilespmem:s8+$0x7D40] =	vst.add.f32.msk $0xffff, v21  }
0xa8: {  	[tilespmem:s8+$0x7D50] =	vst.add.f32.msk $0xffff, v22  }
0xa9: {  	[tilespmem:s8+$0x7D60] =	vst.add.f32.msk $0xffff, v23  }
0xaa: {  	[tilespmem:s8+$0x7D70] =	vst.add.f32.msk $0xffff, v24  }
0xab: {  	[tilespmem:s8+$0x7D80] =	vst.add.f32.msk $0xffff, v25  }
0xac: {  	[tilespmem:s8+$0x7D90] =	vst.add.f32.msk $0xffff, v26  }
.Ltmp0:
0xad: {  	[tilespmem:s8+$0x7DA0] =	vst.add.f32.msk $0xffff, v27;
	(pc) =	sbr.rel @p1 .LBB2_3-.Ltmp0, $4  }
0xae: {  	[tilespmem:s8+$0x7DB0] =	vst.add.f32.msk $0xffff, v28  }
0xaf: {  	[tilespmem:s8+$0x7DC0] =	vst.add.f32.msk $0xffff, v29  }
0xb0: {  	[tilespmem:s8+$0x7DD0] =	vst.add.f32.msk $0xffff, v30  }
0xb1: {  	[tilespmem:s8+$0x7DE0] =	vst.add.f32.msk $0xffff, v31;
	s8 =	sshra.s32 s6, $0x2;
	s6 =	sadd.s32 $0x800, s6  }
0xb2: {  	v1 =	vld [tilespmem:s8+$0x5F0]  }
0xb3: {  	v2 =	vld [tilespmem:s8+$0x400]  }
0xb4: {  	v3 =	vld [tilespmem:s8+$0x410]  }
0xb5: {  	v4 =	vld [tilespmem:s8+$0x420]  }
0xb6: {  	v5 =	vld [tilespmem:s8+$0x430]  }
0xb7: {  	v6 =	vld [tilespmem:s8+$0x450]  }
0xb8: {  	v7 =	vld [tilespmem:s8+$0x460]  }
0xb9: {  	v8 =	vld [tilespmem:s8+$0x470]  }
0xba: {  	v9 =	vld [tilespmem:s8+$0x480]  }
0xbb: {  	v10 =	vld [tilespmem:s8+$0x490]  }
0xbc: {  	v11 =	vld [tilespmem:s8+$0x4A0]  }
0xbd: {  	v12 =	vld [tilespmem:s8+$0x4B0]  }
0xbe: {  	v13 =	vld [tilespmem:s8+$0x4C0]  }
0xbf: {  	v14 =	vld [tilespmem:s8+$0x4D0]  }
0xc0: {  	v15 =	vld [tilespmem:s8+$0x4E0]  }
0xc1: {  	v16 =	vld [tilespmem:s8+$0x4F0]  }
0xc2: {  	v17 =	vld [tilespmem:s8+$0x500]  }
0xc3: {  	v18 =	vld [tilespmem:s8+$0x510]  }
0xc4: {  	v19 =	vld [tilespmem:s8+$0x520]  }
0xc5: {  	v20 =	vld [tilespmem:s8+$0x530]  }
0xc6: {  	v21 =	vld [tilespmem:s8+$0x540]  }
0xc7: {  	v22 =	vld [tilespmem:s8+$0x550]  }
0xc8: {  	v23 =	vld [tilespmem:s8+$0x560]  }
0xc9: {  	v24 =	vld [tilespmem:s8+$0x570]  }
0xca: {  	v25 =	vld [tilespmem:s8+$0x580]  }
0xcb: {  	v26 =	vld [tilespmem:s8+$0x590]  }
0xcc: {  	v27 =	vld [tilespmem:s8+$0x5A0]  }
0xcd: {  	v28 =	vld [tilespmem:s8+$0x5B0]  }
0xce: {  	v29 =	vld [tilespmem:s8+$0x5C0]  }
0xcf: {  	v30 =	vld [tilespmem:s8+$0x5D0]  }
0xd0: {  	v31 =	vld [tilespmem:s8+$0x5E0]  }
0xd1: {  	[tilespmem:s8+$0x7DF0] =	vst.add.f32.msk $0xffff, v1  }
0xd2: {  	v1 =	vld [tilespmem:s8+$0x440]  }
0xd3: {  	[tilespmem:s8+$0x7C00] =	vst.add.f32.msk $0xffff, v2  }
0xd4: {  	[tilespmem:s8+$0x7C10] =	vst.add.f32.msk $0xffff, v3  }
0xd5: {  	[tilespmem:s8+$0x7C20] =	vst.add.f32.msk $0xffff, v4  }
0xd6: {  	[tilespmem:s8+$0x7C30] =	vst.add.f32.msk $0xffff, v5  }
0xd7: {  	[tilespmem:s8+$0x7C50] =	vst.add.f32.msk $0xffff, v6  }
0xd8: {  	[tilespmem:s8+$0x7C60] =	vst.add.f32.msk $0xffff, v7  }
0xd9: {  	[tilespmem:s8+$0x7C70] =	vst.add.f32.msk $0xffff, v8  }
0xda: {  	[tilespmem:s8+$0x7C80] =	vst.add.f32.msk $0xffff, v9  }
0xdb: {  	[tilespmem:s8+$0x7C90] =	vst.add.f32.msk $0xffff, v10  }
0xdc: {  	[tilespmem:s8+$0x7CA0] =	vst.add.f32.msk $0xffff, v11  }
0xdd: {  	[tilespmem:s8+$0x7CB0] =	vst.add.f32.msk $0xffff, v12  }
0xde: {  	[tilespmem:s8+$0x7CC0] =	vst.add.f32.msk $0xffff, v13  }
0xdf: {  	[tilespmem:s8+$0x7CD0] =	vst.add.f32.msk $0xffff, v14  }
0xe0: {  	[tilespmem:s8+$0x7CE0] =	vst.add.f32.msk $0xffff, v15  }
0xe1: {  	[tilespmem:s8+$0x7CF0] =	vst.add.f32.msk $0xffff, v16  }
0xe2: {  	[tilespmem:s8+$0x7D00] =	vst.add.f32.msk $0xffff, v17  }
0xe3: {  	[tilespmem:s8+$0x7D10] =	vst.add.f32.msk $0xffff, v18  }
0xe4: {  	[tilespmem:s8+$0x7D20] =	vst.add.f32.msk $0xffff, v19  }
0xe5: {  	[tilespmem:s8+$0x7D30] =	vst.add.f32.msk $0xffff, v20  }
0xe6: {  	[tilespmem:s8+$0x7D40] =	vst.add.f32.msk $0xffff, v21  }
0xe7: {  	[tilespmem:s8+$0x7D50] =	vst.add.f32.msk $0xffff, v22  }
0xe8: {  	[tilespmem:s8+$0x7D60] =	vst.add.f32.msk $0xffff, v23  }
0xe9: {  	[tilespmem:s8+$0x7D70] =	vst.add.f32.msk $0xffff, v24  }
0xea: {  	[tilespmem:s8+$0x7D80] =	vst.add.f32.msk $0xffff, v25  }
0xeb: {  	[tilespmem:s8+$0x7D90] =	vst.add.f32.msk $0xffff, v26  }
0xec: {  	[tilespmem:s8+$0x7DA0] =	vst.add.f32.msk $0xffff, v27  }
0xed: {  	[tilespmem:s8+$0x7DB0] =	vst.add.f32.msk $0xffff, v28  }
0xee: {  	[tilespmem:s8+$0x7DC0] =	vst.add.f32.msk $0xffff, v29  }
0xef: {  	s6 =	sadd.s32 s14, s1;
	[tilespmem:s8+$0x7DD0] =	vst.add.f32.msk $0xffff, v30  }
0xf0: {  	s6 =	sshll.u32 s6, $0x4;
	[tilespmem:s8+$0x7DE0] =	vst.add.f32.msk $0xffff, v31  }
0xf1: {  	s13 =	simm.s32 $0x7C00;
	s6 =	sadd.s32 s3, s6;
	[tilespmem:s8+$0x7C40] =	vst.add.f32.msk $0xffff, v1  }
0xf2: {  	[hbm4b:s6+s5] =	stream.linear.scatter [tilespmem:s13], [sflag:$0x6], $0x2800, $0x38;
	[tilespmem:$0x1C400] =	vst v63  }
0xf3: {  	s6 =	simm.s32 @!p0 $0xA  }
0xf4: {  	_ =	swait.ge @!p0 [sflag:s6], $0x2800  }
0xf5: {  	[sflag:s6] =	ssyncset.done @!p0 $0x0  }
0xf6: {  	[sflag:s6] =	ssyncadd.s32 @!p0 $0xFFFFD800  }
0xf7: {  	_ =	swait.ge [sflag:s12], $0x50  }
0xf8: {  	[sflag:s12] =	ssyncset.done $0x0  }
0xf9: {  	[sflag:s12] =	ssyncadd.s32 $0xFFFFFFB0  }
0xfa: {  	v1 =	vld [tilespmem:$0x200]  }
0xfb: {  	v2 =	vld [tilespmem:$0x210]  }
0xfc: {  	v3 =	vld [tilespmem:$0x220]  }
0xfd: {  	v62 =	vld [tilespmem:$0x230]  }
0xfe: {  	v63 =	vld [tilespmem:$0x240]  }
0xff: {  	v1 =	vadd.s32 v0, v1  }
0x100: {  	[tilespmem:$0x200] =	vst v1;
	v1 =	vadd.s32 v0, v2  }
0x101: {  	[tilespmem:$0x210] =	vst v1;
	v1 =	vadd.s32 v0, v3  }
0x102: {  	p0 =	seq.s32 s29, $0x3F;
	s6 =	rddreg [dreg:$0xb];
	[tilespmem:$0x220] =	vst v1;
	v1 =	vadd.s32 v0, v62  }
0x103: {  	s6 =	sadd.s32 @!p0 s1, s6;
	[tilespmem:$0x230] =	vst v1;
	v1 =	vadd.s32 v0, v63  }
0x104: {  	s6 =	sshrl.u32 @!p0 s6, $0x3;
	[tilespmem:$0x240] =	vst v1  }
0x105: {  	[tilespmem:s21], [sflag:$0x5] =	stream.indirect.gather [spmem:s4], $0x80, s10, s31, $0xb8;
	[tilespmem:$0x1C400] =	vst v63  }
0x106: {  	s8 =	simm.s32 @!p0 $0x0;
	s6 =	sadd.s32 @!p0 s7, s6  }
0x107: {  	[tilespmem:s8], [sflag:$0xB] =	stream.linear.gather @!p0 [hbm4b:s6+s8], $0x50, $0x38;
	[tilespmem:$0x1C400] =	vst v63  }
0x108: {  	_ =	swait.ge [sflag:s23], $0x2800  }
0x109: {  	[sflag:s23] =	ssyncset.done $0x0  }
0x10a: {  	s8 =	simm.s32 $0x0;
	s6 =	simm.s32 $0x800;
	[sflag:s23] =	ssyncadd.s32 $0xFFFFD800  }
.LBB2_5:
0x10b: {  	p1 =	sne.s32 s6, $0x9800;
	v1 =	vld [tilespmem:s8+$0x2DF0]  }
0x10c: {  	v2 =	vld [tilespmem:s8+$0x2C00]  }
0x10d: {  	v3 =	vld [tilespmem:s8+$0x2C10]  }
0x10e: {  	v4 =	vld [tilespmem:s8+$0x2C20]  }
0x10f: {  	v5 =	vld [tilespmem:s8+$0x2C30]  }
0x110: {  	[tilespmem:s8+$0xA5F0] =	vst.add.f32.msk $0xffff, v1  }
0x111: {  	v1 =	vld [tilespmem:s8+$0x2C40]  }
0x112: {  	v6 =	vld [tilespmem:s8+$0x2C50]  }
0x113: {  	v7 =	vld [tilespmem:s8+$0x2C60]  }
0x114: {  	v8 =	vld [tilespmem:s8+$0x2C70]  }
0x115: {  	v9 =	vld [tilespmem:s8+$0x2C80]  }
0x116: {  	v10 =	vld [tilespmem:s8+$0x2C90]  }
0x117: {  	v11 =	vld [tilespmem:s8+$0x2CA0]  }
0x118: {  	v12 =	vld [tilespmem:s8+$0x2CB0]  }
0x119: {  	v13 =	vld [tilespmem:s8+$0x2CC0]  }
0x11a: {  	v14 =	vld [tilespmem:s8+$0x2CD0]  }
0x11b: {  	v15 =	vld [tilespmem:s8+$0x2CE0]  }
0x11c: {  	v16 =	vld [tilespmem:s8+$0x2CF0]  }
0x11d: {  	v17 =	vld [tilespmem:s8+$0x2D00]  }
0x11e: {  	v18 =	vld [tilespmem:s8+$0x2D10]  }
0x11f: {  	v19 =	vld [tilespmem:s8+$0x2D20]  }
0x120: {  	v20 =	vld [tilespmem:s8+$0x2D30]  }
0x121: {  	v21 =	vld [tilespmem:s8+$0x2D40]  }
0x122: {  	v22 =	vld [tilespmem:s8+$0x2D50]  }
0x123: {  	v23 =	vld [tilespmem:s8+$0x2D60]  }
0x124: {  	v24 =	vld [tilespmem:s8+$0x2D70]  }
0x125: {  	v25 =	vld [tilespmem:s8+$0x2D80]  }
0x126: {  	v26 =	vld [tilespmem:s8+$0x2D90]  }
0x127: {  	v27 =	vld [tilespmem:s8+$0x2DA0]  }
0x128: {  	v28 =	vld [tilespmem:s8+$0x2DB0]  }
0x129: {  	v29 =	vld [tilespmem:s8+$0x2DC0]  }
0x12a: {  	v30 =	vld [tilespmem:s8+$0x2DD0]  }
0x12b: {  	v31 =	vld [tilespmem:s8+$0x2DE0]  }
0x12c: {  	[tilespmem:s8+$0xA400] =	vst.add.f32.msk $0xffff, v2  }
0x12d: {  	[tilespmem:s8+$0xA410] =	vst.add.f32.msk $0xffff, v3  }
0x12e: {  	[tilespmem:s8+$0xA420] =	vst.add.f32.msk $0xffff, v4  }
0x12f: {  	[tilespmem:s8+$0xA430] =	vst.add.f32.msk $0xffff, v5  }
0x130: {  	[tilespmem:s8+$0xA440] =	vst.add.f32.msk $0xffff, v1  }
0x131: {  	[tilespmem:s8+$0xA450] =	vst.add.f32.msk $0xffff, v6  }
0x132: {  	[tilespmem:s8+$0xA460] =	vst.add.f32.msk $0xffff, v7  }
0x133: {  	[tilespmem:s8+$0xA470] =	vst.add.f32.msk $0xffff, v8  }
0x134: {  	[tilespmem:s8+$0xA480] =	vst.add.f32.msk $0xffff, v9  }
0x135: {  	[tilespmem:s8+$0xA490] =	vst.add.f32.msk $0xffff, v10  }
0x136: {  	[tilespmem:s8+$0xA4A0] =	vst.add.f32.msk $0xffff, v11  }
0x137: {  	[tilespmem:s8+$0xA4B0] =	vst.add.f32.msk $0xffff, v12  }
0x138: {  	[tilespmem:s8+$0xA4C0] =	vst.add.f32.msk $0xffff, v13  }
0x139: {  	[tilespmem:s8+$0xA4D0] =	vst.add.f32.msk $0xffff, v14  }
0x13a: {  	[tilespmem:s8+$0xA4E0] =	vst.add.f32.msk $0xffff, v15  }
0x13b: {  	[tilespmem:s8+$0xA4F0] =	vst.add.f32.msk $0xffff, v16  }
0x13c: {  	[tilespmem:s8+$0xA500] =	vst.add.f32.msk $0xffff, v17  }
0x13d: {  	[tilespmem:s8+$0xA510] =	vst.add.f32.msk $0xffff, v18  }
0x13e: {  	[tilespmem:s8+$0xA520] =	vst.add.f32.msk $0xffff, v19  }
0x13f: {  	[tilespmem:s8+$0xA530] =	vst.add.f32.msk $0xffff, v20  }
0x140: {  	[tilespmem:s8+$0xA540] =	vst.add.f32.msk $0xffff, v21  }
0x141: {  	[tilespmem:s8+$0xA550] =	vst.add.f32.msk $0xffff, v22  }
0x142: {  	[tilespmem:s8+$0xA560] =	vst.add.f32.msk $0xffff, v23  }
0x143: {  	[tilespmem:s8+$0xA570] =	vst.add.f32.msk $0xffff, v24  }
0x144: {  	[tilespmem:s8+$0xA580] =	vst.add.f32.msk $0xffff, v25  }
0x145: {  	[tilespmem:s8+$0xA590] =	vst.add.f32.msk $0xffff, v26  }
.Ltmp1:
0x146: {  	[tilespmem:s8+$0xA5A0] =	vst.add.f32.msk $0xffff, v27;
	(pc) =	sbr.rel @p1 .LBB2_5-.Ltmp1, $4  }
0x147: {  	[tilespmem:s8+$0xA5B0] =	vst.add.f32.msk $0xffff, v28  }
0x148: {  	[tilespmem:s8+$0xA5C0] =	vst.add.f32.msk $0xffff, v29  }
0x149: {  	[tilespmem:s8+$0xA5D0] =	vst.add.f32.msk $0xffff, v30  }
0x14a: {  	[tilespmem:s8+$0xA5E0] =	vst.add.f32.msk $0xffff, v31;
	s8 =	sshra.s32 s6, $0x2;
	s6 =	sadd.s32 $0x800, s6  }
0x14b: {  	v1 =	vld [tilespmem:s8+$0x2DF0]  }
0x14c: {  	v2 =	vld [tilespmem:s8+$0x2C00]  }
0x14d: {  	v3 =	vld [tilespmem:s8+$0x2C10]  }
0x14e: {  	v4 =	vld [tilespmem:s8+$0x2C20]  }
0x14f: {  	v5 =	vld [tilespmem:s8+$0x2C30]  }
0x150: {  	v6 =	vld [tilespmem:s8+$0x2C50]  }
0x151: {  	v7 =	vld [tilespmem:s8+$0x2C60]  }
0x152: {  	v8 =	vld [tilespmem:s8+$0x2C70]  }
0x153: {  	v9 =	vld [tilespmem:s8+$0x2C80]  }
0x154: {  	v10 =	vld [tilespmem:s8+$0x2C90]  }
0x155: {  	v11 =	vld [tilespmem:s8+$0x2CA0]  }
0x156: {  	v12 =	vld [tilespmem:s8+$0x2CB0]  }
0x157: {  	v13 =	vld [tilespmem:s8+$0x2CC0]  }
0x158: {  	v14 =	vld [tilespmem:s8+$0x2CD0]  }
0x159: {  	v15 =	vld [tilespmem:s8+$0x2CE0]  }
0x15a: {  	v16 =	vld [tilespmem:s8+$0x2CF0]  }
0x15b: {  	v17 =	vld [tilespmem:s8+$0x2D00]  }
0x15c: {  	v18 =	vld [tilespmem:s8+$0x2D10]  }
0x15d: {  	v19 =	vld [tilespmem:s8+$0x2D20]  }
0x15e: {  	v20 =	vld [tilespmem:s8+$0x2D30]  }
0x15f: {  	v21 =	vld [tilespmem:s8+$0x2D40]  }
0x160: {  	v22 =	vld [tilespmem:s8+$0x2D50]  }
0x161: {  	v23 =	vld [tilespmem:s8+$0x2D60]  }
0x162: {  	v24 =	vld [tilespmem:s8+$0x2D70]  }
0x163: {  	v25 =	vld [tilespmem:s8+$0x2D80]  }
0x164: {  	v26 =	vld [tilespmem:s8+$0x2D90]  }
0x165: {  	v27 =	vld [tilespmem:s8+$0x2DA0]  }
0x166: {  	v28 =	vld [tilespmem:s8+$0x2DB0]  }
0x167: {  	v29 =	vld [tilespmem:s8+$0x2DC0]  }
0x168: {  	v30 =	vld [tilespmem:s8+$0x2DD0]  }
0x169: {  	v31 =	vld [tilespmem:s8+$0x2DE0]  }
0x16a: {  	[tilespmem:s8+$0xA5F0] =	vst.add.f32.msk $0xffff, v1  }
0x16b: {  	v1 =	vld [tilespmem:s8+$0x2C40]  }
0x16c: {  	[tilespmem:s8+$0xA400] =	vst.add.f32.msk $0xffff, v2  }
0x16d: {  	[tilespmem:s8+$0xA410] =	vst.add.f32.msk $0xffff, v3  }
0x16e: {  	[tilespmem:s8+$0xA420] =	vst.add.f32.msk $0xffff, v4  }
0x16f: {  	[tilespmem:s8+$0xA430] =	vst.add.f32.msk $0xffff, v5  }
0x170: {  	[tilespmem:s8+$0xA450] =	vst.add.f32.msk $0xffff, v6  }
0x171: {  	[tilespmem:s8+$0xA460] =	vst.add.f32.msk $0xffff, v7  }
0x172: {  	[tilespmem:s8+$0xA470] =	vst.add.f32.msk $0xffff, v8  }
0x173: {  	[tilespmem:s8+$0xA480] =	vst.add.f32.msk $0xffff, v9  }
0x174: {  	[tilespmem:s8+$0xA490] =	vst.add.f32.msk $0xffff, v10  }
0x175: {  	[tilespmem:s8+$0xA4A0] =	vst.add.f32.msk $0xffff, v11  }
0x176: {  	[tilespmem:s8+$0xA4B0] =	vst.add.f32.msk $0xffff, v12  }
0x177: {  	[tilespmem:s8+$0xA4C0] =	vst.add.f32.msk $0xffff, v13  }
0x178: {  	[tilespmem:s8+$0xA4D0] =	vst.add.f32.msk $0xffff, v14  }
0x179: {  	[tilespmem:s8+$0xA4E0] =	vst.add.f32.msk $0xffff, v15  }
0x17a: {  	[tilespmem:s8+$0xA4F0] =	vst.add.f32.msk $0xffff, v16  }
0x17b: {  	[tilespmem:s8+$0xA500] =	vst.add.f32.msk $0xffff, v17  }
0x17c: {  	[tilespmem:s8+$0xA510] =	vst.add.f32.msk $0xffff, v18  }
0x17d: {  	[tilespmem:s8+$0xA520] =	vst.add.f32.msk $0xffff, v19  }
0x17e: {  	[tilespmem:s8+$0xA530] =	vst.add.f32.msk $0xffff, v20  }
0x17f: {  	[tilespmem:s8+$0xA540] =	vst.add.f32.msk $0xffff, v21  }
0x180: {  	[tilespmem:s8+$0xA550] =	vst.add.f32.msk $0xffff, v22  }
0x181: {  	[tilespmem:s8+$0xA560] =	vst.add.f32.msk $0xffff, v23  }
0x182: {  	[tilespmem:s8+$0xA570] =	vst.add.f32.msk $0xffff, v24  }
0x183: {  	[tilespmem:s8+$0xA580] =	vst.add.f32.msk $0xffff, v25  }
0x184: {  	[tilespmem:s8+$0xA590] =	vst.add.f32.msk $0xffff, v26  }
0x185: {  	[tilespmem:s8+$0xA5A0] =	vst.add.f32.msk $0xffff, v27  }
0x186: {  	[tilespmem:s8+$0xA5B0] =	vst.add.f32.msk $0xffff, v28  }
0x187: {  	[tilespmem:s8+$0xA5C0] =	vst.add.f32.msk $0xffff, v29  }
0x188: {  	s6 =	sadd.s32 s1, s15;
	[tilespmem:s8+$0xA5D0] =	vst.add.f32.msk $0xffff, v30  }
0x189: {  	s6 =	sshll.u32 s6, $0x4;
	[tilespmem:s8+$0xA5E0] =	vst.add.f32.msk $0xffff, v31  }
0x18a: {  	s13 =	simm.s32 $0xA400;
	s6 =	sadd.s32 s3, s6;
	[tilespmem:s8+$0xA440] =	vst.add.f32.msk $0xffff, v1  }
0x18b: {  	[hbm4b:s6+s5] =	stream.linear.scatter [tilespmem:s13], [sflag:$0x7], $0x2800, $0x38;
	[tilespmem:$0x1C400] =	vst v63  }
0x18c: {  	_ =	swait.ge [sflag:s24], $0x2800  }
0x18d: {  	[sflag:s24] =	ssyncset.done $0x0  }
0x18e: {  	s6 =	simm.s32 @!p0 $0xB;
	[sflag:s24] =	ssyncadd.s32 $0xFFFFD800  }
0x18f: {  	_ =	swait.ge @!p0 [sflag:s6], $0x50  }
0x190: {  	[sflag:s6] =	ssyncset.done @!p0 $0x0  }
0x191: {  	[sflag:s6] =	ssyncadd.s32 @!p0 $0xFFFFFFB0  }
0x192: {  	v1 =	vld @!p0 [tilespmem:$0x0]  }
0x193: {  	v2 =	vld @!p0 [tilespmem:$0x10]  }
0x194: {  	v3 =	vld @!p0 [tilespmem:$0x20]  }
0x195: {  	v4 =	vld @!p0 [tilespmem:$0x30]  }
0x196: {  	v5 =	vld @!p0 [tilespmem:$0x40]  }
0x197: {  	v1 =	vadd.s32 @!p0 v0, v1  }
0x198: {  	[tilespmem:$0x0] =	vst @!p0 v1;
	v1 =	vadd.s32 @!p0 v0, v2  }
0x199: {  	[tilespmem:$0x10] =	vst @!p0 v1;
	v1 =	vadd.s32 @!p0 v0, v3  }
0x19a: {  	[tilespmem:$0x20] =	vst @!p0 v1;
	v1 =	vadd.s32 @!p0 v0, v4  }
0x19b: {  	[tilespmem:$0x30] =	vst @!p0 v1;
	v1 =	vadd.s32 @!p0 v0, v5  }
0x19c: {  	s8 =	simm.s32 @!p0 $0x0;
	s13 =	simm.s32 @!p0 $0x7C00;
	s6 =	simm.s32 @!p0 $0x50;
	[tilespmem:$0x40] =	vst @!p0 v1  }
0x19d: {  	[tilespmem:s13], [sflag:$0x1] =	stream.indirect.gather @!p0 [spmem:s4], $0x80, s8, s6, $0xb8;
	[tilespmem:$0x1C400] =	vst v63  }
0x19e: {  	s6 =	sadd.s32 @!p0 s1, s16  }
0x19f: {  	s6 =	sshrl.u32 @!p0 s6, $0x3  }
0x1a0: {  	s13 =	simm.s32 @!p0 $0x80;
	s6 =	sadd.s32 @!p0 s7, s6  }
0x1a1: {  	[tilespmem:s13], [sflag:$0xC] =	stream.linear.gather @!p0 [hbm4b:s6+s8], $0x50, $0x38;
	[tilespmem:$0x1C400] =	vst v63  }
0x1a2: {  	_ =	swait.ge [sflag:s9], $0x2800  }
0x1a3: {  	[sflag:s9] =	ssyncset.done $0x0  }
0x1a4: {  	s8 =	simm.s32 $0x0;
	s6 =	simm.s32 $0x800;
	[sflag:s9] =	ssyncadd.s32 $0xFFFFD800  }
.LBB2_7:
0x1a5: {  	p1 =	sne.s32 s6, $0x9800;
	v1 =	vld [tilespmem:s8+$0x55F0]  }
0x1a6: {  	v2 =	vld [tilespmem:s8+$0x5400]  }
0x1a7: {  	v3 =	vld [tilespmem:s8+$0x5410]  }
0x1a8: {  	v4 =	vld [tilespmem:s8+$0x5420]  }
0x1a9: {  	v5 =	vld [tilespmem:s8+$0x5430]  }
0x1aa: {  	[tilespmem:s8+$0xCDF0] =	vst.add.f32.msk $0xffff, v1  }
0x1ab: {  	v1 =	vld [tilespmem:s8+$0x5440]  }
0x1ac: {  	v6 =	vld [tilespmem:s8+$0x5450]  }
0x1ad: {  	v7 =	vld [tilespmem:s8+$0x5460]  }
0x1ae: {  	v8 =	vld [tilespmem:s8+$0x5470]  }
0x1af: {  	v9 =	vld [tilespmem:s8+$0x5480]  }
0x1b0: {  	v10 =	vld [tilespmem:s8+$0x5490]  }
0x1b1: {  	v11 =	vld [tilespmem:s8+$0x54A0]  }
0x1b2: {  	v12 =	vld [tilespmem:s8+$0x54B0]  }
0x1b3: {  	v13 =	vld [tilespmem:s8+$0x54C0]  }
0x1b4: {  	v14 =	vld [tilespmem:s8+$0x54D0]  }
0x1b5: {  	v15 =	vld [tilespmem:s8+$0x54E0]  }
0x1b6: {  	v16 =	vld [tilespmem:s8+$0x54F0]  }
0x1b7: {  	v17 =	vld [tilespmem:s8+$0x5500]  }
0x1b8: {  	v18 =	vld [tilespmem:s8+$0x5510]  }
0x1b9: {  	v19 =	vld [tilespmem:s8+$0x5520]  }
0x1ba: {  	v20 =	vld [tilespmem:s8+$0x5530]  }
0x1bb: {  	v21 =	vld [tilespmem:s8+$0x5540]  }
0x1bc: {  	v22 =	vld [tilespmem:s8+$0x5550]  }
0x1bd: {  	v23 =	vld [tilespmem:s8+$0x5560]  }
0x1be: {  	v24 =	vld [tilespmem:s8+$0x5570]  }
0x1bf: {  	v25 =	vld [tilespmem:s8+$0x5580]  }
0x1c0: {  	v26 =	vld [tilespmem:s8+$0x5590]  }
0x1c1: {  	v27 =	vld [tilespmem:s8+$0x55A0]  }
0x1c2: {  	v28 =	vld [tilespmem:s8+$0x55B0]  }
0x1c3: {  	v29 =	vld [tilespmem:s8+$0x55C0]  }
0x1c4: {  	v30 =	vld [tilespmem:s8+$0x55D0]  }
0x1c5: {  	v31 =	vld [tilespmem:s8+$0x55E0]  }
0x1c6: {  	[tilespmem:s8+$0xCC00] =	vst.add.f32.msk $0xffff, v2  }
0x1c7: {  	[tilespmem:s8+$0xCC10] =	vst.add.f32.msk $0xffff, v3  }
0x1c8: {  	[tilespmem:s8+$0xCC20] =	vst.add.f32.msk $0xffff, v4  }
0x1c9: {  	[tilespmem:s8+$0xCC30] =	vst.add.f32.msk $0xffff, v5  }
0x1ca: {  	[tilespmem:s8+$0xCC40] =	vst.add.f32.msk $0xffff, v1  }
0x1cb: {  	[tilespmem:s8+$0xCC50] =	vst.add.f32.msk $0xffff, v6  }
0x1cc: {  	[tilespmem:s8+$0xCC60] =	vst.add.f32.msk $0xffff, v7  }
0x1cd: {  	[tilespmem:s8+$0xCC70] =	vst.add.f32.msk $0xffff, v8  }
0x1ce: {  	[tilespmem:s8+$0xCC80] =	vst.add.f32.msk $0xffff, v9  }
0x1cf: {  	[tilespmem:s8+$0xCC90] =	vst.add.f32.msk $0xffff, v10  }
0x1d0: {  	[tilespmem:s8+$0xCCA0] =	vst.add.f32.msk $0xffff, v11  }
0x1d1: {  	[tilespmem:s8+$0xCCB0] =	vst.add.f32.msk $0xffff, v12  }
0x1d2: {  	[tilespmem:s8+$0xCCC0] =	vst.add.f32.msk $0xffff, v13  }
0x1d3: {  	[tilespmem:s8+$0xCCD0] =	vst.add.f32.msk $0xffff, v14  }
0x1d4: {  	[tilespmem:s8+$0xCCE0] =	vst.add.f32.msk $0xffff, v15  }
0x1d5: {  	[tilespmem:s8+$0xCCF0] =	vst.add.f32.msk $0xffff, v16  }
0x1d6: {  	[tilespmem:s8+$0xCD00] =	vst.add.f32.msk $0xffff, v17  }
0x1d7: {  	[tilespmem:s8+$0xCD10] =	vst.add.f32.msk $0xffff, v18  }
0x1d8: {  	[tilespmem:s8+$0xCD20] =	vst.add.f32.msk $0xffff, v19  }
0x1d9: {  	[tilespmem:s8+$0xCD30] =	vst.add.f32.msk $0xffff, v20  }
0x1da: {  	[tilespmem:s8+$0xCD40] =	vst.add.f32.msk $0xffff, v21  }
0x1db: {  	[tilespmem:s8+$0xCD50] =	vst.add.f32.msk $0xffff, v22  }
0x1dc: {  	[tilespmem:s8+$0xCD60] =	vst.add.f32.msk $0xffff, v23  }
0x1dd: {  	[tilespmem:s8+$0xCD70] =	vst.add.f32.msk $0xffff, v24  }
0x1de: {  	[tilespmem:s8+$0xCD80] =	vst.add.f32.msk $0xffff, v25  }
0x1df: {  	[tilespmem:s8+$0xCD90] =	vst.add.f32.msk $0xffff, v26  }
.Ltmp2:
0x1e0: {  	[tilespmem:s8+$0xCDA0] =	vst.add.f32.msk $0xffff, v27;
	(pc) =	sbr.rel @p1 .LBB2_7-.Ltmp2, $4  }
0x1e1: {  	[tilespmem:s8+$0xCDB0] =	vst.add.f32.msk $0xffff, v28  }
0x1e2: {  	[tilespmem:s8+$0xCDC0] =	vst.add.f32.msk $0xffff, v29  }
0x1e3: {  	[tilespmem:s8+$0xCDD0] =	vst.add.f32.msk $0xffff, v30  }
0x1e4: {  	[tilespmem:s8+$0xCDE0] =	vst.add.f32.msk $0xffff, v31;
	s8 =	sshra.s32 s6, $0x2;
	s6 =	sadd.s32 $0x800, s6  }
0x1e5: {  	v1 =	vld [tilespmem:s8+$0x55F0]  }
0x1e6: {  	v2 =	vld [tilespmem:s8+$0x5400]  }
0x1e7: {  	v3 =	vld [tilespmem:s8+$0x5410]  }
0x1e8: {  	v4 =	vld [tilespmem:s8+$0x5420]  }
0x1e9: {  	v5 =	vld [tilespmem:s8+$0x5430]  }
0x1ea: {  	v6 =	vld [tilespmem:s8+$0x5450]  }
0x1eb: {  	v7 =	vld [tilespmem:s8+$0x5460]  }
0x1ec: {  	v8 =	vld [tilespmem:s8+$0x5470]  }
0x1ed: {  	v9 =	vld [tilespmem:s8+$0x5480]  }
0x1ee: {  	v10 =	vld [tilespmem:s8+$0x5490]  }
0x1ef: {  	v11 =	vld [tilespmem:s8+$0x54A0]  }
0x1f0: {  	v12 =	vld [tilespmem:s8+$0x54B0]  }
0x1f1: {  	v13 =	vld [tilespmem:s8+$0x54C0]  }
0x1f2: {  	v14 =	vld [tilespmem:s8+$0x54D0]  }
0x1f3: {  	v15 =	vld [tilespmem:s8+$0x54E0]  }
0x1f4: {  	v16 =	vld [tilespmem:s8+$0x54F0]  }
0x1f5: {  	v17 =	vld [tilespmem:s8+$0x5500]  }
0x1f6: {  	v18 =	vld [tilespmem:s8+$0x5510]  }
0x1f7: {  	v19 =	vld [tilespmem:s8+$0x5520]  }
0x1f8: {  	v20 =	vld [tilespmem:s8+$0x5530]  }
0x1f9: {  	v21 =	vld [tilespmem:s8+$0x5540]  }
0x1fa: {  	v22 =	vld [tilespmem:s8+$0x5550]  }
0x1fb: {  	v23 =	vld [tilespmem:s8+$0x5560]  }
0x1fc: {  	v24 =	vld [tilespmem:s8+$0x5570]  }
0x1fd: {  	v25 =	vld [tilespmem:s8+$0x5580]  }
0x1fe: {  	v26 =	vld [tilespmem:s8+$0x5590]  }
0x1ff: {  	v27 =	vld [tilespmem:s8+$0x55A0]  }
0x200: {  	v28 =	vld [tilespmem:s8+$0x55B0]  }
0x201: {  	v29 =	vld [tilespmem:s8+$0x55C0]  }
0x202: {  	v30 =	vld [tilespmem:s8+$0x55D0]  }
0x203: {  	v31 =	vld [tilespmem:s8+$0x55E0]  }
0x204: {  	[tilespmem:s8+$0xCDF0] =	vst.add.f32.msk $0xffff, v1  }
0x205: {  	v1 =	vld [tilespmem:s8+$0x5440]  }
0x206: {  	[tilespmem:s8+$0xCC00] =	vst.add.f32.msk $0xffff, v2  }
0x207: {  	[tilespmem:s8+$0xCC10] =	vst.add.f32.msk $0xffff, v3  }
0x208: {  	[tilespmem:s8+$0xCC20] =	vst.add.f32.msk $0xffff, v4  }
0x209: {  	[tilespmem:s8+$0xCC30] =	vst.add.f32.msk $0xffff, v5  }
0x20a: {  	[tilespmem:s8+$0xCC50] =	vst.add.f32.msk $0xffff, v6  }
0x20b: {  	[tilespmem:s8+$0xCC60] =	vst.add.f32.msk $0xffff, v7  }
0x20c: {  	[tilespmem:s8+$0xCC70] =	vst.add.f32.msk $0xffff, v8  }
0x20d: {  	[tilespmem:s8+$0xCC80] =	vst.add.f32.msk $0xffff, v9  }
0x20e: {  	[tilespmem:s8+$0xCC90] =	vst.add.f32.msk $0xffff, v10  }
0x20f: {  	[tilespmem:s8+$0xCCA0] =	vst.add.f32.msk $0xffff, v11  }
0x210: {  	[tilespmem:s8+$0xCCB0] =	vst.add.f32.msk $0xffff, v12  }
0x211: {  	[tilespmem:s8+$0xCCC0] =	vst.add.f32.msk $0xffff, v13  }
0x212: {  	[tilespmem:s8+$0xCCD0] =	vst.add.f32.msk $0xffff, v14  }
0x213: {  	[tilespmem:s8+$0xCCE0] =	vst.add.f32.msk $0xffff, v15  }
0x214: {  	[tilespmem:s8+$0xCCF0] =	vst.add.f32.msk $0xffff, v16  }
0x215: {  	[tilespmem:s8+$0xCD00] =	vst.add.f32.msk $0xffff, v17  }
0x216: {  	[tilespmem:s8+$0xCD10] =	vst.add.f32.msk $0xffff, v18  }
0x217: {  	[tilespmem:s8+$0xCD20] =	vst.add.f32.msk $0xffff, v19  }
0x218: {  	[tilespmem:s8+$0xCD30] =	vst.add.f32.msk $0xffff, v20  }
0x219: {  	[tilespmem:s8+$0xCD40] =	vst.add.f32.msk $0xffff, v21  }
0x21a: {  	[tilespmem:s8+$0xCD50] =	vst.add.f32.msk $0xffff, v22  }
0x21b: {  	[tilespmem:s8+$0xCD60] =	vst.add.f32.msk $0xffff, v23  }
0x21c: {  	[tilespmem:s8+$0xCD70] =	vst.add.f32.msk $0xffff, v24  }
0x21d: {  	[tilespmem:s8+$0xCD80] =	vst.add.f32.msk $0xffff, v25  }
0x21e: {  	[tilespmem:s8+$0xCD90] =	vst.add.f32.msk $0xffff, v26  }
0x21f: {  	[tilespmem:s8+$0xCDA0] =	vst.add.f32.msk $0xffff, v27  }
0x220: {  	[tilespmem:s8+$0xCDB0] =	vst.add.f32.msk $0xffff, v28  }
0x221: {  	[tilespmem:s8+$0xCDC0] =	vst.add.f32.msk $0xffff, v29  }
0x222: {  	s6 =	sadd.s32 s1, s17;
	[tilespmem:s8+$0xCDD0] =	vst.add.f32.msk $0xffff, v30  }
0x223: {  	s6 =	sshll.u32 s6, $0x4;
	[tilespmem:s8+$0xCDE0] =	vst.add.f32.msk $0xffff, v31  }
0x224: {  	s13 =	simm.s32 $0xCC00;
	s6 =	sadd.s32 s3, s6;
	[tilespmem:s8+$0xCC40] =	vst.add.f32.msk $0xffff, v1  }
0x225: {  	[hbm4b:s6+s5] =	stream.linear.scatter [tilespmem:s13], [sflag:$0x8], $0x2800, $0x38;
	[tilespmem:$0x1C400] =	vst v63  }
0x226: {  	_ =	swait.ge [sflag:s30], $0x2800  }
0x227: {  	[sflag:s30] =	ssyncset.done $0x0  }
0x228: {  	s6 =	simm.s32 @!p0 $0xC;
	[sflag:s30] =	ssyncadd.s32 $0xFFFFD800  }
0x229: {  	_ =	swait.ge @!p0 [sflag:s6], $0x50  }
0x22a: {  	[sflag:s6] =	ssyncset.done @!p0 $0x0  }
0x22b: {  	[sflag:s6] =	ssyncadd.s32 @!p0 $0xFFFFFFB0  }
0x22c: {  	v1 =	vld @!p0 [tilespmem:$0x80]  }
0x22d: {  	v2 =	vld @!p0 [tilespmem:$0x90]  }
0x22e: {  	v3 =	vld @!p0 [tilespmem:$0xA0]  }
0x22f: {  	v4 =	vld @!p0 [tilespmem:$0xB0]  }
0x230: {  	v5 =	vld @!p0 [tilespmem:$0xC0]  }
0x231: {  	v1 =	vadd.s32 @!p0 v0, v1  }
0x232: {  	[tilespmem:$0x80] =	vst @!p0 v1;
	v1 =	vadd.s32 @!p0 v0, v2  }
0x233: {  	[tilespmem:$0x90] =	vst @!p0 v1;
	v1 =	vadd.s32 @!p0 v0, v3  }
0x234: {  	[tilespmem:$0xA0] =	vst @!p0 v1;
	v1 =	vadd.s32 @!p0 v0, v4  }
0x235: {  	[tilespmem:$0xB0] =	vst @!p0 v1;
	v1 =	vadd.s32 @!p0 v0, v5  }
0x236: {  	s8 =	simm.s32 @!p0 $0x80;
	s13 =	simm.s32 @!p0 $0xA400;
	s6 =	simm.s32 @!p0 $0x50;
	[tilespmem:$0xC0] =	vst @!p0 v1  }
0x237: {  	[tilespmem:s13], [sflag:$0x2] =	stream.indirect.gather @!p0 [spmem:s4], $0x80, s8, s6, $0xb8;
	[tilespmem:$0x1C400] =	vst v63  }
0x238: {  	s6 =	sadd.s32 @!p0 s1, s18  }
0x239: {  	s6 =	sshrl.u32 @!p0 s6, $0x3  }
0x23a: {  	s8 =	simm.s32 @!p0 $0x0;
	s13 =	simm.s32 @!p0 $0x100;
	s6 =	sadd.s32 @!p0 s7, s6  }
0x23b: {  	[tilespmem:s13], [sflag:$0xD] =	stream.linear.gather @!p0 [hbm4b:s6+s8], $0x50, $0x38;
	[tilespmem:$0x1C400] =	vst v63  }
0x23c: {  	_ =	swait.ge [sflag:s0], $0x2800  }
0x23d: {  	[sflag:s0] =	ssyncset.done $0x0  }
0x23e: {  	s8 =	simm.s32 $0x0;
	s6 =	simm.s32 $0x800;
	[sflag:s0] =	ssyncadd.s32 $0xFFFFD800  }
.LBB2_9:
0x23f: {  	p1 =	sne.s32 s6, $0x9800;
	v1 =	vld [tilespmem:s8+$0x19F0]  }
0x240: {  	v2 =	vld [tilespmem:s8+$0x1800]  }
0x241: {  	v3 =	vld [tilespmem:s8+$0x1810]  }
0x242: {  	v4 =	vld [tilespmem:s8+$0x1820]  }
0x243: {  	v5 =	vld [tilespmem:s8+$0x1830]  }
0x244: {  	[tilespmem:s8+$0xF5F0] =	vst.add.f32.msk $0xffff, v1  }
0x245: {  	v1 =	vld [tilespmem:s8+$0x1840]  }
0x246: {  	v6 =	vld [tilespmem:s8+$0x1850]  }
0x247: {  	v7 =	vld [tilespmem:s8+$0x1860]  }
0x248: {  	v8 =	vld [tilespmem:s8+$0x1870]  }
0x249: {  	v9 =	vld [tilespmem:s8+$0x1880]  }
0x24a: {  	v10 =	vld [tilespmem:s8+$0x1890]  }
0x24b: {  	v11 =	vld [tilespmem:s8+$0x18A0]  }
0x24c: {  	v12 =	vld [tilespmem:s8+$0x18B0]  }
0x24d: {  	v13 =	vld [tilespmem:s8+$0x18C0]  }
0x24e: {  	v14 =	vld [tilespmem:s8+$0x18D0]  }
0x24f: {  	v15 =	vld [tilespmem:s8+$0x18E0]  }
0x250: {  	v16 =	vld [tilespmem:s8+$0x18F0]  }
0x251: {  	v17 =	vld [tilespmem:s8+$0x1900]  }
0x252: {  	v18 =	vld [tilespmem:s8+$0x1910]  }
0x253: {  	v19 =	vld [tilespmem:s8+$0x1920]  }
0x254: {  	v20 =	vld [tilespmem:s8+$0x1930]  }
0x255: {  	v21 =	vld [tilespmem:s8+$0x1940]  }
0x256: {  	v22 =	vld [tilespmem:s8+$0x1950]  }
0x257: {  	v23 =	vld [tilespmem:s8+$0x1960]  }
0x258: {  	v24 =	vld [tilespmem:s8+$0x1970]  }
0x259: {  	v25 =	vld [tilespmem:s8+$0x1980]  }
0x25a: {  	v26 =	vld [tilespmem:s8+$0x1990]  }
0x25b: {  	v27 =	vld [tilespmem:s8+$0x19A0]  }
0x25c: {  	v28 =	vld [tilespmem:s8+$0x19B0]  }
0x25d: {  	v29 =	vld [tilespmem:s8+$0x19C0]  }
0x25e: {  	v30 =	vld [tilespmem:s8+$0x19D0]  }
0x25f: {  	v31 =	vld [tilespmem:s8+$0x19E0]  }
0x260: {  	[tilespmem:s8+$0xF400] =	vst.add.f32.msk $0xffff, v2  }
0x261: {  	[tilespmem:s8+$0xF410] =	vst.add.f32.msk $0xffff, v3  }
0x262: {  	[tilespmem:s8+$0xF420] =	vst.add.f32.msk $0xffff, v4  }
0x263: {  	[tilespmem:s8+$0xF430] =	vst.add.f32.msk $0xffff, v5  }
0x264: {  	[tilespmem:s8+$0xF440] =	vst.add.f32.msk $0xffff, v1  }
0x265: {  	[tilespmem:s8+$0xF450] =	vst.add.f32.msk $0xffff, v6  }
0x266: {  	[tilespmem:s8+$0xF460] =	vst.add.f32.msk $0xffff, v7  }
0x267: {  	[tilespmem:s8+$0xF470] =	vst.add.f32.msk $0xffff, v8  }
0x268: {  	[tilespmem:s8+$0xF480] =	vst.add.f32.msk $0xffff, v9  }
0x269: {  	[tilespmem:s8+$0xF490] =	vst.add.f32.msk $0xffff, v10  }
0x26a: {  	[tilespmem:s8+$0xF4A0] =	vst.add.f32.msk $0xffff, v11  }
0x26b: {  	[tilespmem:s8+$0xF4B0] =	vst.add.f32.msk $0xffff, v12  }
0x26c: {  	[tilespmem:s8+$0xF4C0] =	vst.add.f32.msk $0xffff, v13  }
0x26d: {  	[tilespmem:s8+$0xF4D0] =	vst.add.f32.msk $0xffff, v14  }
0x26e: {  	[tilespmem:s8+$0xF4E0] =	vst.add.f32.msk $0xffff, v15  }
0x26f: {  	[tilespmem:s8+$0xF4F0] =	vst.add.f32.msk $0xffff, v16  }
0x270: {  	[tilespmem:s8+$0xF500] =	vst.add.f32.msk $0xffff, v17  }
0x271: {  	[tilespmem:s8+$0xF510] =	vst.add.f32.msk $0xffff, v18  }
0x272: {  	[tilespmem:s8+$0xF520] =	vst.add.f32.msk $0xffff, v19  }
0x273: {  	[tilespmem:s8+$0xF530] =	vst.add.f32.msk $0xffff, v20  }
0x274: {  	[tilespmem:s8+$0xF540] =	vst.add.f32.msk $0xffff, v21  }
0x275: {  	[tilespmem:s8+$0xF550] =	vst.add.f32.msk $0xffff, v22  }
0x276: {  	[tilespmem:s8+$0xF560] =	vst.add.f32.msk $0xffff, v23  }
0x277: {  	[tilespmem:s8+$0xF570] =	vst.add.f32.msk $0xffff, v24  }
0x278: {  	[tilespmem:s8+$0xF580] =	vst.add.f32.msk $0xffff, v25  }
0x279: {  	[tilespmem:s8+$0xF590] =	vst.add.f32.msk $0xffff, v26  }
.Ltmp3:
0x27a: {  	[tilespmem:s8+$0xF5A0] =	vst.add.f32.msk $0xffff, v27;
	(pc) =	sbr.rel @p1 .LBB2_9-.Ltmp3, $4  }
0x27b: {  	[tilespmem:s8+$0xF5B0] =	vst.add.f32.msk $0xffff, v28  }
0x27c: {  	[tilespmem:s8+$0xF5C0] =	vst.add.f32.msk $0xffff, v29  }
0x27d: {  	[tilespmem:s8+$0xF5D0] =	vst.add.f32.msk $0xffff, v30  }
0x27e: {  	[tilespmem:s8+$0xF5E0] =	vst.add.f32.msk $0xffff, v31;
	s8 =	sshra.s32 s6, $0x2;
	s6 =	sadd.s32 $0x800, s6  }
0x27f: {  	v1 =	vld [tilespmem:s8+$0x19F0]  }
0x280: {  	v2 =	vld [tilespmem:s8+$0x1800]  }
0x281: {  	v3 =	vld [tilespmem:s8+$0x1810]  }
0x282: {  	v4 =	vld [tilespmem:s8+$0x1820]  }
0x283: {  	v5 =	vld [tilespmem:s8+$0x1830]  }
0x284: {  	v6 =	vld [tilespmem:s8+$0x1850]  }
0x285: {  	v7 =	vld [tilespmem:s8+$0x1860]  }
0x286: {  	v8 =	vld [tilespmem:s8+$0x1870]  }
0x287: {  	v9 =	vld [tilespmem:s8+$0x1880]  }
0x288: {  	v10 =	vld [tilespmem:s8+$0x1890]  }
0x289: {  	v11 =	vld [tilespmem:s8+$0x18A0]  }
0x28a: {  	v12 =	vld [tilespmem:s8+$0x18B0]  }
0x28b: {  	v13 =	vld [tilespmem:s8+$0x18C0]  }
0x28c: {  	v14 =	vld [tilespmem:s8+$0x18D0]  }
0x28d: {  	v15 =	vld [tilespmem:s8+$0x18E0]  }
0x28e: {  	v16 =	vld [tilespmem:s8+$0x18F0]  }
0x28f: {  	v17 =	vld [tilespmem:s8+$0x1900]  }
0x290: {  	v18 =	vld [tilespmem:s8+$0x1910]  }
0x291: {  	v19 =	vld [tilespmem:s8+$0x1920]  }
0x292: {  	v20 =	vld [tilespmem:s8+$0x1930]  }
0x293: {  	v21 =	vld [tilespmem:s8+$0x1940]  }
0x294: {  	v22 =	vld [tilespmem:s8+$0x1950]  }
0x295: {  	v23 =	vld [tilespmem:s8+$0x1960]  }
0x296: {  	v24 =	vld [tilespmem:s8+$0x1970]  }
0x297: {  	v25 =	vld [tilespmem:s8+$0x1980]  }
0x298: {  	v26 =	vld [tilespmem:s8+$0x1990]  }
0x299: {  	v27 =	vld [tilespmem:s8+$0x19A0]  }
0x29a: {  	v28 =	vld [tilespmem:s8+$0x19B0]  }
0x29b: {  	v29 =	vld [tilespmem:s8+$0x19C0]  }
0x29c: {  	v30 =	vld [tilespmem:s8+$0x19D0]  }
0x29d: {  	v31 =	vld [tilespmem:s8+$0x19E0]  }
0x29e: {  	[tilespmem:s8+$0xF5F0] =	vst.add.f32.msk $0xffff, v1  }
0x29f: {  	v1 =	vld [tilespmem:s8+$0x1840]  }
0x2a0: {  	[tilespmem:s8+$0xF400] =	vst.add.f32.msk $0xffff, v2  }
0x2a1: {  	[tilespmem:s8+$0xF410] =	vst.add.f32.msk $0xffff, v3  }
0x2a2: {  	[tilespmem:s8+$0xF420] =	vst.add.f32.msk $0xffff, v4  }
0x2a3: {  	[tilespmem:s8+$0xF430] =	vst.add.f32.msk $0xffff, v5  }
0x2a4: {  	[tilespmem:s8+$0xF450] =	vst.add.f32.msk $0xffff, v6  }
0x2a5: {  	[tilespmem:s8+$0xF460] =	vst.add.f32.msk $0xffff, v7  }
0x2a6: {  	[tilespmem:s8+$0xF470] =	vst.add.f32.msk $0xffff, v8  }
0x2a7: {  	[tilespmem:s8+$0xF480] =	vst.add.f32.msk $0xffff, v9  }
0x2a8: {  	[tilespmem:s8+$0xF490] =	vst.add.f32.msk $0xffff, v10  }
0x2a9: {  	[tilespmem:s8+$0xF4A0] =	vst.add.f32.msk $0xffff, v11  }
0x2aa: {  	[tilespmem:s8+$0xF4B0] =	vst.add.f32.msk $0xffff, v12  }
0x2ab: {  	[tilespmem:s8+$0xF4C0] =	vst.add.f32.msk $0xffff, v13  }
0x2ac: {  	[tilespmem:s8+$0xF4D0] =	vst.add.f32.msk $0xffff, v14  }
0x2ad: {  	[tilespmem:s8+$0xF4E0] =	vst.add.f32.msk $0xffff, v15  }
0x2ae: {  	[tilespmem:s8+$0xF4F0] =	vst.add.f32.msk $0xffff, v16  }
0x2af: {  	[tilespmem:s8+$0xF500] =	vst.add.f32.msk $0xffff, v17  }
0x2b0: {  	[tilespmem:s8+$0xF510] =	vst.add.f32.msk $0xffff, v18  }
0x2b1: {  	[tilespmem:s8+$0xF520] =	vst.add.f32.msk $0xffff, v19  }
0x2b2: {  	[tilespmem:s8+$0xF530] =	vst.add.f32.msk $0xffff, v20  }
0x2b3: {  	[tilespmem:s8+$0xF540] =	vst.add.f32.msk $0xffff, v21  }
0x2b4: {  	[tilespmem:s8+$0xF550] =	vst.add.f32.msk $0xffff, v22  }
0x2b5: {  	[tilespmem:s8+$0xF560] =	vst.add.f32.msk $0xffff, v23  }
0x2b6: {  	[tilespmem:s8+$0xF570] =	vst.add.f32.msk $0xffff, v24  }
0x2b7: {  	[tilespmem:s8+$0xF580] =	vst.add.f32.msk $0xffff, v25  }
0x2b8: {  	[tilespmem:s8+$0xF590] =	vst.add.f32.msk $0xffff, v26  }
0x2b9: {  	[tilespmem:s8+$0xF5A0] =	vst.add.f32.msk $0xffff, v27  }
0x2ba: {  	[tilespmem:s8+$0xF5B0] =	vst.add.f32.msk $0xffff, v28  }
0x2bb: {  	[tilespmem:s8+$0xF5C0] =	vst.add.f32.msk $0xffff, v29  }
0x2bc: {  	s6 =	sadd.s32 s1, s19;
	[tilespmem:s8+$0xF5D0] =	vst.add.f32.msk $0xffff, v30  }
0x2bd: {  	s6 =	sshll.u32 s6, $0x4;
	[tilespmem:s8+$0xF5E0] =	vst.add.f32.msk $0xffff, v31  }
0x2be: {  	s6 =	sadd.s32 s3, s6;
	[tilespmem:s8+$0xF440] =	vst.add.f32.msk $0xffff, v1  }
0x2bf: {  	[hbm4b:s6+s5] =	stream.linear.scatter [tilespmem:s28], [sflag:$0x9], $0x2800, $0x38;
	[tilespmem:$0x1C400] =	vst v63  }
0x2c0: {  	_ =	swait.ge [sflag:s22], $0x2800  }
0x2c1: {  	[sflag:s22] =	ssyncset.done $0x0  }
0x2c2: {  	s6 =	simm.s32 @!p0 $0xD;
	[sflag:s22] =	ssyncadd.s32 $0xFFFFD800  }
0x2c3: {  	_ =	swait.ge @!p0 [sflag:s6], $0x50  }
0x2c4: {  	[sflag:s6] =	ssyncset.done @!p0 $0x0  }
0x2c5: {  	[sflag:s6] =	ssyncadd.s32 @!p0 $0xFFFFFFB0  }
0x2c6: {  	v1 =	vld @!p0 [tilespmem:$0x100]  }
0x2c7: {  	v2 =	vld @!p0 [tilespmem:$0x110]  }
0x2c8: {  	v3 =	vld @!p0 [tilespmem:$0x120]  }
0x2c9: {  	v4 =	vld @!p0 [tilespmem:$0x130]  }
0x2ca: {  	v5 =	vld @!p0 [tilespmem:$0x140]  }
0x2cb: {  	v1 =	vadd.s32 @!p0 v0, v1  }
0x2cc: {  	[tilespmem:$0x100] =	vst @!p0 v1;
	v1 =	vadd.s32 @!p0 v0, v2  }
0x2cd: {  	[tilespmem:$0x110] =	vst @!p0 v1;
	v1 =	vadd.s32 @!p0 v0, v3  }
0x2ce: {  	[tilespmem:$0x120] =	vst @!p0 v1;
	v1 =	vadd.s32 @!p0 v0, v4  }
0x2cf: {  	s13 =	simm.s32 @!p0 $0xCC00;
	s1 =	sadd.s32 @!p0 s1, s20;
	[tilespmem:$0x130] =	vst @!p0 v1;
	v1 =	vadd.s32 @!p0 v0, v5  }
0x2d0: {  	s1 =	sshrl.u32 @!p0 s1, $0x3;
	s8 =	simm.s32 @!p0 $0x100;
	s6 =	simm.s32 @!p0 $0x50;
	[tilespmem:$0x140] =	vst @!p0 v1  }
0x2d1: {  	[tilespmem:s13], [sflag:$0x3] =	stream.indirect.gather @!p0 [spmem:s4], $0x80, s8, s6, $0xb8;
	[tilespmem:$0x1C400] =	vst v63  }
0x2d2: {  	s1 =	sadd.s32 @!p0 s7, s1;
	s6 =	simm.s32 @!p0 $0x0;
	s8 =	simm.s32 @!p0 $0x180  }
0x2d3: {  	[tilespmem:s8], [sflag:$0xE] =	stream.linear.gather @!p0 [hbm4b:s1+s6], $0x50, $0x38;
	[tilespmem:$0x1C400] =	vst v63  }
0x2d4: {  	_ =	swait.ge [sflag:s25], $0x2800  }
0x2d5: {  	[sflag:s25] =	ssyncset.done $0x0  }
0x2d6: {  	s1 =	simm.s32 $0x0;
	s6 =	simm.s32 $0x800;
	[sflag:s25] =	ssyncadd.s32 $0xFFFFD800  }
.LBB2_11:
0x2d7: {  	p0 =	sne.s32 s6, $0x9800;
	v1 =	vld [tilespmem:s1+$0x41F0]  }
0x2d8: {  	v2 =	vld [tilespmem:s1+$0x4000]  }
0x2d9: {  	v3 =	vld [tilespmem:s1+$0x4010]  }
0x2da: {  	v4 =	vld [tilespmem:s1+$0x4020]  }
0x2db: {  	v5 =	vld [tilespmem:s1+$0x4030]  }
0x2dc: {  	[tilespmem:s1+$0x11DF0] =	vst.add.f32.msk $0xffff, v1  }
0x2dd: {  	v1 =	vld [tilespmem:s1+$0x4040]  }
0x2de: {  	v6 =	vld [tilespmem:s1+$0x4050]  }
0x2df: {  	v7 =	vld [tilespmem:s1+$0x4060]  }
0x2e0: {  	v8 =	vld [tilespmem:s1+$0x4070]  }
0x2e1: {  	v9 =	vld [tilespmem:s1+$0x4080]  }
0x2e2: {  	v10 =	vld [tilespmem:s1+$0x4090]  }
0x2e3: {  	v11 =	vld [tilespmem:s1+$0x40A0]  }
0x2e4: {  	v12 =	vld [tilespmem:s1+$0x40B0]  }
0x2e5: {  	v13 =	vld [tilespmem:s1+$0x40C0]  }
0x2e6: {  	v14 =	vld [tilespmem:s1+$0x40D0]  }
0x2e7: {  	v15 =	vld [tilespmem:s1+$0x40E0]  }
0x2e8: {  	v16 =	vld [tilespmem:s1+$0x40F0]  }
0x2e9: {  	v17 =	vld [tilespmem:s1+$0x4100]  }
0x2ea: {  	v18 =	vld [tilespmem:s1+$0x4110]  }
0x2eb: {  	v19 =	vld [tilespmem:s1+$0x4120]  }
0x2ec: {  	v20 =	vld [tilespmem:s1+$0x4130]  }
0x2ed: {  	v21 =	vld [tilespmem:s1+$0x4140]  }
0x2ee: {  	v22 =	vld [tilespmem:s1+$0x4150]  }
0x2ef: {  	v23 =	vld [tilespmem:s1+$0x4160]  }
0x2f0: {  	v24 =	vld [tilespmem:s1+$0x4170]  }
0x2f1: {  	v25 =	vld [tilespmem:s1+$0x4180]  }
0x2f2: {  	v26 =	vld [tilespmem:s1+$0x4190]  }
0x2f3: {  	v27 =	vld [tilespmem:s1+$0x41A0]  }
0x2f4: {  	v28 =	vld [tilespmem:s1+$0x41B0]  }
0x2f5: {  	v29 =	vld [tilespmem:s1+$0x41C0]  }
0x2f6: {  	v30 =	vld [tilespmem:s1+$0x41D0]  }
0x2f7: {  	v31 =	vld [tilespmem:s1+$0x41E0]  }
0x2f8: {  	[tilespmem:s1+$0x11C00] =	vst.add.f32.msk $0xffff, v2  }
0x2f9: {  	[tilespmem:s1+$0x11C10] =	vst.add.f32.msk $0xffff, v3  }
0x2fa: {  	[tilespmem:s1+$0x11C20] =	vst.add.f32.msk $0xffff, v4  }
0x2fb: {  	[tilespmem:s1+$0x11C30] =	vst.add.f32.msk $0xffff, v5  }
0x2fc: {  	[tilespmem:s1+$0x11C40] =	vst.add.f32.msk $0xffff, v1  }
0x2fd: {  	[tilespmem:s1+$0x11C50] =	vst.add.f32.msk $0xffff, v6  }
0x2fe: {  	[tilespmem:s1+$0x11C60] =	vst.add.f32.msk $0xffff, v7  }
0x2ff: {  	[tilespmem:s1+$0x11C70] =	vst.add.f32.msk $0xffff, v8  }
0x300: {  	[tilespmem:s1+$0x11C80] =	vst.add.f32.msk $0xffff, v9  }
0x301: {  	[tilespmem:s1+$0x11C90] =	vst.add.f32.msk $0xffff, v10  }
0x302: {  	[tilespmem:s1+$0x11CA0] =	vst.add.f32.msk $0xffff, v11  }
0x303: {  	[tilespmem:s1+$0x11CB0] =	vst.add.f32.msk $0xffff, v12  }
0x304: {  	[tilespmem:s1+$0x11CC0] =	vst.add.f32.msk $0xffff, v13  }
0x305: {  	[tilespmem:s1+$0x11CD0] =	vst.add.f32.msk $0xffff, v14  }
0x306: {  	[tilespmem:s1+$0x11CE0] =	vst.add.f32.msk $0xffff, v15  }
0x307: {  	[tilespmem:s1+$0x11CF0] =	vst.add.f32.msk $0xffff, v16  }
0x308: {  	[tilespmem:s1+$0x11D00] =	vst.add.f32.msk $0xffff, v17  }
0x309: {  	[tilespmem:s1+$0x11D10] =	vst.add.f32.msk $0xffff, v18  }
0x30a: {  	[tilespmem:s1+$0x11D20] =	vst.add.f32.msk $0xffff, v19  }
0x30b: {  	[tilespmem:s1+$0x11D30] =	vst.add.f32.msk $0xffff, v20  }
0x30c: {  	[tilespmem:s1+$0x11D40] =	vst.add.f32.msk $0xffff, v21  }
0x30d: {  	[tilespmem:s1+$0x11D50] =	vst.add.f32.msk $0xffff, v22  }
0x30e: {  	[tilespmem:s1+$0x11D60] =	vst.add.f32.msk $0xffff, v23  }
0x30f: {  	[tilespmem:s1+$0x11D70] =	vst.add.f32.msk $0xffff, v24  }
0x310: {  	[tilespmem:s1+$0x11D80] =	vst.add.f32.msk $0xffff, v25  }
0x311: {  	[tilespmem:s1+$0x11D90] =	vst.add.f32.msk $0xffff, v26  }
.Ltmp4:
0x312: {  	[tilespmem:s1+$0x11DA0] =	vst.add.f32.msk $0xffff, v27;
	(pc) =	sbr.rel @p0 .LBB2_11-.Ltmp4, $4  }
0x313: {  	[tilespmem:s1+$0x11DB0] =	vst.add.f32.msk $0xffff, v28  }
0x314: {  	[tilespmem:s1+$0x11DC0] =	vst.add.f32.msk $0xffff, v29  }
0x315: {  	[tilespmem:s1+$0x11DD0] =	vst.add.f32.msk $0xffff, v30  }
0x316: {  	[tilespmem:s1+$0x11DE0] =	vst.add.f32.msk $0xffff, v31;
	s1 =	sshra.s32 s6, $0x2;
	s6 =	sadd.s32 $0x800, s6  }
0x317: {  	v1 =	vld [tilespmem:s1+$0x41F0]  }
0x318: {  	v2 =	vld [tilespmem:s1+$0x4000]  }
0x319: {  	v3 =	vld [tilespmem:s1+$0x4010]  }
0x31a: {  	v4 =	vld [tilespmem:s1+$0x4020]  }
0x31b: {  	v5 =	vld [tilespmem:s1+$0x4030]  }
0x31c: {  	v6 =	vld [tilespmem:s1+$0x4050]  }
0x31d: {  	v7 =	vld [tilespmem:s1+$0x4060]  }
0x31e: {  	v8 =	vld [tilespmem:s1+$0x4070]  }
0x31f: {  	v9 =	vld [tilespmem:s1+$0x4080]  }
0x320: {  	v10 =	vld [tilespmem:s1+$0x4090]  }
0x321: {  	v11 =	vld [tilespmem:s1+$0x40A0]  }
0x322: {  	v12 =	vld [tilespmem:s1+$0x40B0]  }
0x323: {  	v13 =	vld [tilespmem:s1+$0x40C0]  }
0x324: {  	v14 =	vld [tilespmem:s1+$0x40D0]  }
0x325: {  	v15 =	vld [tilespmem:s1+$0x40E0]  }
0x326: {  	v16 =	vld [tilespmem:s1+$0x40F0]  }
0x327: {  	v17 =	vld [tilespmem:s1+$0x4100]  }
0x328: {  	v18 =	vld [tilespmem:s1+$0x4110]  }
0x329: {  	v19 =	vld [tilespmem:s1+$0x4120]  }
0x32a: {  	v20 =	vld [tilespmem:s1+$0x4130]  }
0x32b: {  	v21 =	vld [tilespmem:s1+$0x4140]  }
0x32c: {  	v22 =	vld [tilespmem:s1+$0x4150]  }
0x32d: {  	v23 =	vld [tilespmem:s1+$0x4160]  }
0x32e: {  	v24 =	vld [tilespmem:s1+$0x4170]  }
0x32f: {  	v25 =	vld [tilespmem:s1+$0x4180]  }
0x330: {  	v26 =	vld [tilespmem:s1+$0x4190]  }
0x331: {  	v27 =	vld [tilespmem:s1+$0x41A0]  }
0x332: {  	v28 =	vld [tilespmem:s1+$0x41B0]  }
0x333: {  	v29 =	vld [tilespmem:s1+$0x41C0]  }
0x334: {  	v30 =	vld [tilespmem:s1+$0x41D0]  }
0x335: {  	v31 =	vld [tilespmem:s1+$0x41E0]  }
0x336: {  	[tilespmem:s1+$0x11DF0] =	vst.add.f32.msk $0xffff, v1  }
0x337: {  	v1 =	vld [tilespmem:s1+$0x4040]  }
0x338: {  	[tilespmem:s1+$0x11C00] =	vst.add.f32.msk $0xffff, v2  }
0x339: {  	[tilespmem:s1+$0x11C10] =	vst.add.f32.msk $0xffff, v3  }
0x33a: {  	[tilespmem:s1+$0x11C20] =	vst.add.f32.msk $0xffff, v4  }
0x33b: {  	[tilespmem:s1+$0x11C30] =	vst.add.f32.msk $0xffff, v5  }
0x33c: {  	[tilespmem:s1+$0x11C50] =	vst.add.f32.msk $0xffff, v6  }
0x33d: {  	[tilespmem:s1+$0x11C60] =	vst.add.f32.msk $0xffff, v7  }
0x33e: {  	[tilespmem:s1+$0x11C70] =	vst.add.f32.msk $0xffff, v8  }
0x33f: {  	[tilespmem:s1+$0x11C80] =	vst.add.f32.msk $0xffff, v9  }
0x340: {  	[tilespmem:s1+$0x11C90] =	vst.add.f32.msk $0xffff, v10  }
0x341: {  	[tilespmem:s1+$0x11CA0] =	vst.add.f32.msk $0xffff, v11  }
0x342: {  	[tilespmem:s1+$0x11CB0] =	vst.add.f32.msk $0xffff, v12  }
0x343: {  	[tilespmem:s1+$0x11CC0] =	vst.add.f32.msk $0xffff, v13  }
0x344: {  	[tilespmem:s1+$0x11CD0] =	vst.add.f32.msk $0xffff, v14  }
0x345: {  	[tilespmem:s1+$0x11CE0] =	vst.add.f32.msk $0xffff, v15  }
0x346: {  	[tilespmem:s1+$0x11CF0] =	vst.add.f32.msk $0xffff, v16  }
0x347: {  	[tilespmem:s1+$0x11D00] =	vst.add.f32.msk $0xffff, v17  }
0x348: {  	[tilespmem:s1+$0x11D10] =	vst.add.f32.msk $0xffff, v18  }
0x349: {  	[tilespmem:s1+$0x11D20] =	vst.add.f32.msk $0xffff, v19  }
0x34a: {  	[tilespmem:s1+$0x11D30] =	vst.add.f32.msk $0xffff, v20  }
0x34b: {  	[tilespmem:s1+$0x11D40] =	vst.add.f32.msk $0xffff, v21  }
0x34c: {  	[tilespmem:s1+$0x11D50] =	vst.add.f32.msk $0xffff, v22  }
0x34d: {  	[tilespmem:s1+$0x11D60] =	vst.add.f32.msk $0xffff, v23  }
0x34e: {  	[tilespmem:s1+$0x11D70] =	vst.add.f32.msk $0xffff, v24  }
0x34f: {  	[tilespmem:s1+$0x11D80] =	vst.add.f32.msk $0xffff, v25  }
0x350: {  	[tilespmem:s1+$0x11D90] =	vst.add.f32.msk $0xffff, v26  }
0x351: {  	s29 =	sadd.s32 $0x1, s29;
	[tilespmem:s1+$0x11DA0] =	vst.add.f32.msk $0xffff, v27  }
0x352: {  	p0 =	sne.s32 s29, $0x40;
	[tilespmem:s1+$0x11DB0] =	vst.add.f32.msk $0xffff, v28  }
.Ltmp5:
0x353: {  	[tilespmem:s1+$0x11DC0] =	vst.add.f32.msk $0xffff, v29;
	(pc) =	sbr.rel @p0 .LBB2_2-.Ltmp5, $4  }
0x354: {  	[tilespmem:s1+$0x11DD0] =	vst.add.f32.msk $0xffff, v30  }
0x355: {  	s2 =	sshll.u32 s2, $0x4;
	[tilespmem:s1+$0x11DE0] =	vst.add.f32.msk $0xffff, v31  }
0x356: {  	s13 =	sadd.s32 s3, s2;
	[tilespmem:s1+$0x11C40] =	vst.add.f32.msk $0xffff, v1  }
0x357: {  	[hbm4b:s13+s5] =	stream.linear.scatter [tilespmem:s21], [sflag:$0xA], $0x2800, $0x38;
	[tilespmem:$0x1C400] =	vst v63  }
0x358: {  	s1 =	simm.s32 $0x9  }
0x359: {  	_ =	swait.ge [sflag:s1], $0x2800  }
0x35a: {  	[sflag:s1] =	ssyncset.done $0x0  }
0x35b: {  	s2 =	simm.s32 $0xA;
	[sflag:s1] =	ssyncadd.s32 $0xFFFFD800  }
0x35c: {  	_ =	swait.ge [sflag:s2], $0x2800  }
0x35d: {  	s6 =	rddreg [dreg:$0xf]  }
0x35e: {  	s29 =	rddreg [dreg:$0xc];
	s6 =	sadd.s32 $0x1, s6  }
0x35f: {  	p0 =	sne.s32 s6, s29  }
.Ltmp6:
0x360: {  	_ = 	snop;
	(pc) =	sbr.rel @p0 .LBB2_1-.Ltmp6, $3  }
0x361: {  	_ =	sdelay $0x1  }
0x362: {  	[sflag:s2] =	ssyncset.done $0x0  }
0x363: {  	[sflag:s2] =	ssyncadd.s32 $0xFFFFD800  }
0x364: {  	_ =	sfence.sel $0x180000  }
0x365: {  	[bflag:$0x0] =	sbarrier.arrive $0xFFFF  }
0x366: {  	_ =	strace $0x90000047  }
0x367: {  	s0 =	stileid.u32;
	[bflag:$0x2] =	sbarrier.arrive $0xFFFF  }
0x368: {  	p0 =	sne.s32 s0, $0x0;
	s0 =	rddreg [dreg:$0x4]  }
0x369: {  	s0 =	sadd.s32 @!p0 $0x100000, s0  }
0x36a: {  	[sflag:s0] =	ssyncadd.tile.s32 @!p0 $0x1;
	_ =	shalt  }
.Lfunc_end2:
_tile_overlayer_lowered:
.L_overlay_start_2:
0x36b: {  	(tag) =	ssettag $0x2  }
0x36c: {  	s0 =	rddreg [dreg:$0x0];
	s2 =	stileid.u32  }
0x36d: {  	s1 =	rddreg [dreg:$0x1];
	p0 =	sne.s32 s2, $0x0  }
0x36e: {  	s3 =	rddreg [dreg:$0x2];
	[bflag:$0x3] =	sbarrier.arrive $0xFFFF;
	s2 =	simm.s32 @!p0 $0x1C10  }
0x36f: {  	[timem:s3], [sflag:s2] =	dma.local @!p0 [hbm:s0], s1  }
0x370: {  	s0 =	simm.s32 @!p0 $0x10  }
0x371: {  	_ =	swait.ge @!p0 [sflag:s0], s1  }
0x372: {  	s1 =	ssub.s32 @!p0 $0x0, s1;
	[sflag:s0] =	ssyncset.done @!p0 $0x0  }
0x373: {  	[sflag:s0] =	ssyncadd.s32 @!p0 s1  }
0x374: {  	[bflag:$0x3] =	sbarrier.arrive $0xFFFF  }
0x375: {  	_ =	shalt  }

</sc_bundles>
